<compile_context>
chip_gen: v7x
topology: tpu7x:2x2x1
jax: 0.10.2.dev20260603
libtpu: 0.0.44.dev20260713+nightly
codegen_flags: <defaults>
</compile_context>

<pallas_src>
import functools

import jax
import jax.numpy as jnp
from jax import lax
from jax.experimental import pallas as pl
from jax.experimental.pallas import tpu as pltpu
from jax.experimental.pallas import tpu_sc as plsc

_D = 64
_B = 4096
_NC = 2
_NS = 16
_NW = _NC * _NS
_BPW = _B // _NW
_G = _BPW // 16
_C = 2
_V = 1000000
_T0 = (_V // 128) * 128
_TW = _V - _T0

_mesh = plsc.VectorSubcoreMesh(core_axis_name="c", subcore_axis_name="s")

@functools.partial(
    pl.kernel,
    out_type=(
        jax.ShapeDtypeStruct((8, _D // 8, _B), jnp.float32),
        jax.ShapeDtypeStruct((8, _D // 8, _B), jnp.float32),
    ),
    mesh=_mesh,
    scratch_types=[
        pltpu.VMEM((_BPW,), jnp.int32),
        pltpu.VMEM((_BPW,), jnp.int32),
        pltpu.VMEM((8, _D // 8, 3 * _C * 128), jnp.float32),
        pltpu.VMEM((8, _D // 8, 3 * _C * 128), jnp.float32),
        pltpu.VMEM((8, _D // 8, _BPW), jnp.float32),
        pltpu.VMEM((8, _D // 8, _BPW), jnp.float32),
        pltpu.SemaphoreType.DMA,
        pltpu.SemaphoreType.DMA,
    ],
    compiler_params=pltpu.CompilerParams(needs_layout_passes=False),
)
def _sc_gather(user_idx_hbm, item_idx_hbm, u3, i3, ut3, it3,
               wu_out, hi_out, uidx_v, iidx_v, ubuf, ibuf,
               urows_v, irows_v, usem, isem):
    wid = lax.axis_index("s") * _NC + lax.axis_index("c")
    base = wid * _BPW
    pltpu.sync_copy(user_idx_hbm.at[pl.ds(base, _BPW)], uidx_v)
    pltpu.sync_copy(item_idx_hbm.at[pl.ds(base, _BPW)], iidx_v)

    def fetch_one(tab, tailtab, buf, sem, idx, j):
        tail = idx >= _T0
        v0 = pl.multiple_of(idx & -128, 128)

        @pl.when(jnp.logical_not(tail))
        def _():
            pltpu.async_copy(tab.at[:, :, pl.ds(v0, 128)],
                             buf.at[:, :, pl.ds(j * 128, 128)], sem)

        @pl.when(tail)
        def _():
            pltpu.async_copy(tailtab,
                             buf.at[:, :, pl.ds(j * 128, 128)], sem)

    def wait_one(tab, buf, sem, j):
        pltpu.make_async_copy(tab.at[:, :, pl.ds(0, 128)],
                              buf.at[:, :, pl.ds(j * 128, 128)], sem).wait()

    lane = lax.iota(jnp.int32, 16)
    avec = [(lane + q * 16) >> 3 for q in range(4)]
    svec = [(lane + q * 16) & 7 for q in range(4)]

    def gather_group(g, _):
        uvec = uidx_v[pl.ds(g * 16, 16)]
        ivec = iidx_v[pl.ds(g * 16, 16)]
        nch = 16 // _C

        def fire(c):
            for j in range(_C):
                slot = (c % 3) * _C + j
                fetch_one(u3, ut3, ubuf, usem, uvec[c * _C + j], slot)
                fetch_one(i3, it3, ibuf, isem, ivec[c * _C + j], slot)

        def drain_extract(c):
            for j in range(_C):
                slot = (c % 3) * _C + j
                wait_one(u3, ubuf, usem, slot)
                wait_one(i3, ibuf, isem, slot)
            for j in range(_C):
                slot = (c % 3) * _C + j
                uj = uvec[c * _C + j]
                ij = ivec[c * _C + j]
                b = g * 16 + c * _C + j
                uv0 = jnp.where(uj >= _T0, _T0, uj & -128)
                iv0 = jnp.where(ij >= _T0, _T0, ij & -128)
                upos = jnp.full((16,), slot * 128, jnp.int32) + (uj - uv0)
                ipos = jnp.full((16,), slot * 128, jnp.int32) + (ij - iv0)
                bvec = jnp.full((16,), b, jnp.int32)
                for q in range(4):
                    uvals = plsc.load_gather(ubuf, [avec[q], svec[q], upos])
                    plsc.store_scatter(urows_v, [avec[q], svec[q], bvec], uvals)
                    ivals = plsc.load_gather(ibuf, [avec[q], svec[q], ipos])
                    plsc.store_scatter(irows_v, [avec[q], svec[q], bvec], ivals)

        fire(0)
        fire(1)
        for c in range(2, nch):
            fire(c)
            drain_extract(c - 2)
        drain_extract(nch - 2)
        drain_extract(nch - 1)
        return 0

    lax.fori_loop(0, _G, gather_group, 0)
    pltpu.sync_copy(urows_v, wu_out.at[:, :, pl.ds(base, _BPW)])
    pltpu.sync_copy(irows_v, hi_out.at[:, :, pl.ds(base, _BPW)])


_BN = 512


def _mm_body(wu_ref, hi_ref, out_ref):
    out_ref[...] = lax.dot_general(
        wu_ref[...], hi_ref[...],
        (((0,), (0,)), ((), ())),
        preferred_element_type=jnp.float32,
    )


_matmul = pl.pallas_call(
    _mm_body,
    grid=(_B // _BN,),
    in_specs=[
        pl.BlockSpec((_D, _B), lambda j: (0, 0)),
        pl.BlockSpec((_D, _BN), lambda j: (0, j)),
    ],
    out_specs=pl.BlockSpec((_B, _BN), lambda j: (0, j)),
    out_shape=jax.ShapeDtypeStruct((_B, _B), jnp.float32),
)


@jax.jit
def kernel(user_tensor, item_tensor, user_embedding, item_embedding):
    uidx = user_tensor.astype(jnp.int32)
    iidx = item_tensor.astype(jnp.int32)
    nu = user_embedding.shape[0]
    ni = item_embedding.shape[0]
    u3 = user_embedding.T.reshape(8, _D // 8, nu)
    i3 = item_embedding.T.reshape(8, _D // 8, ni)
    ut3 = jnp.pad(u3[:, :, _T0:], ((0, 0), (0, 0), (0, 128 - _TW)))
    it3 = jnp.pad(i3[:, :, _T0:], ((0, 0), (0, 0), (0, 128 - _TW)))
    wu3, hi3 = _sc_gather(uidx, iidx, u3, i3, ut3, it3)
    return _matmul(wu3.reshape(_D, _B), hi3.reshape(_D, _B))

# --- scband reference (transcript-rebuilt; emitter-appended) ---
"""Pipeline reference for scband-mfmodule-29901562315440 (READ-ONLY COPY).

The authoritative reference and input builder live on the scoring server;
editing this copy changes nothing except your own understanding.
"""

import jax, jax.numpy as jnp
import numpy as np

NUM_USERS = 1000000
NUM_ITEMS = 1000000
D = 64
B = 4096


def setup_inputs(seed: int = 0) -> dict:
    key = jax.random.key(seed)
    k1, k2, k3, k4 = jax.random.split(key, 4)
    std = 1.0 / (D ** 0.5)
    user_embedding = jax.random.normal(k1, (NUM_USERS, D), dtype=jnp.float32) * std
    item_embedding = jax.random.normal(k2, (NUM_ITEMS, D), dtype=jnp.float32) * std
    user_tensor = jax.random.randint(k3, (B,), 0, NUM_USERS, dtype=jnp.int64 if jax.config.jax_enable_x64 else jnp.int32)
    item_tensor = jax.random.randint(k4, (B,), 0, NUM_ITEMS, dtype=jnp.int64 if jax.config.jax_enable_x64 else jnp.int32)
    return {
        "user_tensor": user_tensor,
        "item_tensor": item_tensor,
        "user_embedding": user_embedding,
        "item_embedding": item_embedding,
    }


def reference(user_tensor, item_tensor, user_embedding, item_embedding):
    # w_u = user_embedding(user_tensor); h_i = item_embedding(item_tensor)
    w_u = jnp.take(user_embedding, user_tensor, axis=0)  # [B, D]
    h_i = jnp.take(item_embedding, item_tensor, axis=0)  # [B, D]
    # w_u.matmul(h_i.T) -> [B, B]
    return jnp.matmul(w_u, h_i.T)

if __name__ == "__main__":
    import jax
    _d = setup_inputs()
    print(jax.jit(kernel)(*tuple(_d.values())))

</pallas_src>

<mosaic_0001>
#map = affine_map<(d0, d1) -> (0)>
#map1 = affine_map<(d0, d1) -> (0, 0, 0)>
module attributes {stable_mosaic.version = 14 : i64} {
  func.func @_sc_gather(%arg0: i32, %arg1: i32, %arg2: memref<4096xi32, #tpu.memory_space<hbm>>, %arg3: memref<4096xi32, #tpu.memory_space<hbm>>, %arg4: memref<8x8x1000000xf32, #tpu.memory_space<hbm>>, %arg5: memref<8x8x1000000xf32, #tpu.memory_space<hbm>>, %arg6: memref<8x8x128xf32, #tpu.memory_space<hbm>>, %arg7: memref<8x8x128xf32, #tpu.memory_space<hbm>>, %arg8: memref<8x8x4096xf32, #tpu.memory_space<hbm>>, %arg9: memref<8x8x4096xf32, #tpu.memory_space<hbm>>, %arg10: memref<128xi32, #tpu.memory_space<vmem>>, %arg11: memref<128xi32, #tpu.memory_space<vmem>>, %arg12: memref<8x8x768xf32, #tpu.memory_space<vmem>>, %arg13: memref<8x8x768xf32, #tpu.memory_space<vmem>>, %arg14: memref<8x8x128xf32, #tpu.memory_space<vmem>>, %arg15: memref<8x8x128xf32, #tpu.memory_space<vmem>>, %arg16: memref<!tpu.dma_semaphore, #tpu.memory_space<semaphore_mem>>, %arg17: memref<!tpu.dma_semaphore, #tpu.memory_space<semaphore_mem>>) attributes {dimension_semantics = [#tpu.dimension_semantics<core_parallel>, #tpu.dimension_semantics<subcore_parallel>], iteration_bounds = array<i64: 2, 16>, scalar_prefetch = 0 : i64, scratch_operands = 8 : i64, tpu.core_type = #tpu.core_type<sc_vector_subcore>, window_params = [{transform_indices = #map}, {transform_indices = #map}, {transform_indices = #map1}, {transform_indices = #map1}, {transform_indices = #map1}, {transform_indices = #map1}, {transform_indices = #map1}, {transform_indices = #map1}]} {
    %mul3A = arith.constant 2 : i32
    %mul3A_0 = arith.muli %arg1, %mul3A : i32
    %add3A = arith.addi %mul3A_0, %arg0 : i32
    %mul3A_1 = arith.constant 128 : i32
    %mul3A_2 = arith.muli %add3A, %mul3A_1 : i32
    "tpu.region"() ({
      %run_scoped3A = tpu.sem_alloc : memref<!tpu.dma_semaphore, #tpu.memory_space<semaphore_mem>>
      %dma_start3A = tpu.memref_slice %arg2[%mul3A_2] : memref<4096xi32, #tpu.memory_space<hbm>> -> memref<128xi32, #tpu.memory_space<hbm>>
      %dma_start3A_55 = tpu.memref_slice %arg2[%mul3A_2] : memref<4096xi32, #tpu.memory_space<hbm>> -> memref<128xi32, #tpu.memory_space<hbm>>
      tpu.enqueue_dma source(%dma_start3A_55 : memref<128xi32, #tpu.memory_space<hbm>>) target(%arg10 : memref<128xi32, #tpu.memory_space<vmem>>) target_semaphore(%run_scoped3A : memref<!tpu.dma_semaphore, #tpu.memory_space<semaphore_mem>>)
      %dma_wait3A = tpu.memref_slice %arg2[%mul3A_2] : memref<4096xi32, #tpu.memory_space<hbm>> -> memref<128xi32, #tpu.memory_space<hbm>>
      %dma_wait3A_56 = tpu.memref_slice %arg2[%mul3A_2] : memref<4096xi32, #tpu.memory_space<hbm>> -> memref<128xi32, #tpu.memory_space<hbm>>
      tpu.wait_dma2 semaphore(%run_scoped3A : memref<!tpu.dma_semaphore, #tpu.memory_space<semaphore_mem>>) src(%dma_wait3A_56 : memref<128xi32, #tpu.memory_space<hbm>>) dst(%arg10 : memref<128xi32, #tpu.memory_space<vmem>>)
      tpu.yield
    }) : () -> ()
    "tpu.region"() ({
      %run_scoped3A = tpu.sem_alloc : memref<!tpu.dma_semaphore, #tpu.memory_space<semaphore_mem>>
      %dma_start3A = tpu.memref_slice %arg3[%mul3A_2] : memref<4096xi32, #tpu.memory_space<hbm>> -> memref<128xi32, #tpu.memory_space<hbm>>
      %dma_start3A_55 = tpu.memref_slice %arg3[%mul3A_2] : memref<4096xi32, #tpu.memory_space<hbm>> -> memref<128xi32, #tpu.memory_space<hbm>>
      tpu.enqueue_dma source(%dma_start3A_55 : memref<128xi32, #tpu.memory_space<hbm>>) target(%arg11 : memref<128xi32, #tpu.memory_space<vmem>>) target_semaphore(%run_scoped3A : memref<!tpu.dma_semaphore, #tpu.memory_space<semaphore_mem>>)
      %dma_wait3A = tpu.memref_slice %arg3[%mul3A_2] : memref<4096xi32, #tpu.memory_space<hbm>> -> memref<128xi32, #tpu.memory_space<hbm>>
      %dma_wait3A_56 = tpu.memref_slice %arg3[%mul3A_2] : memref<4096xi32, #tpu.memory_space<hbm>> -> memref<128xi32, #tpu.memory_space<hbm>>
      tpu.wait_dma2 semaphore(%run_scoped3A : memref<!tpu.dma_semaphore, #tpu.memory_space<semaphore_mem>>) src(%dma_wait3A_56 : memref<128xi32, #tpu.memory_space<hbm>>) dst(%arg11 : memref<128xi32, #tpu.memory_space<vmem>>)
      tpu.yield
    }) : () -> ()
    %iota3A = tpu.iota {dimensions = array<i32: 0>} : vector<16xi32>
    %add3A_3 = arith.constant 0 : i32
    %add3A_4 = vector.broadcast %add3A_3 : i32 to vector<16xi32>
    %add3A_5 = arith.addi %iota3A, %add3A_4 : vector<16xi32>
    %shift_right_arithmetic3A = arith.constant 3 : i32
    %shift_right_arithmetic3A_6 = vector.broadcast %shift_right_arithmetic3A : i32 to vector<16xi32>
    %shift_right_arithmetic3A_7 = arith.shrsi %add3A_5, %shift_right_arithmetic3A_6 : vector<16xi32>
    %add3A_8 = arith.constant 16 : i32
    %add3A_9 = vector.broadcast %add3A_8 : i32 to vector<16xi32>
    %add3A_10 = arith.addi %iota3A, %add3A_9 : vector<16xi32>
    %shift_right_arithmetic3A_11 = arith.constant 3 : i32
    %shift_right_arithmetic3A_12 = vector.broadcast %shift_right_arithmetic3A_11 : i32 to vector<16xi32>
    %shift_right_arithmetic3A_13 = arith.shrsi %add3A_10, %shift_right_arithmetic3A_12 : vector<16xi32>
    %add3A_14 = arith.constant 32 : i32
    %add3A_15 = vector.broadcast %add3A_14 : i32 to vector<16xi32>
    %add3A_16 = arith.addi %iota3A, %add3A_15 : vector<16xi32>
    %shift_right_arithmetic3A_17 = arith.constant 3 : i32
    %shift_right_arithmetic3A_18 = vector.broadcast %shift_right_arithmetic3A_17 : i32 to vector<16xi32>
    %shift_right_arithmetic3A_19 = arith.shrsi %add3A_16, %shift_right_arithmetic3A_18 : vector<16xi32>
    %add3A_20 = arith.constant 48 : i32
    %add3A_21 = vector.broadcast %add3A_20 : i32 to vector<16xi32>
    %add3A_22 = arith.addi %iota3A, %add3A_21 : vector<16xi32>
    %shift_right_arithmetic3A_23 = arith.constant 3 : i32
    %shift_right_arithmetic3A_24 = vector.broadcast %shift_right_arithmetic3A_23 : i32 to vector<16xi32>
    %shift_right_arithmetic3A_25 = arith.shrsi %add3A_22, %shift_right_arithmetic3A_24 : vector<16xi32>
    %add3A_26 = arith.constant 0 : i32
    %add3A_27 = vector.broadcast %add3A_26 : i32 to vector<16xi32>
    %add3A_28 = arith.addi %iota3A, %add3A_27 : vector<16xi32>
    %and3A = arith.constant 7 : i32
    %and3A_29 = vector.broadcast %and3A : i32 to vector<16xi32>
    %and3A_30 = arith.andi %add3A_28, %and3A_29 : vector<16xi32>
    %add3A_31 = arith.constant 16 : i32
    %add3A_32 = vector.broadcast %add3A_31 : i32 to vector<16xi32>
    %add3A_33 = arith.addi %iota3A, %add3A_32 : vector<16xi32>
    %and3A_34 = arith.constant 7 : i32
    %and3A_35 = vector.broadcast %and3A_34 : i32 to vector<16xi32>
    %and3A_36 = arith.andi %add3A_33, %and3A_35 : vector<16xi32>
    %add3A_37 = arith.constant 32 : i32
    %add3A_38 = vector.broadcast %add3A_37 : i32 to vector<16xi32>
    %add3A_39 = arith.addi %iota3A, %add3A_38 : vector<16xi32>
    %and3A_40 = arith.constant 7 : i32
    %and3A_41 = vector.broadcast %and3A_40 : i32 to vector<16xi32>
    %and3A_42 = arith.andi %add3A_39, %and3A_41 : vector<16xi32>
    %add3A_43 = arith.constant 48 : i32
    %add3A_44 = vector.broadcast %add3A_43 : i32 to vector<16xi32>
    %add3A_45 = arith.addi %iota3A, %add3A_44 : vector<16xi32>
    %and3A_46 = arith.constant 7 : i32
    %and3A_47 = vector.broadcast %and3A_46 : i32 to vector<16xi32>
    %and3A_48 = arith.andi %add3A_45, %and3A_47 : vector<16xi32>
    %scan3A = arith.constant 0 : i32
    %scan3A_49 = arith.constant 0 : i32
    %scan3A_50 = arith.constant 8 : i32
    %scan3A_51 = arith.addi %scan3A_49, %scan3A_50 : i32
    %scan3A_52 = arith.constant 1 : i32
    %scan3A_53 = scf.for %scan3A_55 = %scan3A_49 to %scan3A_51 step %scan3A_52 iter_args(%scan3A_56 = %scan3A) -> (i32)  : i32 {
      %mul3A_57 = arith.constant 16 : i32
      %mul3A_58 = arith.muli %scan3A_55, %mul3A_57 : i32
      %get3A = arith.index_cast %mul3A_58 : i32 to index
      %get3A_59 = tpu.vector_load %arg10[%get3A] {strides = array<i32>} : memref<128xi32, #tpu.memory_space<vmem>>, vector<16xi32>,
      %mul3A_60 = arith.constant 16 : i32
      %mul3A_61 = arith.muli %scan3A_55, %mul3A_60 : i32
      %get3A_62 = arith.index_cast %mul3A_61 : i32 to index
      %get3A_63 = tpu.vector_load %arg11[%get3A_62] {strides = array<i32>} : memref<128xi32, #tpu.memory_space<vmem>>, vector<16xi32>,
      %slice3A = vector.extract_strided_slice %get3A_59 {offsets = [0], sizes = [1], strides = [1]} : vector<16xi32> to vector<1xi32>
      %squeeze3A = vector.extract %slice3A[0] : i32 from vector<1xi32>
      %ge3A = arith.constant 999936 : i32
      %ge3A_64 = arith.cmpi sge, %squeeze3A, %ge3A : i32
      %and3A_65 = arith.constant -128 : i32
      %and3A_66 = arith.andi %squeeze3A, %and3A_65 : i32
      %multiple_of3A = tpu.assume_multiple %and3A_66, 128 : i32
      %not3A = arith.constant true
      %not3A_67 = arith.xori %ge3A_64, %not3A : i1
      %convert_element_type3A = arith.extui %not3A_67 : i1 to i32
      %cond3A = arith.constant 0 : i32
      %cond3A_68 = arith.cmpi ne, %convert_element_type3A, %cond3A : i32
      scf.if %cond3A_68 {
        %dma_start3A = arith.constant 0 : i32
        %dma_start3A_1700 = arith.constant 0 : i32
        %dma_start3A_1701 = arith.constant 0 : i32
        %dma_start3A_1702 = tpu.memref_slice %arg12[%dma_start3A, %dma_start3A_1700, %dma_start3A_1701] : memref<8x8x768xf32, #tpu.memory_space<vmem>> -> memref<8x8x128xf32, #tpu.memory_space<vmem>>
        %dma_start3A_1703 = arith.constant 0 : i32
        %dma_start3A_1704 = arith.constant 0 : i32
        %dma_start3A_1705 = tpu.memref_slice %arg4[%dma_start3A_1703, %dma_start3A_1704, %multiple_of3A] : memref<8x8x1000000xf32, #tpu.memory_space<hbm>> -> memref<8x8x128xf32, #tpu.memory_space<hbm>>
        %dma_start3A_1706 = arith.constant 0 : i32
        %dma_start3A_1707 = arith.constant 0 : i32
        %dma_start3A_1708 = arith.constant 0 : i32
        %dma_start3A_1709 = tpu.memref_slice %arg12[%dma_start3A_1706, %dma_start3A_1707, %dma_start3A_1708] : memref<8x8x768xf32, #tpu.memory_space<vmem>> -> memref<8x8x128xf32, #tpu.memory_space<vmem>>
        %dma_start3A_1710 = arith.constant 0 : i32
        %dma_start3A_1711 = arith.constant 0 : i32
        %dma_start3A_1712 = tpu.memref_slice %arg4[%dma_start3A_1710, %dma_start3A_1711, %multiple_of3A] : memref<8x8x1000000xf32, #tpu.memory_space<hbm>> -> memref<8x8x128xf32, #tpu.memory_space<hbm>>
        tpu.enqueue_dma source(%dma_start3A_1712 : memref<8x8x128xf32, #tpu.memory_space<hbm>>) target(%dma_start3A_1709 : memref<8x8x128xf32, #tpu.memory_space<vmem>>) target_semaphore(%arg16 : memref<!tpu.dma_semaphore, #tpu.memory_space<semaphore_mem>>)
      } else {
      }
      %convert_element_type3A_69 = arith.extui %ge3A_64 : i1 to i32
      %cond3A_70 = arith.constant 0 : i32
      %cond3A_71 = arith.cmpi ne, %convert_element_type3A_69, %cond3A_70 : i32
      scf.if %cond3A_71 {
        %dma_start3A = arith.constant 0 : i32
        %dma_start3A_1700 = arith.constant 0 : i32
        %dma_start3A_1701 = arith.constant 0 : i32
        %dma_start3A_1702 = tpu.memref_slice %arg12[%dma_start3A, %dma_start3A_1700, %dma_start3A_1701] : memref<8x8x768xf32, #tpu.memory_space<vmem>> -> memref<8x8x128xf32, #tpu.memory_space<vmem>>
        %dma_start3A_1703 = arith.constant 0 : i32
        %dma_start3A_1704 = arith.constant 0 : i32
        %dma_start3A_1705 = arith.constant 0 : i32
        %dma_start3A_1706 = tpu.memref_slice %arg12[%dma_start3A_1703, %dma_start3A_1704, %dma_start3A_1705] : memref<8x8x768xf32, #tpu.memory_space<vmem>> -> memref<8x8x128xf32, #tpu.memory_space<vmem>>
        tpu.enqueue_dma source(%arg6 : memref<8x8x128xf32, #tpu.memory_space<hbm>>) target(%dma_start3A_1706 : memref<8x8x128xf32, #tpu.memory_space<vmem>>) target_semaphore(%arg16 : memref<!tpu.dma_semaphore, #tpu.memory_space<semaphore_mem>>)
      } else {
      }
      %slice3A_72 = vector.extract_strided_slice %get3A_63 {offsets = [0], sizes = [1], strides = [1]} : vector<16xi32> to vector<1xi32>
      %squeeze3A_73 = vector.extract %slice3A_72[0] : i32 from vector<1xi32>
      %ge3A_74 = arith.constant 999936 : i32
      %ge3A_75 = arith.cmpi sge, %squeeze3A_73, %ge3A_74 : i32
      %and3A_76 = arith.constant -128 : i32
      %and3A_77 = arith.andi %squeeze3A_73, %and3A_76 : i32
      %multiple_of3A_78 = tpu.assume_multiple %and3A_77, 128 : i32
      %not3A_79 = arith.constant true
      %not3A_80 = arith.xori %ge3A_75, %not3A_79 : i1
      %convert_element_type3A_81 = arith.extui %not3A_80 : i1 to i32
      %cond3A_82 = arith.constant 0 : i32
      %cond3A_83 = arith.cmpi ne, %convert_element_type3A_81, %cond3A_82 : i32
      scf.if %cond3A_83 {
        %dma_start3A = arith.constant 0 : i32
        %dma_start3A_1700 = arith.constant 0 : i32
        %dma_start3A_1701 = arith.constant 0 : i32
        %dma_start3A_1702 = tpu.memref_slice %arg13[%dma_start3A, %dma_start3A_1700, %dma_start3A_1701] : memref<8x8x768xf32, #tpu.memory_space<vmem>> -> memref<8x8x128xf32, #tpu.memory_space<vmem>>
        %dma_start3A_1703 = arith.constant 0 : i32
        %dma_start3A_1704 = arith.constant 0 : i32
        %dma_start3A_1705 = tpu.memref_slice %arg5[%dma_start3A_1703, %dma_start3A_1704, %multiple_of3A_78] : memref<8x8x1000000xf32, #tpu.memory_space<hbm>> -> memref<8x8x128xf32, #tpu.memory_space<hbm>>
        %dma_start3A_1706 = arith.constant 0 : i32
        %dma_start3A_1707 = arith.constant 0 : i32
        %dma_start3A_1708 = arith.constant 0 : i32
        %dma_start3A_1709 = tpu.memref_slice %arg13[%dma_start3A_1706, %dma_start3A_1707, %dma_start3A_1708] : memref<8x8x768xf32, #tpu.memory_space<vmem>> -> memref<8x8x128xf32, #tpu.memory_space<vmem>>
        %dma_start3A_1710 = arith.constant 0 : i32
        %dma_start3A_1711 = arith.constant 0 : i32
        %dma_start3A_1712 = tpu.memref_slice %arg5[%dma_start3A_1710, %dma_start3A_1711, %multiple_of3A_78] : memref<8x8x1000000xf32, #tpu.memory_space<hbm>> -> memref<8x8x128xf32, #tpu.memory_space<hbm>>
        tpu.enqueue_dma source(%dma_start3A_1712 : memref<8x8x128xf32, #tpu.memory_space<hbm>>) target(%dma_start3A_1709 : memref<8x8x128xf32, #tpu.memory_space<vmem>>) target_semaphore(%arg17 : memref<!tpu.dma_semaphore, #tpu.memory_space<semaphore_mem>>)
      } else {
      }
      %convert_element_type3A_84 = arith.extui %ge3A_75 : i1 to i32
      %cond3A_85 = arith.constant 0 : i32
      %cond3A_86 = arith.cmpi ne, %convert_element_type3A_84, %cond3A_85 : i32
      scf.if %cond3A_86 {
        %dma_start3A = arith.constant 0 : i32
        %dma_start3A_1700 = arith.constant 0 : i32
        %dma_start3A_1701 = arith.constant 0 : i32
        %dma_start3A_1702 = tpu.memref_slice %arg13[%dma_start3A, %dma_start3A_1700, %dma_start3A_1701] : memref<8x8x768xf32, #tpu.memory_space<vmem>> -> memref<8x8x128xf32, #tpu.memory_space<vmem>>
        %dma_start3A_1703 = arith.constant 0 : i32
        %dma_start3A_1704 = arith.constant 0 : i32
        %dma_start3A_1705 = arith.constant 0 : i32
        %dma_start3A_1706 = tpu.memref_slice %arg13[%dma_start3A_1703, %dma_start3A_1704, %dma_start3A_1705] : memref<8x8x768xf32, #tpu.memory_space<vmem>> -> memref<8x8x128xf32, #tpu.memory_space<vmem>>
        tpu.enqueue_dma source(%arg7 : memref<8x8x128xf32, #tpu.memory_space<hbm>>) target(%dma_start3A_1706 : memref<8x8x128xf32, #tpu.memory_space<vmem>>) target_semaphore(%arg17 : memref<!tpu.dma_semaphore, #tpu.memory_space<semaphore_mem>>)
      } else {
      }
      %slice3A_87 = vector.extract_strided_slice %get3A_59 {offsets = [1], sizes = [1], strides = [1]} : vector<16xi32> to vector<1xi32>
      %squeeze3A_88 = vector.extract %slice3A_87[0] : i32 from vector<1xi32>
      %ge3A_89 = arith.constant 999936 : i32
      %ge3A_90 = arith.cmpi sge, %squeeze3A_88, %ge3A_89 : i32
      %and3A_91 = arith.constant -128 : i32
      %and3A_92 = arith.andi %squeeze3A_88, %and3A_91 : i32
      %multiple_of3A_93 = tpu.assume_multiple %and3A_92, 128 : i32
      %not3A_94 = arith.constant true
      %not3A_95 = arith.xori %ge3A_90, %not3A_94 : i1
      %convert_element_type3A_96 = arith.extui %not3A_95 : i1 to i32
      %cond3A_97 = arith.constant 0 : i32
      %cond3A_98 = arith.cmpi ne, %convert_element_type3A_96, %cond3A_97 : i32
      scf.if %cond3A_98 {
        %dma_start3A = arith.constant 0 : i32
        %dma_start3A_1700 = arith.constant 0 : i32
        %dma_start3A_1701 = arith.constant 128 : i32
        %dma_start3A_1702 = tpu.memref_slice %arg12[%dma_start3A, %dma_start3A_1700, %dma_start3A_1701] : memref<8x8x768xf32, #tpu.memory_space<vmem>> -> memref<8x8x128xf32, #tpu.memory_space<vmem>>
        %dma_start3A_1703 = arith.constant 0 : i32
        %dma_start3A_1704 = arith.constant 0 : i32
        %dma_start3A_1705 = tpu.memref_slice %arg4[%dma_start3A_1703, %dma_start3A_1704, %multiple_of3A_93] : memref<8x8x1000000xf32, #tpu.memory_space<hbm>> -> memref<8x8x128xf32, #tpu.memory_space<hbm>>
        %dma_start3A_1706 = arith.constant 0 : i32
        %dma_start3A_1707 = arith.constant 0 : i32
        %dma_start3A_1708 = arith.constant 128 : i32
        %dma_start3A_1709 = tpu.memref_slice %arg12[%dma_start3A_1706, %dma_start3A_1707, %dma_start3A_1708] : memref<8x8x768xf32, #tpu.memory_space<vmem>> -> memref<8x8x128xf32, #tpu.memory_space<vmem>>
        %dma_start3A_1710 = arith.constant 0 : i32
        %dma_start3A_1711 = arith.constant 0 : i32
        %dma_start3A_1712 = tpu.memref_slice %arg4[%dma_start3A_1710, %dma_start3A_1711, %multiple_of3A_93] : memref<8x8x1000000xf32, #tpu.memory_space<hbm>> -> memref<8x8x128xf32, #tpu.memory_space<hbm>>
        tpu.enqueue_dma source(%dma_start3A_1712 : memref<8x8x128xf32, #tpu.memory_space<hbm>>) target(%dma_start3A_1709 : memref<8x8x128xf32, #tpu.memory_space<vmem>>) target_semaphore(%arg16 : memref<!tpu.dma_semaphore, #tpu.memory_space<semaphore_mem>>)
      } else {
      }
      %convert_element_type3A_99 = arith.extui %ge3A_90 : i1 to i32
      %cond3A_100 = arith.constant 0 : i32
      %cond3A_101 = arith.cmpi ne, %convert_element_type3A_99, %cond3A_100 : i32
      scf.if %cond3A_101 {
        %dma_start3A = arith.constant 0 : i32
        %dma_start3A_1700 = arith.constant 0 : i32
        %dma_start3A_1701 = arith.constant 128 : i32
        %dma_start3A_1702 = tpu.memref_slice %arg12[%dma_start3A, %dma_start3A_1700, %dma_start3A_1701] : memref<8x8x768xf32, #tpu.memory_space<vmem>> -> memref<8x8x128xf32, #tpu.memory_space<vmem>>
        %dma_start3A_1703 = arith.constant 0 : i32
        %dma_start3A_1704 = arith.constant 0 : i32
        %dma_start3A_1705 = arith.constant 128 : i32
        %dma_start3A_1706 = tpu.memref_slice %arg12[%dma_start3A_1703, %dma_start3A_1704, %dma_start3A_1705] : memref<8x8x768xf32, #tpu.memory_space<vmem>> -> memref<8x8x128xf32, #tpu.memory_space<vmem>>
        tpu.enqueue_dma source(%arg6 : memref<8x8x128xf32, #tpu.memory_space<hbm>>) target(%dma_start3A_1706 : memref<8x8x128xf32, #tpu.memory_space<vmem>>) target_semaphore(%arg16 : memref<!tpu.dma_semaphore, #tpu.memory_space<semaphore_mem>>)
      } else {
      }
      %slice3A_102 = vector.extract_strided_slice %get3A_63 {offsets = [1], sizes = [1], strides = [1]} : vector<16xi32> to vector<1xi32>
      %squeeze3A_103 = vector.extract %slice3A_102[0] : i32 from vector<1xi32>
      %ge3A_104 = arith.constant 999936 : i32
      %ge3A_105 = arith.cmpi sge, %squeeze3A_103, %ge3A_104 : i32
      %and3A_106 = arith.constant -128 : i32
      %and3A_107 = arith.andi %squeeze3A_103, %and3A_106 : i32
      %multiple_of3A_108 = tpu.assume_multiple %and3A_107, 128 : i32
      %not3A_109 = arith.constant true
      %not3A_110 = arith.xori %ge3A_105, %not3A_109 : i1
      %convert_element_type3A_111 = arith.extui %not3A_110 : i1 to i32
      %cond3A_112 = arith.constant 0 : i32
      %cond3A_113 = arith.cmpi ne, %convert_element_type3A_111, %cond3A_112 : i32
      scf.if %cond3A_113 {
        %dma_start3A = arith.constant 0 : i32
        %dma_start3A_1700 = arith.constant 0 : i32
        %dma_start3A_1701 = arith.constant 128 : i32
        %dma_start3A_1702 = tpu.memref_slice %arg13[%dma_start3A, %dma_start3A_1700, %dma_start3A_1701] : memref<8x8x768xf32, #tpu.memory_space<vmem>> -> memref<8x8x128xf32, #tpu.memory_space<vmem>>
        %dma_start3A_1703 = arith.constant 0 : i32
        %dma_start3A_1704 = arith.constant 0 : i32
        %dma_start3A_1705 = tpu.memref_slice %arg5[%dma_start3A_1703, %dma_start3A_1704, %multiple_of3A_108] : memref<8x8x1000000xf32, #tpu.memory_space<hbm>> -> memref<8x8x128xf32, #tpu.memory_space<hbm>>
        %dma_start3A_1706 = arith.constant 0 : i32
        %dma_start3A_1707 = arith.constant 0 : i32
        %dma_start3A_1708 = arith.constant 128 : i32
        %dma_start3A_1709 = tpu.memref_slice %arg13[%dma_start3A_1706, %dma_start3A_1707, %dma_start3A_1708] : memref<8x8x768xf32, #tpu.memory_space<vmem>> -> memref<8x8x128xf32, #tpu.memory_space<vmem>>
        %dma_start3A_1710 = arith.constant 0 : i32
        %dma_start3A_1711 = arith.constant 0 : i32
        %dma_start3A_1712 = tpu.memref_slice %arg5[%dma_start3A_1710, %dma_start3A_1711, %multiple_of3A_108] : memref<8x8x1000000xf32, #tpu.memory_space<hbm>> -> memref<8x8x128xf32, #tpu.memory_space<hbm>>
        tpu.enqueue_dma source(%dma_start3A_1712 : memref<8x8x128xf32, #tpu.memory_space<hbm>>) target(%dma_start3A_1709 : memref<8x8x128xf32, #tpu.memory_space<vmem>>) target_semaphore(%arg17 : memref<!tpu.dma_semaphore, #tpu.memory_space<semaphore_mem>>)
      } else {
      }
      %convert_element_type3A_114 = arith.extui %ge3A_105 : i1 to i32
      %cond3A_115 = arith.constant 0 : i32
      %cond3A_116 = arith.cmpi ne, %convert_element_type3A_114, %cond3A_115 : i32
      scf.if %cond3A_116 {
        %dma_start3A = arith.constant 0 : i32
        %dma_start3A_1700 = arith.constant 0 : i32
        %dma_start3A_1701 = arith.constant 128 : i32
        %dma_start3A_1702 = tpu.memref_slice %arg13[%dma_start3A, %dma_start3A_1700, %dma_start3A_1701] : memref<8x8x768xf32, #tpu.memory_space<vmem>> -> memref<8x8x128xf32, #tpu.memory_space<vmem>>
        %dma_start3A_1703 = arith.constant 0 : i32
        %dma_start3A_1704 = arith.constant 0 : i32
        %dma_start3A_1705 = arith.constant 128 : i32
        %dma_start3A_1706 = tpu.memref_slice %arg13[%dma_start3A_1703, %dma_start3A_1704, %dma_start3A_1705] : memref<8x8x768xf32, #tpu.memory_space<vmem>> -> memref<8x8x128xf32, #tpu.memory_space<vmem>>
        tpu.enqueue_dma source(%arg7 : memref<8x8x128xf32, #tpu.memory_space<hbm>>) target(%dma_start3A_1706 : memref<8x8x128xf32, #tpu.memory_space<vmem>>) target_semaphore(%arg17 : memref<!tpu.dma_semaphore, #tpu.memory_space<semaphore_mem>>)
      } else {
      }
      %slice3A_117 = vector.extract_strided_slice %get3A_59 {offsets = [2], sizes = [1], strides = [1]} : vector<16xi32> to vector<1xi32>
      %squeeze3A_118 = vector.extract %slice3A_117[0] : i32 from vector<1xi32>
      %ge3A_119 = arith.constant 999936 : i32
      %ge3A_120 = arith.cmpi sge, %squeeze3A_118, %ge3A_119 : i32
      %and3A_121 = arith.constant -128 : i32
      %and3A_122 = arith.andi %squeeze3A_118, %and3A_121 : i32
      %multiple_of3A_123 = tpu.assume_multiple %and3A_122, 128 : i32
      %not3A_124 = arith.constant true
      %not3A_125 = arith.xori %ge3A_120, %not3A_124 : i1
      %convert_element_type3A_126 = arith.extui %not3A_125 : i1 to i32
      %cond3A_127 = arith.constant 0 : i32
      %cond3A_128 = arith.cmpi ne, %convert_element_type3A_126, %cond3A_127 : i32
      scf.if %cond3A_128 {
        %dma_start3A = arith.constant 0 : i32
        %dma_start3A_1700 = arith.constant 0 : i32
        %dma_start3A_1701 = arith.constant 256 : i32
        %dma_start3A_1702 = tpu.memref_slice %arg12[%dma_start3A, %dma_start3A_1700, %dma_start3A_1701] : memref<8x8x768xf32, #tpu.memory_space<vmem>> -> memref<8x8x128xf32, #tpu.memory_space<vmem>>
        %dma_start3A_1703 = arith.constant 0 : i32
        %dma_start3A_1704 = arith.constant 0 : i32
        %dma_start3A_1705 = tpu.memref_slice %arg4[%dma_start3A_1703, %dma_start3A_1704, %multiple_of3A_123] : memref<8x8x1000000xf32, #tpu.memory_space<hbm>> -> memref<8x8x128xf32, #tpu.memory_space<hbm>>
        %dma_start3A_1706 = arith.constant 0 : i32
        %dma_start3A_1707 = arith.constant 0 : i32
        %dma_start3A_1708 = arith.constant 256 : i32
        %dma_start3A_1709 = tpu.memref_slice %arg12[%dma_start3A_1706, %dma_start3A_1707, %dma_start3A_1708] : memref<8x8x768xf32, #tpu.memory_space<vmem>> -> memref<8x8x128xf32, #tpu.memory_space<vmem>>
        %dma_start3A_1710 = arith.constant 0 : i32
        %dma_start3A_1711 = arith.constant 0 : i32
        %dma_start3A_1712 = tpu.memref_slice %arg4[%dma_start3A_1710, %dma_start3A_1711, %multiple_of3A_123] : memref<8x8x1000000xf32, #tpu.memory_space<hbm>> -> memref<8x8x128xf32, #tpu.memory_space<hbm>>
        tpu.enqueue_dma source(%dma_start3A_1712 : memref<8x8x128xf32, #tpu.memory_space<hbm>>) target(%dma_start3A_1709 : memref<8x8x128xf32, #tpu.memory_space<vmem>>) target_semaphore(%arg16 : memref<!tpu.dma_semaphore, #tpu.memory_space<semaphore_mem>>)
      } else {
      }
      %convert_element_type3A_129 = arith.extui %ge3A_120 : i1 to i32
      %cond3A_130 = arith.constant 0 : i32
      %cond3A_131 = arith.cmpi ne, %convert_element_type3A_129, %cond3A_130 : i32
      scf.if %cond3A_131 {
        %dma_start3A = arith.constant 0 : i32
        %dma_start3A_1700 = arith.constant 0 : i32
        %dma_start3A_1701 = arith.constant 256 : i32
        %dma_start3A_1702 = tpu.memref_slice %arg12[%dma_start3A, %dma_start3A_1700, %dma_start3A_1701] : memref<8x8x768xf32, #tpu.memory_space<vmem>> -> memref<8x8x128xf32, #tpu.memory_space<vmem>>
        %dma_start3A_1703 = arith.constant 0 : i32
        %dma_start3A_1704 = arith.constant 0 : i32
        %dma_start3A_1705 = arith.constant 256 : i32
        %dma_start3A_1706 = tpu.memref_slice %arg12[%dma_start3A_1703, %dma_start3A_1704, %dma_start3A_1705] : memref<8x8x768xf32, #tpu.memory_space<vmem>> -> memref<8x8x128xf32, #tpu.memory_space<vmem>>
        tpu.enqueue_dma source(%arg6 : memref<8x8x128xf32, #tpu.memory_space<hbm>>) target(%dma_start3A_1706 : memref<8x8x128xf32, #tpu.memory_space<vmem>>) target_semaphore(%arg16 : memref<!tpu.dma_semaphore, #tpu.memory_space<semaphore_mem>>)
      } else {
      }
      %slice3A_132 = vector.extract_strided_slice %get3A_63 {offsets = [2], sizes = [1], strides = [1]} : vector<16xi32> to vector<1xi32>
      %squeeze3A_133 = vector.extract %slice3A_132[0] : i32 from vector<1xi32>
      %ge3A_134 = arith.constant 999936 : i32
      %ge3A_135 = arith.cmpi sge, %squeeze3A_133, %ge3A_134 : i32
      %and3A_136 = arith.constant -128 : i32
      %and3A_137 = arith.andi %squeeze3A_133, %and3A_136 : i32
      %multiple_of3A_138 = tpu.assume_multiple %and3A_137, 128 : i32
      %not3A_139 = arith.constant true
      %not3A_140 = arith.xori %ge3A_135, %not3A_139 : i1
      %convert_element_type3A_141 = arith.extui %not3A_140 : i1 to i32
      %cond3A_142 = arith.constant 0 : i32
      %cond3A_143 = arith.cmpi ne, %convert_element_type3A_141, %cond3A_142 : i32
      scf.if %cond3A_143 {
        %dma_start3A = arith.constant 0 : i32
        %dma_start3A_1700 = arith.constant 0 : i32
        %dma_start3A_1701 = arith.constant 256 : i32
        %dma_start3A_1702 = tpu.memref_slice %arg13[%dma_start3A, %dma_start3A_1700, %dma_start3A_1701] : memref<8x8x768xf32, #tpu.memory_space<vmem>> -> memref<8x8x128xf32, #tpu.memory_space<vmem>>
        %dma_start3A_1703 = arith.constant 0 : i32
        %dma_start3A_1704 = arith.constant 0 : i32
        %dma_start3A_1705 = tpu.memref_slice %arg5[%dma_start3A_1703, %dma_start3A_1704, %multiple_of3A_138] : memref<8x8x1000000xf32, #tpu.memory_space<hbm>> -> memref<8x8x128xf32, #tpu.memory_space<hbm>>
        %dma_start3A_1706 = arith.constant 0 : i32
        %dma_start3A_1707 = arith.constant 0 : i32
        %dma_start3A_1708 = arith.constant 256 : i32
        %dma_start3A_1709 = tpu.memref_slice %arg13[%dma_start3A_1706, %dma_start3A_1707, %dma_start3A_1708] : memref<8x8x768xf32, #tpu.memory_space<vmem>> -> memref<8x8x128xf32, #tpu.memory_space<vmem>>
        %dma_start3A_1710 = arith.constant 0 : i32
        %dma_start3A_1711 = arith.constant 0 : i32
        %dma_start3A_1712 = tpu.memref_slice %arg5[%dma_start3A_1710, %dma_start3A_1711, %multiple_of3A_138] : memref<8x8x1000000xf32, #tpu.memory_space<hbm>> -> memref<8x8x128xf32, #tpu.memory_space<hbm>>
        tpu.enqueue_dma source(%dma_start3A_1712 : memref<8x8x128xf32, #tpu.memory_space<hbm>>) target(%dma_start3A_1709 : memref<8x8x128xf32, #tpu.memory_space<vmem>>) target_semaphore(%arg17 : memref<!tpu.dma_semaphore, #tpu.memory_space<semaphore_mem>>)
      } else {
      }
      %convert_element_type3A_144 = arith.extui %ge3A_135 : i1 to i32
      %cond3A_145 = arith.constant 0 : i32
      %cond3A_146 = arith.cmpi ne, %convert_element_type3A_144, %cond3A_145 : i32
      scf.if %cond3A_146 {
        %dma_start3A = arith.constant 0 : i32
        %dma_start3A_1700 = arith.constant 0 : i32
        %dma_start3A_1701 = arith.constant 256 : i32
        %dma_start3A_1702 = tpu.memref_slice %arg13[%dma_start3A, %dma_start3A_1700, %dma_start3A_1701] : memref<8x8x768xf32, #tpu.memory_space<vmem>> -> memref<8x8x128xf32, #tpu.memory_space<vmem>>
        %dma_start3A_1703 = arith.constant 0 : i32
        %dma_start3A_1704 = arith.constant 0 : i32
        %dma_start3A_1705 = arith.constant 256 : i32
        %dma_start3A_1706 = tpu.memref_slice %arg13[%dma_start3A_1703, %dma_start3A_1704, %dma_start3A_1705] : memref<8x8x768xf32, #tpu.memory_space<vmem>> -> memref<8x8x128xf32, #tpu.memory_space<vmem>>
        tpu.enqueue_dma source(%arg7 : memref<8x8x128xf32, #tpu.memory_space<hbm>>) target(%dma_start3A_1706 : memref<8x8x128xf32, #tpu.memory_space<vmem>>) target_semaphore(%arg17 : memref<!tpu.dma_semaphore, #tpu.memory_space<semaphore_mem>>)
      } else {
      }
      %slice3A_147 = vector.extract_strided_slice %get3A_59 {offsets = [3], sizes = [1], strides = [1]} : vector<16xi32> to vector<1xi32>
      %squeeze3A_148 = vector.extract %slice3A_147[0] : i32 from vector<1xi32>
      %ge3A_149 = arith.constant 999936 : i32
      %ge3A_150 = arith.cmpi sge, %squeeze3A_148, %ge3A_149 : i32
      %and3A_151 = arith.constant -128 : i32
      %and3A_152 = arith.andi %squeeze3A_148, %and3A_151 : i32
      %multiple_of3A_153 = tpu.assume_multiple %and3A_152, 128 : i32
      %not3A_154 = arith.constant true
      %not3A_155 = arith.xori %ge3A_150, %not3A_154 : i1
      %convert_element_type3A_156 = arith.extui %not3A_155 : i1 to i32
      %cond3A_157 = arith.constant 0 : i32
      %cond3A_158 = arith.cmpi ne, %convert_element_type3A_156, %cond3A_157 : i32
      scf.if %cond3A_158 {
        %dma_start3A = arith.constant 0 : i32
        %dma_start3A_1700 = arith.constant 0 : i32
        %dma_start3A_1701 = arith.constant 384 : i32
        %dma_start3A_1702 = tpu.memref_slice %arg12[%dma_start3A, %dma_start3A_1700, %dma_start3A_1701] : memref<8x8x768xf32, #tpu.memory_space<vmem>> -> memref<8x8x128xf32, #tpu.memory_space<vmem>>
        %dma_start3A_1703 = arith.constant 0 : i32
        %dma_start3A_1704 = arith.constant 0 : i32
        %dma_start3A_1705 = tpu.memref_slice %arg4[%dma_start3A_1703, %dma_start3A_1704, %multiple_of3A_153] : memref<8x8x1000000xf32, #tpu.memory_space<hbm>> -> memref<8x8x128xf32, #tpu.memory_space<hbm>>
        %dma_start3A_1706 = arith.constant 0 : i32
        %dma_start3A_1707 = arith.constant 0 : i32
        %dma_start3A_1708 = arith.constant 384 : i32
        %dma_start3A_1709 = tpu.memref_slice %arg12[%dma_start3A_1706, %dma_start3A_1707, %dma_start3A_1708] : memref<8x8x768xf32, #tpu.memory_space<vmem>> -> memref<8x8x128xf32, #tpu.memory_space<vmem>>
        %dma_start3A_1710 = arith.constant 0 : i32
        %dma_start3A_1711 = arith.constant 0 : i32
        %dma_start3A_1712 = tpu.memref_slice %arg4[%dma_start3A_1710, %dma_start3A_1711, %multiple_of3A_153] : memref<8x8x1000000xf32, #tpu.memory_space<hbm>> -> memref<8x8x128xf32, #tpu.memory_space<hbm>>
        tpu.enqueue_dma source(%dma_start3A_1712 : memref<8x8x128xf32, #tpu.memory_space<hbm>>) target(%dma_start3A_1709 : memref<8x8x128xf32, #tpu.memory_space<vmem>>) target_semaphore(%arg16 : memref<!tpu.dma_semaphore, #tpu.memory_space<semaphore_mem>>)
      } else {
      }
      %convert_element_type3A_159 = arith.extui %ge3A_150 : i1 to i32
      %cond3A_160 = arith.constant 0 : i32
      %cond3A_161 = arith.cmpi ne, %convert_element_type3A_159, %cond3A_160 : i32
      scf.if %cond3A_161 {
        %dma_start3A = arith.constant 0 : i32
        %dma_start3A_1700 = arith.constant 0 : i32
        %dma_start3A_1701 = arith.constant 384 : i32
        %dma_start3A_1702 = tpu.memref_slice %arg12[%dma_start3A, %dma_start3A_1700, %dma_start3A_1701] : memref<8x8x768xf32, #tpu.memory_space<vmem>> -> memref<8x8x128xf32, #tpu.memory_space<vmem>>
        %dma_start3A_1703 = arith.constant 0 : i32
        %dma_start3A_1704 = arith.constant 0 : i32
        %dma_start3A_1705 = arith.constant 384 : i32
        %dma_start3A_1706 = tpu.memref_slice %arg12[%dma_start3A_1703, %dma_start3A_1704, %dma_start3A_1705] : memref<8x8x768xf32, #tpu.memory_space<vmem>> -> memref<8x8x128xf32, #tpu.memory_space<vmem>>
        tpu.enqueue_dma source(%arg6 : memref<8x8x128xf32, #tpu.memory_space<hbm>>) target(%dma_start3A_1706 : memref<8x8x128xf32, #tpu.memory_space<vmem>>) target_semaphore(%arg16 : memref<!tpu.dma_semaphore, #tpu.memory_space<semaphore_mem>>)
      } else {
      }
      %slice3A_162 = vector.extract_strided_slice %get3A_63 {offsets = [3], sizes = [1], strides = [1]} : vector<16xi32> to vector<1xi32>
      %squeeze3A_163 = vector.extract %slice3A_162[0] : i32 from vector<1xi32>
      %ge3A_164 = arith.constant 999936 : i32
      %ge3A_165 = arith.cmpi sge, %squeeze3A_163, %ge3A_164 : i32
      %and3A_166 = arith.constant -128 : i32
      %and3A_167 = arith.andi %squeeze3A_163, %and3A_166 : i32
      %multiple_of3A_168 = tpu.assume_multiple %and3A_167, 128 : i32
      %not3A_169 = arith.constant true
      %not3A_170 = arith.xori %ge3A_165, %not3A_169 : i1
      %convert_element_type3A_171 = arith.extui %not3A_170 : i1 to i32
      %cond3A_172 = arith.constant 0 : i32
      %cond3A_173 = arith.cmpi ne, %convert_element_type3A_171, %cond3A_172 : i32
      scf.if %cond3A_173 {
        %dma_start3A = arith.constant 0 : i32
        %dma_start3A_1700 = arith.constant 0 : i32
        %dma_start3A_1701 = arith.constant 384 : i32
        %dma_start3A_1702 = tpu.memref_slice %arg13[%dma_start3A, %dma_start3A_1700, %dma_start3A_1701] : memref<8x8x768xf32, #tpu.memory_space<vmem>> -> memref<8x8x128xf32, #tpu.memory_space<vmem>>
        %dma_start3A_1703 = arith.constant 0 : i32
        %dma_start3A_1704 = arith.constant 0 : i32
        %dma_start3A_1705 = tpu.memref_slice %arg5[%dma_start3A_1703, %dma_start3A_1704, %multiple_of3A_168] : memref<8x8x1000000xf32, #tpu.memory_space<hbm>> -> memref<8x8x128xf32, #tpu.memory_space<hbm>>
        %dma_start3A_1706 = arith.constant 0 : i32
        %dma_start3A_1707 = arith.constant 0 : i32
        %dma_start3A_1708 = arith.constant 384 : i32
        %dma_start3A_1709 = tpu.memref_slice %arg13[%dma_start3A_1706, %dma_start3A_1707, %dma_start3A_1708] : memref<8x8x768xf32, #tpu.memory_space<vmem>> -> memref<8x8x128xf32, #tpu.memory_space<vmem>>
        %dma_start3A_1710 = arith.constant 0 : i32
        %dma_start3A_1711 = arith.constant 0 : i32
        %dma_start3A_1712 = tpu.memref_slice %arg5[%dma_start3A_1710, %dma_start3A_1711, %multiple_of3A_168] : memref<8x8x1000000xf32, #tpu.memory_space<hbm>> -> memref<8x8x128xf32, #tpu.memory_space<hbm>>
        tpu.enqueue_dma source(%dma_start3A_1712 : memref<8x8x128xf32, #tpu.memory_space<hbm>>) target(%dma_start3A_1709 : memref<8x8x128xf32, #tpu.memory_space<vmem>>) target_semaphore(%arg17 : memref<!tpu.dma_semaphore, #tpu.memory_space<semaphore_mem>>)
      } else {
      }
      %convert_element_type3A_174 = arith.extui %ge3A_165 : i1 to i32
      %cond3A_175 = arith.constant 0 : i32
      %cond3A_176 = arith.cmpi ne, %convert_element_type3A_174, %cond3A_175 : i32
      scf.if %cond3A_176 {
        %dma_start3A = arith.constant 0 : i32
        %dma_start3A_1700 = arith.constant 0 : i32
        %dma_start3A_1701 = arith.constant 384 : i32
        %dma_start3A_1702 = tpu.memref_slice %arg13[%dma_start3A, %dma_start3A_1700, %dma_start3A_1701] : memref<8x8x768xf32, #tpu.memory_space<vmem>> -> memref<8x8x128xf32, #tpu.memory_space<vmem>>
        %dma_start3A_1703 = arith.constant 0 : i32
        %dma_start3A_1704 = arith.constant 0 : i32
        %dma_start3A_1705 = arith.constant 384 : i32
        %dma_start3A_1706 = tpu.memref_slice %arg13[%dma_start3A_1703, %dma_start3A_1704, %dma_start3A_1705] : memref<8x8x768xf32, #tpu.memory_space<vmem>> -> memref<8x8x128xf32, #tpu.memory_space<vmem>>
        tpu.enqueue_dma source(%arg7 : memref<8x8x128xf32, #tpu.memory_space<hbm>>) target(%dma_start3A_1706 : memref<8x8x128xf32, #tpu.memory_space<vmem>>) target_semaphore(%arg17 : memref<!tpu.dma_semaphore, #tpu.memory_space<semaphore_mem>>)
      } else {
      }
      %slice3A_177 = vector.extract_strided_slice %get3A_59 {offsets = [4], sizes = [1], strides = [1]} : vector<16xi32> to vector<1xi32>
      %squeeze3A_178 = vector.extract %slice3A_177[0] : i32 from vector<1xi32>
      %ge3A_179 = arith.constant 999936 : i32
      %ge3A_180 = arith.cmpi sge, %squeeze3A_178, %ge3A_179 : i32
      %and3A_181 = arith.constant -128 : i32
      %and3A_182 = arith.andi %squeeze3A_178, %and3A_181 : i32
      %multiple_of3A_183 = tpu.assume_multiple %and3A_182, 128 : i32
      %not3A_184 = arith.constant true
      %not3A_185 = arith.xori %ge3A_180, %not3A_184 : i1
      %convert_element_type3A_186 = arith.extui %not3A_185 : i1 to i32
      %cond3A_187 = arith.constant 0 : i32
      %cond3A_188 = arith.cmpi ne, %convert_element_type3A_186, %cond3A_187 : i32
      scf.if %cond3A_188 {
        %dma_start3A = arith.constant 0 : i32
        %dma_start3A_1700 = arith.constant 0 : i32
        %dma_start3A_1701 = arith.constant 512 : i32
        %dma_start3A_1702 = tpu.memref_slice %arg12[%dma_start3A, %dma_start3A_1700, %dma_start3A_1701] : memref<8x8x768xf32, #tpu.memory_space<vmem>> -> memref<8x8x128xf32, #tpu.memory_space<vmem>>
        %dma_start3A_1703 = arith.constant 0 : i32
        %dma_start3A_1704 = arith.constant 0 : i32
        %dma_start3A_1705 = tpu.memref_slice %arg4[%dma_start3A_1703, %dma_start3A_1704, %multiple_of3A_183] : memref<8x8x1000000xf32, #tpu.memory_space<hbm>> -> memref<8x8x128xf32, #tpu.memory_space<hbm>>
        %dma_start3A_1706 = arith.constant 0 : i32
        %dma_start3A_1707 = arith.constant 0 : i32
        %dma_start3A_1708 = arith.constant 512 : i32
        %dma_start3A_1709 = tpu.memref_slice %arg12[%dma_start3A_1706, %dma_start3A_1707, %dma_start3A_1708] : memref<8x8x768xf32, #tpu.memory_space<vmem>> -> memref<8x8x128xf32, #tpu.memory_space<vmem>>
        %dma_start3A_1710 = arith.constant 0 : i32
        %dma_start3A_1711 = arith.constant 0 : i32
        %dma_start3A_1712 = tpu.memref_slice %arg4[%dma_start3A_1710, %dma_start3A_1711, %multiple_of3A_183] : memref<8x8x1000000xf32, #tpu.memory_space<hbm>> -> memref<8x8x128xf32, #tpu.memory_space<hbm>>
        tpu.enqueue_dma source(%dma_start3A_1712 : memref<8x8x128xf32, #tpu.memory_space<hbm>>) target(%dma_start3A_1709 : memref<8x8x128xf32, #tpu.memory_space<vmem>>) target_semaphore(%arg16 : memref<!tpu.dma_semaphore, #tpu.memory_space<semaphore_mem>>)
      } else {
      }
      %convert_element_type3A_189 = arith.extui %ge3A_180 : i1 to i32
      %cond3A_190 = arith.constant 0 : i32
      %cond3A_191 = arith.cmpi ne, %convert_element_type3A_189, %cond3A_190 : i32
      scf.if %cond3A_191 {
        %dma_start3A = arith.constant 0 : i32
        %dma_start3A_1700 = arith.constant 0 : i32
        %dma_start3A_1701 = arith.constant 512 : i32
        %dma_start3A_1702 = tpu.memref_slice %arg12[%dma_start3A, %dma_start3A_1700, %dma_start3A_1701] : memref<8x8x768xf32, #tpu.memory_space<vmem>> -> memref<8x8x128xf32, #tpu.memory_space<vmem>>
        %dma_start3A_1703 = arith.constant 0 : i32
        %dma_start3A_1704 = arith.constant 0 : i32
        %dma_start3A_1705 = arith.constant 512 : i32
        %dma_start3A_1706 = tpu.memref_slice %arg12[%dma_start3A_1703, %dma_start3A_1704, %dma_start3A_1705] : memref<8x8x768xf32, #tpu.memory_space<vmem>> -> memref<8x8x128xf32, #tpu.memory_space<vmem>>
        tpu.enqueue_dma source(%arg6 : memref<8x8x128xf32, #tpu.memory_space<hbm>>) target(%dma_start3A_1706 : memref<8x8x128xf32, #tpu.memory_space<vmem>>) target_semaphore(%arg16 : memref<!tpu.dma_semaphore, #tpu.memory_space<semaphore_mem>>)
      } else {
      }
      %slice3A_192 = vector.extract_strided_slice %get3A_63 {offsets = [4], sizes = [1], strides = [1]} : vector<16xi32> to vector<1xi32>
      %squeeze3A_193 = vector.extract %slice3A_192[0] : i32 from vector<1xi32>
      %ge3A_194 = arith.constant 999936 : i32
      %ge3A_195 = arith.cmpi sge, %squeeze3A_193, %ge3A_194 : i32
      %and3A_196 = arith.constant -128 : i32
      %and3A_197 = arith.andi %squeeze3A_193, %and3A_196 : i32
      %multiple_of3A_198 = tpu.assume_multiple %and3A_197, 128 : i32
      %not3A_199 = arith.constant true
      %not3A_200 = arith.xori %ge3A_195, %not3A_199 : i1
      %convert_element_type3A_201 = arith.extui %not3A_200 : i1 to i32
      %cond3A_202 = arith.constant 0 : i32
      %cond3A_203 = arith.cmpi ne, %convert_element_type3A_201, %cond3A_202 : i32
      scf.if %cond3A_203 {
        %dma_start3A = arith.constant 0 : i32
        %dma_start3A_1700 = arith.constant 0 : i32
        %dma_start3A_1701 = arith.constant 512 : i32
        %dma_start3A_1702 = tpu.memref_slice %arg13[%dma_start3A, %dma_start3A_1700, %dma_start3A_1701] : memref<8x8x768xf32, #tpu.memory_space<vmem>> -> memref<8x8x128xf32, #tpu.memory_space<vmem>>
        %dma_start3A_1703 = arith.constant 0 : i32
        %dma_start3A_1704 = arith.constant 0 : i32
        %dma_start3A_1705 = tpu.memref_slice %arg5[%dma_start3A_1703, %dma_start3A_1704, %multiple_of3A_198] : memref<8x8x1000000xf32, #tpu.memory_space<hbm>> -> memref<8x8x128xf32, #tpu.memory_space<hbm>>
        %dma_start3A_1706 = arith.constant 0 : i32
        %dma_start3A_1707 = arith.constant 0 : i32
        %dma_start3A_1708 = arith.constant 512 : i32
        %dma_start3A_1709 = tpu.memref_slice %arg13[%dma_start3A_1706, %dma_start3A_1707, %dma_start3A_1708] : memref<8x8x768xf32, #tpu.memory_space<vmem>> -> memref<8x8x128xf32, #tpu.memory_space<vmem>>
        %dma_start3A_1710 = arith.constant 0 : i32
        %dma_start3A_1711 = arith.constant 0 : i32
        %dma_start3A_1712 = tpu.memref_slice %arg5[%dma_start3A_1710, %dma_start3A_1711, %multiple_of3A_198] : memref<8x8x1000000xf32, #tpu.memory_space<hbm>> -> memref<8x8x128xf32, #tpu.memory_space<hbm>>
        tpu.enqueue_dma source(%dma_start3A_1712 : memref<8x8x128xf32, #tpu.memory_space<hbm>>) target(%dma_start3A_1709 : memref<8x8x128xf32, #tpu.memory_space<vmem>>) target_semaphore(%arg17 : memref<!tpu.dma_semaphore, #tpu.memory_space<semaphore_mem>>)
      } else {
      }
      %convert_element_type3A_204 = arith.extui %ge3A_195 : i1 to i32
      %cond3A_205 = arith.constant 0 : i32
      %cond3A_206 = arith.cmpi ne, %convert_element_type3A_204, %cond3A_205 : i32
      scf.if %cond3A_206 {
        %dma_start3A = arith.constant 0 : i32
        %dma_start3A_1700 = arith.constant 0 : i32
        %dma_start3A_1701 = arith.constant 512 : i32
        %dma_start3A_1702 = tpu.memref_slice %arg13[%dma_start3A, %dma_start3A_1700, %dma_start3A_1701] : memref<8x8x768xf32, #tpu.memory_space<vmem>> -> memref<8x8x128xf32, #tpu.memory_space<vmem>>
        %dma_start3A_1703 = arith.constant 0 : i32
        %dma_start3A_1704 = arith.constant 0 : i32
        %dma_start3A_1705 = arith.constant 512 : i32
        %dma_start3A_1706 = tpu.memref_slice %arg13[%dma_start3A_1703, %dma_start3A_1704, %dma_start3A_1705] : memref<8x8x768xf32, #tpu.memory_space<vmem>> -> memref<8x8x128xf32, #tpu.memory_space<vmem>>
        tpu.enqueue_dma source(%arg7 : memref<8x8x128xf32, #tpu.memory_space<hbm>>) target(%dma_start3A_1706 : memref<8x8x128xf32, #tpu.memory_space<vmem>>) target_semaphore(%arg17 : memref<!tpu.dma_semaphore, #tpu.memory_space<semaphore_mem>>)
      } else {
      }
      %slice3A_207 = vector.extract_strided_slice %get3A_59 {offsets = [5], sizes = [1], strides = [1]} : vector<16xi32> to vector<1xi32>
      %squeeze3A_208 = vector.extract %slice3A_207[0] : i32 from vector<1xi32>
      %ge3A_209 = arith.constant 999936 : i32
      %ge3A_210 = arith.cmpi sge, %squeeze3A_208, %ge3A_209 : i32
      %and3A_211 = arith.constant -128 : i32
      %and3A_212 = arith.andi %squeeze3A_208, %and3A_211 : i32
      %multiple_of3A_213 = tpu.assume_multiple %and3A_212, 128 : i32
      %not3A_214 = arith.constant true
      %not3A_215 = arith.xori %ge3A_210, %not3A_214 : i1
      %convert_element_type3A_216 = arith.extui %not3A_215 : i1 to i32
      %cond3A_217 = arith.constant 0 : i32
      %cond3A_218 = arith.cmpi ne, %convert_element_type3A_216, %cond3A_217 : i32
      scf.if %cond3A_218 {
        %dma_start3A = arith.constant 0 : i32
        %dma_start3A_1700 = arith.constant 0 : i32
        %dma_start3A_1701 = arith.constant 640 : i32
        %dma_start3A_1702 = tpu.memref_slice %arg12[%dma_start3A, %dma_start3A_1700, %dma_start3A_1701] : memref<8x8x768xf32, #tpu.memory_space<vmem>> -> memref<8x8x128xf32, #tpu.memory_space<vmem>>
        %dma_start3A_1703 = arith.constant 0 : i32
        %dma_start3A_1704 = arith.constant 0 : i32
        %dma_start3A_1705 = tpu.memref_slice %arg4[%dma_start3A_1703, %dma_start3A_1704, %multiple_of3A_213] : memref<8x8x1000000xf32, #tpu.memory_space<hbm>> -> memref<8x8x128xf32, #tpu.memory_space<hbm>>
        %dma_start3A_1706 = arith.constant 0 : i32
        %dma_start3A_1707 = arith.constant 0 : i32
        %dma_start3A_1708 = arith.constant 640 : i32
        %dma_start3A_1709 = tpu.memref_slice %arg12[%dma_start3A_1706, %dma_start3A_1707, %dma_start3A_1708] : memref<8x8x768xf32, #tpu.memory_space<vmem>> -> memref<8x8x128xf32, #tpu.memory_space<vmem>>
        %dma_start3A_1710 = arith.constant 0 : i32
        %dma_start3A_1711 = arith.constant 0 : i32
        %dma_start3A_1712 = tpu.memref_slice %arg4[%dma_start3A_1710, %dma_start3A_1711, %multiple_of3A_213] : memref<8x8x1000000xf32, #tpu.memory_space<hbm>> -> memref<8x8x128xf32, #tpu.memory_space<hbm>>
        tpu.enqueue_dma source(%dma_start3A_1712 : memref<8x8x128xf32, #tpu.memory_space<hbm>>) target(%dma_start3A_1709 : memref<8x8x128xf32, #tpu.memory_space<vmem>>) target_semaphore(%arg16 : memref<!tpu.dma_semaphore, #tpu.memory_space<semaphore_mem>>)
      } else {
      }
      %convert_element_type3A_219 = arith.extui %ge3A_210 : i1 to i32
      %cond3A_220 = arith.constant 0 : i32
      %cond3A_221 = arith.cmpi ne, %convert_element_type3A_219, %cond3A_220 : i32
      scf.if %cond3A_221 {
        %dma_start3A = arith.constant 0 : i32
        %dma_start3A_1700 = arith.constant 0 : i32
        %dma_start3A_1701 = arith.constant 640 : i32
        %dma_start3A_1702 = tpu.memref_slice %arg12[%dma_start3A, %dma_start3A_1700, %dma_start3A_1701] : memref<8x8x768xf32, #tpu.memory_space<vmem>> -> memref<8x8x128xf32, #tpu.memory_space<vmem>>
        %dma_start3A_1703 = arith.constant 0 : i32
        %dma_start3A_1704 = arith.constant 0 : i32
        %dma_start3A_1705 = arith.constant 640 : i32
        %dma_start3A_1706 = tpu.memref_slice %arg12[%dma_start3A_1703, %dma_start3A_1704, %dma_start3A_1705] : memref<8x8x768xf32, #tpu.memory_space<vmem>> -> memref<8x8x128xf32, #tpu.memory_space<vmem>>
        tpu.enqueue_dma source(%arg6 : memref<8x8x128xf32, #tpu.memory_space<hbm>>) target(%dma_start3A_1706 : memref<8x8x128xf32, #tpu.memory_space<vmem>>) target_semaphore(%arg16 : memref<!tpu.dma_semaphore, #tpu.memory_space<semaphore_mem>>)
      } else {
      }
      %slice3A_222 = vector.extract_strided_slice %get3A_63 {offsets = [5], sizes = [1], strides = [1]} : vector<16xi32> to vector<1xi32>
      %squeeze3A_223 = vector.extract %slice3A_222[0] : i32 from vector<1xi32>
      %ge3A_224 = arith.constant 999936 : i32
      %ge3A_225 = arith.cmpi sge, %squeeze3A_223, %ge3A_224 : i32
      %and3A_226 = arith.constant -128 : i32
      %and3A_227 = arith.andi %squeeze3A_223, %and3A_226 : i32
      %multiple_of3A_228 = tpu.assume_multiple %and3A_227, 128 : i32
      %not3A_229 = arith.constant true
      %not3A_230 = arith.xori %ge3A_225, %not3A_229 : i1
      %convert_element_type3A_231 = arith.extui %not3A_230 : i1 to i32
      %cond3A_232 = arith.constant 0 : i32
      %cond3A_233 = arith.cmpi ne, %convert_element_type3A_231, %cond3A_232 : i32
      scf.if %cond3A_233 {
        %dma_start3A = arith.constant 0 : i32
        %dma_start3A_1700 = arith.constant 0 : i32
        %dma_start3A_1701 = arith.constant 640 : i32
        %dma_start3A_1702 = tpu.memref_slice %arg13[%dma_start3A, %dma_start3A_1700, %dma_start3A_1701] : memref<8x8x768xf32, #tpu.memory_space<vmem>> -> memref<8x8x128xf32, #tpu.memory_space<vmem>>
        %dma_start3A_1703 = arith.constant 0 : i32
        %dma_start3A_1704 = arith.constant 0 : i32
        %dma_start3A_1705 = tpu.memref_slice %arg5[%dma_start3A_1703, %dma_start3A_1704, %multiple_of3A_228] : memref<8x8x1000000xf32, #tpu.memory_space<hbm>> -> memref<8x8x128xf32, #tpu.memory_space<hbm>>
        %dma_start3A_1706 = arith.constant 0 : i32
        %dma_start3A_1707 = arith.constant 0 : i32
        %dma_start3A_1708 = arith.constant 640 : i32
        %dma_start3A_1709 = tpu.memref_slice %arg13[%dma_start3A_1706, %dma_start3A_1707, %dma_start3A_1708] : memref<8x8x768xf32, #tpu.memory_space<vmem>> -> memref<8x8x128xf32, #tpu.memory_space<vmem>>
        %dma_start3A_1710 = arith.constant 0 : i32
        %dma_start3A_1711 = arith.constant 0 : i32
        %dma_start3A_1712 = tpu.memref_slice %arg5[%dma_start3A_1710, %dma_start3A_1711, %multiple_of3A_228] : memref<8x8x1000000xf32, #tpu.memory_space<hbm>> -> memref<8x8x128xf32, #tpu.memory_space<hbm>>
        tpu.enqueue_dma source(%dma_start3A_1712 : memref<8x8x128xf32, #tpu.memory_space<hbm>>) target(%dma_start3A_1709 : memref<8x8x128xf32, #tpu.memory_space<vmem>>) target_semaphore(%arg17 : memref<!tpu.dma_semaphore, #tpu.memory_space<semaphore_mem>>)
      } else {
      }
      %convert_element_type3A_234 = arith.extui %ge3A_225 : i1 to i32
      %cond3A_235 = arith.constant 0 : i32
      %cond3A_236 = arith.cmpi ne, %convert_element_type3A_234, %cond3A_235 : i32
      scf.if %cond3A_236 {
        %dma_start3A = arith.constant 0 : i32
        %dma_start3A_1700 = arith.constant 0 : i32
        %dma_start3A_1701 = arith.constant 640 : i32
        %dma_start3A_1702 = tpu.memref_slice %arg13[%dma_start3A, %dma_start3A_1700, %dma_start3A_1701] : memref<8x8x768xf32, #tpu.memory_space<vmem>> -> memref<8x8x128xf32, #tpu.memory_space<vmem>>
        %dma_start3A_1703 = arith.constant 0 : i32
        %dma_start3A_1704 = arith.constant 0 : i32
        %dma_start3A_1705 = arith.constant 640 : i32
        %dma_start3A_1706 = tpu.memref_slice %arg13[%dma_start3A_1703, %dma_start3A_1704, %dma_start3A_1705] : memref<8x8x768xf32, #tpu.memory_space<vmem>> -> memref<8x8x128xf32, #tpu.memory_space<vmem>>
        tpu.enqueue_dma source(%arg7 : memref<8x8x128xf32, #tpu.memory_space<hbm>>) target(%dma_start3A_1706 : memref<8x8x128xf32, #tpu.memory_space<vmem>>) target_semaphore(%arg17 : memref<!tpu.dma_semaphore, #tpu.memory_space<semaphore_mem>>)
      } else {
      }
      %dma_wait3A = arith.constant 0 : i32
      %dma_wait3A_237 = arith.constant 0 : i32
      %dma_wait3A_238 = arith.constant 0 : i32
      %dma_wait3A_239 = tpu.memref_slice %arg12[%dma_wait3A, %dma_wait3A_237, %dma_wait3A_238] : memref<8x8x768xf32, #tpu.memory_space<vmem>> -> memref<8x8x128xf32, #tpu.memory_space<vmem>>
      %dma_wait3A_240 = arith.constant 0 : i32
      %dma_wait3A_241 = arith.constant 0 : i32
      %dma_wait3A_242 = arith.constant 0 : i32
      %dma_wait3A_243 = tpu.memref_slice %arg4[%dma_wait3A_240, %dma_wait3A_241, %dma_wait3A_242] : memref<8x8x1000000xf32, #tpu.memory_space<hbm>> -> memref<8x8x128xf32, #tpu.memory_space<hbm>>
      %dma_wait3A_244 = arith.constant 0 : i32
      %dma_wait3A_245 = arith.constant 0 : i32
      %dma_wait3A_246 = arith.constant 0 : i32
      %dma_wait3A_247 = tpu.memref_slice %arg12[%dma_wait3A_244, %dma_wait3A_245, %dma_wait3A_246] : memref<8x8x768xf32, #tpu.memory_space<vmem>> -> memref<8x8x128xf32, #tpu.memory_space<vmem>>
      %dma_wait3A_248 = arith.constant 0 : i32
      %dma_wait3A_249 = arith.constant 0 : i32
      %dma_wait3A_250 = arith.constant 0 : i32
      %dma_wait3A_251 = tpu.memref_slice %arg4[%dma_wait3A_248, %dma_wait3A_249, %dma_wait3A_250] : memref<8x8x1000000xf32, #tpu.memory_space<hbm>> -> memref<8x8x128xf32, #tpu.memory_space<hbm>>
      tpu.wait_dma2 semaphore(%arg16 : memref<!tpu.dma_semaphore, #tpu.memory_space<semaphore_mem>>) src(%dma_wait3A_251 : memref<8x8x128xf32, #tpu.memory_space<hbm>>) dst(%dma_wait3A_247 : memref<8x8x128xf32, #tpu.memory_space<vmem>>)
      %dma_wait3A_252 = arith.constant 0 : i32
      %dma_wait3A_253 = arith.constant 0 : i32
      %dma_wait3A_254 = arith.constant 0 : i32
      %dma_wait3A_255 = tpu.memref_slice %arg13[%dma_wait3A_252, %dma_wait3A_253, %dma_wait3A_254] : memref<8x8x768xf32, #tpu.memory_space<vmem>> -> memref<8x8x128xf32, #tpu.memory_space<vmem>>
      %dma_wait3A_256 = arith.constant 0 : i32
      %dma_wait3A_257 = arith.constant 0 : i32
      %dma_wait3A_258 = arith.constant 0 : i32
      %dma_wait3A_259 = tpu.memref_slice %arg5[%dma_wait3A_256, %dma_wait3A_257, %dma_wait3A_258] : memref<8x8x1000000xf32, #tpu.memory_space<hbm>> -> memref<8x8x128xf32, #tpu.memory_space<hbm>>
      %dma_wait3A_260 = arith.constant 0 : i32
      %dma_wait3A_261 = arith.constant 0 : i32
      %dma_wait3A_262 = arith.constant 0 : i32
      %dma_wait3A_263 = tpu.memref_slice %arg13[%dma_wait3A_260, %dma_wait3A_261, %dma_wait3A_262] : memref<8x8x768xf32, #tpu.memory_space<vmem>> -> memref<8x8x128xf32, #tpu.memory_space<vmem>>
      %dma_wait3A_264 = arith.constant 0 : i32
      %dma_wait3A_265 = arith.constant 0 : i32
      %dma_wait3A_266 = arith.constant 0 : i32
      %dma_wait3A_267 = tpu.memref_slice %arg5[%dma_wait3A_264, %dma_wait3A_265, %dma_wait3A_266] : memref<8x8x1000000xf32, #tpu.memory_space<hbm>> -> memref<8x8x128xf32, #tpu.memory_space<hbm>>
      tpu.wait_dma2 semaphore(%arg17 : memref<!tpu.dma_semaphore, #tpu.memory_space<semaphore_mem>>) src(%dma_wait3A_267 : memref<8x8x128xf32, #tpu.memory_space<hbm>>) dst(%dma_wait3A_263 : memref<8x8x128xf32, #tpu.memory_space<vmem>>)
      %dma_wait3A_268 = arith.constant 0 : i32
      %dma_wait3A_269 = arith.constant 0 : i32
      %dma_wait3A_270 = arith.constant 128 : i32
      %dma_wait3A_271 = tpu.memref_slice %arg12[%dma_wait3A_268, %dma_wait3A_269, %dma_wait3A_270] : memref<8x8x768xf32, #tpu.memory_space<vmem>> -> memref<8x8x128xf32, #tpu.memory_space<vmem>>
      %dma_wait3A_272 = arith.constant 0 : i32
      %dma_wait3A_273 = arith.constant 0 : i32
      %dma_wait3A_274 = arith.constant 0 : i32
      %dma_wait3A_275 = tpu.memref_slice %arg4[%dma_wait3A_272, %dma_wait3A_273, %dma_wait3A_274] : memref<8x8x1000000xf32, #tpu.memory_space<hbm>> -> memref<8x8x128xf32, #tpu.memory_space<hbm>>
      %dma_wait3A_276 = arith.constant 0 : i32
      %dma_wait3A_277 = arith.constant 0 : i32
      %dma_wait3A_278 = arith.constant 128 : i32
      %dma_wait3A_279 = tpu.memref_slice %arg12[%dma_wait3A_276, %dma_wait3A_277, %dma_wait3A_278] : memref<8x8x768xf32, #tpu.memory_space<vmem>> -> memref<8x8x128xf32, #tpu.memory_space<vmem>>
      %dma_wait3A_280 = arith.constant 0 : i32
      %dma_wait3A_281 = arith.constant 0 : i32
      %dma_wait3A_282 = arith.constant 0 : i32
      %dma_wait3A_283 = tpu.memref_slice %arg4[%dma_wait3A_280, %dma_wait3A_281, %dma_wait3A_282] : memref<8x8x1000000xf32, #tpu.memory_space<hbm>> -> memref<8x8x128xf32, #tpu.memory_space<hbm>>
      tpu.wait_dma2 semaphore(%arg16 : memref<!tpu.dma_semaphore, #tpu.memory_space<semaphore_mem>>) src(%dma_wait3A_283 : memref<8x8x128xf32, #tpu.memory_space<hbm>>) dst(%dma_wait3A_279 : memref<8x8x128xf32, #tpu.memory_space<vmem>>)
      %dma_wait3A_284 = arith.constant 0 : i32
      %dma_wait3A_285 = arith.constant 0 : i32
      %dma_wait3A_286 = arith.constant 128 : i32
      %dma_wait3A_287 = tpu.memref_slice %arg13[%dma_wait3A_284, %dma_wait3A_285, %dma_wait3A_286] : memref<8x8x768xf32, #tpu.memory_space<vmem>> -> memref<8x8x128xf32, #tpu.memory_space<vmem>>
      %dma_wait3A_288 = arith.constant 0 : i32
      %dma_wait3A_289 = arith.constant 0 : i32
      %dma_wait3A_290 = arith.constant 0 : i32
      %dma_wait3A_291 = tpu.memref_slice %arg5[%dma_wait3A_288, %dma_wait3A_289, %dma_wait3A_290] : memref<8x8x1000000xf32, #tpu.memory_space<hbm>> -> memref<8x8x128xf32, #tpu.memory_space<hbm>>
      %dma_wait3A_292 = arith.constant 0 : i32
      %dma_wait3A_293 = arith.constant 0 : i32
      %dma_wait3A_294 = arith.constant 128 : i32
      %dma_wait3A_295 = tpu.memref_slice %arg13[%dma_wait3A_292, %dma_wait3A_293, %dma_wait3A_294] : memref<8x8x768xf32, #tpu.memory_space<vmem>> -> memref<8x8x128xf32, #tpu.memory_space<vmem>>
      %dma_wait3A_296 = arith.constant 0 : i32
      %dma_wait3A_297 = arith.constant 0 : i32
      %dma_wait3A_298 = arith.constant 0 : i32
      %dma_wait3A_299 = tpu.memref_slice %arg5[%dma_wait3A_296, %dma_wait3A_297, %dma_wait3A_298] : memref<8x8x1000000xf32, #tpu.memory_space<hbm>> -> memref<8x8x128xf32, #tpu.memory_space<hbm>>
      tpu.wait_dma2 semaphore(%arg17 : memref<!tpu.dma_semaphore, #tpu.memory_space<semaphore_mem>>) src(%dma_wait3A_299 : memref<8x8x128xf32, #tpu.memory_space<hbm>>) dst(%dma_wait3A_295 : memref<8x8x128xf32, #tpu.memory_space<vmem>>)
      %slice3A_300 = vector.extract_strided_slice %get3A_59 {offsets = [0], sizes = [1], strides = [1]} : vector<16xi32> to vector<1xi32>
      %squeeze3A_301 = vector.extract %slice3A_300[0] : i32 from vector<1xi32>
      %slice3A_302 = vector.extract_strided_slice %get3A_63 {offsets = [0], sizes = [1], strides = [1]} : vector<16xi32> to vector<1xi32>
      %squeeze3A_303 = vector.extract %slice3A_302[0] : i32 from vector<1xi32>
      %mul3A_304 = arith.constant 16 : i32
      %mul3A_305 = arith.muli %scan3A_55, %mul3A_304 : i32
      %add3A_306 = arith.constant 0 : i32
      %add3A_307 = arith.addi %mul3A_305, %add3A_306 : i32
      %add3A_308 = arith.constant 0 : i32
      %add3A_309 = arith.addi %add3A_307, %add3A_308 : i32
      %ge3A_310 = arith.constant 999936 : i32
      %ge3A_311 = arith.cmpi sge, %squeeze3A_301, %ge3A_310 : i32
      %and3A_312 = arith.constant -128 : i32
      %and3A_313 = arith.andi %squeeze3A_301, %and3A_312 : i32
      %jit3A = arith.constant 999936 : i32
      %select_n3A = arith.select %ge3A_311, %jit3A, %and3A_313 : i32
      %ge3A_314 = arith.constant 999936 : i32
      %ge3A_315 = arith.cmpi sge, %squeeze3A_303, %ge3A_314 : i32
      %and3A_316 = arith.constant -128 : i32
      %and3A_317 = arith.andi %squeeze3A_303, %and3A_316 : i32
      %jit3A_318 = arith.constant 999936 : i32
      %select_n3A_319 = arith.select %ge3A_315, %jit3A_318, %and3A_317 : i32
      %broadcast_in_dim3A = arith.constant 0 : i32
      %broadcast_in_dim3A_320 = vector.broadcast %broadcast_in_dim3A : i32 to vector<16xi32>
      %sub3A = arith.subi %squeeze3A_301, %select_n3A : i32
      %add3A_321 = vector.broadcast %sub3A : i32 to vector<16xi32>
      %add3A_322 = arith.addi %broadcast_in_dim3A_320, %add3A_321 : vector<16xi32>
      %broadcast_in_dim3A_323 = arith.constant 0 : i32
      %broadcast_in_dim3A_324 = vector.broadcast %broadcast_in_dim3A_323 : i32 to vector<16xi32>
      %sub3A_325 = arith.subi %squeeze3A_303, %select_n3A_319 : i32
      %add3A_326 = vector.broadcast %sub3A_325 : i32 to vector<16xi32>
      %add3A_327 = arith.addi %broadcast_in_dim3A_324, %add3A_326 : vector<16xi32>
      %broadcast_in_dim3A_328 = vector.broadcast %add3A_309 : i32 to vector<16xi32>
      %gather3A = tpu.vector_load_idx %arg12[%shift_right_arithmetic3A_7, %and3A_30, %add3A_322] : memref<8x8x768xf32, #tpu.memory_space<vmem>>[vector<16xi32>, vector<16xi32>, vector<16xi32>], vector<16xf32>,
      tpu.vector_store_idx %arg14[%shift_right_arithmetic3A_7, %and3A_30, %broadcast_in_dim3A_328], %gather3A : memref<8x8x128xf32, #tpu.memory_space<vmem>>[vector<16xi32>, vector<16xi32>, vector<16xi32>], vector<16xf32>,
      %gather3A_329 = tpu.vector_load_idx %arg13[%shift_right_arithmetic3A_7, %and3A_30, %add3A_327] : memref<8x8x768xf32, #tpu.memory_space<vmem>>[vector<16xi32>, vector<16xi32>, vector<16xi32>], vector<16xf32>,
      tpu.vector_store_idx %arg15[%shift_right_arithmetic3A_7, %and3A_30, %broadcast_in_dim3A_328], %gather3A_329 : memref<8x8x128xf32, #tpu.memory_space<vmem>>[vector<16xi32>, vector<16xi32>, vector<16xi32>], vector<16xf32>,
      %gather3A_330 = tpu.vector_load_idx %arg12[%shift_right_arithmetic3A_13, %and3A_36, %add3A_322] : memref<8x8x768xf32, #tpu.memory_space<vmem>>[vector<16xi32>, vector<16xi32>, vector<16xi32>], vector<16xf32>,
      tpu.vector_store_idx %arg14[%shift_right_arithmetic3A_13, %and3A_36, %broadcast_in_dim3A_328], %gather3A_330 : memref<8x8x128xf32, #tpu.memory_space<vmem>>[vector<16xi32>, vector<16xi32>, vector<16xi32>], vector<16xf32>,
      %gather3A_331 = tpu.vector_load_idx %arg13[%shift_right_arithmetic3A_13, %and3A_36, %add3A_327] : memref<8x8x768xf32, #tpu.memory_space<vmem>>[vector<16xi32>, vector<16xi32>, vector<16xi32>], vector<16xf32>,
      tpu.vector_store_idx %arg15[%shift_right_arithmetic3A_13, %and3A_36, %broadcast_in_dim3A_328], %gather3A_331 : memref<8x8x128xf32, #tpu.memory_space<vmem>>[vector<16xi32>, vector<16xi32>, vector<16xi32>], vector<16xf32>,
      %gather3A_332 = tpu.vector_load_idx %arg12[%shift_right_arithmetic3A_19, %and3A_42, %add3A_322] : memref<8x8x768xf32, #tpu.memory_space<vmem>>[vector<16xi32>, vector<16xi32>, vector<16xi32>], vector<16xf32>,
      tpu.vector_store_idx %arg14[%shift_right_arithmetic3A_19, %and3A_42, %broadcast_in_dim3A_328], %gather3A_332 : memref<8x8x128xf32, #tpu.memory_space<vmem>>[vector<16xi32>, vector<16xi32>, vector<16xi32>], vector<16xf32>,
      %gather3A_333 = tpu.vector_load_idx %arg13[%shift_right_arithmetic3A_19, %and3A_42, %add3A_327] : memref<8x8x768xf32, #tpu.memory_space<vmem>>[vector<16xi32>, vector<16xi32>, vector<16xi32>], vector<16xf32>,
      tpu.vector_store_idx %arg15[%shift_right_arithmetic3A_19, %and3A_42, %broadcast_in_dim3A_328], %gather3A_333 : memref<8x8x128xf32, #tpu.memory_space<vmem>>[vector<16xi32>, vector<16xi32>, vector<16xi32>], vector<16xf32>,
      %gather3A_334 = tpu.vector_load_idx %arg12[%shift_right_arithmetic3A_25, %and3A_48, %add3A_322] : memref<8x8x768xf32, #tpu.memory_space<vmem>>[vector<16xi32>, vector<16xi32>, vector<16xi32>], vector<16xf32>,
      tpu.vector_store_idx %arg14[%shift_right_arithmetic3A_25, %and3A_48, %broadcast_in_dim3A_328], %gather3A_334 : memref<8x8x128xf32, #tpu.memory_space<vmem>>[vector<16xi32>, vector<16xi32>, vector<16xi32>], vector<16xf32>,
      %gather3A_335 = tpu.vector_load_idx %arg13[%shift_right_arithmetic3A_25, %and3A_48, %add3A_327] : memref<8x8x768xf32, #tpu.memory_space<vmem>>[vector<16xi32>, vector<16xi32>, vector<16xi32>], vector<16xf32>,
      tpu.vector_store_idx %arg15[%shift_right_arithmetic3A_25, %and3A_48, %broadcast_in_dim3A_328], %gather3A_335 : memref<8x8x128xf32, #tpu.memory_space<vmem>>[vector<16xi32>, vector<16xi32>, vector<16xi32>], vector<16xf32>,
      %slice3A_336 = vector.extract_strided_slice %get3A_59 {offsets = [1], sizes = [1], strides = [1]} : vector<16xi32> to vector<1xi32>
      %squeeze3A_337 = vector.extract %slice3A_336[0] : i32 from vector<1xi32>
      %slice3A_338 = vector.extract_strided_slice %get3A_63 {offsets = [1], sizes = [1], strides = [1]} : vector<16xi32> to vector<1xi32>
      %squeeze3A_339 = vector.extract %slice3A_338[0] : i32 from vector<1xi32>
      %mul3A_340 = arith.constant 16 : i32
      %mul3A_341 = arith.muli %scan3A_55, %mul3A_340 : i32
      %add3A_342 = arith.constant 0 : i32
      %add3A_343 = arith.addi %mul3A_341, %add3A_342 : i32
      %add3A_344 = arith.constant 1 : i32
      %add3A_345 = arith.addi %add3A_343, %add3A_344 : i32
      %ge3A_346 = arith.constant 999936 : i32
      %ge3A_347 = arith.cmpi sge, %squeeze3A_337, %ge3A_346 : i32
      %and3A_348 = arith.constant -128 : i32
      %and3A_349 = arith.andi %squeeze3A_337, %and3A_348 : i32
      %jit3A_350 = arith.constant 999936 : i32
      %select_n3A_351 = arith.select %ge3A_347, %jit3A_350, %and3A_349 : i32
      %ge3A_352 = arith.constant 999936 : i32
      %ge3A_353 = arith.cmpi sge, %squeeze3A_339, %ge3A_352 : i32
      %and3A_354 = arith.constant -128 : i32
      %and3A_355 = arith.andi %squeeze3A_339, %and3A_354 : i32
      %jit3A_356 = arith.constant 999936 : i32
      %select_n3A_357 = arith.select %ge3A_353, %jit3A_356, %and3A_355 : i32
      %broadcast_in_dim3A_358 = arith.constant 128 : i32
      %broadcast_in_dim3A_359 = vector.broadcast %broadcast_in_dim3A_358 : i32 to vector<16xi32>
      %sub3A_360 = arith.subi %squeeze3A_337, %select_n3A_351 : i32
      %add3A_361 = vector.broadcast %sub3A_360 : i32 to vector<16xi32>
      %add3A_362 = arith.addi %broadcast_in_dim3A_359, %add3A_361 : vector<16xi32>
      %broadcast_in_dim3A_363 = arith.constant 128 : i32
      %broadcast_in_dim3A_364 = vector.broadcast %broadcast_in_dim3A_363 : i32 to vector<16xi32>
      %sub3A_365 = arith.subi %squeeze3A_339, %select_n3A_357 : i32
      %add3A_366 = vector.broadcast %sub3A_365 : i32 to vector<16xi32>
      %add3A_367 = arith.addi %broadcast_in_dim3A_364, %add3A_366 : vector<16xi32>
      %broadcast_in_dim3A_368 = vector.broadcast %add3A_345 : i32 to vector<16xi32>
      %gather3A_369 = tpu.vector_load_idx %arg12[%shift_right_arithmetic3A_7, %and3A_30, %add3A_362] : memref<8x8x768xf32, #tpu.memory_space<vmem>>[vector<16xi32>, vector<16xi32>, vector<16xi32>], vector<16xf32>,
      tpu.vector_store_idx %arg14[%shift_right_arithmetic3A_7, %and3A_30, %broadcast_in_dim3A_368], %gather3A_369 : memref<8x8x128xf32, #tpu.memory_space<vmem>>[vector<16xi32>, vector<16xi32>, vector<16xi32>], vector<16xf32>,
      %gather3A_370 = tpu.vector_load_idx %arg13[%shift_right_arithmetic3A_7, %and3A_30, %add3A_367] : memref<8x8x768xf32, #tpu.memory_space<vmem>>[vector<16xi32>, vector<16xi32>, vector<16xi32>], vector<16xf32>,
      tpu.vector_store_idx %arg15[%shift_right_arithmetic3A_7, %and3A_30, %broadcast_in_dim3A_368], %gather3A_370 : memref<8x8x128xf32, #tpu.memory_space<vmem>>[vector<16xi32>, vector<16xi32>, vector<16xi32>], vector<16xf32>,
      %gather3A_371 = tpu.vector_load_idx %arg12[%shift_right_arithmetic3A_13, %and3A_36, %add3A_362] : memref<8x8x768xf32, #tpu.memory_space<vmem>>[vector<16xi32>, vector<16xi32>, vector<16xi32>], vector<16xf32>,
      tpu.vector_store_idx %arg14[%shift_right_arithmetic3A_13, %and3A_36, %broadcast_in_dim3A_368], %gather3A_371 : memref<8x8x128xf32, #tpu.memory_space<vmem>>[vector<16xi32>, vector<16xi32>, vector<16xi32>], vector<16xf32>,
      %gather3A_372 = tpu.vector_load_idx %arg13[%shift_right_arithmetic3A_13, %and3A_36, %add3A_367] : memref<8x8x768xf32, #tpu.memory_space<vmem>>[vector<16xi32>, vector<16xi32>, vector<16xi32>], vector<16xf32>,
      tpu.vector_store_idx %arg15[%shift_right_arithmetic3A_13, %and3A_36, %broadcast_in_dim3A_368], %gather3A_372 : memref<8x8x128xf32, #tpu.memory_space<vmem>>[vector<16xi32>, vector<16xi32>, vector<16xi32>], vector<16xf32>,
      %gather3A_373 = tpu.vector_load_idx %arg12[%shift_right_arithmetic3A_19, %and3A_42, %add3A_362] : memref<8x8x768xf32, #tpu.memory_space<vmem>>[vector<16xi32>, vector<16xi32>, vector<16xi32>], vector<16xf32>,
      tpu.vector_store_idx %arg14[%shift_right_arithmetic3A_19, %and3A_42, %broadcast_in_dim3A_368], %gather3A_373 : memref<8x8x128xf32, #tpu.memory_space<vmem>>[vector<16xi32>, vector<16xi32>, vector<16xi32>], vector<16xf32>,
      %gather3A_374 = tpu.vector_load_idx %arg13[%shift_right_arithmetic3A_19, %and3A_42, %add3A_367] : memref<8x8x768xf32, #tpu.memory_space<vmem>>[vector<16xi32>, vector<16xi32>, vector<16xi32>], vector<16xf32>,
      tpu.vector_store_idx %arg15[%shift_right_arithmetic3A_19, %and3A_42, %broadcast_in_dim3A_368], %gather3A_374 : memref<8x8x128xf32, #tpu.memory_space<vmem>>[vector<16xi32>, vector<16xi32>, vector<16xi32>], vector<16xf32>,
      %gather3A_375 = tpu.vector_load_idx %arg12[%shift_right_arithmetic3A_25, %and3A_48, %add3A_362] : memref<8x8x768xf32, #tpu.memory_space<vmem>>[vector<16xi32>, vector<16xi32>, vector<16xi32>], vector<16xf32>,
      tpu.vector_store_idx %arg14[%shift_right_arithmetic3A_25, %and3A_48, %broadcast_in_dim3A_368], %gather3A_375 : memref<8x8x128xf32, #tpu.memory_space<vmem>>[vector<16xi32>, vector<16xi32>, vector<16xi32>], vector<16xf32>,
      %gather3A_376 = tpu.vector_load_idx %arg13[%shift_right_arithmetic3A_25, %and3A_48, %add3A_367] : memref<8x8x768xf32, #tpu.memory_space<vmem>>[vector<16xi32>, vector<16xi32>, vector<16xi32>], vector<16xf32>,
      tpu.vector_store_idx %arg15[%shift_right_arithmetic3A_25, %and3A_48, %broadcast_in_dim3A_368], %gather3A_376 : memref<8x8x128xf32, #tpu.memory_space<vmem>>[vector<16xi32>, vector<16xi32>, vector<16xi32>], vector<16xf32>,
      %slice3A_377 = vector.extract_strided_slice %get3A_59 {offsets = [6], sizes = [1], strides = [1]} : vector<16xi32> to vector<1xi32>
      %squeeze3A_378 = vector.extract %slice3A_377[0] : i32 from vector<1xi32>
      %ge3A_379 = arith.constant 999936 : i32
      %ge3A_380 = arith.cmpi sge, %squeeze3A_378, %ge3A_379 : i32
      %and3A_381 = arith.constant -128 : i32
      %and3A_382 = arith.andi %squeeze3A_378, %and3A_381 : i32
      %multiple_of3A_383 = tpu.assume_multiple %and3A_382, 128 : i32
      %not3A_384 = arith.constant true
      %not3A_385 = arith.xori %ge3A_380, %not3A_384 : i1
      %convert_element_type3A_386 = arith.extui %not3A_385 : i1 to i32
      %cond3A_387 = arith.constant 0 : i32
      %cond3A_388 = arith.cmpi ne, %convert_element_type3A_386, %cond3A_387 : i32
      scf.if %cond3A_388 {
        %dma_start3A = arith.constant 0 : i32
        %dma_start3A_1700 = arith.constant 0 : i32
        %dma_start3A_1701 = arith.constant 0 : i32
        %dma_start3A_1702 = tpu.memref_slice %arg12[%dma_start3A, %dma_start3A_1700, %dma_start3A_1701] : memref<8x8x768xf32, #tpu.memory_space<vmem>> -> memref<8x8x128xf32, #tpu.memory_space<vmem>>
        %dma_start3A_1703 = arith.constant 0 : i32
        %dma_start3A_1704 = arith.constant 0 : i32
        %dma_start3A_1705 = tpu.memref_slice %arg4[%dma_start3A_1703, %dma_start3A_1704, %multiple_of3A_383] : memref<8x8x1000000xf32, #tpu.memory_space<hbm>> -> memref<8x8x128xf32, #tpu.memory_space<hbm>>
        %dma_start3A_1706 = arith.constant 0 : i32
        %dma_start3A_1707 = arith.constant 0 : i32
        %dma_start3A_1708 = arith.constant 0 : i32
        %dma_start3A_1709 = tpu.memref_slice %arg12[%dma_start3A_1706, %dma_start3A_1707, %dma_start3A_1708] : memref<8x8x768xf32, #tpu.memory_space<vmem>> -> memref<8x8x128xf32, #tpu.memory_space<vmem>>
        %dma_start3A_1710 = arith.constant 0 : i32
        %dma_start3A_1711 = arith.constant 0 : i32
        %dma_start3A_1712 = tpu.memref_slice %arg4[%dma_start3A_1710, %dma_start3A_1711, %multiple_of3A_383] : memref<8x8x1000000xf32, #tpu.memory_space<hbm>> -> memref<8x8x128xf32, #tpu.memory_space<hbm>>
        tpu.enqueue_dma source(%dma_start3A_1712 : memref<8x8x128xf32, #tpu.memory_space<hbm>>) target(%dma_start3A_1709 : memref<8x8x128xf32, #tpu.memory_space<vmem>>) target_semaphore(%arg16 : memref<!tpu.dma_semaphore, #tpu.memory_space<semaphore_mem>>)
      } else {
      }
      %convert_element_type3A_389 = arith.extui %ge3A_380 : i1 to i32
      %cond3A_390 = arith.constant 0 : i32
      %cond3A_391 = arith.cmpi ne, %convert_element_type3A_389, %cond3A_390 : i32
      scf.if %cond3A_391 {
        %dma_start3A = arith.constant 0 : i32
        %dma_start3A_1700 = arith.constant 0 : i32
        %dma_start3A_1701 = arith.constant 0 : i32
        %dma_start3A_1702 = tpu.memref_slice %arg12[%dma_start3A, %dma_start3A_1700, %dma_start3A_1701] : memref<8x8x768xf32, #tpu.memory_space<vmem>> -> memref<8x8x128xf32, #tpu.memory_space<vmem>>
        %dma_start3A_1703 = arith.constant 0 : i32
        %dma_start3A_1704 = arith.constant 0 : i32
        %dma_start3A_1705 = arith.constant 0 : i32
        %dma_start3A_1706 = tpu.memref_slice %arg12[%dma_start3A_1703, %dma_start3A_1704, %dma_start3A_1705] : memref<8x8x768xf32, #tpu.memory_space<vmem>> -> memref<8x8x128xf32, #tpu.memory_space<vmem>>
        tpu.enqueue_dma source(%arg6 : memref<8x8x128xf32, #tpu.memory_space<hbm>>) target(%dma_start3A_1706 : memref<8x8x128xf32, #tpu.memory_space<vmem>>) target_semaphore(%arg16 : memref<!tpu.dma_semaphore, #tpu.memory_space<semaphore_mem>>)
      } else {
      }
      %slice3A_392 = vector.extract_strided_slice %get3A_63 {offsets = [6], sizes = [1], strides = [1]} : vector<16xi32> to vector<1xi32>
      %squeeze3A_393 = vector.extract %slice3A_392[0] : i32 from vector<1xi32>
      %ge3A_394 = arith.constant 999936 : i32
      %ge3A_395 = arith.cmpi sge, %squeeze3A_393, %ge3A_394 : i32
      %and3A_396 = arith.constant -128 : i32
      %and3A_397 = arith.andi %squeeze3A_393, %and3A_396 : i32
      %multiple_of3A_398 = tpu.assume_multiple %and3A_397, 128 : i32
      %not3A_399 = arith.constant true
      %not3A_400 = arith.xori %ge3A_395, %not3A_399 : i1
      %convert_element_type3A_401 = arith.extui %not3A_400 : i1 to i32
      %cond3A_402 = arith.constant 0 : i32
      %cond3A_403 = arith.cmpi ne, %convert_element_type3A_401, %cond3A_402 : i32
      scf.if %cond3A_403 {
        %dma_start3A = arith.constant 0 : i32
        %dma_start3A_1700 = arith.constant 0 : i32
        %dma_start3A_1701 = arith.constant 0 : i32
        %dma_start3A_1702 = tpu.memref_slice %arg13[%dma_start3A, %dma_start3A_1700, %dma_start3A_1701] : memref<8x8x768xf32, #tpu.memory_space<vmem>> -> memref<8x8x128xf32, #tpu.memory_space<vmem>>
        %dma_start3A_1703 = arith.constant 0 : i32
        %dma_start3A_1704 = arith.constant 0 : i32
        %dma_start3A_1705 = tpu.memref_slice %arg5[%dma_start3A_1703, %dma_start3A_1704, %multiple_of3A_398] : memref<8x8x1000000xf32, #tpu.memory_space<hbm>> -> memref<8x8x128xf32, #tpu.memory_space<hbm>>
        %dma_start3A_1706 = arith.constant 0 : i32
        %dma_start3A_1707 = arith.constant 0 : i32
        %dma_start3A_1708 = arith.constant 0 : i32
        %dma_start3A_1709 = tpu.memref_slice %arg13[%dma_start3A_1706, %dma_start3A_1707, %dma_start3A_1708] : memref<8x8x768xf32, #tpu.memory_space<vmem>> -> memref<8x8x128xf32, #tpu.memory_space<vmem>>
        %dma_start3A_1710 = arith.constant 0 : i32
        %dma_start3A_1711 = arith.constant 0 : i32
        %dma_start3A_1712 = tpu.memref_slice %arg5[%dma_start3A_1710, %dma_start3A_1711, %multiple_of3A_398] : memref<8x8x1000000xf32, #tpu.memory_space<hbm>> -> memref<8x8x128xf32, #tpu.memory_space<hbm>>
        tpu.enqueue_dma source(%dma_start3A_1712 : memref<8x8x128xf32, #tpu.memory_space<hbm>>) target(%dma_start3A_1709 : memref<8x8x128xf32, #tpu.memory_space<vmem>>) target_semaphore(%arg17 : memref<!tpu.dma_semaphore, #tpu.memory_space<semaphore_mem>>)
      } else {
      }
      %convert_element_type3A_404 = arith.extui %ge3A_395 : i1 to i32
      %cond3A_405 = arith.constant 0 : i32
      %cond3A_406 = arith.cmpi ne, %convert_element_type3A_404, %cond3A_405 : i32
      scf.if %cond3A_406 {
        %dma_start3A = arith.constant 0 : i32
        %dma_start3A_1700 = arith.constant 0 : i32
        %dma_start3A_1701 = arith.constant 0 : i32
        %dma_start3A_1702 = tpu.memref_slice %arg13[%dma_start3A, %dma_start3A_1700, %dma_start3A_1701] : memref<8x8x768xf32, #tpu.memory_space<vmem>> -> memref<8x8x128xf32, #tpu.memory_space<vmem>>
        %dma_start3A_1703 = arith.constant 0 : i32
        %dma_start3A_1704 = arith.constant 0 : i32
        %dma_start3A_1705 = arith.constant 0 : i32
        %dma_start3A_1706 = tpu.memref_slice %arg13[%dma_start3A_1703, %dma_start3A_1704, %dma_start3A_1705] : memref<8x8x768xf32, #tpu.memory_space<vmem>> -> memref<8x8x128xf32, #tpu.memory_space<vmem>>
        tpu.enqueue_dma source(%arg7 : memref<8x8x128xf32, #tpu.memory_space<hbm>>) target(%dma_start3A_1706 : memref<8x8x128xf32, #tpu.memory_space<vmem>>) target_semaphore(%arg17 : memref<!tpu.dma_semaphore, #tpu.memory_space<semaphore_mem>>)
      } else {
      }
      %slice3A_407 = vector.extract_strided_slice %get3A_59 {offsets = [7], sizes = [1], strides = [1]} : vector<16xi32> to vector<1xi32>
      %squeeze3A_408 = vector.extract %slice3A_407[0] : i32 from vector<1xi32>
      %ge3A_409 = arith.constant 999936 : i32
      %ge3A_410 = arith.cmpi sge, %squeeze3A_408, %ge3A_409 : i32
      %and3A_411 = arith.constant -128 : i32
      %and3A_412 = arith.andi %squeeze3A_408, %and3A_411 : i32
      %multiple_of3A_413 = tpu.assume_multiple %and3A_412, 128 : i32
      %not3A_414 = arith.constant true
      %not3A_415 = arith.xori %ge3A_410, %not3A_414 : i1
      %convert_element_type3A_416 = arith.extui %not3A_415 : i1 to i32
      %cond3A_417 = arith.constant 0 : i32
      %cond3A_418 = arith.cmpi ne, %convert_element_type3A_416, %cond3A_417 : i32
      scf.if %cond3A_418 {
        %dma_start3A = arith.constant 0 : i32
        %dma_start3A_1700 = arith.constant 0 : i32
        %dma_start3A_1701 = arith.constant 128 : i32
        %dma_start3A_1702 = tpu.memref_slice %arg12[%dma_start3A, %dma_start3A_1700, %dma_start3A_1701] : memref<8x8x768xf32, #tpu.memory_space<vmem>> -> memref<8x8x128xf32, #tpu.memory_space<vmem>>
        %dma_start3A_1703 = arith.constant 0 : i32
        %dma_start3A_1704 = arith.constant 0 : i32
        %dma_start3A_1705 = tpu.memref_slice %arg4[%dma_start3A_1703, %dma_start3A_1704, %multiple_of3A_413] : memref<8x8x1000000xf32, #tpu.memory_space<hbm>> -> memref<8x8x128xf32, #tpu.memory_space<hbm>>
        %dma_start3A_1706 = arith.constant 0 : i32
        %dma_start3A_1707 = arith.constant 0 : i32
        %dma_start3A_1708 = arith.constant 128 : i32
        %dma_start3A_1709 = tpu.memref_slice %arg12[%dma_start3A_1706, %dma_start3A_1707, %dma_start3A_1708] : memref<8x8x768xf32, #tpu.memory_space<vmem>> -> memref<8x8x128xf32, #tpu.memory_space<vmem>>
        %dma_start3A_1710 = arith.constant 0 : i32
        %dma_start3A_1711 = arith.constant 0 : i32
        %dma_start3A_1712 = tpu.memref_slice %arg4[%dma_start3A_1710, %dma_start3A_1711, %multiple_of3A_413] : memref<8x8x1000000xf32, #tpu.memory_space<hbm>> -> memref<8x8x128xf32, #tpu.memory_space<hbm>>
        tpu.enqueue_dma source(%dma_start3A_1712 : memref<8x8x128xf32, #tpu.memory_space<hbm>>) target(%dma_start3A_1709 : memref<8x8x128xf32, #tpu.memory_space<vmem>>) target_semaphore(%arg16 : memref<!tpu.dma_semaphore, #tpu.memory_space<semaphore_mem>>)
      } else {
      }
      %convert_element_type3A_419 = arith.extui %ge3A_410 : i1 to i32
      %cond3A_420 = arith.constant 0 : i32
      %cond3A_421 = arith.cmpi ne, %convert_element_type3A_419, %cond3A_420 : i32
      scf.if %cond3A_421 {
        %dma_start3A = arith.constant 0 : i32
        %dma_start3A_1700 = arith.constant 0 : i32
        %dma_start3A_1701 = arith.constant 128 : i32
        %dma_start3A_1702 = tpu.memref_slice %arg12[%dma_start3A, %dma_start3A_1700, %dma_start3A_1701] : memref<8x8x768xf32, #tpu.memory_space<vmem>> -> memref<8x8x128xf32, #tpu.memory_space<vmem>>
        %dma_start3A_1703 = arith.constant 0 : i32
        %dma_start3A_1704 = arith.constant 0 : i32
        %dma_start3A_1705 = arith.constant 128 : i32
        %dma_start3A_1706 = tpu.memref_slice %arg12[%dma_start3A_1703, %dma_start3A_1704, %dma_start3A_1705] : memref<8x8x768xf32, #tpu.memory_space<vmem>> -> memref<8x8x128xf32, #tpu.memory_space<vmem>>
        tpu.enqueue_dma source(%arg6 : memref<8x8x128xf32, #tpu.memory_space<hbm>>) target(%dma_start3A_1706 : memref<8x8x128xf32, #tpu.memory_space<vmem>>) target_semaphore(%arg16 : memref<!tpu.dma_semaphore, #tpu.memory_space<semaphore_mem>>)
      } else {
      }
      %slice3A_422 = vector.extract_strided_slice %get3A_63 {offsets = [7], sizes = [1], strides = [1]} : vector<16xi32> to vector<1xi32>
      %squeeze3A_423 = vector.extract %slice3A_422[0] : i32 from vector<1xi32>
      %ge3A_424 = arith.constant 999936 : i32
      %ge3A_425 = arith.cmpi sge, %squeeze3A_423, %ge3A_424 : i32
      %and3A_426 = arith.constant -128 : i32
      %and3A_427 = arith.andi %squeeze3A_423, %and3A_426 : i32
      %multiple_of3A_428 = tpu.assume_multiple %and3A_427, 128 : i32
      %not3A_429 = arith.constant true
      %not3A_430 = arith.xori %ge3A_425, %not3A_429 : i1
      %convert_element_type3A_431 = arith.extui %not3A_430 : i1 to i32
      %cond3A_432 = arith.constant 0 : i32
      %cond3A_433 = arith.cmpi ne, %convert_element_type3A_431, %cond3A_432 : i32
      scf.if %cond3A_433 {
        %dma_start3A = arith.constant 0 : i32
        %dma_start3A_1700 = arith.constant 0 : i32
        %dma_start3A_1701 = arith.constant 128 : i32
        %dma_start3A_1702 = tpu.memref_slice %arg13[%dma_start3A, %dma_start3A_1700, %dma_start3A_1701] : memref<8x8x768xf32, #tpu.memory_space<vmem>> -> memref<8x8x128xf32, #tpu.memory_space<vmem>>
        %dma_start3A_1703 = arith.constant 0 : i32
        %dma_start3A_1704 = arith.constant 0 : i32
        %dma_start3A_1705 = tpu.memref_slice %arg5[%dma_start3A_1703, %dma_start3A_1704, %multiple_of3A_428] : memref<8x8x1000000xf32, #tpu.memory_space<hbm>> -> memref<8x8x128xf32, #tpu.memory_space<hbm>>
        %dma_start3A_1706 = arith.constant 0 : i32
        %dma_start3A_1707 = arith.constant 0 : i32
        %dma_start3A_1708 = arith.constant 128 : i32
        %dma_start3A_1709 = tpu.memref_slice %arg13[%dma_start3A_1706, %dma_start3A_1707, %dma_start3A_1708] : memref<8x8x768xf32, #tpu.memory_space<vmem>> -> memref<8x8x128xf32, #tpu.memory_space<vmem>>
        %dma_start3A_1710 = arith.constant 0 : i32
        %dma_start3A_1711 = arith.constant 0 : i32
        %dma_start3A_1712 = tpu.memref_slice %arg5[%dma_start3A_1710, %dma_start3A_1711, %multiple_of3A_428] : memref<8x8x1000000xf32, #tpu.memory_space<hbm>> -> memref<8x8x128xf32, #tpu.memory_space<hbm>>
        tpu.enqueue_dma source(%dma_start3A_1712 : memref<8x8x128xf32, #tpu.memory_space<hbm>>) target(%dma_start3A_1709 : memref<8x8x128xf32, #tpu.memory_space<vmem>>) target_semaphore(%arg17 : memref<!tpu.dma_semaphore, #tpu.memory_space<semaphore_mem>>)
      } else {
      }
      %convert_element_type3A_434 = arith.extui %ge3A_425 : i1 to i32
      %cond3A_435 = arith.constant 0 : i32
      %cond3A_436 = arith.cmpi ne, %convert_element_type3A_434, %cond3A_435 : i32
      scf.if %cond3A_436 {
        %dma_start3A = arith.constant 0 : i32
        %dma_start3A_1700 = arith.constant 0 : i32
        %dma_start3A_1701 = arith.constant 128 : i32
        %dma_start3A_1702 = tpu.memref_slice %arg13[%dma_start3A, %dma_start3A_1700, %dma_start3A_1701] : memref<8x8x768xf32, #tpu.memory_space<vmem>> -> memref<8x8x128xf32, #tpu.memory_space<vmem>>
        %dma_start3A_1703 = arith.constant 0 : i32
        %dma_start3A_1704 = arith.constant 0 : i32
        %dma_start3A_1705 = arith.constant 128 : i32
        %dma_start3A_1706 = tpu.memref_slice %arg13[%dma_start3A_1703, %dma_start3A_1704, %dma_start3A_1705] : memref<8x8x768xf32, #tpu.memory_space<vmem>> -> memref<8x8x128xf32, #tpu.memory_space<vmem>>
        tpu.enqueue_dma source(%arg7 : memref<8x8x128xf32, #tpu.memory_space<hbm>>) target(%dma_start3A_1706 : memref<8x8x128xf32, #tpu.memory_space<vmem>>) target_semaphore(%arg17 : memref<!tpu.dma_semaphore, #tpu.memory_space<semaphore_mem>>)
      } else {
      }
      %dma_wait3A_437 = arith.constant 0 : i32
      %dma_wait3A_438 = arith.constant 0 : i32
      %dma_wait3A_439 = arith.constant 256 : i32
      %dma_wait3A_440 = tpu.memref_slice %arg12[%dma_wait3A_437, %dma_wait3A_438, %dma_wait3A_439] : memref<8x8x768xf32, #tpu.memory_space<vmem>> -> memref<8x8x128xf32, #tpu.memory_space<vmem>>
      %dma_wait3A_441 = arith.constant 0 : i32
      %dma_wait3A_442 = arith.constant 0 : i32
      %dma_wait3A_443 = arith.constant 0 : i32
      %dma_wait3A_444 = tpu.memref_slice %arg4[%dma_wait3A_441, %dma_wait3A_442, %dma_wait3A_443] : memref<8x8x1000000xf32, #tpu.memory_space<hbm>> -> memref<8x8x128xf32, #tpu.memory_space<hbm>>
      %dma_wait3A_445 = arith.constant 0 : i32
      %dma_wait3A_446 = arith.constant 0 : i32
      %dma_wait3A_447 = arith.constant 256 : i32
      %dma_wait3A_448 = tpu.memref_slice %arg12[%dma_wait3A_445, %dma_wait3A_446, %dma_wait3A_447] : memref<8x8x768xf32, #tpu.memory_space<vmem>> -> memref<8x8x128xf32, #tpu.memory_space<vmem>>
      %dma_wait3A_449 = arith.constant 0 : i32
      %dma_wait3A_450 = arith.constant 0 : i32
      %dma_wait3A_451 = arith.constant 0 : i32
      %dma_wait3A_452 = tpu.memref_slice %arg4[%dma_wait3A_449, %dma_wait3A_450, %dma_wait3A_451] : memref<8x8x1000000xf32, #tpu.memory_space<hbm>> -> memref<8x8x128xf32, #tpu.memory_space<hbm>>
      tpu.wait_dma2 semaphore(%arg16 : memref<!tpu.dma_semaphore, #tpu.memory_space<semaphore_mem>>) src(%dma_wait3A_452 : memref<8x8x128xf32, #tpu.memory_space<hbm>>) dst(%dma_wait3A_448 : memref<8x8x128xf32, #tpu.memory_space<vmem>>)
      %dma_wait3A_453 = arith.constant 0 : i32
      %dma_wait3A_454 = arith.constant 0 : i32
      %dma_wait3A_455 = arith.constant 256 : i32
      %dma_wait3A_456 = tpu.memref_slice %arg13[%dma_wait3A_453, %dma_wait3A_454, %dma_wait3A_455] : memref<8x8x768xf32, #tpu.memory_space<vmem>> -> memref<8x8x128xf32, #tpu.memory_space<vmem>>
      %dma_wait3A_457 = arith.constant 0 : i32
      %dma_wait3A_458 = arith.constant 0 : i32
      %dma_wait3A_459 = arith.constant 0 : i32
      %dma_wait3A_460 = tpu.memref_slice %arg5[%dma_wait3A_457, %dma_wait3A_458, %dma_wait3A_459] : memref<8x8x1000000xf32, #tpu.memory_space<hbm>> -> memref<8x8x128xf32, #tpu.memory_space<hbm>>
      %dma_wait3A_461 = arith.constant 0 : i32
      %dma_wait3A_462 = arith.constant 0 : i32
      %dma_wait3A_463 = arith.constant 256 : i32
      %dma_wait3A_464 = tpu.memref_slice %arg13[%dma_wait3A_461, %dma_wait3A_462, %dma_wait3A_463] : memref<8x8x768xf32, #tpu.memory_space<vmem>> -> memref<8x8x128xf32, #tpu.memory_space<vmem>>
      %dma_wait3A_465 = arith.constant 0 : i32
      %dma_wait3A_466 = arith.constant 0 : i32
      %dma_wait3A_467 = arith.constant 0 : i32
      %dma_wait3A_468 = tpu.memref_slice %arg5[%dma_wait3A_465, %dma_wait3A_466, %dma_wait3A_467] : memref<8x8x1000000xf32, #tpu.memory_space<hbm>> -> memref<8x8x128xf32, #tpu.memory_space<hbm>>
      tpu.wait_dma2 semaphore(%arg17 : memref<!tpu.dma_semaphore, #tpu.memory_space<semaphore_mem>>) src(%dma_wait3A_468 : memref<8x8x128xf32, #tpu.memory_space<hbm>>) dst(%dma_wait3A_464 : memref<8x8x128xf32, #tpu.memory_space<vmem>>)
      %dma_wait3A_469 = arith.constant 0 : i32
      %dma_wait3A_470 = arith.constant 0 : i32
      %dma_wait3A_471 = arith.constant 384 : i32
      %dma_wait3A_472 = tpu.memref_slice %arg12[%dma_wait3A_469, %dma_wait3A_470, %dma_wait3A_471] : memref<8x8x768xf32, #tpu.memory_space<vmem>> -> memref<8x8x128xf32, #tpu.memory_space<vmem>>
      %dma_wait3A_473 = arith.constant 0 : i32
      %dma_wait3A_474 = arith.constant 0 : i32
      %dma_wait3A_475 = arith.constant 0 : i32
      %dma_wait3A_476 = tpu.memref_slice %arg4[%dma_wait3A_473, %dma_wait3A_474, %dma_wait3A_475] : memref<8x8x1000000xf32, #tpu.memory_space<hbm>> -> memref<8x8x128xf32, #tpu.memory_space<hbm>>
      %dma_wait3A_477 = arith.constant 0 : i32
      %dma_wait3A_478 = arith.constant 0 : i32
      %dma_wait3A_479 = arith.constant 384 : i32
      %dma_wait3A_480 = tpu.memref_slice %arg12[%dma_wait3A_477, %dma_wait3A_478, %dma_wait3A_479] : memref<8x8x768xf32, #tpu.memory_space<vmem>> -> memref<8x8x128xf32, #tpu.memory_space<vmem>>
      %dma_wait3A_481 = arith.constant 0 : i32
      %dma_wait3A_482 = arith.constant 0 : i32
      %dma_wait3A_483 = arith.constant 0 : i32
      %dma_wait3A_484 = tpu.memref_slice %arg4[%dma_wait3A_481, %dma_wait3A_482, %dma_wait3A_483] : memref<8x8x1000000xf32, #tpu.memory_space<hbm>> -> memref<8x8x128xf32, #tpu.memory_space<hbm>>
      tpu.wait_dma2 semaphore(%arg16 : memref<!tpu.dma_semaphore, #tpu.memory_space<semaphore_mem>>) src(%dma_wait3A_484 : memref<8x8x128xf32, #tpu.memory_space<hbm>>) dst(%dma_wait3A_480 : memref<8x8x128xf32, #tpu.memory_space<vmem>>)
      %dma_wait3A_485 = arith.constant 0 : i32
      %dma_wait3A_486 = arith.constant 0 : i32
      %dma_wait3A_487 = arith.constant 384 : i32
      %dma_wait3A_488 = tpu.memref_slice %arg13[%dma_wait3A_485, %dma_wait3A_486, %dma_wait3A_487] : memref<8x8x768xf32, #tpu.memory_space<vmem>> -> memref<8x8x128xf32, #tpu.memory_space<vmem>>
      %dma_wait3A_489 = arith.constant 0 : i32
      %dma_wait3A_490 = arith.constant 0 : i32
      %dma_wait3A_491 = arith.constant 0 : i32
      %dma_wait3A_492 = tpu.memref_slice %arg5[%dma_wait3A_489, %dma_wait3A_490, %dma_wait3A_491] : memref<8x8x1000000xf32, #tpu.memory_space<hbm>> -> memref<8x8x128xf32, #tpu.memory_space<hbm>>
      %dma_wait3A_493 = arith.constant 0 : i32
      %dma_wait3A_494 = arith.constant 0 : i32
      %dma_wait3A_495 = arith.constant 384 : i32
      %dma_wait3A_496 = tpu.memref_slice %arg13[%dma_wait3A_493, %dma_wait3A_494, %dma_wait3A_495] : memref<8x8x768xf32, #tpu.memory_space<vmem>> -> memref<8x8x128xf32, #tpu.memory_space<vmem>>
      %dma_wait3A_497 = arith.constant 0 : i32
      %dma_wait3A_498 = arith.constant 0 : i32
      %dma_wait3A_499 = arith.constant 0 : i32
      %dma_wait3A_500 = tpu.memref_slice %arg5[%dma_wait3A_497, %dma_wait3A_498, %dma_wait3A_499] : memref<8x8x1000000xf32, #tpu.memory_space<hbm>> -> memref<8x8x128xf32, #tpu.memory_space<hbm>>
      tpu.wait_dma2 semaphore(%arg17 : memref<!tpu.dma_semaphore, #tpu.memory_space<semaphore_mem>>) src(%dma_wait3A_500 : memref<8x8x128xf32, #tpu.memory_space<hbm>>) dst(%dma_wait3A_496 : memref<8x8x128xf32, #tpu.memory_space<vmem>>)
      %slice3A_501 = vector.extract_strided_slice %get3A_59 {offsets = [2], sizes = [1], strides = [1]} : vector<16xi32> to vector<1xi32>
      %squeeze3A_502 = vector.extract %slice3A_501[0] : i32 from vector<1xi32>
      %slice3A_503 = vector.extract_strided_slice %get3A_63 {offsets = [2], sizes = [1], strides = [1]} : vector<16xi32> to vector<1xi32>
      %squeeze3A_504 = vector.extract %slice3A_503[0] : i32 from vector<1xi32>
      %mul3A_505 = arith.constant 16 : i32
      %mul3A_506 = arith.muli %scan3A_55, %mul3A_505 : i32
      %add3A_507 = arith.constant 2 : i32
      %add3A_508 = arith.addi %mul3A_506, %add3A_507 : i32
      %add3A_509 = arith.constant 0 : i32
      %add3A_510 = arith.addi %add3A_508, %add3A_509 : i32
      %ge3A_511 = arith.constant 999936 : i32
      %ge3A_512 = arith.cmpi sge, %squeeze3A_502, %ge3A_511 : i32
      %and3A_513 = arith.constant -128 : i32
      %and3A_514 = arith.andi %squeeze3A_502, %and3A_513 : i32
      %jit3A_515 = arith.constant 999936 : i32
      %select_n3A_516 = arith.select %ge3A_512, %jit3A_515, %and3A_514 : i32
      %ge3A_517 = arith.constant 999936 : i32
      %ge3A_518 = arith.cmpi sge, %squeeze3A_504, %ge3A_517 : i32
      %and3A_519 = arith.constant -128 : i32
      %and3A_520 = arith.andi %squeeze3A_504, %and3A_519 : i32
      %jit3A_521 = arith.constant 999936 : i32
      %select_n3A_522 = arith.select %ge3A_518, %jit3A_521, %and3A_520 : i32
      %broadcast_in_dim3A_523 = arith.constant 256 : i32
      %broadcast_in_dim3A_524 = vector.broadcast %broadcast_in_dim3A_523 : i32 to vector<16xi32>
      %sub3A_525 = arith.subi %squeeze3A_502, %select_n3A_516 : i32
      %add3A_526 = vector.broadcast %sub3A_525 : i32 to vector<16xi32>
      %add3A_527 = arith.addi %broadcast_in_dim3A_524, %add3A_526 : vector<16xi32>
      %broadcast_in_dim3A_528 = arith.constant 256 : i32
      %broadcast_in_dim3A_529 = vector.broadcast %broadcast_in_dim3A_528 : i32 to vector<16xi32>
      %sub3A_530 = arith.subi %squeeze3A_504, %select_n3A_522 : i32
      %add3A_531 = vector.broadcast %sub3A_530 : i32 to vector<16xi32>
      %add3A_532 = arith.addi %broadcast_in_dim3A_529, %add3A_531 : vector<16xi32>
      %broadcast_in_dim3A_533 = vector.broadcast %add3A_510 : i32 to vector<16xi32>
      %gather3A_534 = tpu.vector_load_idx %arg12[%shift_right_arithmetic3A_7, %and3A_30, %add3A_527] : memref<8x8x768xf32, #tpu.memory_space<vmem>>[vector<16xi32>, vector<16xi32>, vector<16xi32>], vector<16xf32>,
      tpu.vector_store_idx %arg14[%shift_right_arithmetic3A_7, %and3A_30, %broadcast_in_dim3A_533], %gather3A_534 : memref<8x8x128xf32, #tpu.memory_space<vmem>>[vector<16xi32>, vector<16xi32>, vector<16xi32>], vector<16xf32>,
      %gather3A_535 = tpu.vector_load_idx %arg13[%shift_right_arithmetic3A_7, %and3A_30, %add3A_532] : memref<8x8x768xf32, #tpu.memory_space<vmem>>[vector<16xi32>, vector<16xi32>, vector<16xi32>], vector<16xf32>,
      tpu.vector_store_idx %arg15[%shift_right_arithmetic3A_7, %and3A_30, %broadcast_in_dim3A_533], %gather3A_535 : memref<8x8x128xf32, #tpu.memory_space<vmem>>[vector<16xi32>, vector<16xi32>, vector<16xi32>], vector<16xf32>,
      %gather3A_536 = tpu.vector_load_idx %arg12[%shift_right_arithmetic3A_13, %and3A_36, %add3A_527] : memref<8x8x768xf32, #tpu.memory_space<vmem>>[vector<16xi32>, vector<16xi32>, vector<16xi32>], vector<16xf32>,
      tpu.vector_store_idx %arg14[%shift_right_arithmetic3A_13, %and3A_36, %broadcast_in_dim3A_533], %gather3A_536 : memref<8x8x128xf32, #tpu.memory_space<vmem>>[vector<16xi32>, vector<16xi32>, vector<16xi32>], vector<16xf32>,
      %gather3A_537 = tpu.vector_load_idx %arg13[%shift_right_arithmetic3A_13, %and3A_36, %add3A_532] : memref<8x8x768xf32, #tpu.memory_space<vmem>>[vector<16xi32>, vector<16xi32>, vector<16xi32>], vector<16xf32>,
      tpu.vector_store_idx %arg15[%shift_right_arithmetic3A_13, %and3A_36, %broadcast_in_dim3A_533], %gather3A_537 : memref<8x8x128xf32, #tpu.memory_space<vmem>>[vector<16xi32>, vector<16xi32>, vector<16xi32>], vector<16xf32>,
      %gather3A_538 = tpu.vector_load_idx %arg12[%shift_right_arithmetic3A_19, %and3A_42, %add3A_527] : memref<8x8x768xf32, #tpu.memory_space<vmem>>[vector<16xi32>, vector<16xi32>, vector<16xi32>], vector<16xf32>,
      tpu.vector_store_idx %arg14[%shift_right_arithmetic3A_19, %and3A_42, %broadcast_in_dim3A_533], %gather3A_538 : memref<8x8x128xf32, #tpu.memory_space<vmem>>[vector<16xi32>, vector<16xi32>, vector<16xi32>], vector<16xf32>,
      %gather3A_539 = tpu.vector_load_idx %arg13[%shift_right_arithmetic3A_19, %and3A_42, %add3A_532] : memref<8x8x768xf32, #tpu.memory_space<vmem>>[vector<16xi32>, vector<16xi32>, vector<16xi32>], vector<16xf32>,
      tpu.vector_store_idx %arg15[%shift_right_arithmetic3A_19, %and3A_42, %broadcast_in_dim3A_533], %gather3A_539 : memref<8x8x128xf32, #tpu.memory_space<vmem>>[vector<16xi32>, vector<16xi32>, vector<16xi32>], vector<16xf32>,
      %gather3A_540 = tpu.vector_load_idx %arg12[%shift_right_arithmetic3A_25, %and3A_48, %add3A_527] : memref<8x8x768xf32, #tpu.memory_space<vmem>>[vector<16xi32>, vector<16xi32>, vector<16xi32>], vector<16xf32>,
      tpu.vector_store_idx %arg14[%shift_right_arithmetic3A_25, %and3A_48, %broadcast_in_dim3A_533], %gather3A_540 : memref<8x8x128xf32, #tpu.memory_space<vmem>>[vector<16xi32>, vector<16xi32>, vector<16xi32>], vector<16xf32>,
      %gather3A_541 = tpu.vector_load_idx %arg13[%shift_right_arithmetic3A_25, %and3A_48, %add3A_532] : memref<8x8x768xf32, #tpu.memory_space<vmem>>[vector<16xi32>, vector<16xi32>, vector<16xi32>], vector<16xf32>,
      tpu.vector_store_idx %arg15[%shift_right_arithmetic3A_25, %and3A_48, %broadcast_in_dim3A_533], %gather3A_541 : memref<8x8x128xf32, #tpu.memory_space<vmem>>[vector<16xi32>, vector<16xi32>, vector<16xi32>], vector<16xf32>,
      %slice3A_542 = vector.extract_strided_slice %get3A_59 {offsets = [3], sizes = [1], strides = [1]} : vector<16xi32> to vector<1xi32>
      %squeeze3A_543 = vector.extract %slice3A_542[0] : i32 from vector<1xi32>
      %slice3A_544 = vector.extract_strided_slice %get3A_63 {offsets = [3], sizes = [1], strides = [1]} : vector<16xi32> to vector<1xi32>
      %squeeze3A_545 = vector.extract %slice3A_544[0] : i32 from vector<1xi32>
      %mul3A_546 = arith.constant 16 : i32
      %mul3A_547 = arith.muli %scan3A_55, %mul3A_546 : i32
      %add3A_548 = arith.constant 2 : i32
      %add3A_549 = arith.addi %mul3A_547, %add3A_548 : i32
      %add3A_550 = arith.constant 1 : i32
      %add3A_551 = arith.addi %add3A_549, %add3A_550 : i32
      %ge3A_552 = arith.constant 999936 : i32
      %ge3A_553 = arith.cmpi sge, %squeeze3A_543, %ge3A_552 : i32
      %and3A_554 = arith.constant -128 : i32
      %and3A_555 = arith.andi %squeeze3A_543, %and3A_554 : i32
      %jit3A_556 = arith.constant 999936 : i32
      %select_n3A_557 = arith.select %ge3A_553, %jit3A_556, %and3A_555 : i32
      %ge3A_558 = arith.constant 999936 : i32
      %ge3A_559 = arith.cmpi sge, %squeeze3A_545, %ge3A_558 : i32
      %and3A_560 = arith.constant -128 : i32
      %and3A_561 = arith.andi %squeeze3A_545, %and3A_560 : i32
      %jit3A_562 = arith.constant 999936 : i32
      %select_n3A_563 = arith.select %ge3A_559, %jit3A_562, %and3A_561 : i32
      %broadcast_in_dim3A_564 = arith.constant 384 : i32
      %broadcast_in_dim3A_565 = vector.broadcast %broadcast_in_dim3A_564 : i32 to vector<16xi32>
      %sub3A_566 = arith.subi %squeeze3A_543, %select_n3A_557 : i32
      %add3A_567 = vector.broadcast %sub3A_566 : i32 to vector<16xi32>
      %add3A_568 = arith.addi %broadcast_in_dim3A_565, %add3A_567 : vector<16xi32>
      %broadcast_in_dim3A_569 = arith.constant 384 : i32
      %broadcast_in_dim3A_570 = vector.broadcast %broadcast_in_dim3A_569 : i32 to vector<16xi32>
      %sub3A_571 = arith.subi %squeeze3A_545, %select_n3A_563 : i32
      %add3A_572 = vector.broadcast %sub3A_571 : i32 to vector<16xi32>
      %add3A_573 = arith.addi %broadcast_in_dim3A_570, %add3A_572 : vector<16xi32>
      %broadcast_in_dim3A_574 = vector.broadcast %add3A_551 : i32 to vector<16xi32>
      %gather3A_575 = tpu.vector_load_idx %arg12[%shift_right_arithmetic3A_7, %and3A_30, %add3A_568] : memref<8x8x768xf32, #tpu.memory_space<vmem>>[vector<16xi32>, vector<16xi32>, vector<16xi32>], vector<16xf32>,
      tpu.vector_store_idx %arg14[%shift_right_arithmetic3A_7, %and3A_30, %broadcast_in_dim3A_574], %gather3A_575 : memref<8x8x128xf32, #tpu.memory_space<vmem>>[vector<16xi32>, vector<16xi32>, vector<16xi32>], vector<16xf32>,
      %gather3A_576 = tpu.vector_load_idx %arg13[%shift_right_arithmetic3A_7, %and3A_30, %add3A_573] : memref<8x8x768xf32, #tpu.memory_space<vmem>>[vector<16xi32>, vector<16xi32>, vector<16xi32>], vector<16xf32>,
      tpu.vector_store_idx %arg15[%shift_right_arithmetic3A_7, %and3A_30, %broadcast_in_dim3A_574], %gather3A_576 : memref<8x8x128xf32, #tpu.memory_space<vmem>>[vector<16xi32>, vector<16xi32>, vector<16xi32>], vector<16xf32>,
      %gather3A_577 = tpu.vector_load_idx %arg12[%shift_right_arithmetic3A_13, %and3A_36, %add3A_568] : memref<8x8x768xf32, #tpu.memory_space<vmem>>[vector<16xi32>, vector<16xi32>, vector<16xi32>], vector<16xf32>,
      tpu.vector_store_idx %arg14[%shift_right_arithmetic3A_13, %and3A_36, %broadcast_in_dim3A_574], %gather3A_577 : memref<8x8x128xf32, #tpu.memory_space<vmem>>[vector<16xi32>, vector<16xi32>, vector<16xi32>], vector<16xf32>,
      %gather3A_578 = tpu.vector_load_idx %arg13[%shift_right_arithmetic3A_13, %and3A_36, %add3A_573] : memref<8x8x768xf32, #tpu.memory_space<vmem>>[vector<16xi32>, vector<16xi32>, vector<16xi32>], vector<16xf32>,
      tpu.vector_store_idx %arg15[%shift_right_arithmetic3A_13, %and3A_36, %broadcast_in_dim3A_574], %gather3A_578 : memref<8x8x128xf32, #tpu.memory_space<vmem>>[vector<16xi32>, vector<16xi32>, vector<16xi32>], vector<16xf32>,
      %gather3A_579 = tpu.vector_load_idx %arg12[%shift_right_arithmetic3A_19, %and3A_42, %add3A_568] : memref<8x8x768xf32, #tpu.memory_space<vmem>>[vector<16xi32>, vector<16xi32>, vector<16xi32>], vector<16xf32>,
      tpu.vector_store_idx %arg14[%shift_right_arithmetic3A_19, %and3A_42, %broadcast_in_dim3A_574], %gather3A_579 : memref<8x8x128xf32, #tpu.memory_space<vmem>>[vector<16xi32>, vector<16xi32>, vector<16xi32>], vector<16xf32>,
      %gather3A_580 = tpu.vector_load_idx %arg13[%shift_right_arithmetic3A_19, %and3A_42, %add3A_573] : memref<8x8x768xf32, #tpu.memory_space<vmem>>[vector<16xi32>, vector<16xi32>, vector<16xi32>], vector<16xf32>,
      tpu.vector_store_idx %arg15[%shift_right_arithmetic3A_19, %and3A_42, %broadcast_in_dim3A_574], %gather3A_580 : memref<8x8x128xf32, #tpu.memory_space<vmem>>[vector<16xi32>, vector<16xi32>, vector<16xi32>], vector<16xf32>,
      %gather3A_581 = tpu.vector_load_idx %arg12[%shift_right_arithmetic3A_25, %and3A_48, %add3A_568] : memref<8x8x768xf32, #tpu.memory_space<vmem>>[vector<16xi32>, vector<16xi32>, vector<16xi32>], vector<16xf32>,
      tpu.vector_store_idx %arg14[%shift_right_arithmetic3A_25, %and3A_48, %broadcast_in_dim3A_574], %gather3A_581 : memref<8x8x128xf32, #tpu.memory_space<vmem>>[vector<16xi32>, vector<16xi32>, vector<16xi32>], vector<16xf32>,
      %gather3A_582 = tpu.vector_load_idx %arg13[%shift_right_arithmetic3A_25, %and3A_48, %add3A_573] : memref<8x8x768xf32, #tpu.memory_space<vmem>>[vector<16xi32>, vector<16xi32>, vector<16xi32>], vector<16xf32>,
      tpu.vector_store_idx %arg15[%shift_right_arithmetic3A_25, %and3A_48, %broadcast_in_dim3A_574], %gather3A_582 : memref<8x8x128xf32, #tpu.memory_space<vmem>>[vector<16xi32>, vector<16xi32>, vector<16xi32>], vector<16xf32>,
      %slice3A_583 = vector.extract_strided_slice %get3A_59 {offsets = [8], sizes = [1], strides = [1]} : vector<16xi32> to vector<1xi32>
      %squeeze3A_584 = vector.extract %slice3A_583[0] : i32 from vector<1xi32>
      %ge3A_585 = arith.constant 999936 : i32
      %ge3A_586 = arith.cmpi sge, %squeeze3A_584, %ge3A_585 : i32
      %and3A_587 = arith.constant -128 : i32
      %and3A_588 = arith.andi %squeeze3A_584, %and3A_587 : i32
      %multiple_of3A_589 = tpu.assume_multiple %and3A_588, 128 : i32
      %not3A_590 = arith.constant true
      %not3A_591 = arith.xori %ge3A_586, %not3A_590 : i1
      %convert_element_type3A_592 = arith.extui %not3A_591 : i1 to i32
      %cond3A_593 = arith.constant 0 : i32
      %cond3A_594 = arith.cmpi ne, %convert_element_type3A_592, %cond3A_593 : i32
      scf.if %cond3A_594 {
        %dma_start3A = arith.constant 0 : i32
        %dma_start3A_1700 = arith.constant 0 : i32
        %dma_start3A_1701 = arith.constant 256 : i32
        %dma_start3A_1702 = tpu.memref_slice %arg12[%dma_start3A, %dma_start3A_1700, %dma_start3A_1701] : memref<8x8x768xf32, #tpu.memory_space<vmem>> -> memref<8x8x128xf32, #tpu.memory_space<vmem>>
        %dma_start3A_1703 = arith.constant 0 : i32
        %dma_start3A_1704 = arith.constant 0 : i32
        %dma_start3A_1705 = tpu.memref_slice %arg4[%dma_start3A_1703, %dma_start3A_1704, %multiple_of3A_589] : memref<8x8x1000000xf32, #tpu.memory_space<hbm>> -> memref<8x8x128xf32, #tpu.memory_space<hbm>>
        %dma_start3A_1706 = arith.constant 0 : i32
        %dma_start3A_1707 = arith.constant 0 : i32
        %dma_start3A_1708 = arith.constant 256 : i32
        %dma_start3A_1709 = tpu.memref_slice %arg12[%dma_start3A_1706, %dma_start3A_1707, %dma_start3A_1708] : memref<8x8x768xf32, #tpu.memory_space<vmem>> -> memref<8x8x128xf32, #tpu.memory_space<vmem>>
        %dma_start3A_1710 = arith.constant 0 : i32
        %dma_start3A_1711 = arith.constant 0 : i32
        %dma_start3A_1712 = tpu.memref_slice %arg4[%dma_start3A_1710, %dma_start3A_1711, %multiple_of3A_589] : memref<8x8x1000000xf32, #tpu.memory_space<hbm>> -> memref<8x8x128xf32, #tpu.memory_space<hbm>>
        tpu.enqueue_dma source(%dma_start3A_1712 : memref<8x8x128xf32, #tpu.memory_space<hbm>>) target(%dma_start3A_1709 : memref<8x8x128xf32, #tpu.memory_space<vmem>>) target_semaphore(%arg16 : memref<!tpu.dma_semaphore, #tpu.memory_space<semaphore_mem>>)
      } else {
      }
      %convert_element_type3A_595 = arith.extui %ge3A_586 : i1 to i32
      %cond3A_596 = arith.constant 0 : i32
      %cond3A_597 = arith.cmpi ne, %convert_element_type3A_595, %cond3A_596 : i32
      scf.if %cond3A_597 {
        %dma_start3A = arith.constant 0 : i32
        %dma_start3A_1700 = arith.constant 0 : i32
        %dma_start3A_1701 = arith.constant 256 : i32
        %dma_start3A_1702 = tpu.memref_slice %arg12[%dma_start3A, %dma_start3A_1700, %dma_start3A_1701] : memref<8x8x768xf32, #tpu.memory_space<vmem>> -> memref<8x8x128xf32, #tpu.memory_space<vmem>>
        %dma_start3A_1703 = arith.constant 0 : i32
        %dma_start3A_1704 = arith.constant 0 : i32
        %dma_start3A_1705 = arith.constant 256 : i32
        %dma_start3A_1706 = tpu.memref_slice %arg12[%dma_start3A_1703, %dma_start3A_1704, %dma_start3A_1705] : memref<8x8x768xf32, #tpu.memory_space<vmem>> -> memref<8x8x128xf32, #tpu.memory_space<vmem>>
        tpu.enqueue_dma source(%arg6 : memref<8x8x128xf32, #tpu.memory_space<hbm>>) target(%dma_start3A_1706 : memref<8x8x128xf32, #tpu.memory_space<vmem>>) target_semaphore(%arg16 : memref<!tpu.dma_semaphore, #tpu.memory_space<semaphore_mem>>)
      } else {
      }
      %slice3A_598 = vector.extract_strided_slice %get3A_63 {offsets = [8], sizes = [1], strides = [1]} : vector<16xi32> to vector<1xi32>
      %squeeze3A_599 = vector.extract %slice3A_598[0] : i32 from vector<1xi32>
      %ge3A_600 = arith.constant 999936 : i32
      %ge3A_601 = arith.cmpi sge, %squeeze3A_599, %ge3A_600 : i32
      %and3A_602 = arith.constant -128 : i32
      %and3A_603 = arith.andi %squeeze3A_599, %and3A_602 : i32
      %multiple_of3A_604 = tpu.assume_multiple %and3A_603, 128 : i32
      %not3A_605 = arith.constant true
      %not3A_606 = arith.xori %ge3A_601, %not3A_605 : i1
      %convert_element_type3A_607 = arith.extui %not3A_606 : i1 to i32
      %cond3A_608 = arith.constant 0 : i32
      %cond3A_609 = arith.cmpi ne, %convert_element_type3A_607, %cond3A_608 : i32
      scf.if %cond3A_609 {
        %dma_start3A = arith.constant 0 : i32
        %dma_start3A_1700 = arith.constant 0 : i32
        %dma_start3A_1701 = arith.constant 256 : i32
        %dma_start3A_1702 = tpu.memref_slice %arg13[%dma_start3A, %dma_start3A_1700, %dma_start3A_1701] : memref<8x8x768xf32, #tpu.memory_space<vmem>> -> memref<8x8x128xf32, #tpu.memory_space<vmem>>
        %dma_start3A_1703 = arith.constant 0 : i32
        %dma_start3A_1704 = arith.constant 0 : i32
        %dma_start3A_1705 = tpu.memref_slice %arg5[%dma_start3A_1703, %dma_start3A_1704, %multiple_of3A_604] : memref<8x8x1000000xf32, #tpu.memory_space<hbm>> -> memref<8x8x128xf32, #tpu.memory_space<hbm>>
        %dma_start3A_1706 = arith.constant 0 : i32
        %dma_start3A_1707 = arith.constant 0 : i32
        %dma_start3A_1708 = arith.constant 256 : i32
        %dma_start3A_1709 = tpu.memref_slice %arg13[%dma_start3A_1706, %dma_start3A_1707, %dma_start3A_1708] : memref<8x8x768xf32, #tpu.memory_space<vmem>> -> memref<8x8x128xf32, #tpu.memory_space<vmem>>
        %dma_start3A_1710 = arith.constant 0 : i32
        %dma_start3A_1711 = arith.constant 0 : i32
        %dma_start3A_1712 = tpu.memref_slice %arg5[%dma_start3A_1710, %dma_start3A_1711, %multiple_of3A_604] : memref<8x8x1000000xf32, #tpu.memory_space<hbm>> -> memref<8x8x128xf32, #tpu.memory_space<hbm>>
        tpu.enqueue_dma source(%dma_start3A_1712 : memref<8x8x128xf32, #tpu.memory_space<hbm>>) target(%dma_start3A_1709 : memref<8x8x128xf32, #tpu.memory_space<vmem>>) target_semaphore(%arg17 : memref<!tpu.dma_semaphore, #tpu.memory_space<semaphore_mem>>)
      } else {
      }
      %convert_element_type3A_610 = arith.extui %ge3A_601 : i1 to i32
      %cond3A_611 = arith.constant 0 : i32
      %cond3A_612 = arith.cmpi ne, %convert_element_type3A_610, %cond3A_611 : i32
      scf.if %cond3A_612 {
        %dma_start3A = arith.constant 0 : i32
        %dma_start3A_1700 = arith.constant 0 : i32
        %dma_start3A_1701 = arith.constant 256 : i32
        %dma_start3A_1702 = tpu.memref_slice %arg13[%dma_start3A, %dma_start3A_1700, %dma_start3A_1701] : memref<8x8x768xf32, #tpu.memory_space<vmem>> -> memref<8x8x128xf32, #tpu.memory_space<vmem>>
        %dma_start3A_1703 = arith.constant 0 : i32
        %dma_start3A_1704 = arith.constant 0 : i32
        %dma_start3A_1705 = arith.constant 256 : i32
        %dma_start3A_1706 = tpu.memref_slice %arg13[%dma_start3A_1703, %dma_start3A_1704, %dma_start3A_1705] : memref<8x8x768xf32, #tpu.memory_space<vmem>> -> memref<8x8x128xf32, #tpu.memory_space<vmem>>
        tpu.enqueue_dma source(%arg7 : memref<8x8x128xf32, #tpu.memory_space<hbm>>) target(%dma_start3A_1706 : memref<8x8x128xf32, #tpu.memory_space<vmem>>) target_semaphore(%arg17 : memref<!tpu.dma_semaphore, #tpu.memory_space<semaphore_mem>>)
      } else {
      }
      %slice3A_613 = vector.extract_strided_slice %get3A_59 {offsets = [9], sizes = [1], strides = [1]} : vector<16xi32> to vector<1xi32>
      %squeeze3A_614 = vector.extract %slice3A_613[0] : i32 from vector<1xi32>
      %ge3A_615 = arith.constant 999936 : i32
      %ge3A_616 = arith.cmpi sge, %squeeze3A_614, %ge3A_615 : i32
      %and3A_617 = arith.constant -128 : i32
      %and3A_618 = arith.andi %squeeze3A_614, %and3A_617 : i32
      %multiple_of3A_619 = tpu.assume_multiple %and3A_618, 128 : i32
      %not3A_620 = arith.constant true
      %not3A_621 = arith.xori %ge3A_616, %not3A_620 : i1
      %convert_element_type3A_622 = arith.extui %not3A_621 : i1 to i32
      %cond3A_623 = arith.constant 0 : i32
      %cond3A_624 = arith.cmpi ne, %convert_element_type3A_622, %cond3A_623 : i32
      scf.if %cond3A_624 {
        %dma_start3A = arith.constant 0 : i32
        %dma_start3A_1700 = arith.constant 0 : i32
        %dma_start3A_1701 = arith.constant 384 : i32
        %dma_start3A_1702 = tpu.memref_slice %arg12[%dma_start3A, %dma_start3A_1700, %dma_start3A_1701] : memref<8x8x768xf32, #tpu.memory_space<vmem>> -> memref<8x8x128xf32, #tpu.memory_space<vmem>>
        %dma_start3A_1703 = arith.constant 0 : i32
        %dma_start3A_1704 = arith.constant 0 : i32
        %dma_start3A_1705 = tpu.memref_slice %arg4[%dma_start3A_1703, %dma_start3A_1704, %multiple_of3A_619] : memref<8x8x1000000xf32, #tpu.memory_space<hbm>> -> memref<8x8x128xf32, #tpu.memory_space<hbm>>
        %dma_start3A_1706 = arith.constant 0 : i32
        %dma_start3A_1707 = arith.constant 0 : i32
        %dma_start3A_1708 = arith.constant 384 : i32
        %dma_start3A_1709 = tpu.memref_slice %arg12[%dma_start3A_1706, %dma_start3A_1707, %dma_start3A_1708] : memref<8x8x768xf32, #tpu.memory_space<vmem>> -> memref<8x8x128xf32, #tpu.memory_space<vmem>>
        %dma_start3A_1710 = arith.constant 0 : i32
        %dma_start3A_1711 = arith.constant 0 : i32
        %dma_start3A_1712 = tpu.memref_slice %arg4[%dma_start3A_1710, %dma_start3A_1711, %multiple_of3A_619] : memref<8x8x1000000xf32, #tpu.memory_space<hbm>> -> memref<8x8x128xf32, #tpu.memory_space<hbm>>
        tpu.enqueue_dma source(%dma_start3A_1712 : memref<8x8x128xf32, #tpu.memory_space<hbm>>) target(%dma_start3A_1709 : memref<8x8x128xf32, #tpu.memory_space<vmem>>) target_semaphore(%arg16 : memref<!tpu.dma_semaphore, #tpu.memory_space<semaphore_mem>>)
      } else {
      }
      %convert_element_type3A_625 = arith.extui %ge3A_616 : i1 to i32
      %cond3A_626 = arith.constant 0 : i32
      %cond3A_627 = arith.cmpi ne, %convert_element_type3A_625, %cond3A_626 : i32
      scf.if %cond3A_627 {
        %dma_start3A = arith.constant 0 : i32
        %dma_start3A_1700 = arith.constant 0 : i32
        %dma_start3A_1701 = arith.constant 384 : i32
        %dma_start3A_1702 = tpu.memref_slice %arg12[%dma_start3A, %dma_start3A_1700, %dma_start3A_1701] : memref<8x8x768xf32, #tpu.memory_space<vmem>> -> memref<8x8x128xf32, #tpu.memory_space<vmem>>
        %dma_start3A_1703 = arith.constant 0 : i32
        %dma_start3A_1704 = arith.constant 0 : i32
        %dma_start3A_1705 = arith.constant 384 : i32
        %dma_start3A_1706 = tpu.memref_slice %arg12[%dma_start3A_1703, %dma_start3A_1704, %dma_start3A_1705] : memref<8x8x768xf32, #tpu.memory_space<vmem>> -> memref<8x8x128xf32, #tpu.memory_space<vmem>>
        tpu.enqueue_dma source(%arg6 : memref<8x8x128xf32, #tpu.memory_space<hbm>>) target(%dma_start3A_1706 : memref<8x8x128xf32, #tpu.memory_space<vmem>>) target_semaphore(%arg16 : memref<!tpu.dma_semaphore, #tpu.memory_space<semaphore_mem>>)
      } else {
      }
      %slice3A_628 = vector.extract_strided_slice %get3A_63 {offsets = [9], sizes = [1], strides = [1]} : vector<16xi32> to vector<1xi32>
      %squeeze3A_629 = vector.extract %slice3A_628[0] : i32 from vector<1xi32>
      %ge3A_630 = arith.constant 999936 : i32
      %ge3A_631 = arith.cmpi sge, %squeeze3A_629, %ge3A_630 : i32
      %and3A_632 = arith.constant -128 : i32
      %and3A_633 = arith.andi %squeeze3A_629, %and3A_632 : i32
      %multiple_of3A_634 = tpu.assume_multiple %and3A_633, 128 : i32
      %not3A_635 = arith.constant true
      %not3A_636 = arith.xori %ge3A_631, %not3A_635 : i1
      %convert_element_type3A_637 = arith.extui %not3A_636 : i1 to i32
      %cond3A_638 = arith.constant 0 : i32
      %cond3A_639 = arith.cmpi ne, %convert_element_type3A_637, %cond3A_638 : i32
      scf.if %cond3A_639 {
        %dma_start3A = arith.constant 0 : i32
        %dma_start3A_1700 = arith.constant 0 : i32
        %dma_start3A_1701 = arith.constant 384 : i32
        %dma_start3A_1702 = tpu.memref_slice %arg13[%dma_start3A, %dma_start3A_1700, %dma_start3A_1701] : memref<8x8x768xf32, #tpu.memory_space<vmem>> -> memref<8x8x128xf32, #tpu.memory_space<vmem>>
        %dma_start3A_1703 = arith.constant 0 : i32
        %dma_start3A_1704 = arith.constant 0 : i32
        %dma_start3A_1705 = tpu.memref_slice %arg5[%dma_start3A_1703, %dma_start3A_1704, %multiple_of3A_634] : memref<8x8x1000000xf32, #tpu.memory_space<hbm>> -> memref<8x8x128xf32, #tpu.memory_space<hbm>>
        %dma_start3A_1706 = arith.constant 0 : i32
        %dma_start3A_1707 = arith.constant 0 : i32
        %dma_start3A_1708 = arith.constant 384 : i32
        %dma_start3A_1709 = tpu.memref_slice %arg13[%dma_start3A_1706, %dma_start3A_1707, %dma_start3A_1708] : memref<8x8x768xf32, #tpu.memory_space<vmem>> -> memref<8x8x128xf32, #tpu.memory_space<vmem>>
        %dma_start3A_1710 = arith.constant 0 : i32
        %dma_start3A_1711 = arith.constant 0 : i32
        %dma_start3A_1712 = tpu.memref_slice %arg5[%dma_start3A_1710, %dma_start3A_1711, %multiple_of3A_634] : memref<8x8x1000000xf32, #tpu.memory_space<hbm>> -> memref<8x8x128xf32, #tpu.memory_space<hbm>>
        tpu.enqueue_dma source(%dma_start3A_1712 : memref<8x8x128xf32, #tpu.memory_space<hbm>>) target(%dma_start3A_1709 : memref<8x8x128xf32, #tpu.memory_space<vmem>>) target_semaphore(%arg17 : memref<!tpu.dma_semaphore, #tpu.memory_space<semaphore_mem>>)
      } else {
      }
      %convert_element_type3A_640 = arith.extui %ge3A_631 : i1 to i32
      %cond3A_641 = arith.constant 0 : i32
      %cond3A_642 = arith.cmpi ne, %convert_element_type3A_640, %cond3A_641 : i32
      scf.if %cond3A_642 {
        %dma_start3A = arith.constant 0 : i32
        %dma_start3A_1700 = arith.constant 0 : i32
        %dma_start3A_1701 = arith.constant 384 : i32
        %dma_start3A_1702 = tpu.memref_slice %arg13[%dma_start3A, %dma_start3A_1700, %dma_start3A_1701] : memref<8x8x768xf32, #tpu.memory_space<vmem>> -> memref<8x8x128xf32, #tpu.memory_space<vmem>>
        %dma_start3A_1703 = arith.constant 0 : i32
        %dma_start3A_1704 = arith.constant 0 : i32
        %dma_start3A_1705 = arith.constant 384 : i32
        %dma_start3A_1706 = tpu.memref_slice %arg13[%dma_start3A_1703, %dma_start3A_1704, %dma_start3A_1705] : memref<8x8x768xf32, #tpu.memory_space<vmem>> -> memref<8x8x128xf32, #tpu.memory_space<vmem>>
        tpu.enqueue_dma source(%arg7 : memref<8x8x128xf32, #tpu.memory_space<hbm>>) target(%dma_start3A_1706 : memref<8x8x128xf32, #tpu.memory_space<vmem>>) target_semaphore(%arg17 : memref<!tpu.dma_semaphore, #tpu.memory_space<semaphore_mem>>)
      } else {
      }
      %dma_wait3A_643 = arith.constant 0 : i32
      %dma_wait3A_644 = arith.constant 0 : i32
      %dma_wait3A_645 = arith.constant 512 : i32
      %dma_wait3A_646 = tpu.memref_slice %arg12[%dma_wait3A_643, %dma_wait3A_644, %dma_wait3A_645] : memref<8x8x768xf32, #tpu.memory_space<vmem>> -> memref<8x8x128xf32, #tpu.memory_space<vmem>>
      %dma_wait3A_647 = arith.constant 0 : i32
      %dma_wait3A_648 = arith.constant 0 : i32
      %dma_wait3A_649 = arith.constant 0 : i32
      %dma_wait3A_650 = tpu.memref_slice %arg4[%dma_wait3A_647, %dma_wait3A_648, %dma_wait3A_649] : memref<8x8x1000000xf32, #tpu.memory_space<hbm>> -> memref<8x8x128xf32, #tpu.memory_space<hbm>>
      %dma_wait3A_651 = arith.constant 0 : i32
      %dma_wait3A_652 = arith.constant 0 : i32
      %dma_wait3A_653 = arith.constant 512 : i32
      %dma_wait3A_654 = tpu.memref_slice %arg12[%dma_wait3A_651, %dma_wait3A_652, %dma_wait3A_653] : memref<8x8x768xf32, #tpu.memory_space<vmem>> -> memref<8x8x128xf32, #tpu.memory_space<vmem>>
      %dma_wait3A_655 = arith.constant 0 : i32
      %dma_wait3A_656 = arith.constant 0 : i32
      %dma_wait3A_657 = arith.constant 0 : i32
      %dma_wait3A_658 = tpu.memref_slice %arg4[%dma_wait3A_655, %dma_wait3A_656, %dma_wait3A_657] : memref<8x8x1000000xf32, #tpu.memory_space<hbm>> -> memref<8x8x128xf32, #tpu.memory_space<hbm>>
      tpu.wait_dma2 semaphore(%arg16 : memref<!tpu.dma_semaphore, #tpu.memory_space<semaphore_mem>>) src(%dma_wait3A_658 : memref<8x8x128xf32, #tpu.memory_space<hbm>>) dst(%dma_wait3A_654 : memref<8x8x128xf32, #tpu.memory_space<vmem>>)
      %dma_wait3A_659 = arith.constant 0 : i32
      %dma_wait3A_660 = arith.constant 0 : i32
      %dma_wait3A_661 = arith.constant 512 : i32
      %dma_wait3A_662 = tpu.memref_slice %arg13[%dma_wait3A_659, %dma_wait3A_660, %dma_wait3A_661] : memref<8x8x768xf32, #tpu.memory_space<vmem>> -> memref<8x8x128xf32, #tpu.memory_space<vmem>>
      %dma_wait3A_663 = arith.constant 0 : i32
      %dma_wait3A_664 = arith.constant 0 : i32
      %dma_wait3A_665 = arith.constant 0 : i32
      %dma_wait3A_666 = tpu.memref_slice %arg5[%dma_wait3A_663, %dma_wait3A_664, %dma_wait3A_665] : memref<8x8x1000000xf32, #tpu.memory_space<hbm>> -> memref<8x8x128xf32, #tpu.memory_space<hbm>>
      %dma_wait3A_667 = arith.constant 0 : i32
      %dma_wait3A_668 = arith.constant 0 : i32
      %dma_wait3A_669 = arith.constant 512 : i32
      %dma_wait3A_670 = tpu.memref_slice %arg13[%dma_wait3A_667, %dma_wait3A_668, %dma_wait3A_669] : memref<8x8x768xf32, #tpu.memory_space<vmem>> -> memref<8x8x128xf32, #tpu.memory_space<vmem>>
      %dma_wait3A_671 = arith.constant 0 : i32
      %dma_wait3A_672 = arith.constant 0 : i32
      %dma_wait3A_673 = arith.constant 0 : i32
      %dma_wait3A_674 = tpu.memref_slice %arg5[%dma_wait3A_671, %dma_wait3A_672, %dma_wait3A_673] : memref<8x8x1000000xf32, #tpu.memory_space<hbm>> -> memref<8x8x128xf32, #tpu.memory_space<hbm>>
      tpu.wait_dma2 semaphore(%arg17 : memref<!tpu.dma_semaphore, #tpu.memory_space<semaphore_mem>>) src(%dma_wait3A_674 : memref<8x8x128xf32, #tpu.memory_space<hbm>>) dst(%dma_wait3A_670 : memref<8x8x128xf32, #tpu.memory_space<vmem>>)
      %dma_wait3A_675 = arith.constant 0 : i32
      %dma_wait3A_676 = arith.constant 0 : i32
      %dma_wait3A_677 = arith.constant 640 : i32
      %dma_wait3A_678 = tpu.memref_slice %arg12[%dma_wait3A_675, %dma_wait3A_676, %dma_wait3A_677] : memref<8x8x768xf32, #tpu.memory_space<vmem>> -> memref<8x8x128xf32, #tpu.memory_space<vmem>>
      %dma_wait3A_679 = arith.constant 0 : i32
      %dma_wait3A_680 = arith.constant 0 : i32
      %dma_wait3A_681 = arith.constant 0 : i32
      %dma_wait3A_682 = tpu.memref_slice %arg4[%dma_wait3A_679, %dma_wait3A_680, %dma_wait3A_681] : memref<8x8x1000000xf32, #tpu.memory_space<hbm>> -> memref<8x8x128xf32, #tpu.memory_space<hbm>>
      %dma_wait3A_683 = arith.constant 0 : i32
      %dma_wait3A_684 = arith.constant 0 : i32
      %dma_wait3A_685 = arith.constant 640 : i32
      %dma_wait3A_686 = tpu.memref_slice %arg12[%dma_wait3A_683, %dma_wait3A_684, %dma_wait3A_685] : memref<8x8x768xf32, #tpu.memory_space<vmem>> -> memref<8x8x128xf32, #tpu.memory_space<vmem>>
      %dma_wait3A_687 = arith.constant 0 : i32
      %dma_wait3A_688 = arith.constant 0 : i32
      %dma_wait3A_689 = arith.constant 0 : i32
      %dma_wait3A_690 = tpu.memref_slice %arg4[%dma_wait3A_687, %dma_wait3A_688, %dma_wait3A_689] : memref<8x8x1000000xf32, #tpu.memory_space<hbm>> -> memref<8x8x128xf32, #tpu.memory_space<hbm>>
      tpu.wait_dma2 semaphore(%arg16 : memref<!tpu.dma_semaphore, #tpu.memory_space<semaphore_mem>>) src(%dma_wait3A_690 : memref<8x8x128xf32, #tpu.memory_space<hbm>>) dst(%dma_wait3A_686 : memref<8x8x128xf32, #tpu.memory_space<vmem>>)
      %dma_wait3A_691 = arith.constant 0 : i32
      %dma_wait3A_692 = arith.constant 0 : i32
      %dma_wait3A_693 = arith.constant 640 : i32
      %dma_wait3A_694 = tpu.memref_slice %arg13[%dma_wait3A_691, %dma_wait3A_692, %dma_wait3A_693] : memref<8x8x768xf32, #tpu.memory_space<vmem>> -> memref<8x8x128xf32, #tpu.memory_space<vmem>>
      %dma_wait3A_695 = arith.constant 0 : i32
      %dma_wait3A_696 = arith.constant 0 : i32
      %dma_wait3A_697 = arith.constant 0 : i32
      %dma_wait3A_698 = tpu.memref_slice %arg5[%dma_wait3A_695, %dma_wait3A_696, %dma_wait3A_697] : memref<8x8x1000000xf32, #tpu.memory_space<hbm>> -> memref<8x8x128xf32, #tpu.memory_space<hbm>>
      %dma_wait3A_699 = arith.constant 0 : i32
      %dma_wait3A_700 = arith.constant 0 : i32
      %dma_wait3A_701 = arith.constant 640 : i32
      %dma_wait3A_702 = tpu.memref_slice %arg13[%dma_wait3A_699, %dma_wait3A_700, %dma_wait3A_701] : memref<8x8x768xf32, #tpu.memory_space<vmem>> -> memref<8x8x128xf32, #tpu.memory_space<vmem>>
      %dma_wait3A_703 = arith.constant 0 : i32
      %dma_wait3A_704 = arith.constant 0 : i32
      %dma_wait3A_705 = arith.constant 0 : i32
      %dma_wait3A_706 = tpu.memref_slice %arg5[%dma_wait3A_703, %dma_wait3A_704, %dma_wait3A_705] : memref<8x8x1000000xf32, #tpu.memory_space<hbm>> -> memref<8x8x128xf32, #tpu.memory_space<hbm>>
      tpu.wait_dma2 semaphore(%arg17 : memref<!tpu.dma_semaphore, #tpu.memory_space<semaphore_mem>>) src(%dma_wait3A_706 : memref<8x8x128xf32, #tpu.memory_space<hbm>>) dst(%dma_wait3A_702 : memref<8x8x128xf32, #tpu.memory_space<vmem>>)
      %slice3A_707 = vector.extract_strided_slice %get3A_59 {offsets = [4], sizes = [1], strides = [1]} : vector<16xi32> to vector<1xi32>
      %squeeze3A_708 = vector.extract %slice3A_707[0] : i32 from vector<1xi32>
      %slice3A_709 = vector.extract_strided_slice %get3A_63 {offsets = [4], sizes = [1], strides = [1]} : vector<16xi32> to vector<1xi32>
      %squeeze3A_710 = vector.extract %slice3A_709[0] : i32 from vector<1xi32>
      %mul3A_711 = arith.constant 16 : i32
      %mul3A_712 = arith.muli %scan3A_55, %mul3A_711 : i32
      %add3A_713 = arith.constant 4 : i32
      %add3A_714 = arith.addi %mul3A_712, %add3A_713 : i32
      %add3A_715 = arith.constant 0 : i32
      %add3A_716 = arith.addi %add3A_714, %add3A_715 : i32
      %ge3A_717 = arith.constant 999936 : i32
      %ge3A_718 = arith.cmpi sge, %squeeze3A_708, %ge3A_717 : i32
      %and3A_719 = arith.constant -128 : i32
      %and3A_720 = arith.andi %squeeze3A_708, %and3A_719 : i32
      %jit3A_721 = arith.constant 999936 : i32
      %select_n3A_722 = arith.select %ge3A_718, %jit3A_721, %and3A_720 : i32
      %ge3A_723 = arith.constant 999936 : i32
      %ge3A_724 = arith.cmpi sge, %squeeze3A_710, %ge3A_723 : i32
      %and3A_725 = arith.constant -128 : i32
      %and3A_726 = arith.andi %squeeze3A_710, %and3A_725 : i32
      %jit3A_727 = arith.constant 999936 : i32
      %select_n3A_728 = arith.select %ge3A_724, %jit3A_727, %and3A_726 : i32
      %broadcast_in_dim3A_729 = arith.constant 512 : i32
      %broadcast_in_dim3A_730 = vector.broadcast %broadcast_in_dim3A_729 : i32 to vector<16xi32>
      %sub3A_731 = arith.subi %squeeze3A_708, %select_n3A_722 : i32
      %add3A_732 = vector.broadcast %sub3A_731 : i32 to vector<16xi32>
      %add3A_733 = arith.addi %broadcast_in_dim3A_730, %add3A_732 : vector<16xi32>
      %broadcast_in_dim3A_734 = arith.constant 512 : i32
      %broadcast_in_dim3A_735 = vector.broadcast %broadcast_in_dim3A_734 : i32 to vector<16xi32>
      %sub3A_736 = arith.subi %squeeze3A_710, %select_n3A_728 : i32
      %add3A_737 = vector.broadcast %sub3A_736 : i32 to vector<16xi32>
      %add3A_738 = arith.addi %broadcast_in_dim3A_735, %add3A_737 : vector<16xi32>
      %broadcast_in_dim3A_739 = vector.broadcast %add3A_716 : i32 to vector<16xi32>
      %gather3A_740 = tpu.vector_load_idx %arg12[%shift_right_arithmetic3A_7, %and3A_30, %add3A_733] : memref<8x8x768xf32, #tpu.memory_space<vmem>>[vector<16xi32>, vector<16xi32>, vector<16xi32>], vector<16xf32>,
      tpu.vector_store_idx %arg14[%shift_right_arithmetic3A_7, %and3A_30, %broadcast_in_dim3A_739], %gather3A_740 : memref<8x8x128xf32, #tpu.memory_space<vmem>>[vector<16xi32>, vector<16xi32>, vector<16xi32>], vector<16xf32>,
      %gather3A_741 = tpu.vector_load_idx %arg13[%shift_right_arithmetic3A_7, %and3A_30, %add3A_738] : memref<8x8x768xf32, #tpu.memory_space<vmem>>[vector<16xi32>, vector<16xi32>, vector<16xi32>], vector<16xf32>,
      tpu.vector_store_idx %arg15[%shift_right_arithmetic3A_7, %and3A_30, %broadcast_in_dim3A_739], %gather3A_741 : memref<8x8x128xf32, #tpu.memory_space<vmem>>[vector<16xi32>, vector<16xi32>, vector<16xi32>], vector<16xf32>,
      %gather3A_742 = tpu.vector_load_idx %arg12[%shift_right_arithmetic3A_13, %and3A_36, %add3A_733] : memref<8x8x768xf32, #tpu.memory_space<vmem>>[vector<16xi32>, vector<16xi32>, vector<16xi32>], vector<16xf32>,
      tpu.vector_store_idx %arg14[%shift_right_arithmetic3A_13, %and3A_36, %broadcast_in_dim3A_739], %gather3A_742 : memref<8x8x128xf32, #tpu.memory_space<vmem>>[vector<16xi32>, vector<16xi32>, vector<16xi32>], vector<16xf32>,
      %gather3A_743 = tpu.vector_load_idx %arg13[%shift_right_arithmetic3A_13, %and3A_36, %add3A_738] : memref<8x8x768xf32, #tpu.memory_space<vmem>>[vector<16xi32>, vector<16xi32>, vector<16xi32>], vector<16xf32>,
      tpu.vector_store_idx %arg15[%shift_right_arithmetic3A_13, %and3A_36, %broadcast_in_dim3A_739], %gather3A_743 : memref<8x8x128xf32, #tpu.memory_space<vmem>>[vector<16xi32>, vector<16xi32>, vector<16xi32>], vector<16xf32>,
      %gather3A_744 = tpu.vector_load_idx %arg12[%shift_right_arithmetic3A_19, %and3A_42, %add3A_733] : memref<8x8x768xf32, #tpu.memory_space<vmem>>[vector<16xi32>, vector<16xi32>, vector<16xi32>], vector<16xf32>,
      tpu.vector_store_idx %arg14[%shift_right_arithmetic3A_19, %and3A_42, %broadcast_in_dim3A_739], %gather3A_744 : memref<8x8x128xf32, #tpu.memory_space<vmem>>[vector<16xi32>, vector<16xi32>, vector<16xi32>], vector<16xf32>,
      %gather3A_745 = tpu.vector_load_idx %arg13[%shift_right_arithmetic3A_19, %and3A_42, %add3A_738] : memref<8x8x768xf32, #tpu.memory_space<vmem>>[vector<16xi32>, vector<16xi32>, vector<16xi32>], vector<16xf32>,
      tpu.vector_store_idx %arg15[%shift_right_arithmetic3A_19, %and3A_42, %broadcast_in_dim3A_739], %gather3A_745 : memref<8x8x128xf32, #tpu.memory_space<vmem>>[vector<16xi32>, vector<16xi32>, vector<16xi32>], vector<16xf32>,
      %gather3A_746 = tpu.vector_load_idx %arg12[%shift_right_arithmetic3A_25, %and3A_48, %add3A_733] : memref<8x8x768xf32, #tpu.memory_space<vmem>>[vector<16xi32>, vector<16xi32>, vector<16xi32>], vector<16xf32>,
      tpu.vector_store_idx %arg14[%shift_right_arithmetic3A_25, %and3A_48, %broadcast_in_dim3A_739], %gather3A_746 : memref<8x8x128xf32, #tpu.memory_space<vmem>>[vector<16xi32>, vector<16xi32>, vector<16xi32>], vector<16xf32>,
      %gather3A_747 = tpu.vector_load_idx %arg13[%shift_right_arithmetic3A_25, %and3A_48, %add3A_738] : memref<8x8x768xf32, #tpu.memory_space<vmem>>[vector<16xi32>, vector<16xi32>, vector<16xi32>], vector<16xf32>,
      tpu.vector_store_idx %arg15[%shift_right_arithmetic3A_25, %and3A_48, %broadcast_in_dim3A_739], %gather3A_747 : memref<8x8x128xf32, #tpu.memory_space<vmem>>[vector<16xi32>, vector<16xi32>, vector<16xi32>], vector<16xf32>,
      %slice3A_748 = vector.extract_strided_slice %get3A_59 {offsets = [5], sizes = [1], strides = [1]} : vector<16xi32> to vector<1xi32>
      %squeeze3A_749 = vector.extract %slice3A_748[0] : i32 from vector<1xi32>
      %slice3A_750 = vector.extract_strided_slice %get3A_63 {offsets = [5], sizes = [1], strides = [1]} : vector<16xi32> to vector<1xi32>
      %squeeze3A_751 = vector.extract %slice3A_750[0] : i32 from vector<1xi32>
      %mul3A_752 = arith.constant 16 : i32
      %mul3A_753 = arith.muli %scan3A_55, %mul3A_752 : i32
      %add3A_754 = arith.constant 4 : i32
      %add3A_755 = arith.addi %mul3A_753, %add3A_754 : i32
      %add3A_756 = arith.constant 1 : i32
      %add3A_757 = arith.addi %add3A_755, %add3A_756 : i32
      %ge3A_758 = arith.constant 999936 : i32
      %ge3A_759 = arith.cmpi sge, %squeeze3A_749, %ge3A_758 : i32
      %and3A_760 = arith.constant -128 : i32
      %and3A_761 = arith.andi %squeeze3A_749, %and3A_760 : i32
      %jit3A_762 = arith.constant 999936 : i32
      %select_n3A_763 = arith.select %ge3A_759, %jit3A_762, %and3A_761 : i32
      %ge3A_764 = arith.constant 999936 : i32
      %ge3A_765 = arith.cmpi sge, %squeeze3A_751, %ge3A_764 : i32
      %and3A_766 = arith.constant -128 : i32
      %and3A_767 = arith.andi %squeeze3A_751, %and3A_766 : i32
      %jit3A_768 = arith.constant 999936 : i32
      %select_n3A_769 = arith.select %ge3A_765, %jit3A_768, %and3A_767 : i32
      %broadcast_in_dim3A_770 = arith.constant 640 : i32
      %broadcast_in_dim3A_771 = vector.broadcast %broadcast_in_dim3A_770 : i32 to vector<16xi32>
      %sub3A_772 = arith.subi %squeeze3A_749, %select_n3A_763 : i32
      %add3A_773 = vector.broadcast %sub3A_772 : i32 to vector<16xi32>
      %add3A_774 = arith.addi %broadcast_in_dim3A_771, %add3A_773 : vector<16xi32>
      %broadcast_in_dim3A_775 = arith.constant 640 : i32
      %broadcast_in_dim3A_776 = vector.broadcast %broadcast_in_dim3A_775 : i32 to vector<16xi32>
      %sub3A_777 = arith.subi %squeeze3A_751, %select_n3A_769 : i32
      %add3A_778 = vector.broadcast %sub3A_777 : i32 to vector<16xi32>
      %add3A_779 = arith.addi %broadcast_in_dim3A_776, %add3A_778 : vector<16xi32>
      %broadcast_in_dim3A_780 = vector.broadcast %add3A_757 : i32 to vector<16xi32>
      %gather3A_781 = tpu.vector_load_idx %arg12[%shift_right_arithmetic3A_7, %and3A_30, %add3A_774] : memref<8x8x768xf32, #tpu.memory_space<vmem>>[vector<16xi32>, vector<16xi32>, vector<16xi32>], vector<16xf32>,
      tpu.vector_store_idx %arg14[%shift_right_arithmetic3A_7, %and3A_30, %broadcast_in_dim3A_780], %gather3A_781 : memref<8x8x128xf32, #tpu.memory_space<vmem>>[vector<16xi32>, vector<16xi32>, vector<16xi32>], vector<16xf32>,
      %gather3A_782 = tpu.vector_load_idx %arg13[%shift_right_arithmetic3A_7, %and3A_30, %add3A_779] : memref<8x8x768xf32, #tpu.memory_space<vmem>>[vector<16xi32>, vector<16xi32>, vector<16xi32>], vector<16xf32>,
      tpu.vector_store_idx %arg15[%shift_right_arithmetic3A_7, %and3A_30, %broadcast_in_dim3A_780], %gather3A_782 : memref<8x8x128xf32, #tpu.memory_space<vmem>>[vector<16xi32>, vector<16xi32>, vector<16xi32>], vector<16xf32>,
      %gather3A_783 = tpu.vector_load_idx %arg12[%shift_right_arithmetic3A_13, %and3A_36, %add3A_774] : memref<8x8x768xf32, #tpu.memory_space<vmem>>[vector<16xi32>, vector<16xi32>, vector<16xi32>], vector<16xf32>,
      tpu.vector_store_idx %arg14[%shift_right_arithmetic3A_13, %and3A_36, %broadcast_in_dim3A_780], %gather3A_783 : memref<8x8x128xf32, #tpu.memory_space<vmem>>[vector<16xi32>, vector<16xi32>, vector<16xi32>], vector<16xf32>,
      %gather3A_784 = tpu.vector_load_idx %arg13[%shift_right_arithmetic3A_13, %and3A_36, %add3A_779] : memref<8x8x768xf32, #tpu.memory_space<vmem>>[vector<16xi32>, vector<16xi32>, vector<16xi32>], vector<16xf32>,
      tpu.vector_store_idx %arg15[%shift_right_arithmetic3A_13, %and3A_36, %broadcast_in_dim3A_780], %gather3A_784 : memref<8x8x128xf32, #tpu.memory_space<vmem>>[vector<16xi32>, vector<16xi32>, vector<16xi32>], vector<16xf32>,
      %gather3A_785 = tpu.vector_load_idx %arg12[%shift_right_arithmetic3A_19, %and3A_42, %add3A_774] : memref<8x8x768xf32, #tpu.memory_space<vmem>>[vector<16xi32>, vector<16xi32>, vector<16xi32>], vector<16xf32>,
      tpu.vector_store_idx %arg14[%shift_right_arithmetic3A_19, %and3A_42, %broadcast_in_dim3A_780], %gather3A_785 : memref<8x8x128xf32, #tpu.memory_space<vmem>>[vector<16xi32>, vector<16xi32>, vector<16xi32>], vector<16xf32>,
      %gather3A_786 = tpu.vector_load_idx %arg13[%shift_right_arithmetic3A_19, %and3A_42, %add3A_779] : memref<8x8x768xf32, #tpu.memory_space<vmem>>[vector<16xi32>, vector<16xi32>, vector<16xi32>], vector<16xf32>,
      tpu.vector_store_idx %arg15[%shift_right_arithmetic3A_19, %and3A_42, %broadcast_in_dim3A_780], %gather3A_786 : memref<8x8x128xf32, #tpu.memory_space<vmem>>[vector<16xi32>, vector<16xi32>, vector<16xi32>], vector<16xf32>,
      %gather3A_787 = tpu.vector_load_idx %arg12[%shift_right_arithmetic3A_25, %and3A_48, %add3A_774] : memref<8x8x768xf32, #tpu.memory_space<vmem>>[vector<16xi32>, vector<16xi32>, vector<16xi32>], vector<16xf32>,
      tpu.vector_store_idx %arg14[%shift_right_arithmetic3A_25, %and3A_48, %broadcast_in_dim3A_780], %gather3A_787 : memref<8x8x128xf32, #tpu.memory_space<vmem>>[vector<16xi32>, vector<16xi32>, vector<16xi32>], vector<16xf32>,
      %gather3A_788 = tpu.vector_load_idx %arg13[%shift_right_arithmetic3A_25, %and3A_48, %add3A_779] : memref<8x8x768xf32, #tpu.memory_space<vmem>>[vector<16xi32>, vector<16xi32>, vector<16xi32>], vector<16xf32>,
      tpu.vector_store_idx %arg15[%shift_right_arithmetic3A_25, %and3A_48, %broadcast_in_dim3A_780], %gather3A_788 : memref<8x8x128xf32, #tpu.memory_space<vmem>>[vector<16xi32>, vector<16xi32>, vector<16xi32>], vector<16xf32>,
      %slice3A_789 = vector.extract_strided_slice %get3A_59 {offsets = [10], sizes = [1], strides = [1]} : vector<16xi32> to vector<1xi32>
      %squeeze3A_790 = vector.extract %slice3A_789[0] : i32 from vector<1xi32>
      %ge3A_791 = arith.constant 999936 : i32
      %ge3A_792 = arith.cmpi sge, %squeeze3A_790, %ge3A_791 : i32
      %and3A_793 = arith.constant -128 : i32
      %and3A_794 = arith.andi %squeeze3A_790, %and3A_793 : i32
      %multiple_of3A_795 = tpu.assume_multiple %and3A_794, 128 : i32
      %not3A_796 = arith.constant true
      %not3A_797 = arith.xori %ge3A_792, %not3A_796 : i1
      %convert_element_type3A_798 = arith.extui %not3A_797 : i1 to i32
      %cond3A_799 = arith.constant 0 : i32
      %cond3A_800 = arith.cmpi ne, %convert_element_type3A_798, %cond3A_799 : i32
      scf.if %cond3A_800 {
        %dma_start3A = arith.constant 0 : i32
        %dma_start3A_1700 = arith.constant 0 : i32
        %dma_start3A_1701 = arith.constant 512 : i32
        %dma_start3A_1702 = tpu.memref_slice %arg12[%dma_start3A, %dma_start3A_1700, %dma_start3A_1701] : memref<8x8x768xf32, #tpu.memory_space<vmem>> -> memref<8x8x128xf32, #tpu.memory_space<vmem>>
        %dma_start3A_1703 = arith.constant 0 : i32
        %dma_start3A_1704 = arith.constant 0 : i32
        %dma_start3A_1705 = tpu.memref_slice %arg4[%dma_start3A_1703, %dma_start3A_1704, %multiple_of3A_795] : memref<8x8x1000000xf32, #tpu.memory_space<hbm>> -> memref<8x8x128xf32, #tpu.memory_space<hbm>>
        %dma_start3A_1706 = arith.constant 0 : i32
        %dma_start3A_1707 = arith.constant 0 : i32
        %dma_start3A_1708 = arith.constant 512 : i32
        %dma_start3A_1709 = tpu.memref_slice %arg12[%dma_start3A_1706, %dma_start3A_1707, %dma_start3A_1708] : memref<8x8x768xf32, #tpu.memory_space<vmem>> -> memref<8x8x128xf32, #tpu.memory_space<vmem>>
        %dma_start3A_1710 = arith.constant 0 : i32
        %dma_start3A_1711 = arith.constant 0 : i32
        %dma_start3A_1712 = tpu.memref_slice %arg4[%dma_start3A_1710, %dma_start3A_1711, %multiple_of3A_795] : memref<8x8x1000000xf32, #tpu.memory_space<hbm>> -> memref<8x8x128xf32, #tpu.memory_space<hbm>>
        tpu.enqueue_dma source(%dma_start3A_1712 : memref<8x8x128xf32, #tpu.memory_space<hbm>>) target(%dma_start3A_1709 : memref<8x8x128xf32, #tpu.memory_space<vmem>>) target_semaphore(%arg16 : memref<!tpu.dma_semaphore, #tpu.memory_space<semaphore_mem>>)
      } else {
      }
      %convert_element_type3A_801 = arith.extui %ge3A_792 : i1 to i32
      %cond3A_802 = arith.constant 0 : i32
      %cond3A_803 = arith.cmpi ne, %convert_element_type3A_801, %cond3A_802 : i32
      scf.if %cond3A_803 {
        %dma_start3A = arith.constant 0 : i32
        %dma_start3A_1700 = arith.constant 0 : i32
        %dma_start3A_1701 = arith.constant 512 : i32
        %dma_start3A_1702 = tpu.memref_slice %arg12[%dma_start3A, %dma_start3A_1700, %dma_start3A_1701] : memref<8x8x768xf32, #tpu.memory_space<vmem>> -> memref<8x8x128xf32, #tpu.memory_space<vmem>>
        %dma_start3A_1703 = arith.constant 0 : i32
        %dma_start3A_1704 = arith.constant 0 : i32
        %dma_start3A_1705 = arith.constant 512 : i32
        %dma_start3A_1706 = tpu.memref_slice %arg12[%dma_start3A_1703, %dma_start3A_1704, %dma_start3A_1705] : memref<8x8x768xf32, #tpu.memory_space<vmem>> -> memref<8x8x128xf32, #tpu.memory_space<vmem>>
        tpu.enqueue_dma source(%arg6 : memref<8x8x128xf32, #tpu.memory_space<hbm>>) target(%dma_start3A_1706 : memref<8x8x128xf32, #tpu.memory_space<vmem>>) target_semaphore(%arg16 : memref<!tpu.dma_semaphore, #tpu.memory_space<semaphore_mem>>)
      } else {
      }
      %slice3A_804 = vector.extract_strided_slice %get3A_63 {offsets = [10], sizes = [1], strides = [1]} : vector<16xi32> to vector<1xi32>
      %squeeze3A_805 = vector.extract %slice3A_804[0] : i32 from vector<1xi32>
      %ge3A_806 = arith.constant 999936 : i32
      %ge3A_807 = arith.cmpi sge, %squeeze3A_805, %ge3A_806 : i32
      %and3A_808 = arith.constant -128 : i32
      %and3A_809 = arith.andi %squeeze3A_805, %and3A_808 : i32
      %multiple_of3A_810 = tpu.assume_multiple %and3A_809, 128 : i32
      %not3A_811 = arith.constant true
      %not3A_812 = arith.xori %ge3A_807, %not3A_811 : i1
      %convert_element_type3A_813 = arith.extui %not3A_812 : i1 to i32
      %cond3A_814 = arith.constant 0 : i32
      %cond3A_815 = arith.cmpi ne, %convert_element_type3A_813, %cond3A_814 : i32
      scf.if %cond3A_815 {
        %dma_start3A = arith.constant 0 : i32
        %dma_start3A_1700 = arith.constant 0 : i32
        %dma_start3A_1701 = arith.constant 512 : i32
        %dma_start3A_1702 = tpu.memref_slice %arg13[%dma_start3A, %dma_start3A_1700, %dma_start3A_1701] : memref<8x8x768xf32, #tpu.memory_space<vmem>> -> memref<8x8x128xf32, #tpu.memory_space<vmem>>
        %dma_start3A_1703 = arith.constant 0 : i32
        %dma_start3A_1704 = arith.constant 0 : i32
        %dma_start3A_1705 = tpu.memref_slice %arg5[%dma_start3A_1703, %dma_start3A_1704, %multiple_of3A_810] : memref<8x8x1000000xf32, #tpu.memory_space<hbm>> -> memref<8x8x128xf32, #tpu.memory_space<hbm>>
        %dma_start3A_1706 = arith.constant 0 : i32
        %dma_start3A_1707 = arith.constant 0 : i32
        %dma_start3A_1708 = arith.constant 512 : i32
        %dma_start3A_1709 = tpu.memref_slice %arg13[%dma_start3A_1706, %dma_start3A_1707, %dma_start3A_1708] : memref<8x8x768xf32, #tpu.memory_space<vmem>> -> memref<8x8x128xf32, #tpu.memory_space<vmem>>
        %dma_start3A_1710 = arith.constant 0 : i32
        %dma_start3A_1711 = arith.constant 0 : i32
        %dma_start3A_1712 = tpu.memref_slice %arg5[%dma_start3A_1710, %dma_start3A_1711, %multiple_of3A_810] : memref<8x8x1000000xf32, #tpu.memory_space<hbm>> -> memref<8x8x128xf32, #tpu.memory_space<hbm>>
        tpu.enqueue_dma source(%dma_start3A_1712 : memref<8x8x128xf32, #tpu.memory_space<hbm>>) target(%dma_start3A_1709 : memref<8x8x128xf32, #tpu.memory_space<vmem>>) target_semaphore(%arg17 : memref<!tpu.dma_semaphore, #tpu.memory_space<semaphore_mem>>)
      } else {
      }
      %convert_element_type3A_816 = arith.extui %ge3A_807 : i1 to i32
      %cond3A_817 = arith.constant 0 : i32
      %cond3A_818 = arith.cmpi ne, %convert_element_type3A_816, %cond3A_817 : i32
      scf.if %cond3A_818 {
        %dma_start3A = arith.constant 0 : i32
        %dma_start3A_1700 = arith.constant 0 : i32
        %dma_start3A_1701 = arith.constant 512 : i32
        %dma_start3A_1702 = tpu.memref_slice %arg13[%dma_start3A, %dma_start3A_1700, %dma_start3A_1701] : memref<8x8x768xf32, #tpu.memory_space<vmem>> -> memref<8x8x128xf32, #tpu.memory_space<vmem>>
        %dma_start3A_1703 = arith.constant 0 : i32
        %dma_start3A_1704 = arith.constant 0 : i32
        %dma_start3A_1705 = arith.constant 512 : i32
        %dma_start3A_1706 = tpu.memref_slice %arg13[%dma_start3A_1703, %dma_start3A_1704, %dma_start3A_1705] : memref<8x8x768xf32, #tpu.memory_space<vmem>> -> memref<8x8x128xf32, #tpu.memory_space<vmem>>
        tpu.enqueue_dma source(%arg7 : memref<8x8x128xf32, #tpu.memory_space<hbm>>) target(%dma_start3A_1706 : memref<8x8x128xf32, #tpu.memory_space<vmem>>) target_semaphore(%arg17 : memref<!tpu.dma_semaphore, #tpu.memory_space<semaphore_mem>>)
      } else {
      }
      %slice3A_819 = vector.extract_strided_slice %get3A_59 {offsets = [11], sizes = [1], strides = [1]} : vector<16xi32> to vector<1xi32>
      %squeeze3A_820 = vector.extract %slice3A_819[0] : i32 from vector<1xi32>
      %ge3A_821 = arith.constant 999936 : i32
      %ge3A_822 = arith.cmpi sge, %squeeze3A_820, %ge3A_821 : i32
      %and3A_823 = arith.constant -128 : i32
      %and3A_824 = arith.andi %squeeze3A_820, %and3A_823 : i32
      %multiple_of3A_825 = tpu.assume_multiple %and3A_824, 128 : i32
      %not3A_826 = arith.constant true
      %not3A_827 = arith.xori %ge3A_822, %not3A_826 : i1
      %convert_element_type3A_828 = arith.extui %not3A_827 : i1 to i32
      %cond3A_829 = arith.constant 0 : i32
      %cond3A_830 = arith.cmpi ne, %convert_element_type3A_828, %cond3A_829 : i32
      scf.if %cond3A_830 {
        %dma_start3A = arith.constant 0 : i32
        %dma_start3A_1700 = arith.constant 0 : i32
        %dma_start3A_1701 = arith.constant 640 : i32
        %dma_start3A_1702 = tpu.memref_slice %arg12[%dma_start3A, %dma_start3A_1700, %dma_start3A_1701] : memref<8x8x768xf32, #tpu.memory_space<vmem>> -> memref<8x8x128xf32, #tpu.memory_space<vmem>>
        %dma_start3A_1703 = arith.constant 0 : i32
        %dma_start3A_1704 = arith.constant 0 : i32
        %dma_start3A_1705 = tpu.memref_slice %arg4[%dma_start3A_1703, %dma_start3A_1704, %multiple_of3A_825] : memref<8x8x1000000xf32, #tpu.memory_space<hbm>> -> memref<8x8x128xf32, #tpu.memory_space<hbm>>
        %dma_start3A_1706 = arith.constant 0 : i32
        %dma_start3A_1707 = arith.constant 0 : i32
        %dma_start3A_1708 = arith.constant 640 : i32
        %dma_start3A_1709 = tpu.memref_slice %arg12[%dma_start3A_1706, %dma_start3A_1707, %dma_start3A_1708] : memref<8x8x768xf32, #tpu.memory_space<vmem>> -> memref<8x8x128xf32, #tpu.memory_space<vmem>>
        %dma_start3A_1710 = arith.constant 0 : i32
        %dma_start3A_1711 = arith.constant 0 : i32
        %dma_start3A_1712 = tpu.memref_slice %arg4[%dma_start3A_1710, %dma_start3A_1711, %multiple_of3A_825] : memref<8x8x1000000xf32, #tpu.memory_space<hbm>> -> memref<8x8x128xf32, #tpu.memory_space<hbm>>
        tpu.enqueue_dma source(%dma_start3A_1712 : memref<8x8x128xf32, #tpu.memory_space<hbm>>) target(%dma_start3A_1709 : memref<8x8x128xf32, #tpu.memory_space<vmem>>) target_semaphore(%arg16 : memref<!tpu.dma_semaphore, #tpu.memory_space<semaphore_mem>>)
      } else {
      }
      %convert_element_type3A_831 = arith.extui %ge3A_822 : i1 to i32
      %cond3A_832 = arith.constant 0 : i32
      %cond3A_833 = arith.cmpi ne, %convert_element_type3A_831, %cond3A_832 : i32
      scf.if %cond3A_833 {
        %dma_start3A = arith.constant 0 : i32
        %dma_start3A_1700 = arith.constant 0 : i32
        %dma_start3A_1701 = arith.constant 640 : i32
        %dma_start3A_1702 = tpu.memref_slice %arg12[%dma_start3A, %dma_start3A_1700, %dma_start3A_1701] : memref<8x8x768xf32, #tpu.memory_space<vmem>> -> memref<8x8x128xf32, #tpu.memory_space<vmem>>
        %dma_start3A_1703 = arith.constant 0 : i32
        %dma_start3A_1704 = arith.constant 0 : i32
        %dma_start3A_1705 = arith.constant 640 : i32
        %dma_start3A_1706 = tpu.memref_slice %arg12[%dma_start3A_1703, %dma_start3A_1704, %dma_start3A_1705] : memref<8x8x768xf32, #tpu.memory_space<vmem>> -> memref<8x8x128xf32, #tpu.memory_space<vmem>>
        tpu.enqueue_dma source(%arg6 : memref<8x8x128xf32, #tpu.memory_space<hbm>>) target(%dma_start3A_1706 : memref<8x8x128xf32, #tpu.memory_space<vmem>>) target_semaphore(%arg16 : memref<!tpu.dma_semaphore, #tpu.memory_space<semaphore_mem>>)
      } else {
      }
      %slice3A_834 = vector.extract_strided_slice %get3A_63 {offsets = [11], sizes = [1], strides = [1]} : vector<16xi32> to vector<1xi32>
      %squeeze3A_835 = vector.extract %slice3A_834[0] : i32 from vector<1xi32>
      %ge3A_836 = arith.constant 999936 : i32
      %ge3A_837 = arith.cmpi sge, %squeeze3A_835, %ge3A_836 : i32
      %and3A_838 = arith.constant -128 : i32
      %and3A_839 = arith.andi %squeeze3A_835, %and3A_838 : i32
      %multiple_of3A_840 = tpu.assume_multiple %and3A_839, 128 : i32
      %not3A_841 = arith.constant true
      %not3A_842 = arith.xori %ge3A_837, %not3A_841 : i1
      %convert_element_type3A_843 = arith.extui %not3A_842 : i1 to i32
      %cond3A_844 = arith.constant 0 : i32
      %cond3A_845 = arith.cmpi ne, %convert_element_type3A_843, %cond3A_844 : i32
      scf.if %cond3A_845 {
        %dma_start3A = arith.constant 0 : i32
        %dma_start3A_1700 = arith.constant 0 : i32
        %dma_start3A_1701 = arith.constant 640 : i32
        %dma_start3A_1702 = tpu.memref_slice %arg13[%dma_start3A, %dma_start3A_1700, %dma_start3A_1701] : memref<8x8x768xf32, #tpu.memory_space<vmem>> -> memref<8x8x128xf32, #tpu.memory_space<vmem>>
        %dma_start3A_1703 = arith.constant 0 : i32
        %dma_start3A_1704 = arith.constant 0 : i32
        %dma_start3A_1705 = tpu.memref_slice %arg5[%dma_start3A_1703, %dma_start3A_1704, %multiple_of3A_840] : memref<8x8x1000000xf32, #tpu.memory_space<hbm>> -> memref<8x8x128xf32, #tpu.memory_space<hbm>>
        %dma_start3A_1706 = arith.constant 0 : i32
        %dma_start3A_1707 = arith.constant 0 : i32
        %dma_start3A_1708 = arith.constant 640 : i32
        %dma_start3A_1709 = tpu.memref_slice %arg13[%dma_start3A_1706, %dma_start3A_1707, %dma_start3A_1708] : memref<8x8x768xf32, #tpu.memory_space<vmem>> -> memref<8x8x128xf32, #tpu.memory_space<vmem>>
        %dma_start3A_1710 = arith.constant 0 : i32
        %dma_start3A_1711 = arith.constant 0 : i32
        %dma_start3A_1712 = tpu.memref_slice %arg5[%dma_start3A_1710, %dma_start3A_1711, %multiple_of3A_840] : memref<8x8x1000000xf32, #tpu.memory_space<hbm>> -> memref<8x8x128xf32, #tpu.memory_space<hbm>>
        tpu.enqueue_dma source(%dma_start3A_1712 : memref<8x8x128xf32, #tpu.memory_space<hbm>>) target(%dma_start3A_1709 : memref<8x8x128xf32, #tpu.memory_space<vmem>>) target_semaphore(%arg17 : memref<!tpu.dma_semaphore, #tpu.memory_space<semaphore_mem>>)
      } else {
      }
      %convert_element_type3A_846 = arith.extui %ge3A_837 : i1 to i32
      %cond3A_847 = arith.constant 0 : i32
      %cond3A_848 = arith.cmpi ne, %convert_element_type3A_846, %cond3A_847 : i32
      scf.if %cond3A_848 {
        %dma_start3A = arith.constant 0 : i32
        %dma_start3A_1700 = arith.constant 0 : i32
        %dma_start3A_1701 = arith.constant 640 : i32
        %dma_start3A_1702 = tpu.memref_slice %arg13[%dma_start3A, %dma_start3A_1700, %dma_start3A_1701] : memref<8x8x768xf32, #tpu.memory_space<vmem>> -> memref<8x8x128xf32, #tpu.memory_space<vmem>>
        %dma_start3A_1703 = arith.constant 0 : i32
        %dma_start3A_1704 = arith.constant 0 : i32
        %dma_start3A_1705 = arith.constant 640 : i32
        %dma_start3A_1706 = tpu.memref_slice %arg13[%dma_start3A_1703, %dma_start3A_1704, %dma_start3A_1705] : memref<8x8x768xf32, #tpu.memory_space<vmem>> -> memref<8x8x128xf32, #tpu.memory_space<vmem>>
        tpu.enqueue_dma source(%arg7 : memref<8x8x128xf32, #tpu.memory_space<hbm>>) target(%dma_start3A_1706 : memref<8x8x128xf32, #tpu.memory_space<vmem>>) target_semaphore(%arg17 : memref<!tpu.dma_semaphore, #tpu.memory_space<semaphore_mem>>)
      } else {
      }
      %dma_wait3A_849 = arith.constant 0 : i32
      %dma_wait3A_850 = arith.constant 0 : i32
      %dma_wait3A_851 = arith.constant 0 : i32
      %dma_wait3A_852 = tpu.memref_slice %arg12[%dma_wait3A_849, %dma_wait3A_850, %dma_wait3A_851] : memref<8x8x768xf32, #tpu.memory_space<vmem>> -> memref<8x8x128xf32, #tpu.memory_space<vmem>>
      %dma_wait3A_853 = arith.constant 0 : i32
      %dma_wait3A_854 = arith.constant 0 : i32
      %dma_wait3A_855 = arith.constant 0 : i32
      %dma_wait3A_856 = tpu.memref_slice %arg4[%dma_wait3A_853, %dma_wait3A_854, %dma_wait3A_855] : memref<8x8x1000000xf32, #tpu.memory_space<hbm>> -> memref<8x8x128xf32, #tpu.memory_space<hbm>>
      %dma_wait3A_857 = arith.constant 0 : i32
      %dma_wait3A_858 = arith.constant 0 : i32
      %dma_wait3A_859 = arith.constant 0 : i32
      %dma_wait3A_860 = tpu.memref_slice %arg12[%dma_wait3A_857, %dma_wait3A_858, %dma_wait3A_859] : memref<8x8x768xf32, #tpu.memory_space<vmem>> -> memref<8x8x128xf32, #tpu.memory_space<vmem>>
      %dma_wait3A_861 = arith.constant 0 : i32
      %dma_wait3A_862 = arith.constant 0 : i32
      %dma_wait3A_863 = arith.constant 0 : i32
      %dma_wait3A_864 = tpu.memref_slice %arg4[%dma_wait3A_861, %dma_wait3A_862, %dma_wait3A_863] : memref<8x8x1000000xf32, #tpu.memory_space<hbm>> -> memref<8x8x128xf32, #tpu.memory_space<hbm>>
      tpu.wait_dma2 semaphore(%arg16 : memref<!tpu.dma_semaphore, #tpu.memory_space<semaphore_mem>>) src(%dma_wait3A_864 : memref<8x8x128xf32, #tpu.memory_space<hbm>>) dst(%dma_wait3A_860 : memref<8x8x128xf32, #tpu.memory_space<vmem>>)
      %dma_wait3A_865 = arith.constant 0 : i32
      %dma_wait3A_866 = arith.constant 0 : i32
      %dma_wait3A_867 = arith.constant 0 : i32
      %dma_wait3A_868 = tpu.memref_slice %arg13[%dma_wait3A_865, %dma_wait3A_866, %dma_wait3A_867] : memref<8x8x768xf32, #tpu.memory_space<vmem>> -> memref<8x8x128xf32, #tpu.memory_space<vmem>>
      %dma_wait3A_869 = arith.constant 0 : i32
      %dma_wait3A_870 = arith.constant 0 : i32
      %dma_wait3A_871 = arith.constant 0 : i32
      %dma_wait3A_872 = tpu.memref_slice %arg5[%dma_wait3A_869, %dma_wait3A_870, %dma_wait3A_871] : memref<8x8x1000000xf32, #tpu.memory_space<hbm>> -> memref<8x8x128xf32, #tpu.memory_space<hbm>>
      %dma_wait3A_873 = arith.constant 0 : i32
      %dma_wait3A_874 = arith.constant 0 : i32
      %dma_wait3A_875 = arith.constant 0 : i32
      %dma_wait3A_876 = tpu.memref_slice %arg13[%dma_wait3A_873, %dma_wait3A_874, %dma_wait3A_875] : memref<8x8x768xf32, #tpu.memory_space<vmem>> -> memref<8x8x128xf32, #tpu.memory_space<vmem>>
      %dma_wait3A_877 = arith.constant 0 : i32
      %dma_wait3A_878 = arith.constant 0 : i32
      %dma_wait3A_879 = arith.constant 0 : i32
      %dma_wait3A_880 = tpu.memref_slice %arg5[%dma_wait3A_877, %dma_wait3A_878, %dma_wait3A_879] : memref<8x8x1000000xf32, #tpu.memory_space<hbm>> -> memref<8x8x128xf32, #tpu.memory_space<hbm>>
      tpu.wait_dma2 semaphore(%arg17 : memref<!tpu.dma_semaphore, #tpu.memory_space<semaphore_mem>>) src(%dma_wait3A_880 : memref<8x8x128xf32, #tpu.memory_space<hbm>>) dst(%dma_wait3A_876 : memref<8x8x128xf32, #tpu.memory_space<vmem>>)
      %dma_wait3A_881 = arith.constant 0 : i32
      %dma_wait3A_882 = arith.constant 0 : i32
      %dma_wait3A_883 = arith.constant 128 : i32
      %dma_wait3A_884 = tpu.memref_slice %arg12[%dma_wait3A_881, %dma_wait3A_882, %dma_wait3A_883] : memref<8x8x768xf32, #tpu.memory_space<vmem>> -> memref<8x8x128xf32, #tpu.memory_space<vmem>>
      %dma_wait3A_885 = arith.constant 0 : i32
      %dma_wait3A_886 = arith.constant 0 : i32
      %dma_wait3A_887 = arith.constant 0 : i32
      %dma_wait3A_888 = tpu.memref_slice %arg4[%dma_wait3A_885, %dma_wait3A_886, %dma_wait3A_887] : memref<8x8x1000000xf32, #tpu.memory_space<hbm>> -> memref<8x8x128xf32, #tpu.memory_space<hbm>>
      %dma_wait3A_889 = arith.constant 0 : i32
      %dma_wait3A_890 = arith.constant 0 : i32
      %dma_wait3A_891 = arith.constant 128 : i32
      %dma_wait3A_892 = tpu.memref_slice %arg12[%dma_wait3A_889, %dma_wait3A_890, %dma_wait3A_891] : memref<8x8x768xf32, #tpu.memory_space<vmem>> -> memref<8x8x128xf32, #tpu.memory_space<vmem>>
      %dma_wait3A_893 = arith.constant 0 : i32
      %dma_wait3A_894 = arith.constant 0 : i32
      %dma_wait3A_895 = arith.constant 0 : i32
      %dma_wait3A_896 = tpu.memref_slice %arg4[%dma_wait3A_893, %dma_wait3A_894, %dma_wait3A_895] : memref<8x8x1000000xf32, #tpu.memory_space<hbm>> -> memref<8x8x128xf32, #tpu.memory_space<hbm>>
      tpu.wait_dma2 semaphore(%arg16 : memref<!tpu.dma_semaphore, #tpu.memory_space<semaphore_mem>>) src(%dma_wait3A_896 : memref<8x8x128xf32, #tpu.memory_space<hbm>>) dst(%dma_wait3A_892 : memref<8x8x128xf32, #tpu.memory_space<vmem>>)
      %dma_wait3A_897 = arith.constant 0 : i32
      %dma_wait3A_898 = arith.constant 0 : i32
      %dma_wait3A_899 = arith.constant 128 : i32
      %dma_wait3A_900 = tpu.memref_slice %arg13[%dma_wait3A_897, %dma_wait3A_898, %dma_wait3A_899] : memref<8x8x768xf32, #tpu.memory_space<vmem>> -> memref<8x8x128xf32, #tpu.memory_space<vmem>>
      %dma_wait3A_901 = arith.constant 0 : i32
      %dma_wait3A_902 = arith.constant 0 : i32
      %dma_wait3A_903 = arith.constant 0 : i32
      %dma_wait3A_904 = tpu.memref_slice %arg5[%dma_wait3A_901, %dma_wait3A_902, %dma_wait3A_903] : memref<8x8x1000000xf32, #tpu.memory_space<hbm>> -> memref<8x8x128xf32, #tpu.memory_space<hbm>>
      %dma_wait3A_905 = arith.constant 0 : i32
      %dma_wait3A_906 = arith.constant 0 : i32
      %dma_wait3A_907 = arith.constant 128 : i32
      %dma_wait3A_908 = tpu.memref_slice %arg13[%dma_wait3A_905, %dma_wait3A_906, %dma_wait3A_907] : memref<8x8x768xf32, #tpu.memory_space<vmem>> -> memref<8x8x128xf32, #tpu.memory_space<vmem>>
      %dma_wait3A_909 = arith.constant 0 : i32
      %dma_wait3A_910 = arith.constant 0 : i32
      %dma_wait3A_911 = arith.constant 0 : i32
      %dma_wait3A_912 = tpu.memref_slice %arg5[%dma_wait3A_909, %dma_wait3A_910, %dma_wait3A_911] : memref<8x8x1000000xf32, #tpu.memory_space<hbm>> -> memref<8x8x128xf32, #tpu.memory_space<hbm>>
      tpu.wait_dma2 semaphore(%arg17 : memref<!tpu.dma_semaphore, #tpu.memory_space<semaphore_mem>>) src(%dma_wait3A_912 : memref<8x8x128xf32, #tpu.memory_space<hbm>>) dst(%dma_wait3A_908 : memref<8x8x128xf32, #tpu.memory_space<vmem>>)
      %slice3A_913 = vector.extract_strided_slice %get3A_59 {offsets = [6], sizes = [1], strides = [1]} : vector<16xi32> to vector<1xi32>
      %squeeze3A_914 = vector.extract %slice3A_913[0] : i32 from vector<1xi32>
      %slice3A_915 = vector.extract_strided_slice %get3A_63 {offsets = [6], sizes = [1], strides = [1]} : vector<16xi32> to vector<1xi32>
      %squeeze3A_916 = vector.extract %slice3A_915[0] : i32 from vector<1xi32>
      %mul3A_917 = arith.constant 16 : i32
      %mul3A_918 = arith.muli %scan3A_55, %mul3A_917 : i32
      %add3A_919 = arith.constant 6 : i32
      %add3A_920 = arith.addi %mul3A_918, %add3A_919 : i32
      %add3A_921 = arith.constant 0 : i32
      %add3A_922 = arith.addi %add3A_920, %add3A_921 : i32
      %ge3A_923 = arith.constant 999936 : i32
      %ge3A_924 = arith.cmpi sge, %squeeze3A_914, %ge3A_923 : i32
      %and3A_925 = arith.constant -128 : i32
      %and3A_926 = arith.andi %squeeze3A_914, %and3A_925 : i32
      %jit3A_927 = arith.constant 999936 : i32
      %select_n3A_928 = arith.select %ge3A_924, %jit3A_927, %and3A_926 : i32
      %ge3A_929 = arith.constant 999936 : i32
      %ge3A_930 = arith.cmpi sge, %squeeze3A_916, %ge3A_929 : i32
      %and3A_931 = arith.constant -128 : i32
      %and3A_932 = arith.andi %squeeze3A_916, %and3A_931 : i32
      %jit3A_933 = arith.constant 999936 : i32
      %select_n3A_934 = arith.select %ge3A_930, %jit3A_933, %and3A_932 : i32
      %broadcast_in_dim3A_935 = arith.constant 0 : i32
      %broadcast_in_dim3A_936 = vector.broadcast %broadcast_in_dim3A_935 : i32 to vector<16xi32>
      %sub3A_937 = arith.subi %squeeze3A_914, %select_n3A_928 : i32
      %add3A_938 = vector.broadcast %sub3A_937 : i32 to vector<16xi32>
      %add3A_939 = arith.addi %broadcast_in_dim3A_936, %add3A_938 : vector<16xi32>
      %broadcast_in_dim3A_940 = arith.constant 0 : i32
      %broadcast_in_dim3A_941 = vector.broadcast %broadcast_in_dim3A_940 : i32 to vector<16xi32>
      %sub3A_942 = arith.subi %squeeze3A_916, %select_n3A_934 : i32
      %add3A_943 = vector.broadcast %sub3A_942 : i32 to vector<16xi32>
      %add3A_944 = arith.addi %broadcast_in_dim3A_941, %add3A_943 : vector<16xi32>
      %broadcast_in_dim3A_945 = vector.broadcast %add3A_922 : i32 to vector<16xi32>
      %gather3A_946 = tpu.vector_load_idx %arg12[%shift_right_arithmetic3A_7, %and3A_30, %add3A_939] : memref<8x8x768xf32, #tpu.memory_space<vmem>>[vector<16xi32>, vector<16xi32>, vector<16xi32>], vector<16xf32>,
      tpu.vector_store_idx %arg14[%shift_right_arithmetic3A_7, %and3A_30, %broadcast_in_dim3A_945], %gather3A_946 : memref<8x8x128xf32, #tpu.memory_space<vmem>>[vector<16xi32>, vector<16xi32>, vector<16xi32>], vector<16xf32>,
      %gather3A_947 = tpu.vector_load_idx %arg13[%shift_right_arithmetic3A_7, %and3A_30, %add3A_944] : memref<8x8x768xf32, #tpu.memory_space<vmem>>[vector<16xi32>, vector<16xi32>, vector<16xi32>], vector<16xf32>,
      tpu.vector_store_idx %arg15[%shift_right_arithmetic3A_7, %and3A_30, %broadcast_in_dim3A_945], %gather3A_947 : memref<8x8x128xf32, #tpu.memory_space<vmem>>[vector<16xi32>, vector<16xi32>, vector<16xi32>], vector<16xf32>,
      %gather3A_948 = tpu.vector_load_idx %arg12[%shift_right_arithmetic3A_13, %and3A_36, %add3A_939] : memref<8x8x768xf32, #tpu.memory_space<vmem>>[vector<16xi32>, vector<16xi32>, vector<16xi32>], vector<16xf32>,
      tpu.vector_store_idx %arg14[%shift_right_arithmetic3A_13, %and3A_36, %broadcast_in_dim3A_945], %gather3A_948 : memref<8x8x128xf32, #tpu.memory_space<vmem>>[vector<16xi32>, vector<16xi32>, vector<16xi32>], vector<16xf32>,
      %gather3A_949 = tpu.vector_load_idx %arg13[%shift_right_arithmetic3A_13, %and3A_36, %add3A_944] : memref<8x8x768xf32, #tpu.memory_space<vmem>>[vector<16xi32>, vector<16xi32>, vector<16xi32>], vector<16xf32>,
      tpu.vector_store_idx %arg15[%shift_right_arithmetic3A_13, %and3A_36, %broadcast_in_dim3A_945], %gather3A_949 : memref<8x8x128xf32, #tpu.memory_space<vmem>>[vector<16xi32>, vector<16xi32>, vector<16xi32>], vector<16xf32>,
      %gather3A_950 = tpu.vector_load_idx %arg12[%shift_right_arithmetic3A_19, %and3A_42, %add3A_939] : memref<8x8x768xf32, #tpu.memory_space<vmem>>[vector<16xi32>, vector<16xi32>, vector<16xi32>], vector<16xf32>,
      tpu.vector_store_idx %arg14[%shift_right_arithmetic3A_19, %and3A_42, %broadcast_in_dim3A_945], %gather3A_950 : memref<8x8x128xf32, #tpu.memory_space<vmem>>[vector<16xi32>, vector<16xi32>, vector<16xi32>], vector<16xf32>,
      %gather3A_951 = tpu.vector_load_idx %arg13[%shift_right_arithmetic3A_19, %and3A_42, %add3A_944] : memref<8x8x768xf32, #tpu.memory_space<vmem>>[vector<16xi32>, vector<16xi32>, vector<16xi32>], vector<16xf32>,
      tpu.vector_store_idx %arg15[%shift_right_arithmetic3A_19, %and3A_42, %broadcast_in_dim3A_945], %gather3A_951 : memref<8x8x128xf32, #tpu.memory_space<vmem>>[vector<16xi32>, vector<16xi32>, vector<16xi32>], vector<16xf32>,
      %gather3A_952 = tpu.vector_load_idx %arg12[%shift_right_arithmetic3A_25, %and3A_48, %add3A_939] : memref<8x8x768xf32, #tpu.memory_space<vmem>>[vector<16xi32>, vector<16xi32>, vector<16xi32>], vector<16xf32>,
      tpu.vector_store_idx %arg14[%shift_right_arithmetic3A_25, %and3A_48, %broadcast_in_dim3A_945], %gather3A_952 : memref<8x8x128xf32, #tpu.memory_space<vmem>>[vector<16xi32>, vector<16xi32>, vector<16xi32>], vector<16xf32>,
      %gather3A_953 = tpu.vector_load_idx %arg13[%shift_right_arithmetic3A_25, %and3A_48, %add3A_944] : memref<8x8x768xf32, #tpu.memory_space<vmem>>[vector<16xi32>, vector<16xi32>, vector<16xi32>], vector<16xf32>,
      tpu.vector_store_idx %arg15[%shift_right_arithmetic3A_25, %and3A_48, %broadcast_in_dim3A_945], %gather3A_953 : memref<8x8x128xf32, #tpu.memory_space<vmem>>[vector<16xi32>, vector<16xi32>, vector<16xi32>], vector<16xf32>,
      %slice3A_954 = vector.extract_strided_slice %get3A_59 {offsets = [7], sizes = [1], strides = [1]} : vector<16xi32> to vector<1xi32>
      %squeeze3A_955 = vector.extract %slice3A_954[0] : i32 from vector<1xi32>
      %slice3A_956 = vector.extract_strided_slice %get3A_63 {offsets = [7], sizes = [1], strides = [1]} : vector<16xi32> to vector<1xi32>
      %squeeze3A_957 = vector.extract %slice3A_956[0] : i32 from vector<1xi32>
      %mul3A_958 = arith.constant 16 : i32
      %mul3A_959 = arith.muli %scan3A_55, %mul3A_958 : i32
      %add3A_960 = arith.constant 6 : i32
      %add3A_961 = arith.addi %mul3A_959, %add3A_960 : i32
      %add3A_962 = arith.constant 1 : i32
      %add3A_963 = arith.addi %add3A_961, %add3A_962 : i32
      %ge3A_964 = arith.constant 999936 : i32
      %ge3A_965 = arith.cmpi sge, %squeeze3A_955, %ge3A_964 : i32
      %and3A_966 = arith.constant -128 : i32
      %and3A_967 = arith.andi %squeeze3A_955, %and3A_966 : i32
      %jit3A_968 = arith.constant 999936 : i32
      %select_n3A_969 = arith.select %ge3A_965, %jit3A_968, %and3A_967 : i32
      %ge3A_970 = arith.constant 999936 : i32
      %ge3A_971 = arith.cmpi sge, %squeeze3A_957, %ge3A_970 : i32
      %and3A_972 = arith.constant -128 : i32
      %and3A_973 = arith.andi %squeeze3A_957, %and3A_972 : i32
      %jit3A_974 = arith.constant 999936 : i32
      %select_n3A_975 = arith.select %ge3A_971, %jit3A_974, %and3A_973 : i32
      %broadcast_in_dim3A_976 = arith.constant 128 : i32
      %broadcast_in_dim3A_977 = vector.broadcast %broadcast_in_dim3A_976 : i32 to vector<16xi32>
      %sub3A_978 = arith.subi %squeeze3A_955, %select_n3A_969 : i32
      %add3A_979 = vector.broadcast %sub3A_978 : i32 to vector<16xi32>
      %add3A_980 = arith.addi %broadcast_in_dim3A_977, %add3A_979 : vector<16xi32>
      %broadcast_in_dim3A_981 = arith.constant 128 : i32
      %broadcast_in_dim3A_982 = vector.broadcast %broadcast_in_dim3A_981 : i32 to vector<16xi32>
      %sub3A_983 = arith.subi %squeeze3A_957, %select_n3A_975 : i32
      %add3A_984 = vector.broadcast %sub3A_983 : i32 to vector<16xi32>
      %add3A_985 = arith.addi %broadcast_in_dim3A_982, %add3A_984 : vector<16xi32>
      %broadcast_in_dim3A_986 = vector.broadcast %add3A_963 : i32 to vector<16xi32>
      %gather3A_987 = tpu.vector_load_idx %arg12[%shift_right_arithmetic3A_7, %and3A_30, %add3A_980] : memref<8x8x768xf32, #tpu.memory_space<vmem>>[vector<16xi32>, vector<16xi32>, vector<16xi32>], vector<16xf32>,
      tpu.vector_store_idx %arg14[%shift_right_arithmetic3A_7, %and3A_30, %broadcast_in_dim3A_986], %gather3A_987 : memref<8x8x128xf32, #tpu.memory_space<vmem>>[vector<16xi32>, vector<16xi32>, vector<16xi32>], vector<16xf32>,
      %gather3A_988 = tpu.vector_load_idx %arg13[%shift_right_arithmetic3A_7, %and3A_30, %add3A_985] : memref<8x8x768xf32, #tpu.memory_space<vmem>>[vector<16xi32>, vector<16xi32>, vector<16xi32>], vector<16xf32>,
      tpu.vector_store_idx %arg15[%shift_right_arithmetic3A_7, %and3A_30, %broadcast_in_dim3A_986], %gather3A_988 : memref<8x8x128xf32, #tpu.memory_space<vmem>>[vector<16xi32>, vector<16xi32>, vector<16xi32>], vector<16xf32>,
      %gather3A_989 = tpu.vector_load_idx %arg12[%shift_right_arithmetic3A_13, %and3A_36, %add3A_980] : memref<8x8x768xf32, #tpu.memory_space<vmem>>[vector<16xi32>, vector<16xi32>, vector<16xi32>], vector<16xf32>,
      tpu.vector_store_idx %arg14[%shift_right_arithmetic3A_13, %and3A_36, %broadcast_in_dim3A_986], %gather3A_989 : memref<8x8x128xf32, #tpu.memory_space<vmem>>[vector<16xi32>, vector<16xi32>, vector<16xi32>], vector<16xf32>,
      %gather3A_990 = tpu.vector_load_idx %arg13[%shift_right_arithmetic3A_13, %and3A_36, %add3A_985] : memref<8x8x768xf32, #tpu.memory_space<vmem>>[vector<16xi32>, vector<16xi32>, vector<16xi32>], vector<16xf32>,
      tpu.vector_store_idx %arg15[%shift_right_arithmetic3A_13, %and3A_36, %broadcast_in_dim3A_986], %gather3A_990 : memref<8x8x128xf32, #tpu.memory_space<vmem>>[vector<16xi32>, vector<16xi32>, vector<16xi32>], vector<16xf32>,
      %gather3A_991 = tpu.vector_load_idx %arg12[%shift_right_arithmetic3A_19, %and3A_42, %add3A_980] : memref<8x8x768xf32, #tpu.memory_space<vmem>>[vector<16xi32>, vector<16xi32>, vector<16xi32>], vector<16xf32>,
      tpu.vector_store_idx %arg14[%shift_right_arithmetic3A_19, %and3A_42, %broadcast_in_dim3A_986], %gather3A_991 : memref<8x8x128xf32, #tpu.memory_space<vmem>>[vector<16xi32>, vector<16xi32>, vector<16xi32>], vector<16xf32>,
      %gather3A_992 = tpu.vector_load_idx %arg13[%shift_right_arithmetic3A_19, %and3A_42, %add3A_985] : memref<8x8x768xf32, #tpu.memory_space<vmem>>[vector<16xi32>, vector<16xi32>, vector<16xi32>], vector<16xf32>,
      tpu.vector_store_idx %arg15[%shift_right_arithmetic3A_19, %and3A_42, %broadcast_in_dim3A_986], %gather3A_992 : memref<8x8x128xf32, #tpu.memory_space<vmem>>[vector<16xi32>, vector<16xi32>, vector<16xi32>], vector<16xf32>,
      %gather3A_993 = tpu.vector_load_idx %arg12[%shift_right_arithmetic3A_25, %and3A_48, %add3A_980] : memref<8x8x768xf32, #tpu.memory_space<vmem>>[vector<16xi32>, vector<16xi32>, vector<16xi32>], vector<16xf32>,
      tpu.vector_store_idx %arg14[%shift_right_arithmetic3A_25, %and3A_48, %broadcast_in_dim3A_986], %gather3A_993 : memref<8x8x128xf32, #tpu.memory_space<vmem>>[vector<16xi32>, vector<16xi32>, vector<16xi32>], vector<16xf32>,
      %gather3A_994 = tpu.vector_load_idx %arg13[%shift_right_arithmetic3A_25, %and3A_48, %add3A_985] : memref<8x8x768xf32, #tpu.memory_space<vmem>>[vector<16xi32>, vector<16xi32>, vector<16xi32>], vector<16xf32>,
      tpu.vector_store_idx %arg15[%shift_right_arithmetic3A_25, %and3A_48, %broadcast_in_dim3A_986], %gather3A_994 : memref<8x8x128xf32, #tpu.memory_space<vmem>>[vector<16xi32>, vector<16xi32>, vector<16xi32>], vector<16xf32>,
      %slice3A_995 = vector.extract_strided_slice %get3A_59 {offsets = [12], sizes = [1], strides = [1]} : vector<16xi32> to vector<1xi32>
      %squeeze3A_996 = vector.extract %slice3A_995[0] : i32 from vector<1xi32>
      %ge3A_997 = arith.constant 999936 : i32
      %ge3A_998 = arith.cmpi sge, %squeeze3A_996, %ge3A_997 : i32
      %and3A_999 = arith.constant -128 : i32
      %and3A_1000 = arith.andi %squeeze3A_996, %and3A_999 : i32
      %multiple_of3A_1001 = tpu.assume_multiple %and3A_1000, 128 : i32
      %not3A_1002 = arith.constant true
      %not3A_1003 = arith.xori %ge3A_998, %not3A_1002 : i1
      %convert_element_type3A_1004 = arith.extui %not3A_1003 : i1 to i32
      %cond3A_1005 = arith.constant 0 : i32
      %cond3A_1006 = arith.cmpi ne, %convert_element_type3A_1004, %cond3A_1005 : i32
      scf.if %cond3A_1006 {
        %dma_start3A = arith.constant 0 : i32
        %dma_start3A_1700 = arith.constant 0 : i32
        %dma_start3A_1701 = arith.constant 0 : i32
        %dma_start3A_1702 = tpu.memref_slice %arg12[%dma_start3A, %dma_start3A_1700, %dma_start3A_1701] : memref<8x8x768xf32, #tpu.memory_space<vmem>> -> memref<8x8x128xf32, #tpu.memory_space<vmem>>
        %dma_start3A_1703 = arith.constant 0 : i32
        %dma_start3A_1704 = arith.constant 0 : i32
        %dma_start3A_1705 = tpu.memref_slice %arg4[%dma_start3A_1703, %dma_start3A_1704, %multiple_of3A_1001] : memref<8x8x1000000xf32, #tpu.memory_space<hbm>> -> memref<8x8x128xf32, #tpu.memory_space<hbm>>
        %dma_start3A_1706 = arith.constant 0 : i32
        %dma_start3A_1707 = arith.constant 0 : i32
        %dma_start3A_1708 = arith.constant 0 : i32
        %dma_start3A_1709 = tpu.memref_slice %arg12[%dma_start3A_1706, %dma_start3A_1707, %dma_start3A_1708] : memref<8x8x768xf32, #tpu.memory_space<vmem>> -> memref<8x8x128xf32, #tpu.memory_space<vmem>>
        %dma_start3A_1710 = arith.constant 0 : i32
        %dma_start3A_1711 = arith.constant 0 : i32
        %dma_start3A_1712 = tpu.memref_slice %arg4[%dma_start3A_1710, %dma_start3A_1711, %multiple_of3A_1001] : memref<8x8x1000000xf32, #tpu.memory_space<hbm>> -> memref<8x8x128xf32, #tpu.memory_space<hbm>>
        tpu.enqueue_dma source(%dma_start3A_1712 : memref<8x8x128xf32, #tpu.memory_space<hbm>>) target(%dma_start3A_1709 : memref<8x8x128xf32, #tpu.memory_space<vmem>>) target_semaphore(%arg16 : memref<!tpu.dma_semaphore, #tpu.memory_space<semaphore_mem>>)
      } else {
      }
      %convert_element_type3A_1007 = arith.extui %ge3A_998 : i1 to i32
      %cond3A_1008 = arith.constant 0 : i32
      %cond3A_1009 = arith.cmpi ne, %convert_element_type3A_1007, %cond3A_1008 : i32
      scf.if %cond3A_1009 {
        %dma_start3A = arith.constant 0 : i32
        %dma_start3A_1700 = arith.constant 0 : i32
        %dma_start3A_1701 = arith.constant 0 : i32
        %dma_start3A_1702 = tpu.memref_slice %arg12[%dma_start3A, %dma_start3A_1700, %dma_start3A_1701] : memref<8x8x768xf32, #tpu.memory_space<vmem>> -> memref<8x8x128xf32, #tpu.memory_space<vmem>>
        %dma_start3A_1703 = arith.constant 0 : i32
        %dma_start3A_1704 = arith.constant 0 : i32
        %dma_start3A_1705 = arith.constant 0 : i32
        %dma_start3A_1706 = tpu.memref_slice %arg12[%dma_start3A_1703, %dma_start3A_1704, %dma_start3A_1705] : memref<8x8x768xf32, #tpu.memory_space<vmem>> -> memref<8x8x128xf32, #tpu.memory_space<vmem>>
        tpu.enqueue_dma source(%arg6 : memref<8x8x128xf32, #tpu.memory_space<hbm>>) target(%dma_start3A_1706 : memref<8x8x128xf32, #tpu.memory_space<vmem>>) target_semaphore(%arg16 : memref<!tpu.dma_semaphore, #tpu.memory_space<semaphore_mem>>)
      } else {
      }
      %slice3A_1010 = vector.extract_strided_slice %get3A_63 {offsets = [12], sizes = [1], strides = [1]} : vector<16xi32> to vector<1xi32>
      %squeeze3A_1011 = vector.extract %slice3A_1010[0] : i32 from vector<1xi32>
      %ge3A_1012 = arith.constant 999936 : i32
      %ge3A_1013 = arith.cmpi sge, %squeeze3A_1011, %ge3A_1012 : i32
      %and3A_1014 = arith.constant -128 : i32
      %and3A_1015 = arith.andi %squeeze3A_1011, %and3A_1014 : i32
      %multiple_of3A_1016 = tpu.assume_multiple %and3A_1015, 128 : i32
      %not3A_1017 = arith.constant true
      %not3A_1018 = arith.xori %ge3A_1013, %not3A_1017 : i1
      %convert_element_type3A_1019 = arith.extui %not3A_1018 : i1 to i32
      %cond3A_1020 = arith.constant 0 : i32
      %cond3A_1021 = arith.cmpi ne, %convert_element_type3A_1019, %cond3A_1020 : i32
      scf.if %cond3A_1021 {
        %dma_start3A = arith.constant 0 : i32
        %dma_start3A_1700 = arith.constant 0 : i32
        %dma_start3A_1701 = arith.constant 0 : i32
        %dma_start3A_1702 = tpu.memref_slice %arg13[%dma_start3A, %dma_start3A_1700, %dma_start3A_1701] : memref<8x8x768xf32, #tpu.memory_space<vmem>> -> memref<8x8x128xf32, #tpu.memory_space<vmem>>
        %dma_start3A_1703 = arith.constant 0 : i32
        %dma_start3A_1704 = arith.constant 0 : i32
        %dma_start3A_1705 = tpu.memref_slice %arg5[%dma_start3A_1703, %dma_start3A_1704, %multiple_of3A_1016] : memref<8x8x1000000xf32, #tpu.memory_space<hbm>> -> memref<8x8x128xf32, #tpu.memory_space<hbm>>
        %dma_start3A_1706 = arith.constant 0 : i32
        %dma_start3A_1707 = arith.constant 0 : i32
        %dma_start3A_1708 = arith.constant 0 : i32
        %dma_start3A_1709 = tpu.memref_slice %arg13[%dma_start3A_1706, %dma_start3A_1707, %dma_start3A_1708] : memref<8x8x768xf32, #tpu.memory_space<vmem>> -> memref<8x8x128xf32, #tpu.memory_space<vmem>>
        %dma_start3A_1710 = arith.constant 0 : i32
        %dma_start3A_1711 = arith.constant 0 : i32
        %dma_start3A_1712 = tpu.memref_slice %arg5[%dma_start3A_1710, %dma_start3A_1711, %multiple_of3A_1016] : memref<8x8x1000000xf32, #tpu.memory_space<hbm>> -> memref<8x8x128xf32, #tpu.memory_space<hbm>>
        tpu.enqueue_dma source(%dma_start3A_1712 : memref<8x8x128xf32, #tpu.memory_space<hbm>>) target(%dma_start3A_1709 : memref<8x8x128xf32, #tpu.memory_space<vmem>>) target_semaphore(%arg17 : memref<!tpu.dma_semaphore, #tpu.memory_space<semaphore_mem>>)
      } else {
      }
      %convert_element_type3A_1022 = arith.extui %ge3A_1013 : i1 to i32
      %cond3A_1023 = arith.constant 0 : i32
      %cond3A_1024 = arith.cmpi ne, %convert_element_type3A_1022, %cond3A_1023 : i32
      scf.if %cond3A_1024 {
        %dma_start3A = arith.constant 0 : i32
        %dma_start3A_1700 = arith.constant 0 : i32
        %dma_start3A_1701 = arith.constant 0 : i32
        %dma_start3A_1702 = tpu.memref_slice %arg13[%dma_start3A, %dma_start3A_1700, %dma_start3A_1701] : memref<8x8x768xf32, #tpu.memory_space<vmem>> -> memref<8x8x128xf32, #tpu.memory_space<vmem>>
        %dma_start3A_1703 = arith.constant 0 : i32
        %dma_start3A_1704 = arith.constant 0 : i32
        %dma_start3A_1705 = arith.constant 0 : i32
        %dma_start3A_1706 = tpu.memref_slice %arg13[%dma_start3A_1703, %dma_start3A_1704, %dma_start3A_1705] : memref<8x8x768xf32, #tpu.memory_space<vmem>> -> memref<8x8x128xf32, #tpu.memory_space<vmem>>
        tpu.enqueue_dma source(%arg7 : memref<8x8x128xf32, #tpu.memory_space<hbm>>) target(%dma_start3A_1706 : memref<8x8x128xf32, #tpu.memory_space<vmem>>) target_semaphore(%arg17 : memref<!tpu.dma_semaphore, #tpu.memory_space<semaphore_mem>>)
      } else {
      }
      %slice3A_1025 = vector.extract_strided_slice %get3A_59 {offsets = [13], sizes = [1], strides = [1]} : vector<16xi32> to vector<1xi32>
      %squeeze3A_1026 = vector.extract %slice3A_1025[0] : i32 from vector<1xi32>
      %ge3A_1027 = arith.constant 999936 : i32
      %ge3A_1028 = arith.cmpi sge, %squeeze3A_1026, %ge3A_1027 : i32
      %and3A_1029 = arith.constant -128 : i32
      %and3A_1030 = arith.andi %squeeze3A_1026, %and3A_1029 : i32
      %multiple_of3A_1031 = tpu.assume_multiple %and3A_1030, 128 : i32
      %not3A_1032 = arith.constant true
      %not3A_1033 = arith.xori %ge3A_1028, %not3A_1032 : i1
      %convert_element_type3A_1034 = arith.extui %not3A_1033 : i1 to i32
      %cond3A_1035 = arith.constant 0 : i32
      %cond3A_1036 = arith.cmpi ne, %convert_element_type3A_1034, %cond3A_1035 : i32
      scf.if %cond3A_1036 {
        %dma_start3A = arith.constant 0 : i32
        %dma_start3A_1700 = arith.constant 0 : i32
        %dma_start3A_1701 = arith.constant 128 : i32
        %dma_start3A_1702 = tpu.memref_slice %arg12[%dma_start3A, %dma_start3A_1700, %dma_start3A_1701] : memref<8x8x768xf32, #tpu.memory_space<vmem>> -> memref<8x8x128xf32, #tpu.memory_space<vmem>>
        %dma_start3A_1703 = arith.constant 0 : i32
        %dma_start3A_1704 = arith.constant 0 : i32
        %dma_start3A_1705 = tpu.memref_slice %arg4[%dma_start3A_1703, %dma_start3A_1704, %multiple_of3A_1031] : memref<8x8x1000000xf32, #tpu.memory_space<hbm>> -> memref<8x8x128xf32, #tpu.memory_space<hbm>>
        %dma_start3A_1706 = arith.constant 0 : i32
        %dma_start3A_1707 = arith.constant 0 : i32
        %dma_start3A_1708 = arith.constant 128 : i32
        %dma_start3A_1709 = tpu.memref_slice %arg12[%dma_start3A_1706, %dma_start3A_1707, %dma_start3A_1708] : memref<8x8x768xf32, #tpu.memory_space<vmem>> -> memref<8x8x128xf32, #tpu.memory_space<vmem>>
        %dma_start3A_1710 = arith.constant 0 : i32
        %dma_start3A_1711 = arith.constant 0 : i32
        %dma_start3A_1712 = tpu.memref_slice %arg4[%dma_start3A_1710, %dma_start3A_1711, %multiple_of3A_1031] : memref<8x8x1000000xf32, #tpu.memory_space<hbm>> -> memref<8x8x128xf32, #tpu.memory_space<hbm>>
        tpu.enqueue_dma source(%dma_start3A_1712 : memref<8x8x128xf32, #tpu.memory_space<hbm>>) target(%dma_start3A_1709 : memref<8x8x128xf32, #tpu.memory_space<vmem>>) target_semaphore(%arg16 : memref<!tpu.dma_semaphore, #tpu.memory_space<semaphore_mem>>)
      } else {
      }
      %convert_element_type3A_1037 = arith.extui %ge3A_1028 : i1 to i32
      %cond3A_1038 = arith.constant 0 : i32
      %cond3A_1039 = arith.cmpi ne, %convert_element_type3A_1037, %cond3A_1038 : i32
      scf.if %cond3A_1039 {
        %dma_start3A = arith.constant 0 : i32
        %dma_start3A_1700 = arith.constant 0 : i32
        %dma_start3A_1701 = arith.constant 128 : i32
        %dma_start3A_1702 = tpu.memref_slice %arg12[%dma_start3A, %dma_start3A_1700, %dma_start3A_1701] : memref<8x8x768xf32, #tpu.memory_space<vmem>> -> memref<8x8x128xf32, #tpu.memory_space<vmem>>
        %dma_start3A_1703 = arith.constant 0 : i32
        %dma_start3A_1704 = arith.constant 0 : i32
        %dma_start3A_1705 = arith.constant 128 : i32
        %dma_start3A_1706 = tpu.memref_slice %arg12[%dma_start3A_1703, %dma_start3A_1704, %dma_start3A_1705] : memref<8x8x768xf32, #tpu.memory_space<vmem>> -> memref<8x8x128xf32, #tpu.memory_space<vmem>>
        tpu.enqueue_dma source(%arg6 : memref<8x8x128xf32, #tpu.memory_space<hbm>>) target(%dma_start3A_1706 : memref<8x8x128xf32, #tpu.memory_space<vmem>>) target_semaphore(%arg16 : memref<!tpu.dma_semaphore, #tpu.memory_space<semaphore_mem>>)
      } else {
      }
      %slice3A_1040 = vector.extract_strided_slice %get3A_63 {offsets = [13], sizes = [1], strides = [1]} : vector<16xi32> to vector<1xi32>
      %squeeze3A_1041 = vector.extract %slice3A_1040[0] : i32 from vector<1xi32>
      %ge3A_1042 = arith.constant 999936 : i32
      %ge3A_1043 = arith.cmpi sge, %squeeze3A_1041, %ge3A_1042 : i32
      %and3A_1044 = arith.constant -128 : i32
      %and3A_1045 = arith.andi %squeeze3A_1041, %and3A_1044 : i32
      %multiple_of3A_1046 = tpu.assume_multiple %and3A_1045, 128 : i32
      %not3A_1047 = arith.constant true
      %not3A_1048 = arith.xori %ge3A_1043, %not3A_1047 : i1
      %convert_element_type3A_1049 = arith.extui %not3A_1048 : i1 to i32
      %cond3A_1050 = arith.constant 0 : i32
      %cond3A_1051 = arith.cmpi ne, %convert_element_type3A_1049, %cond3A_1050 : i32
      scf.if %cond3A_1051 {
        %dma_start3A = arith.constant 0 : i32
        %dma_start3A_1700 = arith.constant 0 : i32
        %dma_start3A_1701 = arith.constant 128 : i32
        %dma_start3A_1702 = tpu.memref_slice %arg13[%dma_start3A, %dma_start3A_1700, %dma_start3A_1701] : memref<8x8x768xf32, #tpu.memory_space<vmem>> -> memref<8x8x128xf32, #tpu.memory_space<vmem>>
        %dma_start3A_1703 = arith.constant 0 : i32
        %dma_start3A_1704 = arith.constant 0 : i32
        %dma_start3A_1705 = tpu.memref_slice %arg5[%dma_start3A_1703, %dma_start3A_1704, %multiple_of3A_1046] : memref<8x8x1000000xf32, #tpu.memory_space<hbm>> -> memref<8x8x128xf32, #tpu.memory_space<hbm>>
        %dma_start3A_1706 = arith.constant 0 : i32
        %dma_start3A_1707 = arith.constant 0 : i32
        %dma_start3A_1708 = arith.constant 128 : i32
        %dma_start3A_1709 = tpu.memref_slice %arg13[%dma_start3A_1706, %dma_start3A_1707, %dma_start3A_1708] : memref<8x8x768xf32, #tpu.memory_space<vmem>> -> memref<8x8x128xf32, #tpu.memory_space<vmem>>
        %dma_start3A_1710 = arith.constant 0 : i32
        %dma_start3A_1711 = arith.constant 0 : i32
        %dma_start3A_1712 = tpu.memref_slice %arg5[%dma_start3A_1710, %dma_start3A_1711, %multiple_of3A_1046] : memref<8x8x1000000xf32, #tpu.memory_space<hbm>> -> memref<8x8x128xf32, #tpu.memory_space<hbm>>
        tpu.enqueue_dma source(%dma_start3A_1712 : memref<8x8x128xf32, #tpu.memory_space<hbm>>) target(%dma_start3A_1709 : memref<8x8x128xf32, #tpu.memory_space<vmem>>) target_semaphore(%arg17 : memref<!tpu.dma_semaphore, #tpu.memory_space<semaphore_mem>>)
      } else {
      }
      %convert_element_type3A_1052 = arith.extui %ge3A_1043 : i1 to i32
      %cond3A_1053 = arith.constant 0 : i32
      %cond3A_1054 = arith.cmpi ne, %convert_element_type3A_1052, %cond3A_1053 : i32
      scf.if %cond3A_1054 {
        %dma_start3A = arith.constant 0 : i32
        %dma_start3A_1700 = arith.constant 0 : i32
        %dma_start3A_1701 = arith.constant 128 : i32
        %dma_start3A_1702 = tpu.memref_slice %arg13[%dma_start3A, %dma_start3A_1700, %dma_start3A_1701] : memref<8x8x768xf32, #tpu.memory_space<vmem>> -> memref<8x8x128xf32, #tpu.memory_space<vmem>>
        %dma_start3A_1703 = arith.constant 0 : i32
        %dma_start3A_1704 = arith.constant 0 : i32
        %dma_start3A_1705 = arith.constant 128 : i32
        %dma_start3A_1706 = tpu.memref_slice %arg13[%dma_start3A_1703, %dma_start3A_1704, %dma_start3A_1705] : memref<8x8x768xf32, #tpu.memory_space<vmem>> -> memref<8x8x128xf32, #tpu.memory_space<vmem>>
        tpu.enqueue_dma source(%arg7 : memref<8x8x128xf32, #tpu.memory_space<hbm>>) target(%dma_start3A_1706 : memref<8x8x128xf32, #tpu.memory_space<vmem>>) target_semaphore(%arg17 : memref<!tpu.dma_semaphore, #tpu.memory_space<semaphore_mem>>)
      } else {
      }
      %dma_wait3A_1055 = arith.constant 0 : i32
      %dma_wait3A_1056 = arith.constant 0 : i32
      %dma_wait3A_1057 = arith.constant 256 : i32
      %dma_wait3A_1058 = tpu.memref_slice %arg12[%dma_wait3A_1055, %dma_wait3A_1056, %dma_wait3A_1057] : memref<8x8x768xf32, #tpu.memory_space<vmem>> -> memref<8x8x128xf32, #tpu.memory_space<vmem>>
      %dma_wait3A_1059 = arith.constant 0 : i32
      %dma_wait3A_1060 = arith.constant 0 : i32
      %dma_wait3A_1061 = arith.constant 0 : i32
      %dma_wait3A_1062 = tpu.memref_slice %arg4[%dma_wait3A_1059, %dma_wait3A_1060, %dma_wait3A_1061] : memref<8x8x1000000xf32, #tpu.memory_space<hbm>> -> memref<8x8x128xf32, #tpu.memory_space<hbm>>
      %dma_wait3A_1063 = arith.constant 0 : i32
      %dma_wait3A_1064 = arith.constant 0 : i32
      %dma_wait3A_1065 = arith.constant 256 : i32
      %dma_wait3A_1066 = tpu.memref_slice %arg12[%dma_wait3A_1063, %dma_wait3A_1064, %dma_wait3A_1065] : memref<8x8x768xf32, #tpu.memory_space<vmem>> -> memref<8x8x128xf32, #tpu.memory_space<vmem>>
      %dma_wait3A_1067 = arith.constant 0 : i32
      %dma_wait3A_1068 = arith.constant 0 : i32
      %dma_wait3A_1069 = arith.constant 0 : i32
      %dma_wait3A_1070 = tpu.memref_slice %arg4[%dma_wait3A_1067, %dma_wait3A_1068, %dma_wait3A_1069] : memref<8x8x1000000xf32, #tpu.memory_space<hbm>> -> memref<8x8x128xf32, #tpu.memory_space<hbm>>
      tpu.wait_dma2 semaphore(%arg16 : memref<!tpu.dma_semaphore, #tpu.memory_space<semaphore_mem>>) src(%dma_wait3A_1070 : memref<8x8x128xf32, #tpu.memory_space<hbm>>) dst(%dma_wait3A_1066 : memref<8x8x128xf32, #tpu.memory_space<vmem>>)
      %dma_wait3A_1071 = arith.constant 0 : i32
      %dma_wait3A_1072 = arith.constant 0 : i32
      %dma_wait3A_1073 = arith.constant 256 : i32
      %dma_wait3A_1074 = tpu.memref_slice %arg13[%dma_wait3A_1071, %dma_wait3A_1072, %dma_wait3A_1073] : memref<8x8x768xf32, #tpu.memory_space<vmem>> -> memref<8x8x128xf32, #tpu.memory_space<vmem>>
      %dma_wait3A_1075 = arith.constant 0 : i32
      %dma_wait3A_1076 = arith.constant 0 : i32
      %dma_wait3A_1077 = arith.constant 0 : i32
      %dma_wait3A_1078 = tpu.memref_slice %arg5[%dma_wait3A_1075, %dma_wait3A_1076, %dma_wait3A_1077] : memref<8x8x1000000xf32, #tpu.memory_space<hbm>> -> memref<8x8x128xf32, #tpu.memory_space<hbm>>
      %dma_wait3A_1079 = arith.constant 0 : i32
      %dma_wait3A_1080 = arith.constant 0 : i32
      %dma_wait3A_1081 = arith.constant 256 : i32
      %dma_wait3A_1082 = tpu.memref_slice %arg13[%dma_wait3A_1079, %dma_wait3A_1080, %dma_wait3A_1081] : memref<8x8x768xf32, #tpu.memory_space<vmem>> -> memref<8x8x128xf32, #tpu.memory_space<vmem>>
      %dma_wait3A_1083 = arith.constant 0 : i32
      %dma_wait3A_1084 = arith.constant 0 : i32
      %dma_wait3A_1085 = arith.constant 0 : i32
      %dma_wait3A_1086 = tpu.memref_slice %arg5[%dma_wait3A_1083, %dma_wait3A_1084, %dma_wait3A_1085] : memref<8x8x1000000xf32, #tpu.memory_space<hbm>> -> memref<8x8x128xf32, #tpu.memory_space<hbm>>
      tpu.wait_dma2 semaphore(%arg17 : memref<!tpu.dma_semaphore, #tpu.memory_space<semaphore_mem>>) src(%dma_wait3A_1086 : memref<8x8x128xf32, #tpu.memory_space<hbm>>) dst(%dma_wait3A_1082 : memref<8x8x128xf32, #tpu.memory_space<vmem>>)
      %dma_wait3A_1087 = arith.constant 0 : i32
      %dma_wait3A_1088 = arith.constant 0 : i32
      %dma_wait3A_1089 = arith.constant 384 : i32
      %dma_wait3A_1090 = tpu.memref_slice %arg12[%dma_wait3A_1087, %dma_wait3A_1088, %dma_wait3A_1089] : memref<8x8x768xf32, #tpu.memory_space<vmem>> -> memref<8x8x128xf32, #tpu.memory_space<vmem>>
      %dma_wait3A_1091 = arith.constant 0 : i32
      %dma_wait3A_1092 = arith.constant 0 : i32
      %dma_wait3A_1093 = arith.constant 0 : i32
      %dma_wait3A_1094 = tpu.memref_slice %arg4[%dma_wait3A_1091, %dma_wait3A_1092, %dma_wait3A_1093] : memref<8x8x1000000xf32, #tpu.memory_space<hbm>> -> memref<8x8x128xf32, #tpu.memory_space<hbm>>
      %dma_wait3A_1095 = arith.constant 0 : i32
      %dma_wait3A_1096 = arith.constant 0 : i32
      %dma_wait3A_1097 = arith.constant 384 : i32
      %dma_wait3A_1098 = tpu.memref_slice %arg12[%dma_wait3A_1095, %dma_wait3A_1096, %dma_wait3A_1097] : memref<8x8x768xf32, #tpu.memory_space<vmem>> -> memref<8x8x128xf32, #tpu.memory_space<vmem>>
      %dma_wait3A_1099 = arith.constant 0 : i32
      %dma_wait3A_1100 = arith.constant 0 : i32
      %dma_wait3A_1101 = arith.constant 0 : i32
      %dma_wait3A_1102 = tpu.memref_slice %arg4[%dma_wait3A_1099, %dma_wait3A_1100, %dma_wait3A_1101] : memref<8x8x1000000xf32, #tpu.memory_space<hbm>> -> memref<8x8x128xf32, #tpu.memory_space<hbm>>
      tpu.wait_dma2 semaphore(%arg16 : memref<!tpu.dma_semaphore, #tpu.memory_space<semaphore_mem>>) src(%dma_wait3A_1102 : memref<8x8x128xf32, #tpu.memory_space<hbm>>) dst(%dma_wait3A_1098 : memref<8x8x128xf32, #tpu.memory_space<vmem>>)
      %dma_wait3A_1103 = arith.constant 0 : i32
      %dma_wait3A_1104 = arith.constant 0 : i32
      %dma_wait3A_1105 = arith.constant 384 : i32
      %dma_wait3A_1106 = tpu.memref_slice %arg13[%dma_wait3A_1103, %dma_wait3A_1104, %dma_wait3A_1105] : memref<8x8x768xf32, #tpu.memory_space<vmem>> -> memref<8x8x128xf32, #tpu.memory_space<vmem>>
      %dma_wait3A_1107 = arith.constant 0 : i32
      %dma_wait3A_1108 = arith.constant 0 : i32
      %dma_wait3A_1109 = arith.constant 0 : i32
      %dma_wait3A_1110 = tpu.memref_slice %arg5[%dma_wait3A_1107, %dma_wait3A_1108, %dma_wait3A_1109] : memref<8x8x1000000xf32, #tpu.memory_space<hbm>> -> memref<8x8x128xf32, #tpu.memory_space<hbm>>
      %dma_wait3A_1111 = arith.constant 0 : i32
      %dma_wait3A_1112 = arith.constant 0 : i32
      %dma_wait3A_1113 = arith.constant 384 : i32
      %dma_wait3A_1114 = tpu.memref_slice %arg13[%dma_wait3A_1111, %dma_wait3A_1112, %dma_wait3A_1113] : memref<8x8x768xf32, #tpu.memory_space<vmem>> -> memref<8x8x128xf32, #tpu.memory_space<vmem>>
      %dma_wait3A_1115 = arith.constant 0 : i32
      %dma_wait3A_1116 = arith.constant 0 : i32
      %dma_wait3A_1117 = arith.constant 0 : i32
      %dma_wait3A_1118 = tpu.memref_slice %arg5[%dma_wait3A_1115, %dma_wait3A_1116, %dma_wait3A_1117] : memref<8x8x1000000xf32, #tpu.memory_space<hbm>> -> memref<8x8x128xf32, #tpu.memory_space<hbm>>
      tpu.wait_dma2 semaphore(%arg17 : memref<!tpu.dma_semaphore, #tpu.memory_space<semaphore_mem>>) src(%dma_wait3A_1118 : memref<8x8x128xf32, #tpu.memory_space<hbm>>) dst(%dma_wait3A_1114 : memref<8x8x128xf32, #tpu.memory_space<vmem>>)
      %slice3A_1119 = vector.extract_strided_slice %get3A_59 {offsets = [8], sizes = [1], strides = [1]} : vector<16xi32> to vector<1xi32>
      %squeeze3A_1120 = vector.extract %slice3A_1119[0] : i32 from vector<1xi32>
      %slice3A_1121 = vector.extract_strided_slice %get3A_63 {offsets = [8], sizes = [1], strides = [1]} : vector<16xi32> to vector<1xi32>
      %squeeze3A_1122 = vector.extract %slice3A_1121[0] : i32 from vector<1xi32>
      %mul3A_1123 = arith.constant 16 : i32
      %mul3A_1124 = arith.muli %scan3A_55, %mul3A_1123 : i32
      %add3A_1125 = arith.constant 8 : i32
      %add3A_1126 = arith.addi %mul3A_1124, %add3A_1125 : i32
      %add3A_1127 = arith.constant 0 : i32
      %add3A_1128 = arith.addi %add3A_1126, %add3A_1127 : i32
      %ge3A_1129 = arith.constant 999936 : i32
      %ge3A_1130 = arith.cmpi sge, %squeeze3A_1120, %ge3A_1129 : i32
      %and3A_1131 = arith.constant -128 : i32
      %and3A_1132 = arith.andi %squeeze3A_1120, %and3A_1131 : i32
      %jit3A_1133 = arith.constant 999936 : i32
      %select_n3A_1134 = arith.select %ge3A_1130, %jit3A_1133, %and3A_1132 : i32
      %ge3A_1135 = arith.constant 999936 : i32
      %ge3A_1136 = arith.cmpi sge, %squeeze3A_1122, %ge3A_1135 : i32
      %and3A_1137 = arith.constant -128 : i32
      %and3A_1138 = arith.andi %squeeze3A_1122, %and3A_1137 : i32
      %jit3A_1139 = arith.constant 999936 : i32
      %select_n3A_1140 = arith.select %ge3A_1136, %jit3A_1139, %and3A_1138 : i32
      %broadcast_in_dim3A_1141 = arith.constant 256 : i32
      %broadcast_in_dim3A_1142 = vector.broadcast %broadcast_in_dim3A_1141 : i32 to vector<16xi32>
      %sub3A_1143 = arith.subi %squeeze3A_1120, %select_n3A_1134 : i32
      %add3A_1144 = vector.broadcast %sub3A_1143 : i32 to vector<16xi32>
      %add3A_1145 = arith.addi %broadcast_in_dim3A_1142, %add3A_1144 : vector<16xi32>
      %broadcast_in_dim3A_1146 = arith.constant 256 : i32
      %broadcast_in_dim3A_1147 = vector.broadcast %broadcast_in_dim3A_1146 : i32 to vector<16xi32>
      %sub3A_1148 = arith.subi %squeeze3A_1122, %select_n3A_1140 : i32
      %add3A_1149 = vector.broadcast %sub3A_1148 : i32 to vector<16xi32>
      %add3A_1150 = arith.addi %broadcast_in_dim3A_1147, %add3A_1149 : vector<16xi32>
      %broadcast_in_dim3A_1151 = vector.broadcast %add3A_1128 : i32 to vector<16xi32>
      %gather3A_1152 = tpu.vector_load_idx %arg12[%shift_right_arithmetic3A_7, %and3A_30, %add3A_1145] : memref<8x8x768xf32, #tpu.memory_space<vmem>>[vector<16xi32>, vector<16xi32>, vector<16xi32>], vector<16xf32>,
      tpu.vector_store_idx %arg14[%shift_right_arithmetic3A_7, %and3A_30, %broadcast_in_dim3A_1151], %gather3A_1152 : memref<8x8x128xf32, #tpu.memory_space<vmem>>[vector<16xi32>, vector<16xi32>, vector<16xi32>], vector<16xf32>,
      %gather3A_1153 = tpu.vector_load_idx %arg13[%shift_right_arithmetic3A_7, %and3A_30, %add3A_1150] : memref<8x8x768xf32, #tpu.memory_space<vmem>>[vector<16xi32>, vector<16xi32>, vector<16xi32>], vector<16xf32>,
      tpu.vector_store_idx %arg15[%shift_right_arithmetic3A_7, %and3A_30, %broadcast_in_dim3A_1151], %gather3A_1153 : memref<8x8x128xf32, #tpu.memory_space<vmem>>[vector<16xi32>, vector<16xi32>, vector<16xi32>], vector<16xf32>,
      %gather3A_1154 = tpu.vector_load_idx %arg12[%shift_right_arithmetic3A_13, %and3A_36, %add3A_1145] : memref<8x8x768xf32, #tpu.memory_space<vmem>>[vector<16xi32>, vector<16xi32>, vector<16xi32>], vector<16xf32>,
      tpu.vector_store_idx %arg14[%shift_right_arithmetic3A_13, %and3A_36, %broadcast_in_dim3A_1151], %gather3A_1154 : memref<8x8x128xf32, #tpu.memory_space<vmem>>[vector<16xi32>, vector<16xi32>, vector<16xi32>], vector<16xf32>,
      %gather3A_1155 = tpu.vector_load_idx %arg13[%shift_right_arithmetic3A_13, %and3A_36, %add3A_1150] : memref<8x8x768xf32, #tpu.memory_space<vmem>>[vector<16xi32>, vector<16xi32>, vector<16xi32>], vector<16xf32>,
      tpu.vector_store_idx %arg15[%shift_right_arithmetic3A_13, %and3A_36, %broadcast_in_dim3A_1151], %gather3A_1155 : memref<8x8x128xf32, #tpu.memory_space<vmem>>[vector<16xi32>, vector<16xi32>, vector<16xi32>], vector<16xf32>,
      %gather3A_1156 = tpu.vector_load_idx %arg12[%shift_right_arithmetic3A_19, %and3A_42, %add3A_1145] : memref<8x8x768xf32, #tpu.memory_space<vmem>>[vector<16xi32>, vector<16xi32>, vector<16xi32>], vector<16xf32>,
      tpu.vector_store_idx %arg14[%shift_right_arithmetic3A_19, %and3A_42, %broadcast_in_dim3A_1151], %gather3A_1156 : memref<8x8x128xf32, #tpu.memory_space<vmem>>[vector<16xi32>, vector<16xi32>, vector<16xi32>], vector<16xf32>,
      %gather3A_1157 = tpu.vector_load_idx %arg13[%shift_right_arithmetic3A_19, %and3A_42, %add3A_1150] : memref<8x8x768xf32, #tpu.memory_space<vmem>>[vector<16xi32>, vector<16xi32>, vector<16xi32>], vector<16xf32>,
      tpu.vector_store_idx %arg15[%shift_right_arithmetic3A_19, %and3A_42, %broadcast_in_dim3A_1151], %gather3A_1157 : memref<8x8x128xf32, #tpu.memory_space<vmem>>[vector<16xi32>, vector<16xi32>, vector<16xi32>], vector<16xf32>,
      %gather3A_1158 = tpu.vector_load_idx %arg12[%shift_right_arithmetic3A_25, %and3A_48, %add3A_1145] : memref<8x8x768xf32, #tpu.memory_space<vmem>>[vector<16xi32>, vector<16xi32>, vector<16xi32>], vector<16xf32>,
      tpu.vector_store_idx %arg14[%shift_right_arithmetic3A_25, %and3A_48, %broadcast_in_dim3A_1151], %gather3A_1158 : memref<8x8x128xf32, #tpu.memory_space<vmem>>[vector<16xi32>, vector<16xi32>, vector<16xi32>], vector<16xf32>,
      %gather3A_1159 = tpu.vector_load_idx %arg13[%shift_right_arithmetic3A_25, %and3A_48, %add3A_1150] : memref<8x8x768xf32, #tpu.memory_space<vmem>>[vector<16xi32>, vector<16xi32>, vector<16xi32>], vector<16xf32>,
      tpu.vector_store_idx %arg15[%shift_right_arithmetic3A_25, %and3A_48, %broadcast_in_dim3A_1151], %gather3A_1159 : memref<8x8x128xf32, #tpu.memory_space<vmem>>[vector<16xi32>, vector<16xi32>, vector<16xi32>], vector<16xf32>,
      %slice3A_1160 = vector.extract_strided_slice %get3A_59 {offsets = [9], sizes = [1], strides = [1]} : vector<16xi32> to vector<1xi32>
      %squeeze3A_1161 = vector.extract %slice3A_1160[0] : i32 from vector<1xi32>
      %slice3A_1162 = vector.extract_strided_slice %get3A_63 {offsets = [9], sizes = [1], strides = [1]} : vector<16xi32> to vector<1xi32>
      %squeeze3A_1163 = vector.extract %slice3A_1162[0] : i32 from vector<1xi32>
      %mul3A_1164 = arith.constant 16 : i32
      %mul3A_1165 = arith.muli %scan3A_55, %mul3A_1164 : i32
      %add3A_1166 = arith.constant 8 : i32
      %add3A_1167 = arith.addi %mul3A_1165, %add3A_1166 : i32
      %add3A_1168 = arith.constant 1 : i32
      %add3A_1169 = arith.addi %add3A_1167, %add3A_1168 : i32
      %ge3A_1170 = arith.constant 999936 : i32
      %ge3A_1171 = arith.cmpi sge, %squeeze3A_1161, %ge3A_1170 : i32
      %and3A_1172 = arith.constant -128 : i32
      %and3A_1173 = arith.andi %squeeze3A_1161, %and3A_1172 : i32
      %jit3A_1174 = arith.constant 999936 : i32
      %select_n3A_1175 = arith.select %ge3A_1171, %jit3A_1174, %and3A_1173 : i32
      %ge3A_1176 = arith.constant 999936 : i32
      %ge3A_1177 = arith.cmpi sge, %squeeze3A_1163, %ge3A_1176 : i32
      %and3A_1178 = arith.constant -128 : i32
      %and3A_1179 = arith.andi %squeeze3A_1163, %and3A_1178 : i32
      %jit3A_1180 = arith.constant 999936 : i32
      %select_n3A_1181 = arith.select %ge3A_1177, %jit3A_1180, %and3A_1179 : i32
      %broadcast_in_dim3A_1182 = arith.constant 384 : i32
      %broadcast_in_dim3A_1183 = vector.broadcast %broadcast_in_dim3A_1182 : i32 to vector<16xi32>
      %sub3A_1184 = arith.subi %squeeze3A_1161, %select_n3A_1175 : i32
      %add3A_1185 = vector.broadcast %sub3A_1184 : i32 to vector<16xi32>
      %add3A_1186 = arith.addi %broadcast_in_dim3A_1183, %add3A_1185 : vector<16xi32>
      %broadcast_in_dim3A_1187 = arith.constant 384 : i32
      %broadcast_in_dim3A_1188 = vector.broadcast %broadcast_in_dim3A_1187 : i32 to vector<16xi32>
      %sub3A_1189 = arith.subi %squeeze3A_1163, %select_n3A_1181 : i32
      %add3A_1190 = vector.broadcast %sub3A_1189 : i32 to vector<16xi32>
      %add3A_1191 = arith.addi %broadcast_in_dim3A_1188, %add3A_1190 : vector<16xi32>
      %broadcast_in_dim3A_1192 = vector.broadcast %add3A_1169 : i32 to vector<16xi32>
      %gather3A_1193 = tpu.vector_load_idx %arg12[%shift_right_arithmetic3A_7, %and3A_30, %add3A_1186] : memref<8x8x768xf32, #tpu.memory_space<vmem>>[vector<16xi32>, vector<16xi32>, vector<16xi32>], vector<16xf32>,
      tpu.vector_store_idx %arg14[%shift_right_arithmetic3A_7, %and3A_30, %broadcast_in_dim3A_1192], %gather3A_1193 : memref<8x8x128xf32, #tpu.memory_space<vmem>>[vector<16xi32>, vector<16xi32>, vector<16xi32>], vector<16xf32>,
      %gather3A_1194 = tpu.vector_load_idx %arg13[%shift_right_arithmetic3A_7, %and3A_30, %add3A_1191] : memref<8x8x768xf32, #tpu.memory_space<vmem>>[vector<16xi32>, vector<16xi32>, vector<16xi32>], vector<16xf32>,
      tpu.vector_store_idx %arg15[%shift_right_arithmetic3A_7, %and3A_30, %broadcast_in_dim3A_1192], %gather3A_1194 : memref<8x8x128xf32, #tpu.memory_space<vmem>>[vector<16xi32>, vector<16xi32>, vector<16xi32>], vector<16xf32>,
      %gather3A_1195 = tpu.vector_load_idx %arg12[%shift_right_arithmetic3A_13, %and3A_36, %add3A_1186] : memref<8x8x768xf32, #tpu.memory_space<vmem>>[vector<16xi32>, vector<16xi32>, vector<16xi32>], vector<16xf32>,
      tpu.vector_store_idx %arg14[%shift_right_arithmetic3A_13, %and3A_36, %broadcast_in_dim3A_1192], %gather3A_1195 : memref<8x8x128xf32, #tpu.memory_space<vmem>>[vector<16xi32>, vector<16xi32>, vector<16xi32>], vector<16xf32>,
      %gather3A_1196 = tpu.vector_load_idx %arg13[%shift_right_arithmetic3A_13, %and3A_36, %add3A_1191] : memref<8x8x768xf32, #tpu.memory_space<vmem>>[vector<16xi32>, vector<16xi32>, vector<16xi32>], vector<16xf32>,
      tpu.vector_store_idx %arg15[%shift_right_arithmetic3A_13, %and3A_36, %broadcast_in_dim3A_1192], %gather3A_1196 : memref<8x8x128xf32, #tpu.memory_space<vmem>>[vector<16xi32>, vector<16xi32>, vector<16xi32>], vector<16xf32>,
      %gather3A_1197 = tpu.vector_load_idx %arg12[%shift_right_arithmetic3A_19, %and3A_42, %add3A_1186] : memref<8x8x768xf32, #tpu.memory_space<vmem>>[vector<16xi32>, vector<16xi32>, vector<16xi32>], vector<16xf32>,
      tpu.vector_store_idx %arg14[%shift_right_arithmetic3A_19, %and3A_42, %broadcast_in_dim3A_1192], %gather3A_1197 : memref<8x8x128xf32, #tpu.memory_space<vmem>>[vector<16xi32>, vector<16xi32>, vector<16xi32>], vector<16xf32>,
      %gather3A_1198 = tpu.vector_load_idx %arg13[%shift_right_arithmetic3A_19, %and3A_42, %add3A_1191] : memref<8x8x768xf32, #tpu.memory_space<vmem>>[vector<16xi32>, vector<16xi32>, vector<16xi32>], vector<16xf32>,
      tpu.vector_store_idx %arg15[%shift_right_arithmetic3A_19, %and3A_42, %broadcast_in_dim3A_1192], %gather3A_1198 : memref<8x8x128xf32, #tpu.memory_space<vmem>>[vector<16xi32>, vector<16xi32>, vector<16xi32>], vector<16xf32>,
      %gather3A_1199 = tpu.vector_load_idx %arg12[%shift_right_arithmetic3A_25, %and3A_48, %add3A_1186] : memref<8x8x768xf32, #tpu.memory_space<vmem>>[vector<16xi32>, vector<16xi32>, vector<16xi32>], vector<16xf32>,
      tpu.vector_store_idx %arg14[%shift_right_arithmetic3A_25, %and3A_48, %broadcast_in_dim3A_1192], %gather3A_1199 : memref<8x8x128xf32, #tpu.memory_space<vmem>>[vector<16xi32>, vector<16xi32>, vector<16xi32>], vector<16xf32>,
      %gather3A_1200 = tpu.vector_load_idx %arg13[%shift_right_arithmetic3A_25, %and3A_48, %add3A_1191] : memref<8x8x768xf32, #tpu.memory_space<vmem>>[vector<16xi32>, vector<16xi32>, vector<16xi32>], vector<16xf32>,
      tpu.vector_store_idx %arg15[%shift_right_arithmetic3A_25, %and3A_48, %broadcast_in_dim3A_1192], %gather3A_1200 : memref<8x8x128xf32, #tpu.memory_space<vmem>>[vector<16xi32>, vector<16xi32>, vector<16xi32>], vector<16xf32>,
      %slice3A_1201 = vector.extract_strided_slice %get3A_59 {offsets = [14], sizes = [1], strides = [1]} : vector<16xi32> to vector<1xi32>
      %squeeze3A_1202 = vector.extract %slice3A_1201[0] : i32 from vector<1xi32>
      %ge3A_1203 = arith.constant 999936 : i32
      %ge3A_1204 = arith.cmpi sge, %squeeze3A_1202, %ge3A_1203 : i32
      %and3A_1205 = arith.constant -128 : i32
      %and3A_1206 = arith.andi %squeeze3A_1202, %and3A_1205 : i32
      %multiple_of3A_1207 = tpu.assume_multiple %and3A_1206, 128 : i32
      %not3A_1208 = arith.constant true
      %not3A_1209 = arith.xori %ge3A_1204, %not3A_1208 : i1
      %convert_element_type3A_1210 = arith.extui %not3A_1209 : i1 to i32
      %cond3A_1211 = arith.constant 0 : i32
      %cond3A_1212 = arith.cmpi ne, %convert_element_type3A_1210, %cond3A_1211 : i32
      scf.if %cond3A_1212 {
        %dma_start3A = arith.constant 0 : i32
        %dma_start3A_1700 = arith.constant 0 : i32
        %dma_start3A_1701 = arith.constant 256 : i32
        %dma_start3A_1702 = tpu.memref_slice %arg12[%dma_start3A, %dma_start3A_1700, %dma_start3A_1701] : memref<8x8x768xf32, #tpu.memory_space<vmem>> -> memref<8x8x128xf32, #tpu.memory_space<vmem>>
        %dma_start3A_1703 = arith.constant 0 : i32
        %dma_start3A_1704 = arith.constant 0 : i32
        %dma_start3A_1705 = tpu.memref_slice %arg4[%dma_start3A_1703, %dma_start3A_1704, %multiple_of3A_1207] : memref<8x8x1000000xf32, #tpu.memory_space<hbm>> -> memref<8x8x128xf32, #tpu.memory_space<hbm>>
        %dma_start3A_1706 = arith.constant 0 : i32
        %dma_start3A_1707 = arith.constant 0 : i32
        %dma_start3A_1708 = arith.constant 256 : i32
        %dma_start3A_1709 = tpu.memref_slice %arg12[%dma_start3A_1706, %dma_start3A_1707, %dma_start3A_1708] : memref<8x8x768xf32, #tpu.memory_space<vmem>> -> memref<8x8x128xf32, #tpu.memory_space<vmem>>
        %dma_start3A_1710 = arith.constant 0 : i32
        %dma_start3A_1711 = arith.constant 0 : i32
        %dma_start3A_1712 = tpu.memref_slice %arg4[%dma_start3A_1710, %dma_start3A_1711, %multiple_of3A_1207] : memref<8x8x1000000xf32, #tpu.memory_space<hbm>> -> memref<8x8x128xf32, #tpu.memory_space<hbm>>
        tpu.enqueue_dma source(%dma_start3A_1712 : memref<8x8x128xf32, #tpu.memory_space<hbm>>) target(%dma_start3A_1709 : memref<8x8x128xf32, #tpu.memory_space<vmem>>) target_semaphore(%arg16 : memref<!tpu.dma_semaphore, #tpu.memory_space<semaphore_mem>>)
      } else {
      }
      %convert_element_type3A_1213 = arith.extui %ge3A_1204 : i1 to i32
      %cond3A_1214 = arith.constant 0 : i32
      %cond3A_1215 = arith.cmpi ne, %convert_element_type3A_1213, %cond3A_1214 : i32
      scf.if %cond3A_1215 {
        %dma_start3A = arith.constant 0 : i32
        %dma_start3A_1700 = arith.constant 0 : i32
        %dma_start3A_1701 = arith.constant 256 : i32
        %dma_start3A_1702 = tpu.memref_slice %arg12[%dma_start3A, %dma_start3A_1700, %dma_start3A_1701] : memref<8x8x768xf32, #tpu.memory_space<vmem>> -> memref<8x8x128xf32, #tpu.memory_space<vmem>>
        %dma_start3A_1703 = arith.constant 0 : i32
        %dma_start3A_1704 = arith.constant 0 : i32
        %dma_start3A_1705 = arith.constant 256 : i32
        %dma_start3A_1706 = tpu.memref_slice %arg12[%dma_start3A_1703, %dma_start3A_1704, %dma_start3A_1705] : memref<8x8x768xf32, #tpu.memory_space<vmem>> -> memref<8x8x128xf32, #tpu.memory_space<vmem>>
        tpu.enqueue_dma source(%arg6 : memref<8x8x128xf32, #tpu.memory_space<hbm>>) target(%dma_start3A_1706 : memref<8x8x128xf32, #tpu.memory_space<vmem>>) target_semaphore(%arg16 : memref<!tpu.dma_semaphore, #tpu.memory_space<semaphore_mem>>)
      } else {
      }
      %slice3A_1216 = vector.extract_strided_slice %get3A_63 {offsets = [14], sizes = [1], strides = [1]} : vector<16xi32> to vector<1xi32>
      %squeeze3A_1217 = vector.extract %slice3A_1216[0] : i32 from vector<1xi32>
      %ge3A_1218 = arith.constant 999936 : i32
      %ge3A_1219 = arith.cmpi sge, %squeeze3A_1217, %ge3A_1218 : i32
      %and3A_1220 = arith.constant -128 : i32
      %and3A_1221 = arith.andi %squeeze3A_1217, %and3A_1220 : i32
      %multiple_of3A_1222 = tpu.assume_multiple %and3A_1221, 128 : i32
      %not3A_1223 = arith.constant true
      %not3A_1224 = arith.xori %ge3A_1219, %not3A_1223 : i1
      %convert_element_type3A_1225 = arith.extui %not3A_1224 : i1 to i32
      %cond3A_1226 = arith.constant 0 : i32
      %cond3A_1227 = arith.cmpi ne, %convert_element_type3A_1225, %cond3A_1226 : i32
      scf.if %cond3A_1227 {
        %dma_start3A = arith.constant 0 : i32
        %dma_start3A_1700 = arith.constant 0 : i32
        %dma_start3A_1701 = arith.constant 256 : i32
        %dma_start3A_1702 = tpu.memref_slice %arg13[%dma_start3A, %dma_start3A_1700, %dma_start3A_1701] : memref<8x8x768xf32, #tpu.memory_space<vmem>> -> memref<8x8x128xf32, #tpu.memory_space<vmem>>
        %dma_start3A_1703 = arith.constant 0 : i32
        %dma_start3A_1704 = arith.constant 0 : i32
        %dma_start3A_1705 = tpu.memref_slice %arg5[%dma_start3A_1703, %dma_start3A_1704, %multiple_of3A_1222] : memref<8x8x1000000xf32, #tpu.memory_space<hbm>> -> memref<8x8x128xf32, #tpu.memory_space<hbm>>
        %dma_start3A_1706 = arith.constant 0 : i32
        %dma_start3A_1707 = arith.constant 0 : i32
        %dma_start3A_1708 = arith.constant 256 : i32
        %dma_start3A_1709 = tpu.memref_slice %arg13[%dma_start3A_1706, %dma_start3A_1707, %dma_start3A_1708] : memref<8x8x768xf32, #tpu.memory_space<vmem>> -> memref<8x8x128xf32, #tpu.memory_space<vmem>>
        %dma_start3A_1710 = arith.constant 0 : i32
        %dma_start3A_1711 = arith.constant 0 : i32
        %dma_start3A_1712 = tpu.memref_slice %arg5[%dma_start3A_1710, %dma_start3A_1711, %multiple_of3A_1222] : memref<8x8x1000000xf32, #tpu.memory_space<hbm>> -> memref<8x8x128xf32, #tpu.memory_space<hbm>>
        tpu.enqueue_dma source(%dma_start3A_1712 : memref<8x8x128xf32, #tpu.memory_space<hbm>>) target(%dma_start3A_1709 : memref<8x8x128xf32, #tpu.memory_space<vmem>>) target_semaphore(%arg17 : memref<!tpu.dma_semaphore, #tpu.memory_space<semaphore_mem>>)
      } else {
      }
      %convert_element_type3A_1228 = arith.extui %ge3A_1219 : i1 to i32
      %cond3A_1229 = arith.constant 0 : i32
      %cond3A_1230 = arith.cmpi ne, %convert_element_type3A_1228, %cond3A_1229 : i32
      scf.if %cond3A_1230 {
        %dma_start3A = arith.constant 0 : i32
        %dma_start3A_1700 = arith.constant 0 : i32
        %dma_start3A_1701 = arith.constant 256 : i32
        %dma_start3A_1702 = tpu.memref_slice %arg13[%dma_start3A, %dma_start3A_1700, %dma_start3A_1701] : memref<8x8x768xf32, #tpu.memory_space<vmem>> -> memref<8x8x128xf32, #tpu.memory_space<vmem>>
        %dma_start3A_1703 = arith.constant 0 : i32
        %dma_start3A_1704 = arith.constant 0 : i32
        %dma_start3A_1705 = arith.constant 256 : i32
        %dma_start3A_1706 = tpu.memref_slice %arg13[%dma_start3A_1703, %dma_start3A_1704, %dma_start3A_1705] : memref<8x8x768xf32, #tpu.memory_space<vmem>> -> memref<8x8x128xf32, #tpu.memory_space<vmem>>
        tpu.enqueue_dma source(%arg7 : memref<8x8x128xf32, #tpu.memory_space<hbm>>) target(%dma_start3A_1706 : memref<8x8x128xf32, #tpu.memory_space<vmem>>) target_semaphore(%arg17 : memref<!tpu.dma_semaphore, #tpu.memory_space<semaphore_mem>>)
      } else {
      }
      %slice3A_1231 = vector.extract_strided_slice %get3A_59 {offsets = [15], sizes = [1], strides = [1]} : vector<16xi32> to vector<1xi32>
      %squeeze3A_1232 = vector.extract %slice3A_1231[0] : i32 from vector<1xi32>
      %ge3A_1233 = arith.constant 999936 : i32
      %ge3A_1234 = arith.cmpi sge, %squeeze3A_1232, %ge3A_1233 : i32
      %and3A_1235 = arith.constant -128 : i32
      %and3A_1236 = arith.andi %squeeze3A_1232, %and3A_1235 : i32
      %multiple_of3A_1237 = tpu.assume_multiple %and3A_1236, 128 : i32
      %not3A_1238 = arith.constant true
      %not3A_1239 = arith.xori %ge3A_1234, %not3A_1238 : i1
      %convert_element_type3A_1240 = arith.extui %not3A_1239 : i1 to i32
      %cond3A_1241 = arith.constant 0 : i32
      %cond3A_1242 = arith.cmpi ne, %convert_element_type3A_1240, %cond3A_1241 : i32
      scf.if %cond3A_1242 {
        %dma_start3A = arith.constant 0 : i32
        %dma_start3A_1700 = arith.constant 0 : i32
        %dma_start3A_1701 = arith.constant 384 : i32
        %dma_start3A_1702 = tpu.memref_slice %arg12[%dma_start3A, %dma_start3A_1700, %dma_start3A_1701] : memref<8x8x768xf32, #tpu.memory_space<vmem>> -> memref<8x8x128xf32, #tpu.memory_space<vmem>>
        %dma_start3A_1703 = arith.constant 0 : i32
        %dma_start3A_1704 = arith.constant 0 : i32
        %dma_start3A_1705 = tpu.memref_slice %arg4[%dma_start3A_1703, %dma_start3A_1704, %multiple_of3A_1237] : memref<8x8x1000000xf32, #tpu.memory_space<hbm>> -> memref<8x8x128xf32, #tpu.memory_space<hbm>>
        %dma_start3A_1706 = arith.constant 0 : i32
        %dma_start3A_1707 = arith.constant 0 : i32
        %dma_start3A_1708 = arith.constant 384 : i32
        %dma_start3A_1709 = tpu.memref_slice %arg12[%dma_start3A_1706, %dma_start3A_1707, %dma_start3A_1708] : memref<8x8x768xf32, #tpu.memory_space<vmem>> -> memref<8x8x128xf32, #tpu.memory_space<vmem>>
        %dma_start3A_1710 = arith.constant 0 : i32
        %dma_start3A_1711 = arith.constant 0 : i32
        %dma_start3A_1712 = tpu.memref_slice %arg4[%dma_start3A_1710, %dma_start3A_1711, %multiple_of3A_1237] : memref<8x8x1000000xf32, #tpu.memory_space<hbm>> -> memref<8x8x128xf32, #tpu.memory_space<hbm>>
        tpu.enqueue_dma source(%dma_start3A_1712 : memref<8x8x128xf32, #tpu.memory_space<hbm>>) target(%dma_start3A_1709 : memref<8x8x128xf32, #tpu.memory_space<vmem>>) target_semaphore(%arg16 : memref<!tpu.dma_semaphore, #tpu.memory_space<semaphore_mem>>)
      } else {
      }
      %convert_element_type3A_1243 = arith.extui %ge3A_1234 : i1 to i32
      %cond3A_1244 = arith.constant 0 : i32
      %cond3A_1245 = arith.cmpi ne, %convert_element_type3A_1243, %cond3A_1244 : i32
      scf.if %cond3A_1245 {
        %dma_start3A = arith.constant 0 : i32
        %dma_start3A_1700 = arith.constant 0 : i32
        %dma_start3A_1701 = arith.constant 384 : i32
        %dma_start3A_1702 = tpu.memref_slice %arg12[%dma_start3A, %dma_start3A_1700, %dma_start3A_1701] : memref<8x8x768xf32, #tpu.memory_space<vmem>> -> memref<8x8x128xf32, #tpu.memory_space<vmem>>
        %dma_start3A_1703 = arith.constant 0 : i32
        %dma_start3A_1704 = arith.constant 0 : i32
        %dma_start3A_1705 = arith.constant 384 : i32
        %dma_start3A_1706 = tpu.memref_slice %arg12[%dma_start3A_1703, %dma_start3A_1704, %dma_start3A_1705] : memref<8x8x768xf32, #tpu.memory_space<vmem>> -> memref<8x8x128xf32, #tpu.memory_space<vmem>>
        tpu.enqueue_dma source(%arg6 : memref<8x8x128xf32, #tpu.memory_space<hbm>>) target(%dma_start3A_1706 : memref<8x8x128xf32, #tpu.memory_space<vmem>>) target_semaphore(%arg16 : memref<!tpu.dma_semaphore, #tpu.memory_space<semaphore_mem>>)
      } else {
      }
      %slice3A_1246 = vector.extract_strided_slice %get3A_63 {offsets = [15], sizes = [1], strides = [1]} : vector<16xi32> to vector<1xi32>
      %squeeze3A_1247 = vector.extract %slice3A_1246[0] : i32 from vector<1xi32>
      %ge3A_1248 = arith.constant 999936 : i32
      %ge3A_1249 = arith.cmpi sge, %squeeze3A_1247, %ge3A_1248 : i32
      %and3A_1250 = arith.constant -128 : i32
      %and3A_1251 = arith.andi %squeeze3A_1247, %and3A_1250 : i32
      %multiple_of3A_1252 = tpu.assume_multiple %and3A_1251, 128 : i32
      %not3A_1253 = arith.constant true
      %not3A_1254 = arith.xori %ge3A_1249, %not3A_1253 : i1
      %convert_element_type3A_1255 = arith.extui %not3A_1254 : i1 to i32
      %cond3A_1256 = arith.constant 0 : i32
      %cond3A_1257 = arith.cmpi ne, %convert_element_type3A_1255, %cond3A_1256 : i32
      scf.if %cond3A_1257 {
        %dma_start3A = arith.constant 0 : i32
        %dma_start3A_1700 = arith.constant 0 : i32
        %dma_start3A_1701 = arith.constant 384 : i32
        %dma_start3A_1702 = tpu.memref_slice %arg13[%dma_start3A, %dma_start3A_1700, %dma_start3A_1701] : memref<8x8x768xf32, #tpu.memory_space<vmem>> -> memref<8x8x128xf32, #tpu.memory_space<vmem>>
        %dma_start3A_1703 = arith.constant 0 : i32
        %dma_start3A_1704 = arith.constant 0 : i32
        %dma_start3A_1705 = tpu.memref_slice %arg5[%dma_start3A_1703, %dma_start3A_1704, %multiple_of3A_1252] : memref<8x8x1000000xf32, #tpu.memory_space<hbm>> -> memref<8x8x128xf32, #tpu.memory_space<hbm>>
        %dma_start3A_1706 = arith.constant 0 : i32
        %dma_start3A_1707 = arith.constant 0 : i32
        %dma_start3A_1708 = arith.constant 384 : i32
        %dma_start3A_1709 = tpu.memref_slice %arg13[%dma_start3A_1706, %dma_start3A_1707, %dma_start3A_1708] : memref<8x8x768xf32, #tpu.memory_space<vmem>> -> memref<8x8x128xf32, #tpu.memory_space<vmem>>
        %dma_start3A_1710 = arith.constant 0 : i32
        %dma_start3A_1711 = arith.constant 0 : i32
        %dma_start3A_1712 = tpu.memref_slice %arg5[%dma_start3A_1710, %dma_start3A_1711, %multiple_of3A_1252] : memref<8x8x1000000xf32, #tpu.memory_space<hbm>> -> memref<8x8x128xf32, #tpu.memory_space<hbm>>
        tpu.enqueue_dma source(%dma_start3A_1712 : memref<8x8x128xf32, #tpu.memory_space<hbm>>) target(%dma_start3A_1709 : memref<8x8x128xf32, #tpu.memory_space<vmem>>) target_semaphore(%arg17 : memref<!tpu.dma_semaphore, #tpu.memory_space<semaphore_mem>>)
      } else {
      }
      %convert_element_type3A_1258 = arith.extui %ge3A_1249 : i1 to i32
      %cond3A_1259 = arith.constant 0 : i32
      %cond3A_1260 = arith.cmpi ne, %convert_element_type3A_1258, %cond3A_1259 : i32
      scf.if %cond3A_1260 {
        %dma_start3A = arith.constant 0 : i32
        %dma_start3A_1700 = arith.constant 0 : i32
        %dma_start3A_1701 = arith.constant 384 : i32
        %dma_start3A_1702 = tpu.memref_slice %arg13[%dma_start3A, %dma_start3A_1700, %dma_start3A_1701] : memref<8x8x768xf32, #tpu.memory_space<vmem>> -> memref<8x8x128xf32, #tpu.memory_space<vmem>>
        %dma_start3A_1703 = arith.constant 0 : i32
        %dma_start3A_1704 = arith.constant 0 : i32
        %dma_start3A_1705 = arith.constant 384 : i32
        %dma_start3A_1706 = tpu.memref_slice %arg13[%dma_start3A_1703, %dma_start3A_1704, %dma_start3A_1705] : memref<8x8x768xf32, #tpu.memory_space<vmem>> -> memref<8x8x128xf32, #tpu.memory_space<vmem>>
        tpu.enqueue_dma source(%arg7 : memref<8x8x128xf32, #tpu.memory_space<hbm>>) target(%dma_start3A_1706 : memref<8x8x128xf32, #tpu.memory_space<vmem>>) target_semaphore(%arg17 : memref<!tpu.dma_semaphore, #tpu.memory_space<semaphore_mem>>)
      } else {
      }
      %dma_wait3A_1261 = arith.constant 0 : i32
      %dma_wait3A_1262 = arith.constant 0 : i32
      %dma_wait3A_1263 = arith.constant 512 : i32
      %dma_wait3A_1264 = tpu.memref_slice %arg12[%dma_wait3A_1261, %dma_wait3A_1262, %dma_wait3A_1263] : memref<8x8x768xf32, #tpu.memory_space<vmem>> -> memref<8x8x128xf32, #tpu.memory_space<vmem>>
      %dma_wait3A_1265 = arith.constant 0 : i32
      %dma_wait3A_1266 = arith.constant 0 : i32
      %dma_wait3A_1267 = arith.constant 0 : i32
      %dma_wait3A_1268 = tpu.memref_slice %arg4[%dma_wait3A_1265, %dma_wait3A_1266, %dma_wait3A_1267] : memref<8x8x1000000xf32, #tpu.memory_space<hbm>> -> memref<8x8x128xf32, #tpu.memory_space<hbm>>
      %dma_wait3A_1269 = arith.constant 0 : i32
      %dma_wait3A_1270 = arith.constant 0 : i32
      %dma_wait3A_1271 = arith.constant 512 : i32
      %dma_wait3A_1272 = tpu.memref_slice %arg12[%dma_wait3A_1269, %dma_wait3A_1270, %dma_wait3A_1271] : memref<8x8x768xf32, #tpu.memory_space<vmem>> -> memref<8x8x128xf32, #tpu.memory_space<vmem>>
      %dma_wait3A_1273 = arith.constant 0 : i32
      %dma_wait3A_1274 = arith.constant 0 : i32
      %dma_wait3A_1275 = arith.constant 0 : i32
      %dma_wait3A_1276 = tpu.memref_slice %arg4[%dma_wait3A_1273, %dma_wait3A_1274, %dma_wait3A_1275] : memref<8x8x1000000xf32, #tpu.memory_space<hbm>> -> memref<8x8x128xf32, #tpu.memory_space<hbm>>
      tpu.wait_dma2 semaphore(%arg16 : memref<!tpu.dma_semaphore, #tpu.memory_space<semaphore_mem>>) src(%dma_wait3A_1276 : memref<8x8x128xf32, #tpu.memory_space<hbm>>) dst(%dma_wait3A_1272 : memref<8x8x128xf32, #tpu.memory_space<vmem>>)
      %dma_wait3A_1277 = arith.constant 0 : i32
      %dma_wait3A_1278 = arith.constant 0 : i32
      %dma_wait3A_1279 = arith.constant 512 : i32
      %dma_wait3A_1280 = tpu.memref_slice %arg13[%dma_wait3A_1277, %dma_wait3A_1278, %dma_wait3A_1279] : memref<8x8x768xf32, #tpu.memory_space<vmem>> -> memref<8x8x128xf32, #tpu.memory_space<vmem>>
      %dma_wait3A_1281 = arith.constant 0 : i32
      %dma_wait3A_1282 = arith.constant 0 : i32
      %dma_wait3A_1283 = arith.constant 0 : i32
      %dma_wait3A_1284 = tpu.memref_slice %arg5[%dma_wait3A_1281, %dma_wait3A_1282, %dma_wait3A_1283] : memref<8x8x1000000xf32, #tpu.memory_space<hbm>> -> memref<8x8x128xf32, #tpu.memory_space<hbm>>
      %dma_wait3A_1285 = arith.constant 0 : i32
      %dma_wait3A_1286 = arith.constant 0 : i32
      %dma_wait3A_1287 = arith.constant 512 : i32
      %dma_wait3A_1288 = tpu.memref_slice %arg13[%dma_wait3A_1285, %dma_wait3A_1286, %dma_wait3A_1287] : memref<8x8x768xf32, #tpu.memory_space<vmem>> -> memref<8x8x128xf32, #tpu.memory_space<vmem>>
      %dma_wait3A_1289 = arith.constant 0 : i32
      %dma_wait3A_1290 = arith.constant 0 : i32
      %dma_wait3A_1291 = arith.constant 0 : i32
      %dma_wait3A_1292 = tpu.memref_slice %arg5[%dma_wait3A_1289, %dma_wait3A_1290, %dma_wait3A_1291] : memref<8x8x1000000xf32, #tpu.memory_space<hbm>> -> memref<8x8x128xf32, #tpu.memory_space<hbm>>
      tpu.wait_dma2 semaphore(%arg17 : memref<!tpu.dma_semaphore, #tpu.memory_space<semaphore_mem>>) src(%dma_wait3A_1292 : memref<8x8x128xf32, #tpu.memory_space<hbm>>) dst(%dma_wait3A_1288 : memref<8x8x128xf32, #tpu.memory_space<vmem>>)
      %dma_wait3A_1293 = arith.constant 0 : i32
      %dma_wait3A_1294 = arith.constant 0 : i32
      %dma_wait3A_1295 = arith.constant 640 : i32
      %dma_wait3A_1296 = tpu.memref_slice %arg12[%dma_wait3A_1293, %dma_wait3A_1294, %dma_wait3A_1295] : memref<8x8x768xf32, #tpu.memory_space<vmem>> -> memref<8x8x128xf32, #tpu.memory_space<vmem>>
      %dma_wait3A_1297 = arith.constant 0 : i32
      %dma_wait3A_1298 = arith.constant 0 : i32
      %dma_wait3A_1299 = arith.constant 0 : i32
      %dma_wait3A_1300 = tpu.memref_slice %arg4[%dma_wait3A_1297, %dma_wait3A_1298, %dma_wait3A_1299] : memref<8x8x1000000xf32, #tpu.memory_space<hbm>> -> memref<8x8x128xf32, #tpu.memory_space<hbm>>
      %dma_wait3A_1301 = arith.constant 0 : i32
      %dma_wait3A_1302 = arith.constant 0 : i32
      %dma_wait3A_1303 = arith.constant 640 : i32
      %dma_wait3A_1304 = tpu.memref_slice %arg12[%dma_wait3A_1301, %dma_wait3A_1302, %dma_wait3A_1303] : memref<8x8x768xf32, #tpu.memory_space<vmem>> -> memref<8x8x128xf32, #tpu.memory_space<vmem>>
      %dma_wait3A_1305 = arith.constant 0 : i32
      %dma_wait3A_1306 = arith.constant 0 : i32
      %dma_wait3A_1307 = arith.constant 0 : i32
      %dma_wait3A_1308 = tpu.memref_slice %arg4[%dma_wait3A_1305, %dma_wait3A_1306, %dma_wait3A_1307] : memref<8x8x1000000xf32, #tpu.memory_space<hbm>> -> memref<8x8x128xf32, #tpu.memory_space<hbm>>
      tpu.wait_dma2 semaphore(%arg16 : memref<!tpu.dma_semaphore, #tpu.memory_space<semaphore_mem>>) src(%dma_wait3A_1308 : memref<8x8x128xf32, #tpu.memory_space<hbm>>) dst(%dma_wait3A_1304 : memref<8x8x128xf32, #tpu.memory_space<vmem>>)
      %dma_wait3A_1309 = arith.constant 0 : i32
      %dma_wait3A_1310 = arith.constant 0 : i32
      %dma_wait3A_1311 = arith.constant 640 : i32
      %dma_wait3A_1312 = tpu.memref_slice %arg13[%dma_wait3A_1309, %dma_wait3A_1310, %dma_wait3A_1311] : memref<8x8x768xf32, #tpu.memory_space<vmem>> -> memref<8x8x128xf32, #tpu.memory_space<vmem>>
      %dma_wait3A_1313 = arith.constant 0 : i32
      %dma_wait3A_1314 = arith.constant 0 : i32
      %dma_wait3A_1315 = arith.constant 0 : i32
      %dma_wait3A_1316 = tpu.memref_slice %arg5[%dma_wait3A_1313, %dma_wait3A_1314, %dma_wait3A_1315] : memref<8x8x1000000xf32, #tpu.memory_space<hbm>> -> memref<8x8x128xf32, #tpu.memory_space<hbm>>
      %dma_wait3A_1317 = arith.constant 0 : i32
      %dma_wait3A_1318 = arith.constant 0 : i32
      %dma_wait3A_1319 = arith.constant 640 : i32
      %dma_wait3A_1320 = tpu.memref_slice %arg13[%dma_wait3A_1317, %dma_wait3A_1318, %dma_wait3A_1319] : memref<8x8x768xf32, #tpu.memory_space<vmem>> -> memref<8x8x128xf32, #tpu.memory_space<vmem>>
      %dma_wait3A_1321 = arith.constant 0 : i32
      %dma_wait3A_1322 = arith.constant 0 : i32
      %dma_wait3A_1323 = arith.constant 0 : i32
      %dma_wait3A_1324 = tpu.memref_slice %arg5[%dma_wait3A_1321, %dma_wait3A_1322, %dma_wait3A_1323] : memref<8x8x1000000xf32, #tpu.memory_space<hbm>> -> memref<8x8x128xf32, #tpu.memory_space<hbm>>
      tpu.wait_dma2 semaphore(%arg17 : memref<!tpu.dma_semaphore, #tpu.memory_space<semaphore_mem>>) src(%dma_wait3A_1324 : memref<8x8x128xf32, #tpu.memory_space<hbm>>) dst(%dma_wait3A_1320 : memref<8x8x128xf32, #tpu.memory_space<vmem>>)
      %slice3A_1325 = vector.extract_strided_slice %get3A_59 {offsets = [10], sizes = [1], strides = [1]} : vector<16xi32> to vector<1xi32>
      %squeeze3A_1326 = vector.extract %slice3A_1325[0] : i32 from vector<1xi32>
      %slice3A_1327 = vector.extract_strided_slice %get3A_63 {offsets = [10], sizes = [1], strides = [1]} : vector<16xi32> to vector<1xi32>
      %squeeze3A_1328 = vector.extract %slice3A_1327[0] : i32 from vector<1xi32>
      %mul3A_1329 = arith.constant 16 : i32
      %mul3A_1330 = arith.muli %scan3A_55, %mul3A_1329 : i32
      %add3A_1331 = arith.constant 10 : i32
      %add3A_1332 = arith.addi %mul3A_1330, %add3A_1331 : i32
      %add3A_1333 = arith.constant 0 : i32
      %add3A_1334 = arith.addi %add3A_1332, %add3A_1333 : i32
      %ge3A_1335 = arith.constant 999936 : i32
      %ge3A_1336 = arith.cmpi sge, %squeeze3A_1326, %ge3A_1335 : i32
      %and3A_1337 = arith.constant -128 : i32
      %and3A_1338 = arith.andi %squeeze3A_1326, %and3A_1337 : i32
      %jit3A_1339 = arith.constant 999936 : i32
      %select_n3A_1340 = arith.select %ge3A_1336, %jit3A_1339, %and3A_1338 : i32
      %ge3A_1341 = arith.constant 999936 : i32
      %ge3A_1342 = arith.cmpi sge, %squeeze3A_1328, %ge3A_1341 : i32
      %and3A_1343 = arith.constant -128 : i32
      %and3A_1344 = arith.andi %squeeze3A_1328, %and3A_1343 : i32
      %jit3A_1345 = arith.constant 999936 : i32
      %select_n3A_1346 = arith.select %ge3A_1342, %jit3A_1345, %and3A_1344 : i32
      %broadcast_in_dim3A_1347 = arith.constant 512 : i32
      %broadcast_in_dim3A_1348 = vector.broadcast %broadcast_in_dim3A_1347 : i32 to vector<16xi32>
      %sub3A_1349 = arith.subi %squeeze3A_1326, %select_n3A_1340 : i32
      %add3A_1350 = vector.broadcast %sub3A_1349 : i32 to vector<16xi32>
      %add3A_1351 = arith.addi %broadcast_in_dim3A_1348, %add3A_1350 : vector<16xi32>
      %broadcast_in_dim3A_1352 = arith.constant 512 : i32
      %broadcast_in_dim3A_1353 = vector.broadcast %broadcast_in_dim3A_1352 : i32 to vector<16xi32>
      %sub3A_1354 = arith.subi %squeeze3A_1328, %select_n3A_1346 : i32
      %add3A_1355 = vector.broadcast %sub3A_1354 : i32 to vector<16xi32>
      %add3A_1356 = arith.addi %broadcast_in_dim3A_1353, %add3A_1355 : vector<16xi32>
      %broadcast_in_dim3A_1357 = vector.broadcast %add3A_1334 : i32 to vector<16xi32>
      %gather3A_1358 = tpu.vector_load_idx %arg12[%shift_right_arithmetic3A_7, %and3A_30, %add3A_1351] : memref<8x8x768xf32, #tpu.memory_space<vmem>>[vector<16xi32>, vector<16xi32>, vector<16xi32>], vector<16xf32>,
      tpu.vector_store_idx %arg14[%shift_right_arithmetic3A_7, %and3A_30, %broadcast_in_dim3A_1357], %gather3A_1358 : memref<8x8x128xf32, #tpu.memory_space<vmem>>[vector<16xi32>, vector<16xi32>, vector<16xi32>], vector<16xf32>,
      %gather3A_1359 = tpu.vector_load_idx %arg13[%shift_right_arithmetic3A_7, %and3A_30, %add3A_1356] : memref<8x8x768xf32, #tpu.memory_space<vmem>>[vector<16xi32>, vector<16xi32>, vector<16xi32>], vector<16xf32>,
      tpu.vector_store_idx %arg15[%shift_right_arithmetic3A_7, %and3A_30, %broadcast_in_dim3A_1357], %gather3A_1359 : memref<8x8x128xf32, #tpu.memory_space<vmem>>[vector<16xi32>, vector<16xi32>, vector<16xi32>], vector<16xf32>,
      %gather3A_1360 = tpu.vector_load_idx %arg12[%shift_right_arithmetic3A_13, %and3A_36, %add3A_1351] : memref<8x8x768xf32, #tpu.memory_space<vmem>>[vector<16xi32>, vector<16xi32>, vector<16xi32>], vector<16xf32>,
      tpu.vector_store_idx %arg14[%shift_right_arithmetic3A_13, %and3A_36, %broadcast_in_dim3A_1357], %gather3A_1360 : memref<8x8x128xf32, #tpu.memory_space<vmem>>[vector<16xi32>, vector<16xi32>, vector<16xi32>], vector<16xf32>,
      %gather3A_1361 = tpu.vector_load_idx %arg13[%shift_right_arithmetic3A_13, %and3A_36, %add3A_1356] : memref<8x8x768xf32, #tpu.memory_space<vmem>>[vector<16xi32>, vector<16xi32>, vector<16xi32>], vector<16xf32>,
      tpu.vector_store_idx %arg15[%shift_right_arithmetic3A_13, %and3A_36, %broadcast_in_dim3A_1357], %gather3A_1361 : memref<8x8x128xf32, #tpu.memory_space<vmem>>[vector<16xi32>, vector<16xi32>, vector<16xi32>], vector<16xf32>,
      %gather3A_1362 = tpu.vector_load_idx %arg12[%shift_right_arithmetic3A_19, %and3A_42, %add3A_1351] : memref<8x8x768xf32, #tpu.memory_space<vmem>>[vector<16xi32>, vector<16xi32>, vector<16xi32>], vector<16xf32>,
      tpu.vector_store_idx %arg14[%shift_right_arithmetic3A_19, %and3A_42, %broadcast_in_dim3A_1357], %gather3A_1362 : memref<8x8x128xf32, #tpu.memory_space<vmem>>[vector<16xi32>, vector<16xi32>, vector<16xi32>], vector<16xf32>,
      %gather3A_1363 = tpu.vector_load_idx %arg13[%shift_right_arithmetic3A_19, %and3A_42, %add3A_1356] : memref<8x8x768xf32, #tpu.memory_space<vmem>>[vector<16xi32>, vector<16xi32>, vector<16xi32>], vector<16xf32>,
      tpu.vector_store_idx %arg15[%shift_right_arithmetic3A_19, %and3A_42, %broadcast_in_dim3A_1357], %gather3A_1363 : memref<8x8x128xf32, #tpu.memory_space<vmem>>[vector<16xi32>, vector<16xi32>, vector<16xi32>], vector<16xf32>,
      %gather3A_1364 = tpu.vector_load_idx %arg12[%shift_right_arithmetic3A_25, %and3A_48, %add3A_1351] : memref<8x8x768xf32, #tpu.memory_space<vmem>>[vector<16xi32>, vector<16xi32>, vector<16xi32>], vector<16xf32>,
      tpu.vector_store_idx %arg14[%shift_right_arithmetic3A_25, %and3A_48, %broadcast_in_dim3A_1357], %gather3A_1364 : memref<8x8x128xf32, #tpu.memory_space<vmem>>[vector<16xi32>, vector<16xi32>, vector<16xi32>], vector<16xf32>,
      %gather3A_1365 = tpu.vector_load_idx %arg13[%shift_right_arithmetic3A_25, %and3A_48, %add3A_1356] : memref<8x8x768xf32, #tpu.memory_space<vmem>>[vector<16xi32>, vector<16xi32>, vector<16xi32>], vector<16xf32>,
      tpu.vector_store_idx %arg15[%shift_right_arithmetic3A_25, %and3A_48, %broadcast_in_dim3A_1357], %gather3A_1365 : memref<8x8x128xf32, #tpu.memory_space<vmem>>[vector<16xi32>, vector<16xi32>, vector<16xi32>], vector<16xf32>,
      %slice3A_1366 = vector.extract_strided_slice %get3A_59 {offsets = [11], sizes = [1], strides = [1]} : vector<16xi32> to vector<1xi32>
      %squeeze3A_1367 = vector.extract %slice3A_1366[0] : i32 from vector<1xi32>
      %slice3A_1368 = vector.extract_strided_slice %get3A_63 {offsets = [11], sizes = [1], strides = [1]} : vector<16xi32> to vector<1xi32>
      %squeeze3A_1369 = vector.extract %slice3A_1368[0] : i32 from vector<1xi32>
      %mul3A_1370 = arith.constant 16 : i32
      %mul3A_1371 = arith.muli %scan3A_55, %mul3A_1370 : i32
      %add3A_1372 = arith.constant 10 : i32
      %add3A_1373 = arith.addi %mul3A_1371, %add3A_1372 : i32
      %add3A_1374 = arith.constant 1 : i32
      %add3A_1375 = arith.addi %add3A_1373, %add3A_1374 : i32
      %ge3A_1376 = arith.constant 999936 : i32
      %ge3A_1377 = arith.cmpi sge, %squeeze3A_1367, %ge3A_1376 : i32
      %and3A_1378 = arith.constant -128 : i32
      %and3A_1379 = arith.andi %squeeze3A_1367, %and3A_1378 : i32
      %jit3A_1380 = arith.constant 999936 : i32
      %select_n3A_1381 = arith.select %ge3A_1377, %jit3A_1380, %and3A_1379 : i32
      %ge3A_1382 = arith.constant 999936 : i32
      %ge3A_1383 = arith.cmpi sge, %squeeze3A_1369, %ge3A_1382 : i32
      %and3A_1384 = arith.constant -128 : i32
      %and3A_1385 = arith.andi %squeeze3A_1369, %and3A_1384 : i32
      %jit3A_1386 = arith.constant 999936 : i32
      %select_n3A_1387 = arith.select %ge3A_1383, %jit3A_1386, %and3A_1385 : i32
      %broadcast_in_dim3A_1388 = arith.constant 640 : i32
      %broadcast_in_dim3A_1389 = vector.broadcast %broadcast_in_dim3A_1388 : i32 to vector<16xi32>
      %sub3A_1390 = arith.subi %squeeze3A_1367, %select_n3A_1381 : i32
      %add3A_1391 = vector.broadcast %sub3A_1390 : i32 to vector<16xi32>
      %add3A_1392 = arith.addi %broadcast_in_dim3A_1389, %add3A_1391 : vector<16xi32>
      %broadcast_in_dim3A_1393 = arith.constant 640 : i32
      %broadcast_in_dim3A_1394 = vector.broadcast %broadcast_in_dim3A_1393 : i32 to vector<16xi32>
      %sub3A_1395 = arith.subi %squeeze3A_1369, %select_n3A_1387 : i32
      %add3A_1396 = vector.broadcast %sub3A_1395 : i32 to vector<16xi32>
      %add3A_1397 = arith.addi %broadcast_in_dim3A_1394, %add3A_1396 : vector<16xi32>
      %broadcast_in_dim3A_1398 = vector.broadcast %add3A_1375 : i32 to vector<16xi32>
      %gather3A_1399 = tpu.vector_load_idx %arg12[%shift_right_arithmetic3A_7, %and3A_30, %add3A_1392] : memref<8x8x768xf32, #tpu.memory_space<vmem>>[vector<16xi32>, vector<16xi32>, vector<16xi32>], vector<16xf32>,
      tpu.vector_store_idx %arg14[%shift_right_arithmetic3A_7, %and3A_30, %broadcast_in_dim3A_1398], %gather3A_1399 : memref<8x8x128xf32, #tpu.memory_space<vmem>>[vector<16xi32>, vector<16xi32>, vector<16xi32>], vector<16xf32>,
      %gather3A_1400 = tpu.vector_load_idx %arg13[%shift_right_arithmetic3A_7, %and3A_30, %add3A_1397] : memref<8x8x768xf32, #tpu.memory_space<vmem>>[vector<16xi32>, vector<16xi32>, vector<16xi32>], vector<16xf32>,
      tpu.vector_store_idx %arg15[%shift_right_arithmetic3A_7, %and3A_30, %broadcast_in_dim3A_1398], %gather3A_1400 : memref<8x8x128xf32, #tpu.memory_space<vmem>>[vector<16xi32>, vector<16xi32>, vector<16xi32>], vector<16xf32>,
      %gather3A_1401 = tpu.vector_load_idx %arg12[%shift_right_arithmetic3A_13, %and3A_36, %add3A_1392] : memref<8x8x768xf32, #tpu.memory_space<vmem>>[vector<16xi32>, vector<16xi32>, vector<16xi32>], vector<16xf32>,
      tpu.vector_store_idx %arg14[%shift_right_arithmetic3A_13, %and3A_36, %broadcast_in_dim3A_1398], %gather3A_1401 : memref<8x8x128xf32, #tpu.memory_space<vmem>>[vector<16xi32>, vector<16xi32>, vector<16xi32>], vector<16xf32>,
      %gather3A_1402 = tpu.vector_load_idx %arg13[%shift_right_arithmetic3A_13, %and3A_36, %add3A_1397] : memref<8x8x768xf32, #tpu.memory_space<vmem>>[vector<16xi32>, vector<16xi32>, vector<16xi32>], vector<16xf32>,
      tpu.vector_store_idx %arg15[%shift_right_arithmetic3A_13, %and3A_36, %broadcast_in_dim3A_1398], %gather3A_1402 : memref<8x8x128xf32, #tpu.memory_space<vmem>>[vector<16xi32>, vector<16xi32>, vector<16xi32>], vector<16xf32>,
      %gather3A_1403 = tpu.vector_load_idx %arg12[%shift_right_arithmetic3A_19, %and3A_42, %add3A_1392] : memref<8x8x768xf32, #tpu.memory_space<vmem>>[vector<16xi32>, vector<16xi32>, vector<16xi32>], vector<16xf32>,
      tpu.vector_store_idx %arg14[%shift_right_arithmetic3A_19, %and3A_42, %broadcast_in_dim3A_1398], %gather3A_1403 : memref<8x8x128xf32, #tpu.memory_space<vmem>>[vector<16xi32>, vector<16xi32>, vector<16xi32>], vector<16xf32>,
      %gather3A_1404 = tpu.vector_load_idx %arg13[%shift_right_arithmetic3A_19, %and3A_42, %add3A_1397] : memref<8x8x768xf32, #tpu.memory_space<vmem>>[vector<16xi32>, vector<16xi32>, vector<16xi32>], vector<16xf32>,
      tpu.vector_store_idx %arg15[%shift_right_arithmetic3A_19, %and3A_42, %broadcast_in_dim3A_1398], %gather3A_1404 : memref<8x8x128xf32, #tpu.memory_space<vmem>>[vector<16xi32>, vector<16xi32>, vector<16xi32>], vector<16xf32>,
      %gather3A_1405 = tpu.vector_load_idx %arg12[%shift_right_arithmetic3A_25, %and3A_48, %add3A_1392] : memref<8x8x768xf32, #tpu.memory_space<vmem>>[vector<16xi32>, vector<16xi32>, vector<16xi32>], vector<16xf32>,
      tpu.vector_store_idx %arg14[%shift_right_arithmetic3A_25, %and3A_48, %broadcast_in_dim3A_1398], %gather3A_1405 : memref<8x8x128xf32, #tpu.memory_space<vmem>>[vector<16xi32>, vector<16xi32>, vector<16xi32>], vector<16xf32>,
      %gather3A_1406 = tpu.vector_load_idx %arg13[%shift_right_arithmetic3A_25, %and3A_48, %add3A_1397] : memref<8x8x768xf32, #tpu.memory_space<vmem>>[vector<16xi32>, vector<16xi32>, vector<16xi32>], vector<16xf32>,
      tpu.vector_store_idx %arg15[%shift_right_arithmetic3A_25, %and3A_48, %broadcast_in_dim3A_1398], %gather3A_1406 : memref<8x8x128xf32, #tpu.memory_space<vmem>>[vector<16xi32>, vector<16xi32>, vector<16xi32>], vector<16xf32>,
      %dma_wait3A_1407 = arith.constant 0 : i32
      %dma_wait3A_1408 = arith.constant 0 : i32
      %dma_wait3A_1409 = arith.constant 0 : i32
      %dma_wait3A_1410 = tpu.memref_slice %arg12[%dma_wait3A_1407, %dma_wait3A_1408, %dma_wait3A_1409] : memref<8x8x768xf32, #tpu.memory_space<vmem>> -> memref<8x8x128xf32, #tpu.memory_space<vmem>>
      %dma_wait3A_1411 = arith.constant 0 : i32
      %dma_wait3A_1412 = arith.constant 0 : i32
      %dma_wait3A_1413 = arith.constant 0 : i32
      %dma_wait3A_1414 = tpu.memref_slice %arg4[%dma_wait3A_1411, %dma_wait3A_1412, %dma_wait3A_1413] : memref<8x8x1000000xf32, #tpu.memory_space<hbm>> -> memref<8x8x128xf32, #tpu.memory_space<hbm>>
      %dma_wait3A_1415 = arith.constant 0 : i32
      %dma_wait3A_1416 = arith.constant 0 : i32
      %dma_wait3A_1417 = arith.constant 0 : i32
      %dma_wait3A_1418 = tpu.memref_slice %arg12[%dma_wait3A_1415, %dma_wait3A_1416, %dma_wait3A_1417] : memref<8x8x768xf32, #tpu.memory_space<vmem>> -> memref<8x8x128xf32, #tpu.memory_space<vmem>>
      %dma_wait3A_1419 = arith.constant 0 : i32
      %dma_wait3A_1420 = arith.constant 0 : i32
      %dma_wait3A_1421 = arith.constant 0 : i32
      %dma_wait3A_1422 = tpu.memref_slice %arg4[%dma_wait3A_1419, %dma_wait3A_1420, %dma_wait3A_1421] : memref<8x8x1000000xf32, #tpu.memory_space<hbm>> -> memref<8x8x128xf32, #tpu.memory_space<hbm>>
      tpu.wait_dma2 semaphore(%arg16 : memref<!tpu.dma_semaphore, #tpu.memory_space<semaphore_mem>>) src(%dma_wait3A_1422 : memref<8x8x128xf32, #tpu.memory_space<hbm>>) dst(%dma_wait3A_1418 : memref<8x8x128xf32, #tpu.memory_space<vmem>>)
      %dma_wait3A_1423 = arith.constant 0 : i32
      %dma_wait3A_1424 = arith.constant 0 : i32
      %dma_wait3A_1425 = arith.constant 0 : i32
      %dma_wait3A_1426 = tpu.memref_slice %arg13[%dma_wait3A_1423, %dma_wait3A_1424, %dma_wait3A_1425] : memref<8x8x768xf32, #tpu.memory_space<vmem>> -> memref<8x8x128xf32, #tpu.memory_space<vmem>>
      %dma_wait3A_1427 = arith.constant 0 : i32
      %dma_wait3A_1428 = arith.constant 0 : i32
      %dma_wait3A_1429 = arith.constant 0 : i32
      %dma_wait3A_1430 = tpu.memref_slice %arg5[%dma_wait3A_1427, %dma_wait3A_1428, %dma_wait3A_1429] : memref<8x8x1000000xf32, #tpu.memory_space<hbm>> -> memref<8x8x128xf32, #tpu.memory_space<hbm>>
      %dma_wait3A_1431 = arith.constant 0 : i32
      %dma_wait3A_1432 = arith.constant 0 : i32
      %dma_wait3A_1433 = arith.constant 0 : i32
      %dma_wait3A_1434 = tpu.memref_slice %arg13[%dma_wait3A_1431, %dma_wait3A_1432, %dma_wait3A_1433] : memref<8x8x768xf32, #tpu.memory_space<vmem>> -> memref<8x8x128xf32, #tpu.memory_space<vmem>>
      %dma_wait3A_1435 = arith.constant 0 : i32
      %dma_wait3A_1436 = arith.constant 0 : i32
      %dma_wait3A_1437 = arith.constant 0 : i32
      %dma_wait3A_1438 = tpu.memref_slice %arg5[%dma_wait3A_1435, %dma_wait3A_1436, %dma_wait3A_1437] : memref<8x8x1000000xf32, #tpu.memory_space<hbm>> -> memref<8x8x128xf32, #tpu.memory_space<hbm>>
      tpu.wait_dma2 semaphore(%arg17 : memref<!tpu.dma_semaphore, #tpu.memory_space<semaphore_mem>>) src(%dma_wait3A_1438 : memref<8x8x128xf32, #tpu.memory_space<hbm>>) dst(%dma_wait3A_1434 : memref<8x8x128xf32, #tpu.memory_space<vmem>>)
      %dma_wait3A_1439 = arith.constant 0 : i32
      %dma_wait3A_1440 = arith.constant 0 : i32
      %dma_wait3A_1441 = arith.constant 128 : i32
      %dma_wait3A_1442 = tpu.memref_slice %arg12[%dma_wait3A_1439, %dma_wait3A_1440, %dma_wait3A_1441] : memref<8x8x768xf32, #tpu.memory_space<vmem>> -> memref<8x8x128xf32, #tpu.memory_space<vmem>>
      %dma_wait3A_1443 = arith.constant 0 : i32
      %dma_wait3A_1444 = arith.constant 0 : i32
      %dma_wait3A_1445 = arith.constant 0 : i32
      %dma_wait3A_1446 = tpu.memref_slice %arg4[%dma_wait3A_1443, %dma_wait3A_1444, %dma_wait3A_1445] : memref<8x8x1000000xf32, #tpu.memory_space<hbm>> -> memref<8x8x128xf32, #tpu.memory_space<hbm>>
      %dma_wait3A_1447 = arith.constant 0 : i32
      %dma_wait3A_1448 = arith.constant 0 : i32
      %dma_wait3A_1449 = arith.constant 128 : i32
      %dma_wait3A_1450 = tpu.memref_slice %arg12[%dma_wait3A_1447, %dma_wait3A_1448, %dma_wait3A_1449] : memref<8x8x768xf32, #tpu.memory_space<vmem>> -> memref<8x8x128xf32, #tpu.memory_space<vmem>>
      %dma_wait3A_1451 = arith.constant 0 : i32
      %dma_wait3A_1452 = arith.constant 0 : i32
      %dma_wait3A_1453 = arith.constant 0 : i32
      %dma_wait3A_1454 = tpu.memref_slice %arg4[%dma_wait3A_1451, %dma_wait3A_1452, %dma_wait3A_1453] : memref<8x8x1000000xf32, #tpu.memory_space<hbm>> -> memref<8x8x128xf32, #tpu.memory_space<hbm>>
      tpu.wait_dma2 semaphore(%arg16 : memref<!tpu.dma_semaphore, #tpu.memory_space<semaphore_mem>>) src(%dma_wait3A_1454 : memref<8x8x128xf32, #tpu.memory_space<hbm>>) dst(%dma_wait3A_1450 : memref<8x8x128xf32, #tpu.memory_space<vmem>>)
      %dma_wait3A_1455 = arith.constant 0 : i32
      %dma_wait3A_1456 = arith.constant 0 : i32
      %dma_wait3A_1457 = arith.constant 128 : i32
      %dma_wait3A_1458 = tpu.memref_slice %arg13[%dma_wait3A_1455, %dma_wait3A_1456, %dma_wait3A_1457] : memref<8x8x768xf32, #tpu.memory_space<vmem>> -> memref<8x8x128xf32, #tpu.memory_space<vmem>>
      %dma_wait3A_1459 = arith.constant 0 : i32
      %dma_wait3A_1460 = arith.constant 0 : i32
      %dma_wait3A_1461 = arith.constant 0 : i32
      %dma_wait3A_1462 = tpu.memref_slice %arg5[%dma_wait3A_1459, %dma_wait3A_1460, %dma_wait3A_1461] : memref<8x8x1000000xf32, #tpu.memory_space<hbm>> -> memref<8x8x128xf32, #tpu.memory_space<hbm>>
      %dma_wait3A_1463 = arith.constant 0 : i32
      %dma_wait3A_1464 = arith.constant 0 : i32
      %dma_wait3A_1465 = arith.constant 128 : i32
      %dma_wait3A_1466 = tpu.memref_slice %arg13[%dma_wait3A_1463, %dma_wait3A_1464, %dma_wait3A_1465] : memref<8x8x768xf32, #tpu.memory_space<vmem>> -> memref<8x8x128xf32, #tpu.memory_space<vmem>>
      %dma_wait3A_1467 = arith.constant 0 : i32
      %dma_wait3A_1468 = arith.constant 0 : i32
      %dma_wait3A_1469 = arith.constant 0 : i32
      %dma_wait3A_1470 = tpu.memref_slice %arg5[%dma_wait3A_1467, %dma_wait3A_1468, %dma_wait3A_1469] : memref<8x8x1000000xf32, #tpu.memory_space<hbm>> -> memref<8x8x128xf32, #tpu.memory_space<hbm>>
      tpu.wait_dma2 semaphore(%arg17 : memref<!tpu.dma_semaphore, #tpu.memory_space<semaphore_mem>>) src(%dma_wait3A_1470 : memref<8x8x128xf32, #tpu.memory_space<hbm>>) dst(%dma_wait3A_1466 : memref<8x8x128xf32, #tpu.memory_space<vmem>>)
      %slice3A_1471 = vector.extract_strided_slice %get3A_59 {offsets = [12], sizes = [1], strides = [1]} : vector<16xi32> to vector<1xi32>
      %squeeze3A_1472 = vector.extract %slice3A_1471[0] : i32 from vector<1xi32>
      %slice3A_1473 = vector.extract_strided_slice %get3A_63 {offsets = [12], sizes = [1], strides = [1]} : vector<16xi32> to vector<1xi32>
      %squeeze3A_1474 = vector.extract %slice3A_1473[0] : i32 from vector<1xi32>
      %mul3A_1475 = arith.constant 16 : i32
      %mul3A_1476 = arith.muli %scan3A_55, %mul3A_1475 : i32
      %add3A_1477 = arith.constant 12 : i32
      %add3A_1478 = arith.addi %mul3A_1476, %add3A_1477 : i32
      %add3A_1479 = arith.constant 0 : i32
      %add3A_1480 = arith.addi %add3A_1478, %add3A_1479 : i32
      %ge3A_1481 = arith.constant 999936 : i32
      %ge3A_1482 = arith.cmpi sge, %squeeze3A_1472, %ge3A_1481 : i32
      %and3A_1483 = arith.constant -128 : i32
      %and3A_1484 = arith.andi %squeeze3A_1472, %and3A_1483 : i32
      %jit3A_1485 = arith.constant 999936 : i32
      %select_n3A_1486 = arith.select %ge3A_1482, %jit3A_1485, %and3A_1484 : i32
      %ge3A_1487 = arith.constant 999936 : i32
      %ge3A_1488 = arith.cmpi sge, %squeeze3A_1474, %ge3A_1487 : i32
      %and3A_1489 = arith.constant -128 : i32
      %and3A_1490 = arith.andi %squeeze3A_1474, %and3A_1489 : i32
      %jit3A_1491 = arith.constant 999936 : i32
      %select_n3A_1492 = arith.select %ge3A_1488, %jit3A_1491, %and3A_1490 : i32
      %broadcast_in_dim3A_1493 = arith.constant 0 : i32
      %broadcast_in_dim3A_1494 = vector.broadcast %broadcast_in_dim3A_1493 : i32 to vector<16xi32>
      %sub3A_1495 = arith.subi %squeeze3A_1472, %select_n3A_1486 : i32
      %add3A_1496 = vector.broadcast %sub3A_1495 : i32 to vector<16xi32>
      %add3A_1497 = arith.addi %broadcast_in_dim3A_1494, %add3A_1496 : vector<16xi32>
      %broadcast_in_dim3A_1498 = arith.constant 0 : i32
      %broadcast_in_dim3A_1499 = vector.broadcast %broadcast_in_dim3A_1498 : i32 to vector<16xi32>
      %sub3A_1500 = arith.subi %squeeze3A_1474, %select_n3A_1492 : i32
      %add3A_1501 = vector.broadcast %sub3A_1500 : i32 to vector<16xi32>
      %add3A_1502 = arith.addi %broadcast_in_dim3A_1499, %add3A_1501 : vector<16xi32>
      %broadcast_in_dim3A_1503 = vector.broadcast %add3A_1480 : i32 to vector<16xi32>
      %gather3A_1504 = tpu.vector_load_idx %arg12[%shift_right_arithmetic3A_7, %and3A_30, %add3A_1497] : memref<8x8x768xf32, #tpu.memory_space<vmem>>[vector<16xi32>, vector<16xi32>, vector<16xi32>], vector<16xf32>,
      tpu.vector_store_idx %arg14[%shift_right_arithmetic3A_7, %and3A_30, %broadcast_in_dim3A_1503], %gather3A_1504 : memref<8x8x128xf32, #tpu.memory_space<vmem>>[vector<16xi32>, vector<16xi32>, vector<16xi32>], vector<16xf32>,
      %gather3A_1505 = tpu.vector_load_idx %arg13[%shift_right_arithmetic3A_7, %and3A_30, %add3A_1502] : memref<8x8x768xf32, #tpu.memory_space<vmem>>[vector<16xi32>, vector<16xi32>, vector<16xi32>], vector<16xf32>,
      tpu.vector_store_idx %arg15[%shift_right_arithmetic3A_7, %and3A_30, %broadcast_in_dim3A_1503], %gather3A_1505 : memref<8x8x128xf32, #tpu.memory_space<vmem>>[vector<16xi32>, vector<16xi32>, vector<16xi32>], vector<16xf32>,
      %gather3A_1506 = tpu.vector_load_idx %arg12[%shift_right_arithmetic3A_13, %and3A_36, %add3A_1497] : memref<8x8x768xf32, #tpu.memory_space<vmem>>[vector<16xi32>, vector<16xi32>, vector<16xi32>], vector<16xf32>,
      tpu.vector_store_idx %arg14[%shift_right_arithmetic3A_13, %and3A_36, %broadcast_in_dim3A_1503], %gather3A_1506 : memref<8x8x128xf32, #tpu.memory_space<vmem>>[vector<16xi32>, vector<16xi32>, vector<16xi32>], vector<16xf32>,
      %gather3A_1507 = tpu.vector_load_idx %arg13[%shift_right_arithmetic3A_13, %and3A_36, %add3A_1502] : memref<8x8x768xf32, #tpu.memory_space<vmem>>[vector<16xi32>, vector<16xi32>, vector<16xi32>], vector<16xf32>,
      tpu.vector_store_idx %arg15[%shift_right_arithmetic3A_13, %and3A_36, %broadcast_in_dim3A_1503], %gather3A_1507 : memref<8x8x128xf32, #tpu.memory_space<vmem>>[vector<16xi32>, vector<16xi32>, vector<16xi32>], vector<16xf32>,
      %gather3A_1508 = tpu.vector_load_idx %arg12[%shift_right_arithmetic3A_19, %and3A_42, %add3A_1497] : memref<8x8x768xf32, #tpu.memory_space<vmem>>[vector<16xi32>, vector<16xi32>, vector<16xi32>], vector<16xf32>,
      tpu.vector_store_idx %arg14[%shift_right_arithmetic3A_19, %and3A_42, %broadcast_in_dim3A_1503], %gather3A_1508 : memref<8x8x128xf32, #tpu.memory_space<vmem>>[vector<16xi32>, vector<16xi32>, vector<16xi32>], vector<16xf32>,
      %gather3A_1509 = tpu.vector_load_idx %arg13[%shift_right_arithmetic3A_19, %and3A_42, %add3A_1502] : memref<8x8x768xf32, #tpu.memory_space<vmem>>[vector<16xi32>, vector<16xi32>, vector<16xi32>], vector<16xf32>,
      tpu.vector_store_idx %arg15[%shift_right_arithmetic3A_19, %and3A_42, %broadcast_in_dim3A_1503], %gather3A_1509 : memref<8x8x128xf32, #tpu.memory_space<vmem>>[vector<16xi32>, vector<16xi32>, vector<16xi32>], vector<16xf32>,
      %gather3A_1510 = tpu.vector_load_idx %arg12[%shift_right_arithmetic3A_25, %and3A_48, %add3A_1497] : memref<8x8x768xf32, #tpu.memory_space<vmem>>[vector<16xi32>, vector<16xi32>, vector<16xi32>], vector<16xf32>,
      tpu.vector_store_idx %arg14[%shift_right_arithmetic3A_25, %and3A_48, %broadcast_in_dim3A_1503], %gather3A_1510 : memref<8x8x128xf32, #tpu.memory_space<vmem>>[vector<16xi32>, vector<16xi32>, vector<16xi32>], vector<16xf32>,
      %gather3A_1511 = tpu.vector_load_idx %arg13[%shift_right_arithmetic3A_25, %and3A_48, %add3A_1502] : memref<8x8x768xf32, #tpu.memory_space<vmem>>[vector<16xi32>, vector<16xi32>, vector<16xi32>], vector<16xf32>,
      tpu.vector_store_idx %arg15[%shift_right_arithmetic3A_25, %and3A_48, %broadcast_in_dim3A_1503], %gather3A_1511 : memref<8x8x128xf32, #tpu.memory_space<vmem>>[vector<16xi32>, vector<16xi32>, vector<16xi32>], vector<16xf32>,
      %slice3A_1512 = vector.extract_strided_slice %get3A_59 {offsets = [13], sizes = [1], strides = [1]} : vector<16xi32> to vector<1xi32>
      %squeeze3A_1513 = vector.extract %slice3A_1512[0] : i32 from vector<1xi32>
      %slice3A_1514 = vector.extract_strided_slice %get3A_63 {offsets = [13], sizes = [1], strides = [1]} : vector<16xi32> to vector<1xi32>
      %squeeze3A_1515 = vector.extract %slice3A_1514[0] : i32 from vector<1xi32>
      %mul3A_1516 = arith.constant 16 : i32
      %mul3A_1517 = arith.muli %scan3A_55, %mul3A_1516 : i32
      %add3A_1518 = arith.constant 12 : i32
      %add3A_1519 = arith.addi %mul3A_1517, %add3A_1518 : i32
      %add3A_1520 = arith.constant 1 : i32
      %add3A_1521 = arith.addi %add3A_1519, %add3A_1520 : i32
      %ge3A_1522 = arith.constant 999936 : i32
      %ge3A_1523 = arith.cmpi sge, %squeeze3A_1513, %ge3A_1522 : i32
      %and3A_1524 = arith.constant -128 : i32
      %and3A_1525 = arith.andi %squeeze3A_1513, %and3A_1524 : i32
      %jit3A_1526 = arith.constant 999936 : i32
      %select_n3A_1527 = arith.select %ge3A_1523, %jit3A_1526, %and3A_1525 : i32
      %ge3A_1528 = arith.constant 999936 : i32
      %ge3A_1529 = arith.cmpi sge, %squeeze3A_1515, %ge3A_1528 : i32
      %and3A_1530 = arith.constant -128 : i32
      %and3A_1531 = arith.andi %squeeze3A_1515, %and3A_1530 : i32
      %jit3A_1532 = arith.constant 999936 : i32
      %select_n3A_1533 = arith.select %ge3A_1529, %jit3A_1532, %and3A_1531 : i32
      %broadcast_in_dim3A_1534 = arith.constant 128 : i32
      %broadcast_in_dim3A_1535 = vector.broadcast %broadcast_in_dim3A_1534 : i32 to vector<16xi32>
      %sub3A_1536 = arith.subi %squeeze3A_1513, %select_n3A_1527 : i32
      %add3A_1537 = vector.broadcast %sub3A_1536 : i32 to vector<16xi32>
      %add3A_1538 = arith.addi %broadcast_in_dim3A_1535, %add3A_1537 : vector<16xi32>
      %broadcast_in_dim3A_1539 = arith.constant 128 : i32
      %broadcast_in_dim3A_1540 = vector.broadcast %broadcast_in_dim3A_1539 : i32 to vector<16xi32>
      %sub3A_1541 = arith.subi %squeeze3A_1515, %select_n3A_1533 : i32
      %add3A_1542 = vector.broadcast %sub3A_1541 : i32 to vector<16xi32>
      %add3A_1543 = arith.addi %broadcast_in_dim3A_1540, %add3A_1542 : vector<16xi32>
      %broadcast_in_dim3A_1544 = vector.broadcast %add3A_1521 : i32 to vector<16xi32>
      %gather3A_1545 = tpu.vector_load_idx %arg12[%shift_right_arithmetic3A_7, %and3A_30, %add3A_1538] : memref<8x8x768xf32, #tpu.memory_space<vmem>>[vector<16xi32>, vector<16xi32>, vector<16xi32>], vector<16xf32>,
      tpu.vector_store_idx %arg14[%shift_right_arithmetic3A_7, %and3A_30, %broadcast_in_dim3A_1544], %gather3A_1545 : memref<8x8x128xf32, #tpu.memory_space<vmem>>[vector<16xi32>, vector<16xi32>, vector<16xi32>], vector<16xf32>,
      %gather3A_1546 = tpu.vector_load_idx %arg13[%shift_right_arithmetic3A_7, %and3A_30, %add3A_1543] : memref<8x8x768xf32, #tpu.memory_space<vmem>>[vector<16xi32>, vector<16xi32>, vector<16xi32>], vector<16xf32>,
      tpu.vector_store_idx %arg15[%shift_right_arithmetic3A_7, %and3A_30, %broadcast_in_dim3A_1544], %gather3A_1546 : memref<8x8x128xf32, #tpu.memory_space<vmem>>[vector<16xi32>, vector<16xi32>, vector<16xi32>], vector<16xf32>,
      %gather3A_1547 = tpu.vector_load_idx %arg12[%shift_right_arithmetic3A_13, %and3A_36, %add3A_1538] : memref<8x8x768xf32, #tpu.memory_space<vmem>>[vector<16xi32>, vector<16xi32>, vector<16xi32>], vector<16xf32>,
      tpu.vector_store_idx %arg14[%shift_right_arithmetic3A_13, %and3A_36, %broadcast_in_dim3A_1544], %gather3A_1547 : memref<8x8x128xf32, #tpu.memory_space<vmem>>[vector<16xi32>, vector<16xi32>, vector<16xi32>], vector<16xf32>,
      %gather3A_1548 = tpu.vector_load_idx %arg13[%shift_right_arithmetic3A_13, %and3A_36, %add3A_1543] : memref<8x8x768xf32, #tpu.memory_space<vmem>>[vector<16xi32>, vector<16xi32>, vector<16xi32>], vector<16xf32>,
      tpu.vector_store_idx %arg15[%shift_right_arithmetic3A_13, %and3A_36, %broadcast_in_dim3A_1544], %gather3A_1548 : memref<8x8x128xf32, #tpu.memory_space<vmem>>[vector<16xi32>, vector<16xi32>, vector<16xi32>], vector<16xf32>,
      %gather3A_1549 = tpu.vector_load_idx %arg12[%shift_right_arithmetic3A_19, %and3A_42, %add3A_1538] : memref<8x8x768xf32, #tpu.memory_space<vmem>>[vector<16xi32>, vector<16xi32>, vector<16xi32>], vector<16xf32>,
      tpu.vector_store_idx %arg14[%shift_right_arithmetic3A_19, %and3A_42, %broadcast_in_dim3A_1544], %gather3A_1549 : memref<8x8x128xf32, #tpu.memory_space<vmem>>[vector<16xi32>, vector<16xi32>, vector<16xi32>], vector<16xf32>,
      %gather3A_1550 = tpu.vector_load_idx %arg13[%shift_right_arithmetic3A_19, %and3A_42, %add3A_1543] : memref<8x8x768xf32, #tpu.memory_space<vmem>>[vector<16xi32>, vector<16xi32>, vector<16xi32>], vector<16xf32>,
      tpu.vector_store_idx %arg15[%shift_right_arithmetic3A_19, %and3A_42, %broadcast_in_dim3A_1544], %gather3A_1550 : memref<8x8x128xf32, #tpu.memory_space<vmem>>[vector<16xi32>, vector<16xi32>, vector<16xi32>], vector<16xf32>,
      %gather3A_1551 = tpu.vector_load_idx %arg12[%shift_right_arithmetic3A_25, %and3A_48, %add3A_1538] : memref<8x8x768xf32, #tpu.memory_space<vmem>>[vector<16xi32>, vector<16xi32>, vector<16xi32>], vector<16xf32>,
      tpu.vector_store_idx %arg14[%shift_right_arithmetic3A_25, %and3A_48, %broadcast_in_dim3A_1544], %gather3A_1551 : memref<8x8x128xf32, #tpu.memory_space<vmem>>[vector<16xi32>, vector<16xi32>, vector<16xi32>], vector<16xf32>,
      %gather3A_1552 = tpu.vector_load_idx %arg13[%shift_right_arithmetic3A_25, %and3A_48, %add3A_1543] : memref<8x8x768xf32, #tpu.memory_space<vmem>>[vector<16xi32>, vector<16xi32>, vector<16xi32>], vector<16xf32>,
      tpu.vector_store_idx %arg15[%shift_right_arithmetic3A_25, %and3A_48, %broadcast_in_dim3A_1544], %gather3A_1552 : memref<8x8x128xf32, #tpu.memory_space<vmem>>[vector<16xi32>, vector<16xi32>, vector<16xi32>], vector<16xf32>,
      %dma_wait3A_1553 = arith.constant 0 : i32
      %dma_wait3A_1554 = arith.constant 0 : i32
      %dma_wait3A_1555 = arith.constant 256 : i32
      %dma_wait3A_1556 = tpu.memref_slice %arg12[%dma_wait3A_1553, %dma_wait3A_1554, %dma_wait3A_1555] : memref<8x8x768xf32, #tpu.memory_space<vmem>> -> memref<8x8x128xf32, #tpu.memory_space<vmem>>
      %dma_wait3A_1557 = arith.constant 0 : i32
      %dma_wait3A_1558 = arith.constant 0 : i32
      %dma_wait3A_1559 = arith.constant 0 : i32
      %dma_wait3A_1560 = tpu.memref_slice %arg4[%dma_wait3A_1557, %dma_wait3A_1558, %dma_wait3A_1559] : memref<8x8x1000000xf32, #tpu.memory_space<hbm>> -> memref<8x8x128xf32, #tpu.memory_space<hbm>>
      %dma_wait3A_1561 = arith.constant 0 : i32
      %dma_wait3A_1562 = arith.constant 0 : i32
      %dma_wait3A_1563 = arith.constant 256 : i32
      %dma_wait3A_1564 = tpu.memref_slice %arg12[%dma_wait3A_1561, %dma_wait3A_1562, %dma_wait3A_1563] : memref<8x8x768xf32, #tpu.memory_space<vmem>> -> memref<8x8x128xf32, #tpu.memory_space<vmem>>
      %dma_wait3A_1565 = arith.constant 0 : i32
      %dma_wait3A_1566 = arith.constant 0 : i32
      %dma_wait3A_1567 = arith.constant 0 : i32
      %dma_wait3A_1568 = tpu.memref_slice %arg4[%dma_wait3A_1565, %dma_wait3A_1566, %dma_wait3A_1567] : memref<8x8x1000000xf32, #tpu.memory_space<hbm>> -> memref<8x8x128xf32, #tpu.memory_space<hbm>>
      tpu.wait_dma2 semaphore(%arg16 : memref<!tpu.dma_semaphore, #tpu.memory_space<semaphore_mem>>) src(%dma_wait3A_1568 : memref<8x8x128xf32, #tpu.memory_space<hbm>>) dst(%dma_wait3A_1564 : memref<8x8x128xf32, #tpu.memory_space<vmem>>)
      %dma_wait3A_1569 = arith.constant 0 : i32
      %dma_wait3A_1570 = arith.constant 0 : i32
      %dma_wait3A_1571 = arith.constant 256 : i32
      %dma_wait3A_1572 = tpu.memref_slice %arg13[%dma_wait3A_1569, %dma_wait3A_1570, %dma_wait3A_1571] : memref<8x8x768xf32, #tpu.memory_space<vmem>> -> memref<8x8x128xf32, #tpu.memory_space<vmem>>
      %dma_wait3A_1573 = arith.constant 0 : i32
      %dma_wait3A_1574 = arith.constant 0 : i32
      %dma_wait3A_1575 = arith.constant 0 : i32
      %dma_wait3A_1576 = tpu.memref_slice %arg5[%dma_wait3A_1573, %dma_wait3A_1574, %dma_wait3A_1575] : memref<8x8x1000000xf32, #tpu.memory_space<hbm>> -> memref<8x8x128xf32, #tpu.memory_space<hbm>>
      %dma_wait3A_1577 = arith.constant 0 : i32
      %dma_wait3A_1578 = arith.constant 0 : i32
      %dma_wait3A_1579 = arith.constant 256 : i32
      %dma_wait3A_1580 = tpu.memref_slice %arg13[%dma_wait3A_1577, %dma_wait3A_1578, %dma_wait3A_1579] : memref<8x8x768xf32, #tpu.memory_space<vmem>> -> memref<8x8x128xf32, #tpu.memory_space<vmem>>
      %dma_wait3A_1581 = arith.constant 0 : i32
      %dma_wait3A_1582 = arith.constant 0 : i32
      %dma_wait3A_1583 = arith.constant 0 : i32
      %dma_wait3A_1584 = tpu.memref_slice %arg5[%dma_wait3A_1581, %dma_wait3A_1582, %dma_wait3A_1583] : memref<8x8x1000000xf32, #tpu.memory_space<hbm>> -> memref<8x8x128xf32, #tpu.memory_space<hbm>>
      tpu.wait_dma2 semaphore(%arg17 : memref<!tpu.dma_semaphore, #tpu.memory_space<semaphore_mem>>) src(%dma_wait3A_1584 : memref<8x8x128xf32, #tpu.memory_space<hbm>>) dst(%dma_wait3A_1580 : memref<8x8x128xf32, #tpu.memory_space<vmem>>)
      %dma_wait3A_1585 = arith.constant 0 : i32
      %dma_wait3A_1586 = arith.constant 0 : i32
      %dma_wait3A_1587 = arith.constant 384 : i32
      %dma_wait3A_1588 = tpu.memref_slice %arg12[%dma_wait3A_1585, %dma_wait3A_1586, %dma_wait3A_1587] : memref<8x8x768xf32, #tpu.memory_space<vmem>> -> memref<8x8x128xf32, #tpu.memory_space<vmem>>
      %dma_wait3A_1589 = arith.constant 0 : i32
      %dma_wait3A_1590 = arith.constant 0 : i32
      %dma_wait3A_1591 = arith.constant 0 : i32
      %dma_wait3A_1592 = tpu.memref_slice %arg4[%dma_wait3A_1589, %dma_wait3A_1590, %dma_wait3A_1591] : memref<8x8x1000000xf32, #tpu.memory_space<hbm>> -> memref<8x8x128xf32, #tpu.memory_space<hbm>>
      %dma_wait3A_1593 = arith.constant 0 : i32
      %dma_wait3A_1594 = arith.constant 0 : i32
      %dma_wait3A_1595 = arith.constant 384 : i32
      %dma_wait3A_1596 = tpu.memref_slice %arg12[%dma_wait3A_1593, %dma_wait3A_1594, %dma_wait3A_1595] : memref<8x8x768xf32, #tpu.memory_space<vmem>> -> memref<8x8x128xf32, #tpu.memory_space<vmem>>
      %dma_wait3A_1597 = arith.constant 0 : i32
      %dma_wait3A_1598 = arith.constant 0 : i32
      %dma_wait3A_1599 = arith.constant 0 : i32
      %dma_wait3A_1600 = tpu.memref_slice %arg4[%dma_wait3A_1597, %dma_wait3A_1598, %dma_wait3A_1599] : memref<8x8x1000000xf32, #tpu.memory_space<hbm>> -> memref<8x8x128xf32, #tpu.memory_space<hbm>>
      tpu.wait_dma2 semaphore(%arg16 : memref<!tpu.dma_semaphore, #tpu.memory_space<semaphore_mem>>) src(%dma_wait3A_1600 : memref<8x8x128xf32, #tpu.memory_space<hbm>>) dst(%dma_wait3A_1596 : memref<8x8x128xf32, #tpu.memory_space<vmem>>)
      %dma_wait3A_1601 = arith.constant 0 : i32
      %dma_wait3A_1602 = arith.constant 0 : i32
      %dma_wait3A_1603 = arith.constant 384 : i32
      %dma_wait3A_1604 = tpu.memref_slice %arg13[%dma_wait3A_1601, %dma_wait3A_1602, %dma_wait3A_1603] : memref<8x8x768xf32, #tpu.memory_space<vmem>> -> memref<8x8x128xf32, #tpu.memory_space<vmem>>
      %dma_wait3A_1605 = arith.constant 0 : i32
      %dma_wait3A_1606 = arith.constant 0 : i32
      %dma_wait3A_1607 = arith.constant 0 : i32
      %dma_wait3A_1608 = tpu.memref_slice %arg5[%dma_wait3A_1605, %dma_wait3A_1606, %dma_wait3A_1607] : memref<8x8x1000000xf32, #tpu.memory_space<hbm>> -> memref<8x8x128xf32, #tpu.memory_space<hbm>>
      %dma_wait3A_1609 = arith.constant 0 : i32
      %dma_wait3A_1610 = arith.constant 0 : i32
      %dma_wait3A_1611 = arith.constant 384 : i32
      %dma_wait3A_1612 = tpu.memref_slice %arg13[%dma_wait3A_1609, %dma_wait3A_1610, %dma_wait3A_1611] : memref<8x8x768xf32, #tpu.memory_space<vmem>> -> memref<8x8x128xf32, #tpu.memory_space<vmem>>
      %dma_wait3A_1613 = arith.constant 0 : i32
      %dma_wait3A_1614 = arith.constant 0 : i32
      %dma_wait3A_1615 = arith.constant 0 : i32
      %dma_wait3A_1616 = tpu.memref_slice %arg5[%dma_wait3A_1613, %dma_wait3A_1614, %dma_wait3A_1615] : memref<8x8x1000000xf32, #tpu.memory_space<hbm>> -> memref<8x8x128xf32, #tpu.memory_space<hbm>>
      tpu.wait_dma2 semaphore(%arg17 : memref<!tpu.dma_semaphore, #tpu.memory_space<semaphore_mem>>) src(%dma_wait3A_1616 : memref<8x8x128xf32, #tpu.memory_space<hbm>>) dst(%dma_wait3A_1612 : memref<8x8x128xf32, #tpu.memory_space<vmem>>)
      %slice3A_1617 = vector.extract_strided_slice %get3A_59 {offsets = [14], sizes = [1], strides = [1]} : vector<16xi32> to vector<1xi32>
      %squeeze3A_1618 = vector.extract %slice3A_1617[0] : i32 from vector<1xi32>
      %slice3A_1619 = vector.extract_strided_slice %get3A_63 {offsets = [14], sizes = [1], strides = [1]} : vector<16xi32> to vector<1xi32>
      %squeeze3A_1620 = vector.extract %slice3A_1619[0] : i32 from vector<1xi32>
      %mul3A_1621 = arith.constant 16 : i32
      %mul3A_1622 = arith.muli %scan3A_55, %mul3A_1621 : i32
      %add3A_1623 = arith.constant 14 : i32
      %add3A_1624 = arith.addi %mul3A_1622, %add3A_1623 : i32
      %add3A_1625 = arith.constant 0 : i32
      %add3A_1626 = arith.addi %add3A_1624, %add3A_1625 : i32
      %ge3A_1627 = arith.constant 999936 : i32
      %ge3A_1628 = arith.cmpi sge, %squeeze3A_1618, %ge3A_1627 : i32
      %and3A_1629 = arith.constant -128 : i32
      %and3A_1630 = arith.andi %squeeze3A_1618, %and3A_1629 : i32
      %jit3A_1631 = arith.constant 999936 : i32
      %select_n3A_1632 = arith.select %ge3A_1628, %jit3A_1631, %and3A_1630 : i32
      %ge3A_1633 = arith.constant 999936 : i32
      %ge3A_1634 = arith.cmpi sge, %squeeze3A_1620, %ge3A_1633 : i32
      %and3A_1635 = arith.constant -128 : i32
      %and3A_1636 = arith.andi %squeeze3A_1620, %and3A_1635 : i32
      %jit3A_1637 = arith.constant 999936 : i32
      %select_n3A_1638 = arith.select %ge3A_1634, %jit3A_1637, %and3A_1636 : i32
      %broadcast_in_dim3A_1639 = arith.constant 256 : i32
      %broadcast_in_dim3A_1640 = vector.broadcast %broadcast_in_dim3A_1639 : i32 to vector<16xi32>
      %sub3A_1641 = arith.subi %squeeze3A_1618, %select_n3A_1632 : i32
      %add3A_1642 = vector.broadcast %sub3A_1641 : i32 to vector<16xi32>
      %add3A_1643 = arith.addi %broadcast_in_dim3A_1640, %add3A_1642 : vector<16xi32>
      %broadcast_in_dim3A_1644 = arith.constant 256 : i32
      %broadcast_in_dim3A_1645 = vector.broadcast %broadcast_in_dim3A_1644 : i32 to vector<16xi32>
      %sub3A_1646 = arith.subi %squeeze3A_1620, %select_n3A_1638 : i32
      %add3A_1647 = vector.broadcast %sub3A_1646 : i32 to vector<16xi32>
      %add3A_1648 = arith.addi %broadcast_in_dim3A_1645, %add3A_1647 : vector<16xi32>
      %broadcast_in_dim3A_1649 = vector.broadcast %add3A_1626 : i32 to vector<16xi32>
      %gather3A_1650 = tpu.vector_load_idx %arg12[%shift_right_arithmetic3A_7, %and3A_30, %add3A_1643] : memref<8x8x768xf32, #tpu.memory_space<vmem>>[vector<16xi32>, vector<16xi32>, vector<16xi32>], vector<16xf32>,
      tpu.vector_store_idx %arg14[%shift_right_arithmetic3A_7, %and3A_30, %broadcast_in_dim3A_1649], %gather3A_1650 : memref<8x8x128xf32, #tpu.memory_space<vmem>>[vector<16xi32>, vector<16xi32>, vector<16xi32>], vector<16xf32>,
      %gather3A_1651 = tpu.vector_load_idx %arg13[%shift_right_arithmetic3A_7, %and3A_30, %add3A_1648] : memref<8x8x768xf32, #tpu.memory_space<vmem>>[vector<16xi32>, vector<16xi32>, vector<16xi32>], vector<16xf32>,
      tpu.vector_store_idx %arg15[%shift_right_arithmetic3A_7, %and3A_30, %broadcast_in_dim3A_1649], %gather3A_1651 : memref<8x8x128xf32, #tpu.memory_space<vmem>>[vector<16xi32>, vector<16xi32>, vector<16xi32>], vector<16xf32>,
      %gather3A_1652 = tpu.vector_load_idx %arg12[%shift_right_arithmetic3A_13, %and3A_36, %add3A_1643] : memref<8x8x768xf32, #tpu.memory_space<vmem>>[vector<16xi32>, vector<16xi32>, vector<16xi32>], vector<16xf32>,
      tpu.vector_store_idx %arg14[%shift_right_arithmetic3A_13, %and3A_36, %broadcast_in_dim3A_1649], %gather3A_1652 : memref<8x8x128xf32, #tpu.memory_space<vmem>>[vector<16xi32>, vector<16xi32>, vector<16xi32>], vector<16xf32>,
      %gather3A_1653 = tpu.vector_load_idx %arg13[%shift_right_arithmetic3A_13, %and3A_36, %add3A_1648] : memref<8x8x768xf32, #tpu.memory_space<vmem>>[vector<16xi32>, vector<16xi32>, vector<16xi32>], vector<16xf32>,
      tpu.vector_store_idx %arg15[%shift_right_arithmetic3A_13, %and3A_36, %broadcast_in_dim3A_1649], %gather3A_1653 : memref<8x8x128xf32, #tpu.memory_space<vmem>>[vector<16xi32>, vector<16xi32>, vector<16xi32>], vector<16xf32>,
      %gather3A_1654 = tpu.vector_load_idx %arg12[%shift_right_arithmetic3A_19, %and3A_42, %add3A_1643] : memref<8x8x768xf32, #tpu.memory_space<vmem>>[vector<16xi32>, vector<16xi32>, vector<16xi32>], vector<16xf32>,
      tpu.vector_store_idx %arg14[%shift_right_arithmetic3A_19, %and3A_42, %broadcast_in_dim3A_1649], %gather3A_1654 : memref<8x8x128xf32, #tpu.memory_space<vmem>>[vector<16xi32>, vector<16xi32>, vector<16xi32>], vector<16xf32>,
      %gather3A_1655 = tpu.vector_load_idx %arg13[%shift_right_arithmetic3A_19, %and3A_42, %add3A_1648] : memref<8x8x768xf32, #tpu.memory_space<vmem>>[vector<16xi32>, vector<16xi32>, vector<16xi32>], vector<16xf32>,
      tpu.vector_store_idx %arg15[%shift_right_arithmetic3A_19, %and3A_42, %broadcast_in_dim3A_1649], %gather3A_1655 : memref<8x8x128xf32, #tpu.memory_space<vmem>>[vector<16xi32>, vector<16xi32>, vector<16xi32>], vector<16xf32>,
      %gather3A_1656 = tpu.vector_load_idx %arg12[%shift_right_arithmetic3A_25, %and3A_48, %add3A_1643] : memref<8x8x768xf32, #tpu.memory_space<vmem>>[vector<16xi32>, vector<16xi32>, vector<16xi32>], vector<16xf32>,
      tpu.vector_store_idx %arg14[%shift_right_arithmetic3A_25, %and3A_48, %broadcast_in_dim3A_1649], %gather3A_1656 : memref<8x8x128xf32, #tpu.memory_space<vmem>>[vector<16xi32>, vector<16xi32>, vector<16xi32>], vector<16xf32>,
      %gather3A_1657 = tpu.vector_load_idx %arg13[%shift_right_arithmetic3A_25, %and3A_48, %add3A_1648] : memref<8x8x768xf32, #tpu.memory_space<vmem>>[vector<16xi32>, vector<16xi32>, vector<16xi32>], vector<16xf32>,
      tpu.vector_store_idx %arg15[%shift_right_arithmetic3A_25, %and3A_48, %broadcast_in_dim3A_1649], %gather3A_1657 : memref<8x8x128xf32, #tpu.memory_space<vmem>>[vector<16xi32>, vector<16xi32>, vector<16xi32>], vector<16xf32>,
      %slice3A_1658 = vector.extract_strided_slice %get3A_59 {offsets = [15], sizes = [1], strides = [1]} : vector<16xi32> to vector<1xi32>
      %squeeze3A_1659 = vector.extract %slice3A_1658[0] : i32 from vector<1xi32>
      %slice3A_1660 = vector.extract_strided_slice %get3A_63 {offsets = [15], sizes = [1], strides = [1]} : vector<16xi32> to vector<1xi32>
      %squeeze3A_1661 = vector.extract %slice3A_1660[0] : i32 from vector<1xi32>
      %mul3A_1662 = arith.constant 16 : i32
      %mul3A_1663 = arith.muli %scan3A_55, %mul3A_1662 : i32
      %add3A_1664 = arith.constant 14 : i32
      %add3A_1665 = arith.addi %mul3A_1663, %add3A_1664 : i32
      %add3A_1666 = arith.constant 1 : i32
      %add3A_1667 = arith.addi %add3A_1665, %add3A_1666 : i32
      %ge3A_1668 = arith.constant 999936 : i32
      %ge3A_1669 = arith.cmpi sge, %squeeze3A_1659, %ge3A_1668 : i32
      %and3A_1670 = arith.constant -128 : i32
      %and3A_1671 = arith.andi %squeeze3A_1659, %and3A_1670 : i32
      %jit3A_1672 = arith.constant 999936 : i32
      %select_n3A_1673 = arith.select %ge3A_1669, %jit3A_1672, %and3A_1671 : i32
      %ge3A_1674 = arith.constant 999936 : i32
      %ge3A_1675 = arith.cmpi sge, %squeeze3A_1661, %ge3A_1674 : i32
      %and3A_1676 = arith.constant -128 : i32
      %and3A_1677 = arith.andi %squeeze3A_1661, %and3A_1676 : i32
      %jit3A_1678 = arith.constant 999936 : i32
      %select_n3A_1679 = arith.select %ge3A_1675, %jit3A_1678, %and3A_1677 : i32
      %broadcast_in_dim3A_1680 = arith.constant 384 : i32
      %broadcast_in_dim3A_1681 = vector.broadcast %broadcast_in_dim3A_1680 : i32 to vector<16xi32>
      %sub3A_1682 = arith.subi %squeeze3A_1659, %select_n3A_1673 : i32
      %add3A_1683 = vector.broadcast %sub3A_1682 : i32 to vector<16xi32>
      %add3A_1684 = arith.addi %broadcast_in_dim3A_1681, %add3A_1683 : vector<16xi32>
      %broadcast_in_dim3A_1685 = arith.constant 384 : i32
      %broadcast_in_dim3A_1686 = vector.broadcast %broadcast_in_dim3A_1685 : i32 to vector<16xi32>
      %sub3A_1687 = arith.subi %squeeze3A_1661, %select_n3A_1679 : i32
      %add3A_1688 = vector.broadcast %sub3A_1687 : i32 to vector<16xi32>
      %add3A_1689 = arith.addi %broadcast_in_dim3A_1686, %add3A_1688 : vector<16xi32>
      %broadcast_in_dim3A_1690 = vector.broadcast %add3A_1667 : i32 to vector<16xi32>
      %gather3A_1691 = tpu.vector_load_idx %arg12[%shift_right_arithmetic3A_7, %and3A_30, %add3A_1684] : memref<8x8x768xf32, #tpu.memory_space<vmem>>[vector<16xi32>, vector<16xi32>, vector<16xi32>], vector<16xf32>,
      tpu.vector_store_idx %arg14[%shift_right_arithmetic3A_7, %and3A_30, %broadcast_in_dim3A_1690], %gather3A_1691 : memref<8x8x128xf32, #tpu.memory_space<vmem>>[vector<16xi32>, vector<16xi32>, vector<16xi32>], vector<16xf32>,
      %gather3A_1692 = tpu.vector_load_idx %arg13[%shift_right_arithmetic3A_7, %and3A_30, %add3A_1689] : memref<8x8x768xf32, #tpu.memory_space<vmem>>[vector<16xi32>, vector<16xi32>, vector<16xi32>], vector<16xf32>,
      tpu.vector_store_idx %arg15[%shift_right_arithmetic3A_7, %and3A_30, %broadcast_in_dim3A_1690], %gather3A_1692 : memref<8x8x128xf32, #tpu.memory_space<vmem>>[vector<16xi32>, vector<16xi32>, vector<16xi32>], vector<16xf32>,
      %gather3A_1693 = tpu.vector_load_idx %arg12[%shift_right_arithmetic3A_13, %and3A_36, %add3A_1684] : memref<8x8x768xf32, #tpu.memory_space<vmem>>[vector<16xi32>, vector<16xi32>, vector<16xi32>], vector<16xf32>,
      tpu.vector_store_idx %arg14[%shift_right_arithmetic3A_13, %and3A_36, %broadcast_in_dim3A_1690], %gather3A_1693 : memref<8x8x128xf32, #tpu.memory_space<vmem>>[vector<16xi32>, vector<16xi32>, vector<16xi32>], vector<16xf32>,
      %gather3A_1694 = tpu.vector_load_idx %arg13[%shift_right_arithmetic3A_13, %and3A_36, %add3A_1689] : memref<8x8x768xf32, #tpu.memory_space<vmem>>[vector<16xi32>, vector<16xi32>, vector<16xi32>], vector<16xf32>,
      tpu.vector_store_idx %arg15[%shift_right_arithmetic3A_13, %and3A_36, %broadcast_in_dim3A_1690], %gather3A_1694 : memref<8x8x128xf32, #tpu.memory_space<vmem>>[vector<16xi32>, vector<16xi32>, vector<16xi32>], vector<16xf32>,
      %gather3A_1695 = tpu.vector_load_idx %arg12[%shift_right_arithmetic3A_19, %and3A_42, %add3A_1684] : memref<8x8x768xf32, #tpu.memory_space<vmem>>[vector<16xi32>, vector<16xi32>, vector<16xi32>], vector<16xf32>,
      tpu.vector_store_idx %arg14[%shift_right_arithmetic3A_19, %and3A_42, %broadcast_in_dim3A_1690], %gather3A_1695 : memref<8x8x128xf32, #tpu.memory_space<vmem>>[vector<16xi32>, vector<16xi32>, vector<16xi32>], vector<16xf32>,
      %gather3A_1696 = tpu.vector_load_idx %arg13[%shift_right_arithmetic3A_19, %and3A_42, %add3A_1689] : memref<8x8x768xf32, #tpu.memory_space<vmem>>[vector<16xi32>, vector<16xi32>, vector<16xi32>], vector<16xf32>,
      tpu.vector_store_idx %arg15[%shift_right_arithmetic3A_19, %and3A_42, %broadcast_in_dim3A_1690], %gather3A_1696 : memref<8x8x128xf32, #tpu.memory_space<vmem>>[vector<16xi32>, vector<16xi32>, vector<16xi32>], vector<16xf32>,
      %gather3A_1697 = tpu.vector_load_idx %arg12[%shift_right_arithmetic3A_25, %and3A_48, %add3A_1684] : memref<8x8x768xf32, #tpu.memory_space<vmem>>[vector<16xi32>, vector<16xi32>, vector<16xi32>], vector<16xf32>,
      tpu.vector_store_idx %arg14[%shift_right_arithmetic3A_25, %and3A_48, %broadcast_in_dim3A_1690], %gather3A_1697 : memref<8x8x128xf32, #tpu.memory_space<vmem>>[vector<16xi32>, vector<16xi32>, vector<16xi32>], vector<16xf32>,
      %gather3A_1698 = tpu.vector_load_idx %arg13[%shift_right_arithmetic3A_25, %and3A_48, %add3A_1689] : memref<8x8x768xf32, #tpu.memory_space<vmem>>[vector<16xi32>, vector<16xi32>, vector<16xi32>], vector<16xf32>,
      tpu.vector_store_idx %arg15[%shift_right_arithmetic3A_25, %and3A_48, %broadcast_in_dim3A_1690], %gather3A_1698 : memref<8x8x128xf32, #tpu.memory_space<vmem>>[vector<16xi32>, vector<16xi32>, vector<16xi32>], vector<16xf32>,
      %scan3A_1699 = arith.constant 0 : i32
      scf.yield %scan3A_1699 : i32
    }
    %scan3A_54 = arith.constant 8 : i32
    "tpu.region"() ({
      %run_scoped3A = tpu.sem_alloc : memref<!tpu.dma_semaphore, #tpu.memory_space<semaphore_mem>>
      %dma_start3A = arith.constant 0 : i32
      %dma_start3A_55 = arith.constant 0 : i32
      %dma_start3A_56 = tpu.memref_slice %arg8[%dma_start3A, %dma_start3A_55, %mul3A_2] : memref<8x8x4096xf32, #tpu.memory_space<hbm>> -> memref<8x8x128xf32, #tpu.memory_space<hbm>>
      %dma_start3A_57 = arith.constant 0 : i32
      %dma_start3A_58 = arith.constant 0 : i32
      %dma_start3A_59 = tpu.memref_slice %arg8[%dma_start3A_57, %dma_start3A_58, %mul3A_2] : memref<8x8x4096xf32, #tpu.memory_space<hbm>> -> memref<8x8x128xf32, #tpu.memory_space<hbm>>
      tpu.enqueue_dma source(%arg14 : memref<8x8x128xf32, #tpu.memory_space<vmem>>) target(%dma_start3A_59 : memref<8x8x128xf32, #tpu.memory_space<hbm>>) target_semaphore(%run_scoped3A : memref<!tpu.dma_semaphore, #tpu.memory_space<semaphore_mem>>)
      %dma_wait3A = arith.constant 0 : i32
      %dma_wait3A_60 = arith.constant 0 : i32
      %dma_wait3A_61 = tpu.memref_slice %arg8[%dma_wait3A, %dma_wait3A_60, %mul3A_2] : memref<8x8x4096xf32, #tpu.memory_space<hbm>> -> memref<8x8x128xf32, #tpu.memory_space<hbm>>
      %dma_wait3A_62 = arith.constant 0 : i32
      %dma_wait3A_63 = arith.constant 0 : i32
      %dma_wait3A_64 = tpu.memref_slice %arg8[%dma_wait3A_62, %dma_wait3A_63, %mul3A_2] : memref<8x8x4096xf32, #tpu.memory_space<hbm>> -> memref<8x8x128xf32, #tpu.memory_space<hbm>>
      tpu.wait_dma2 semaphore(%run_scoped3A : memref<!tpu.dma_semaphore, #tpu.memory_space<semaphore_mem>>) src(%arg14 : memref<8x8x128xf32, #tpu.memory_space<vmem>>) dst(%dma_wait3A_64 : memref<8x8x128xf32, #tpu.memory_space<hbm>>)
      tpu.yield
    }) : () -> ()
    "tpu.region"() ({
      %run_scoped3A = tpu.sem_alloc : memref<!tpu.dma_semaphore, #tpu.memory_space<semaphore_mem>>
      %dma_start3A = arith.constant 0 : i32
      %dma_start3A_55 = arith.constant 0 : i32
      %dma_start3A_56 = tpu.memref_slice %arg9[%dma_start3A, %dma_start3A_55, %mul3A_2] : memref<8x8x4096xf32, #tpu.memory_space<hbm>> -> memref<8x8x128xf32, #tpu.memory_space<hbm>>
      %dma_start3A_57 = arith.constant 0 : i32
      %dma_start3A_58 = arith.constant 0 : i32
      %dma_start3A_59 = tpu.memref_slice %arg9[%dma_start3A_57, %dma_start3A_58, %mul3A_2] : memref<8x8x4096xf32, #tpu.memory_space<hbm>> -> memref<8x8x128xf32, #tpu.memory_space<hbm>>
      tpu.enqueue_dma source(%arg15 : memref<8x8x128xf32, #tpu.memory_space<vmem>>) target(%dma_start3A_59 : memref<8x8x128xf32, #tpu.memory_space<hbm>>) target_semaphore(%run_scoped3A : memref<!tpu.dma_semaphore, #tpu.memory_space<semaphore_mem>>)
      %dma_wait3A = arith.constant 0 : i32
      %dma_wait3A_60 = arith.constant 0 : i32
      %dma_wait3A_61 = tpu.memref_slice %arg9[%dma_wait3A, %dma_wait3A_60, %mul3A_2] : memref<8x8x4096xf32, #tpu.memory_space<hbm>> -> memref<8x8x128xf32, #tpu.memory_space<hbm>>
      %dma_wait3A_62 = arith.constant 0 : i32
      %dma_wait3A_63 = arith.constant 0 : i32
      %dma_wait3A_64 = tpu.memref_slice %arg9[%dma_wait3A_62, %dma_wait3A_63, %mul3A_2] : memref<8x8x4096xf32, #tpu.memory_space<hbm>> -> memref<8x8x128xf32, #tpu.memory_space<hbm>>
      tpu.wait_dma2 semaphore(%run_scoped3A : memref<!tpu.dma_semaphore, #tpu.memory_space<semaphore_mem>>) src(%arg15 : memref<8x8x128xf32, #tpu.memory_space<vmem>>) dst(%dma_wait3A_64 : memref<8x8x128xf32, #tpu.memory_space<hbm>>)
      tpu.yield
    }) : () -> ()
    return
  }
}

module attributes {stable_mosaic.version = 14 : i64} {
  func.func @_mm_body(%arg0: i32, %arg1: memref<64x4096xf32, #tpu.memory_space<vmem>>, %arg2: memref<64x512xf32, #tpu.memory_space<vmem>>, %arg3: memref<4096x512xf32, #tpu.memory_space<vmem>>) attributes {dimension_semantics = [#tpu.dimension_semantics<arbitrary>], iteration_bounds = array<i64: 8>, scalar_prefetch = 0 : i64, scratch_operands = 0 : i64, tpu.core_type = #tpu.core_type<tc>, window_params = [{pipeline_mode = #tpu.pipeline_mode<synchronous>, transform_indices = @transform_0, window_bounds = array<i64: 64, 4096>}, {transform_indices = @transform_1, window_bounds = array<i64: 64, 512>}, {transform_indices = @transform_2, window_bounds = array<i64: 4096, 512>}]} {
    %get3A = arith.constant 0 : index
    %get3A_0 = arith.constant 0 : index
    %get3A_1 = vector.load %arg1[%get3A, %get3A_0] : memref<64x4096xf32, #tpu.memory_space<vmem>>, vector<64x4096xf32>
    %get3A_2 = arith.constant 0 : index
    %get3A_3 = arith.constant 0 : index
    %get3A_4 = vector.load %arg2[%get3A_2, %get3A_3] : memref<64x512xf32, #tpu.memory_space<vmem>>, vector<64x512xf32>
    %dot_general3A = arith.constant dense<0.000000e+00> : vector<4096x512xf32>
    %dot_general3A_5 = tpu.matmul %get3A_1, %get3A_4, %dot_general3A {dimension_numbers = #tpu.dot_dimension_numbers<[0], [0], [1], [1], [0, 1, 1, 1], [], []>, transpose_lhs_hint = false} : vector<64x4096xf32>, vector<64x512xf32>, vector<4096x512xf32> -> vector<4096x512xf32>
    %swap3A = arith.constant 0 : index
    %swap3A_6 = arith.constant 0 : index
    %swap3A_7 = vector.load %arg3[%swap3A, %swap3A_6] : memref<4096x512xf32, #tpu.memory_space<vmem>>, vector<4096x512xf32>
    tpu.vector_store %arg3[%swap3A, %swap3A_6], %dot_general3A_5 {strides = array<i32>} : memref<4096x512xf32, #tpu.memory_space<vmem>>, vector<4096x512xf32>,
    return
  }
  func.func @transform_0(%arg0: i32) -> (i32, i32) {
    %c0_i32 = arith.constant 0 : i32
    %c0_i32_0 = arith.constant 0 : i32
    %c0_i32_1 = arith.constant 0 : i32
    return %c0_i32, %c0_i32_0 : i32, i32
  }
  func.func @transform_1(%arg0: i32) -> (i32, i32) {
    %c0_i32 = arith.constant 0 : i32
    %c0_i32_0 = arith.constant 0 : i32
    return %c0_i32, %arg0 : i32, i32
  }
  func.func @transform_2(%arg0: i32) -> (i32, i32) {
    %c0_i32 = arith.constant 0 : i32
    %c0_i32_0 = arith.constant 0 : i32
    return %c0_i32, %arg0 : i32, i32
  }
}

</mosaic_0001>

<sc_bundles>
// kernel: kernel.4.cloned.1.call-start
scs
__scs_entry_jumppad:
0x0: {  	(pc) =	sbr.rel $0x88, $3  }
0x1: {  	(tag) =	ssettag $0x0;
	lr =	simm.s32 $0x1  }
0x2: {  	[smem:$0x3F9D] =	sst lr;
	_ =	strace $0xD0000000  }
0x3: {  	_ = 	snop  }
0x4: {  	_ = 	snop  }
0x5: {  	_ = 	snop  }
0x6: {  	_ = 	snop  }
0x7: {  	_ = 	snop  }
__scs_overlays_trampoline_lowered:
0x8: {  	[smem:$0x3FAC] =	sst s0  }
0x9: {  	[smem:$0x3FAD] =	sst s1  }
0xa: {  	[smem:$0x3FAE] =	sst s2  }
0xb: {  	[smem:$0x3FAF] =	sst s3  }
0xc: {  	[smem:$0x3FB0] =	sst s4  }
0xd: {  	[smem:$0x3FB1] =	sst s5  }
0xe: {  	[smem:$0x3FB2] =	sst s6  }
0xf: {  	[smem:$0x3FB3] =	sst s7  }
0x10: {  	[smem:$0x3FB4] =	sst s8  }
0x11: {  	[smem:$0x3FB5] =	sst s9;
	s0 =	simm.s32 @!p0 $0x0  }
0x12: {  	s1 =	sld [smem:$0x3F9B];
	s0 =	simm.s32 @p0 $0x1  }
0x13: {  	[smem:$0x3FB6] =	sst s0;
	s0 =	simm.s32 @!p1 $0x0  }
0x14: {  	s2 =	sld [smem:$0x3F9A];
	s0 =	simm.s32 @p1 $0x1  }
0x15: {  	[smem:$0x3FB7] =	sst s0;
	s0 =	simm.s32 @!p2 $0x0  }
0x16: {  	s3 =	sld [smem:$0x3FDB];
	s0 =	simm.s32 @p2 $0x1  }
0x17: {  	s4 =	simm.s32 $0x1BF5;
	[smem:$0x3FB9] =	sst s0  }
0x18: {  	s0 =	sld [smem:$0x3F9C];
	_ =	swait.ge [sflag:s4], $0x0  }
0x19: {  	s7 =	sld [smem:$0x3F9D]  }
0x1a: {  	s8 =	sadd.s32 $0xFFFFE003, lr  }
0x1b: {  	s9 =	sadd.s32 $0xFFFFFEF7, lr;
	s5 =	simm.s32 $0xFFFFFFFF;
	p2 =	slt.u32 s8, $0xFFFFF086  }
0x1c: {  	p1 =	slt.u32 s9, $0xF7A;
	s5 =	simm.s32 @!p2 $0x0  }
0x1d: {  	s5 =	simm.s32 @p1 $0x1;
	p0 =	seq.s32 s7, s2  }
0x1e: {  	s7 =	smul.u32 @!p0 $0xF7A, s2;
	p2 =	seq.s32 @!p0 s5, $0x0  }
0x1f: {  	s9 =	smul.u32 $0xF7A, s1;
	s8 =	simm.s32 @!p0 $0x1BF5;
	p2 =	por !p2, p0  }
0x20: {  	[sflag:s8] =	ssyncset.s32 @!p0 $0xFFFFF086;
	s6 =	sadd.s32 @!p0 s3, s7;
	s7 =	simm.s32 @!p0 $0x108  }
0x21: {  	s3 =	sadd.s32 s3, s9;
	s6 =	sadd.s32 @!p0 $0x88, s6;
	s7 =	simm.s32 @p2 $0x1082  }
0x22: {  	[simem:s7], [sflag:s8] =	dma.local @!p0 [hbm:s6], $0xF7A  }
0x23: {  	s9 =	sor.u32 $0xD0000000, s2;
	s6 =	simm.s32 $0x108;
	_ =	swait.ge @!p0 [sflag:s8], $0x0  }
0x24: {  	s3 =	sadd.s32 $0x88, s3;
	s6 =	simm.s32 @!p1 $0x1082;
	[sflag:s4] =	ssyncset.s32 $0xFFFFF086  }
0x25: {  	[simem:s6], [sflag:s4] =	dma.local [hbm:s3], $0xF7A  }
0x26: {  	[smem:$0x3F9D] =	sst s1;
	(tag) =	ssettag s2;
	_ =	strace s9  }
0x27: {  	s1 =	sld [smem:$0x3FAD]  }
0x28: {  	s2 =	sld [smem:$0x3FAE]  }
0x29: {  	s4 =	sld [smem:$0x3FB0]  }
0x2a: {  	p0 =	seq.s32 s5, $0x0;
	s5 =	sld [smem:$0x3FB1]  }
0x2b: {  	s6 =	sld [smem:$0x3FB2]  }
0x2c: {  	s7 =	sld [smem:$0x3FB3]  }
0x2d: {  	s3 =	simm.s32 $0x108;
	s8 =	sld [smem:$0x3FB4]  }
0x2e: {  	s3 =	simm.s32 @!p0 $0x1082;
	s9 =	sld [smem:$0x3FB5]  }
0x2f: {  	lr =	sadd.s32 s0, s3;
	s0 =	sld [smem:$0x3FAC]  }
0x30: {  	s3 =	sld [smem:$0x3FAF]  }
0x31: {  	[smem:$0x3FB8] =	sst s10  }
0x32: {  	s10 =	sld [smem:$0x3FB6];
	_ =	sdelay $0x3  }
0x33: {  	p0 =	seq.s32 s10, $0x1;
	s10 =	sld [smem:$0x3FB8];
	_ =	sdelay $0x3  }
0x34: {  	[smem:$0x3FB8] =	sst s10  }
0x35: {  	s10 =	sld [smem:$0x3FB7];
	_ =	sdelay $0x3  }
0x36: {  	p1 =	seq.s32 s10, $0x1;
	s10 =	sld [smem:$0x3FB8];
	_ =	sdelay $0x3  }
0x37: {  	[smem:$0x3FB8] =	sst s10  }
0x38: {  	s10 =	sld [smem:$0x3FB9]  }
0x39: {  	_ = 	snop;
	(pc) =	sbr.ind lr, $3  }
0x3a: {  	_ = 	snop  }
0x3b: {  	_ = 	snop  }
0x3c: {  	p2 =	seq.s32 s10, $0x1;
	s10 =	sld [smem:$0x3FB8]  }
0x3d: {  	_ =	shalt  }
0x3e: {  	_ =	shalt  }
0x3f: {  	_ =	shalt  }
0x40: {  	_ =	shalt  }
0x41: {  	_ =	shalt  }
0x42: {  	_ =	shalt  }
0x43: {  	_ =	shalt  }
0x44: {  	_ =	shalt  }
0x45: {  	_ =	shalt  }
0x46: {  	_ =	shalt  }
0x47: {  	_ =	shalt  }
0x48: {  	_ =	shalt  }
0x49: {  	_ =	shalt  }
0x4a: {  	_ =	shalt  }
0x4b: {  	_ =	shalt  }
0x4c: {  	_ =	shalt  }
0x4d: {  	_ =	shalt  }
0x4e: {  	_ =	shalt  }
0x4f: {  	_ =	shalt  }
0x50: {  	_ =	shalt  }
0x51: {  	_ =	shalt  }
0x52: {  	_ =	shalt  }
0x53: {  	_ =	shalt  }
0x54: {  	_ =	shalt  }
0x55: {  	_ =	shalt  }
0x56: {  	_ =	shalt  }
0x57: {  	_ =	shalt  }
0x58: {  	_ =	shalt  }
0x59: {  	_ =	shalt  }
0x5a: {  	_ =	shalt  }
0x5b: {  	_ =	shalt  }
0x5c: {  	_ =	shalt  }
0x5d: {  	_ =	shalt  }
0x5e: {  	_ =	shalt  }
0x5f: {  	_ =	shalt  }
0x60: {  	_ =	shalt  }
0x61: {  	_ =	shalt  }
0x62: {  	_ =	shalt  }
0x63: {  	_ =	shalt  }
0x64: {  	_ =	shalt  }
0x65: {  	_ =	shalt  }
0x66: {  	_ =	shalt  }
0x67: {  	_ =	shalt  }
0x68: {  	_ =	shalt  }
0x69: {  	_ =	shalt  }
0x6a: {  	_ =	shalt  }
0x6b: {  	_ =	shalt  }
0x6c: {  	_ =	shalt  }
0x6d: {  	_ =	shalt  }
0x6e: {  	_ =	shalt  }
0x6f: {  	_ =	shalt  }
0x70: {  	_ =	shalt  }
0x71: {  	_ =	shalt  }
0x72: {  	_ =	shalt  }
0x73: {  	_ =	shalt  }
0x74: {  	_ =	shalt  }
0x75: {  	_ =	shalt  }
0x76: {  	_ =	shalt  }
0x77: {  	_ =	shalt  }
0x78: {  	_ =	shalt  }
0x79: {  	_ =	shalt  }
0x7a: {  	_ =	shalt  }
0x7b: {  	_ =	shalt  }
0x7c: {  	_ =	shalt  }
0x7d: {  	_ =	shalt  }
0x7e: {  	_ =	shalt  }
0x7f: {  	_ =	shalt  }
0x80: {  	_ =	shalt  }
0x81: {  	_ =	shalt  }
0x82: {  	_ =	shalt  }
0x83: {  	_ =	shalt  }
0x84: {  	_ =	shalt  }
0x85: {  	_ =	shalt  }
0x86: {  	_ =	shalt  }
0x87: {  	_ =	shalt  }
.Lfunc_end0:
.L_simem_size_0:
called_computation_lowered:
.L_overlay_start_0:
0x88: {  	s2 =	sld [smem:$0x3FD9]  }
0x89: {  	s3 =	sld [smem:$0x3FFE];
	_ =	sdelay $0x1  }
0x8a: {  	s1 =	srdreg.scid  }
0x8b: {  	s0 =	sand.u32 $0x1, s1  }
0x8c: {  	s17 =	sshll.u32 s0, $0xA;
	s2 =	sadd.s32 s3, s2  }
0x8d: {  	s2 =	sadd.s32 s2, s17  }
0x8e: {  	[smem:$0x3FC4] =	sst s2  }
0x8f: {  	_ = 	snop  }
0x90: {  	s2 =	sld [smem:$0x3FC9]  }
0x91: {  	s18 =	sld [smem:$0x3FC8]  }
0x92: {  	s4 =	sld [smem:$0x3FC7]  }
0x93: {  	s5 =	sld [smem:$0x3FC6]  }
0x94: {  	s6 =	sld [smem:$0x3FD0];
	(tm) =	ssettm $0x1  }
0x95: {  	s7 =	sld [smem:$0x3FFB];
	_ =	sdelay $0x3  }
0x96: {  	_ =	strace s7  }
0x97: {  	s7 =	sld [smem:$0x3FFC];
	_ =	sdelay $0x3  }
0x98: {  	_ =	strace s7  }
0x99: {  	s7 =	sld [smem:$0x3FFD];
	_ =	sdelay $0x3  }
0x9a: {  	_ =	strace s7  }
0x9b: {  	_ =	strace $0x8FFFFFFF  }
0x9c: {  	s19 =	sld [smem:$0x3FDB];
	_ =	sdelay $0x1  }
0x9d: {  	s8 =	simm.s32 $_scs_section_size  }
0x9e: {  	s9 =	simm.s32 $_size__tile_overlayer_lowered;
	s10 =	simm.s32 $_tile_overlayer_lowered  }
0x9f: {  	s22 =	simm.s32 $0x1BFF;
	s21 =	sshll.u32 s10, $0x1;
	s7 =	sadd.s32 s8, s19  }
0xa0: {  	s11 =	simm.s32 $0x0;
	s20 =	sshll.u32 s9, $0x1;
	s9 =	sadd.s32 s21, s7  }
0xa1: {  	[timem:s11], [sflag:s22] =	dma.local [hbm:s9], s20  }
0xa2: {  	_ =	swait.ge [sflag:s22], s20  }
0xa3: {  	s8 =	ssub.s32 $0x0, s20;
	[sflag:s22] =	ssyncset.done $0x0  }
0xa4: {  	[sflag:s22] =	ssyncadd.s32 s8;
	_ =	sdelay $0x1  }
0xa5: {  	s23 =	simm.s32 $0x1B8B  }
0xa6: {  	_ =	swait.ge [sflag:s23], $0x1  }
0xa7: {  	[sflag:s23] =	ssyncset.done $0x0  }
0xa8: {  	s25 =	simm.s32 $0x1B8E;
	s24 =	sld [smem:$0x3FFE];
	[sflag:s23] =	ssyncadd.s32 $0xFFFFFFFF  }
0xa9: {  	s26 =	simm.s32 $execute0_lowered;
	[smem:$0x3FD2] =	sst s25  }
0xaa: {  	s9 =	sshll.u32 s26, $0x1;
	_ =	strace $0x80000046;
	[dreg:$0x1] =	wrdreg $0xFFFFFFFF  }
0xab: {  	s28 =	simm.s32 $_size_execute0_lowered;
	s7 =	sadd.s32 s7, s9;
	[dreg:$0x0] =	wrdreg $0x0  }
0xac: {  	s9 =	sshll.u32 s28, $0x1;
	[dreg:$0x2] =	wrdreg s7  }
0xad: {  	[dreg:$0x3] =	wrdreg s9  }
0xae: {  	[dreg:$0x4] =	wrdreg $0xC0  }
0xaf: {  	_ =	task [dreg:s11], $0x5FFFF  }
0xb0: {  	[dreg:$0x1] =	wrdreg $0xFFFFFFFF  }
0xb1: {  	[dreg:$0x0] =	wrdreg $0x60  }
0xb2: {  	[dreg:$0x2] =	wrdreg s2  }
0xb3: {  	[dreg:$0x3] =	wrdreg s18  }
0xb4: {  	[dreg:$0x4] =	wrdreg s4  }
0xb5: {  	[dreg:$0x5] =	wrdreg s5  }
0xb6: {  	[dreg:$0x6] =	wrdreg s24  }
0xb7: {  	[dreg:$0x7] =	wrdreg s6  }
0xb8: {  	[dreg:$0x8] =	wrdreg $0x9  }
0xb9: {  	_ =	task.clear_ibuf [dreg:s11], $0x9FFFF;
	_ =	strace $0x90000046  }
0xba: {  	s29 =	simm.s32 $0x9;
	_ =	strace $0x80000048  }
0xbb: {  	_ =	swait.ge [sflag:s29], $0x1  }
0xbc: {  	[sflag:s29] =	ssyncadd.s32 $0xFFFFFFFF  }
0xbd: {  	_ =	strace $0x90000048  }
0xbe: {  	_ =	sfence  }
0xbf: {  	s30 =	sld [smem:$0x0];
	_ =	sdelay $0x2  }
0xc0: {  	s31 =	sshll.u32 s1, $0xD;
	s1 =	sshrl.u32 s1, $0x2  }
0xc1: {  	s3 =	sand.u32 $0x4000, s31;
	s1 =	sadd.s32 s1, s30  }
0xc2: {  	s0 =	sor.u32 s3, s0;
	s1 =	sshll.u32 s1, $0x11  }
0xc3: {  	s0 =	sor.u32 s1, s0  }
0xc4: {  	s0 =	sadd.s32 $0x8F2B, s0  }
0xc5: {  	[sflag:s0] =	ssyncadd.remote.s32 $0x1  }
0xc6: {  	_ =	sfence.sel $0xFFFF  }
0xc7: {  	[dreg:$0x0] =	wrdreg $0xFFFFFFFF;
	(pc) =	sbr.abs _section_cstart, $3  }
0xc8: {  	[dreg:$0x1] =	wrdreg $0xFFFFFFFF  }
0xc9: {  	_ =	task.clear_ibuf [dreg:s11], $0x2FFFF;
	_ =	strace $0x9FFFFFFF  }
0xca: {  	(tm) =	ssettm $0x7FFFFFFF  }
0xcb: {  	_ =	shalt  }
tec
execute0_lowered:
.L_overlay_start_1:
0x0: {  	(tag) =	ssettag $0x1  }
0x1: {  	v0 =	vimm.s32 $0x1B80;
	vm14 =	vcmask $0x300;
	vm13 =	vcmask $0x704  }
0x2: {  	vm12 =	vcmask $0xB08;
	vm11 =	vcmask $0xF0C;
	vm10 =	vcmask $0x1310  }
0x3: {  	vm9 =	vcmask $0x1714;
	vm8 =	vcmask $0x1B18;
	vm7 =	vcmask $0x1F1C  }
0x4: {  	s1 =	rddreg [dreg:$0x0];
	vm6 =	vcmask $0x2320;
	vm5 =	vcmask $0x2724;
	vm4 =	vcmask $0x2B28  }
0x5: {  	s2 =	rddreg [dreg:$0x1];
	vm3 =	vcmask $0x2F2C;
	vm2 =	vcmask $0x3330;
	vm0 =	vcmask $0x3734  }
0x6: {  	s12 =	rddreg [dreg:$0x2];
	vm1 =	vcmask $0x3B38;
	v1 =	vlaneseq.u32;
	v2 =	vimm.s32 $0x4B80  }
0x7: {  	s19 =	rddreg [dreg:$0x3];
	v3 =	vimm.s32 $0x7B80;
	v4 =	vimm.s32 $0xAB80;
	v0 =	vsel vm14, $0x0, v0  }
0x8: {  	s0 =	rddreg [dreg:$0x4];
	v1 =	vmul.u32 $0x80, v1;
	v2 =	vsel vm14, $0x3000, v2;
	v3 =	vsel vm14, $0x6000, v3  }
0x9: {  	s3 =	rddreg [dreg:$0x5];
	s14 =	simm.s32 $0x0;
	v4 =	vsel vm14, $0x9000, v4;
	v0 =	vsel vm13, $0x80, v0;
	v2 =	vsel vm13, $0x3080, v2  }
0xa: {  	s4 =	srdreg.scid;
	s5 =	stileid.u32;
	s31 =	simm.s32 $0x3;
	v3 =	vsel vm13, $0x6080, v3;
	v4 =	vsel vm13, $0x9080, v4;
	v0 =	vsel vm12, $0x100, v0  }
0xb: {  	s30 =	simm.s32 $0x16900;
	s9 =	simm.s32 $0x1;
	s10 =	simm.s32 $0x2;
	v2 =	vsel vm12, $0x3100, v2;
	v3 =	vsel vm12, $0x6100, v3;
	v4 =	vsel vm12, $0x9100, v4  }
0xc: {  	s11 =	simm.s32 $0x100;
	s28 =	simm.s32 $0xC100;
	s29 =	simm.s32 $0x1A100;
	v7 =	vor.u32 $0x1800, v1;
	v0 =	vsel vm11, $0x180, v0;
	v2 =	vsel vm11, $0x3180, v2  }
0xd: {  	[smem:$0x7FF] =	sst s14;
	s4 =	sand.u32 $0x1, s4;
	s5 =	sshll.u32 s5, $0x1;
	v3 =	vsel vm11, $0x6180, v3;
	v4 =	vsel vm11, $0x9180, v4;
	v0 =	vsel vm10, $0x200, v0  }
0xe: {  	s21 =	sadd.s32 $0xC00, s0;
	s22 =	sadd.s32 $0x1000, s0;
	s15 =	sadd.s32 $0xD00, s0;
	v2 =	vsel vm10, $0x3200, v2;
	v3 =	vsel vm10, $0x6200, v3;
	v4 =	vsel vm10, $0x9200, v4  }
0xf: {  	s18 =	sadd.s32 $0xD80, s0;
	s20 =	sadd.s32 $0xE00, s0;
	s13 =	sadd.s32 $0xF80, s0;
	v0 =	vsel vm9, $0x280, v0;
	v2 =	vsel vm9, $0x3280, v2;
	v3 =	vsel vm9, $0x6280, v3  }
0x10: {  	s17 =	sadd.s32 $0x1080, s0;
	_ =	strace $0x80000047;
	[dreg:$0xd] =	wrdreg s13;
	v4 =	vsel vm9, $0x9280, v4;
	v0 =	vsel vm8, $0x300, v0;
	v2 =	vsel vm8, $0x3300, v2  }
0x11: {  	s16 =	sadd.s32 $0x1100, s0;
	s5 =	sor.u32 s4, s5;
	[dreg:$0xe] =	wrdreg s15;
	v3 =	vsel vm8, $0x6300, v3;
	v4 =	vsel vm8, $0x9300, v4;
	v0 =	vsel vm7, $0x380, v0  }
0x12: {  	[dreg:$0xf] =	wrdreg s18;
	s6 =	sshll.u32 s5, $0x7;
	s5 =	sshll.u32 s5, $0x4;
	v2 =	vsel vm7, $0x3380, v2;
	v3 =	vsel vm7, $0x6380, v3;
	v4 =	vsel vm7, $0x9380, v4  }
0x13: {  	s4 =	ssub.s32 $0x2, s4;
	[dreg:$0x10] =	wrdreg s20;
	s1 =	sadd.s32 s1, s5;
	v0 =	vsel vm6, $0x1800, v0;
	v2 =	vsel vm6, $0x4800, v2;
	v3 =	vsel vm6, $0x7800, v3  }
0x14: {  	s8 =	sshrl.u32 s4, $0x1;
	s23 =	sadd.s32 s2, s5;
	[dreg:$0x7] =	wrdreg s1;
	v4 =	vsel vm6, $0xA800, v4;
	v0 =	vsel vm5, $0x1880, v0;
	v2 =	vsel vm5, $0x4880, v2  }
0x15: {  	s7 =	sadd.s32 s6, s0;
	s24 =	sadd.s32 s3, s6;
	[dreg:$0x8] =	wrdreg s23;
	v3 =	vsel vm5, $0x7880, v3;
	v4 =	vsel vm5, $0xA880, v4;
	v0 =	vsel vm4, $0x1900, v0  }
0x16: {  	s4 =	ssub.s32 s4, s8;
	s6 =	sadd.s32 $0xC80, s0;
	[dreg:$0x9] =	wrdreg s24;
	v2 =	vsel vm4, $0x4900, v2;
	v3 =	vsel vm4, $0x7900, v3;
	v4 =	vsel vm4, $0xA900, v4  }
0x17: {  	s3 =	sadd.s32 $0xE80, s0;
	s5 =	sadd.s32 $0x1280, s0;
	[dreg:$0xc] =	wrdreg s6;
	v0 =	vsel vm3, $0x1980, v0;
	v2 =	vsel vm3, $0x4980, v2;
	v3 =	vsel vm3, $0x7980, v3  }
0x18: {  	s8 =	sadd.s32 $0x1380, s0;
	s2 =	simm.s32 $0x0;
	[dreg:$0x11] =	wrdreg s5;
	v4 =	vsel vm3, $0xA980, v4;
	v0 =	vsel vm2, $0x1A00, v0;
	v2 =	vsel vm2, $0x4A00, v2  }
0x19: {  	s25 =	sadd.s32 $0x1400, s7;
	s26 =	smax.u32 s4, $0x1;
	[dreg:$0x12] =	wrdreg s3;
	v3 =	vsel vm2, $0x7A00, v3;
	v6 =	vsel vm2, $0xAA00, v4;
	v0 =	vsel vm0, $0x1A80, v0  }
0x1a: {  	s4 =	sadd.s32 $0xF00, s0;
	s23 =	sadd.s32 $0x1180, s0;
	[dreg:$0x13] =	wrdreg s8;
	v2 =	vsel vm0, $0x4A80, v2;
	v5 =	vsel vm0, $0x7A80, v3;
	v3 =	vor.u32 $0x800, v1  }
0x1b: {  	s24 =	sadd.s32 $0x1200, s0;
	s7 =	simm.s32 $0xA900;
	[dreg:$0xa] =	wrdreg s25;
	v6 =	vsel vm0, $0xAA80, v6;
	v0 =	vsel vm1, $0x1B00, v0;
	v2 =	vsel vm1, $0x4B00, v2  }
0x1c: {  	[dreg:$0xb] =	wrdreg s26;
	s25 =	sadd.s32 $0x1300, s0;
	s26 =	simm.s32 $0x18100;
	v4 =	vsel vm1, $0x7B00, v5;
	v5 =	vor.u32 $0x1000, v1;
	v6 =	vsel vm1, $0xAB00, v6  }
.LBB2_1:
0x1d: {  	[dreg:$0x14] =	wrdreg s2  }
0x1e: {  	s0 =	rddreg [dreg:$0x7]  }
0x1f: {  	[tilespmem:s14], [sflag:$0x3] =	stream.linear.gather [hbm4b:s0+s14], $0x80, $0x38;
	[tilespmem:$0x1C100] =	vst v63  }
0x20: {  	_ =	swait.ge [sflag:s31], $0x80  }
0x21: {  	[sflag:s31] =	ssyncset.done $0x0  }
0x22: {  	s2 =	simm.s32 $0x80;
	s0 =	rddreg [dreg:$0x8];
	[sflag:s31] =	ssyncadd.s32 $0xFFFFFF80  }
0x23: {  	[tilespmem:s2], [sflag:$0x3] =	stream.linear.gather [hbm4b:s0+s14], $0x80, $0x38;
	[tilespmem:$0x1C100] =	vst v63  }
0x24: {  	_ =	swait.ge [sflag:s31], $0x80  }
0x25: {  	s1 =	simm.s32 $0x80;
	[sflag:s31] =	ssyncset.done $0x0  }
0x26: {  	s0 =	simm.s32 $0x0;
	[sflag:s31] =	ssyncadd.s32 $0xFFFFFF80;
	s31 =	simm.s32 $0xF  }
.LBB2_2:
0x27: {  	v9 =	vld [tilespmem:s0+$0x0];
	_ =	sdelay $0x4  }
0x28: {  	(v2sf) =	vpush v9, $0x0;
	_ =	sdelay $0xe  }
0x29: {  	s2 =	spop (v2sf)  }
0x2a: {  	[dreg:$0x15] =	wrdreg s0;
	p0 =	sgt.s32 s2, $0xF41FF  }
0x2b: {  	[dreg:$0x16] =	wrdreg s1;
	v8 =	vld [tilespmem:s1+$0x0];
	s0 =	simm.s32 @p0 $0x0;
	s1 =	simm.s32 @p0 $0x100  }
0x2c: {  	[tilespmem:s1], [sflag:$0x1] =	stream.linear.gather @p0 [hbm4b:s21+s0], $0x400, $0x38;
	[tilespmem:$0x1C100] =	vst v63  }
0x2d: {  	s1 =	simm.s32 @p0 $0x1900  }
0x2e: {  	[tilespmem:s1], [sflag:$0x1] =	stream.linear.gather @p0 [hbm4b:s6+s0], $0x400, $0x38;
	[tilespmem:$0x1C100] =	vst v63  }
0x2f: {  	s1 =	simm.s32 @p0 $0x3100  }
0x30: {  	[tilespmem:s1], [sflag:$0x1] =	stream.linear.gather @p0 [hbm4b:s15+s0], $0x400, $0x38;
	[tilespmem:$0x1C100] =	vst v63  }
0x31: {  	s1 =	simm.s32 @p0 $0x4900  }
0x32: {  	[tilespmem:s1], [sflag:$0x1] =	stream.linear.gather @p0 [hbm4b:s18+s0], $0x400, $0x38;
	[tilespmem:$0x1C100] =	vst v63  }
0x33: {  	s1 =	simm.s32 @p0 $0x6100  }
0x34: {  	[tilespmem:s1], [sflag:$0x1] =	stream.linear.gather @p0 [hbm4b:s20+s0], $0x400, $0x38;
	[tilespmem:$0x1C100] =	vst v63  }
0x35: {  	s1 =	simm.s32 @p0 $0x7900  }
0x36: {  	[tilespmem:s1], [sflag:$0x1] =	stream.linear.gather @p0 [hbm4b:s3+s0], $0x400, $0x38;
	[tilespmem:$0x1C100] =	vst v63  }
0x37: {  	s1 =	simm.s32 @p0 $0x9100  }
0x38: {  	[tilespmem:s1], [sflag:$0x1] =	stream.linear.gather @p0 [hbm4b:s4+s0], $0x400, $0x38;
	[tilespmem:$0x1C100] =	vst v63  }
0x39: {  	(v2sf) =	vpush v8, $0x0;
	s0 =	sand.u32 @!p0 $0xFFFFF80, s2  }
0x3a: {  	s3 =	simm.s32 @!p0 $0x100;
	s1 =	simm.s32 @!p0 $0x0;
	s0 =	sadd.s32 @!p0 s12, s0  }
0x3b: {  	[tilespmem:s3], [sflag:$0x1] =	stream.linear.gather @!p0 [hbm4b:s0+s1], $0x400, $0x38;
	[tilespmem:$0x1C100] =	vst v63  }
0x3c: {  	s18 =	smov.u32 s4;
	s4 =	simm.s32 @!p0 $0x1900;
	s3 =	sadd.s32 @!p0 $0xF4280, s0  }
0x3d: {  	[tilespmem:s4], [sflag:$0x1] =	stream.linear.gather @!p0 [hbm4b:s3+s1], $0x400, $0x38;
	[tilespmem:$0x1C100] =	vst v63  }
0x3e: {  	s3 =	sadd.s32 @!p0 $0x1E8500, s0;
	s4 =	simm.s32 @!p0 $0x3100  }
0x3f: {  	[tilespmem:s4], [sflag:$0x1] =	stream.linear.gather @!p0 [hbm4b:s3+s1], $0x400, $0x38;
	[tilespmem:$0x1C100] =	vst v63  }
0x40: {  	s3 =	sadd.s32 @!p0 $0x2DC780, s0;
	s4 =	simm.s32 @!p0 $0x4900  }
0x41: {  	[tilespmem:s4], [sflag:$0x1] =	stream.linear.gather @!p0 [hbm4b:s3+s1], $0x400, $0x38;
	[tilespmem:$0x1C100] =	vst v63  }
0x42: {  	s3 =	sadd.s32 @!p0 $0x3D0A00, s0;
	s4 =	simm.s32 @!p0 $0x6100  }
0x43: {  	[tilespmem:s4], [sflag:$0x1] =	stream.linear.gather @!p0 [hbm4b:s3+s1], $0x400, $0x38;
	[tilespmem:$0x1C100] =	vst v63  }
0x44: {  	s3 =	sadd.s32 @!p0 $0x4C4C80, s0;
	s4 =	simm.s32 @!p0 $0x7900  }
0x45: {  	[tilespmem:s4], [sflag:$0x1] =	stream.linear.gather @!p0 [hbm4b:s3+s1], $0x400, $0x38;
	[tilespmem:$0x1C100] =	vst v63  }
0x46: {  	s3 =	sadd.s32 @!p0 $0x5B8F00, s0;
	s4 =	simm.s32 @!p0 $0x9100  }
0x47: {  	[tilespmem:s4], [sflag:$0x1] =	stream.linear.gather @!p0 [hbm4b:s3+s1], $0x400, $0x38;
	[tilespmem:$0x1C100] =	vst v63  }
0x48: {  	s0 =	sadd.s32 @!p0 $0x6AD180, s0;
	s3 =	spop (v2sf)  }
0x49: {  	s0 =	smov.u32 @p0 s13;
	p0 =	sgt.s32 s3, $0xF41FF  }
0x4a: {  	[tilespmem:s7], [sflag:$0x1] =	stream.linear.gather [hbm4b:s0+s14], $0x400, $0x38;
	[tilespmem:$0x1C100] =	vst v63  }
0x4b: {  	s0 =	simm.s32 @p0 $0x0;
	s1 =	simm.s32 @p0 $0xC100  }
0x4c: {  	[tilespmem:s1], [sflag:$0x2] =	stream.linear.gather @p0 [hbm4b:s22+s0], $0x400, $0x38;
	[tilespmem:$0x1C100] =	vst v63  }
0x4d: {  	s1 =	simm.s32 @p0 $0xD900  }
0x4e: {  	[tilespmem:s1], [sflag:$0x2] =	stream.linear.gather @p0 [hbm4b:s17+s0], $0x400, $0x38;
	[tilespmem:$0x1C100] =	vst v63  }
0x4f: {  	s1 =	simm.s32 @p0 $0xF100  }
0x50: {  	[tilespmem:s1], [sflag:$0x2] =	stream.linear.gather @p0 [hbm4b:s16+s0], $0x400, $0x38;
	[tilespmem:$0x1C100] =	vst v63  }
0x51: {  	s1 =	simm.s32 @p0 $0x10900  }
0x52: {  	[tilespmem:s1], [sflag:$0x2] =	stream.linear.gather @p0 [hbm4b:s23+s0], $0x400, $0x38;
	[tilespmem:$0x1C100] =	vst v63  }
0x53: {  	s1 =	simm.s32 @p0 $0x12100  }
0x54: {  	[tilespmem:s1], [sflag:$0x2] =	stream.linear.gather @p0 [hbm4b:s24+s0], $0x400, $0x38;
	[tilespmem:$0x1C100] =	vst v63  }
0x55: {  	s1 =	simm.s32 @p0 $0x13900  }
0x56: {  	[tilespmem:s1], [sflag:$0x2] =	stream.linear.gather @p0 [hbm4b:s5+s0], $0x400, $0x38;
	[tilespmem:$0x1C100] =	vst v63  }
0x57: {  	s1 =	simm.s32 @p0 $0x15100  }
0x58: {  	(v2sf) =	vpush v9, $0x1;
	[tilespmem:s1], [sflag:$0x2] =	stream.linear.gather @p0 [hbm4b:s25+s0], $0x400, $0x38;
	[tilespmem:$0x1C100] =	vst v63  }
0x59: {  	s0 =	sand.u32 @!p0 $0xFFFFF80, s3  }
0x5a: {  	s4 =	simm.s32 @!p0 $0xC100;
	s1 =	simm.s32 @!p0 $0x0;
	s0 =	sadd.s32 @!p0 s19, s0  }
0x5b: {  	[tilespmem:s4], [sflag:$0x2] =	stream.linear.gather @!p0 [hbm4b:s0+s1], $0x400, $0x38;
	[tilespmem:$0x1C100] =	vst v63  }
0x5c: {  	s5 =	simm.s32 @!p0 $0xD900;
	s4 =	sadd.s32 @!p0 $0xF4280, s0  }
0x5d: {  	[tilespmem:s5], [sflag:$0x2] =	stream.linear.gather @!p0 [hbm4b:s4+s1], $0x400, $0x38;
	[tilespmem:$0x1C100] =	vst v63  }
0x5e: {  	s4 =	sadd.s32 @!p0 $0x1E8500, s0;
	s5 =	simm.s32 @!p0 $0xF100  }
0x5f: {  	[tilespmem:s5], [sflag:$0x2] =	stream.linear.gather @!p0 [hbm4b:s4+s1], $0x400, $0x38;
	[tilespmem:$0x1C100] =	vst v63  }
0x60: {  	s4 =	sadd.s32 @!p0 $0x2DC780, s0;
	s5 =	simm.s32 @!p0 $0x10900  }
0x61: {  	[tilespmem:s5], [sflag:$0x2] =	stream.linear.gather @!p0 [hbm4b:s4+s1], $0x400, $0x38;
	[tilespmem:$0x1C100] =	vst v63  }
0x62: {  	s4 =	sadd.s32 @!p0 $0x3D0A00, s0;
	s5 =	simm.s32 @!p0 $0x12100  }
0x63: {  	[tilespmem:s5], [sflag:$0x2] =	stream.linear.gather @!p0 [hbm4b:s4+s1], $0x400, $0x38;
	[tilespmem:$0x1C100] =	vst v63  }
0x64: {  	s4 =	sadd.s32 @!p0 $0x4C4C80, s0;
	s5 =	simm.s32 @!p0 $0x13900  }
0x65: {  	[tilespmem:s5], [sflag:$0x2] =	stream.linear.gather @!p0 [hbm4b:s4+s1], $0x400, $0x38;
	[tilespmem:$0x1C100] =	vst v63  }
0x66: {  	s4 =	sadd.s32 @!p0 $0x5B8F00, s0  }
0x67: {  	s7 =	spop (v2sf);
	s5 =	simm.s32 @!p0 $0x15100;
	s0 =	sadd.s32 @!p0 $0x6AD180, s0  }
0x68: {  	[tilespmem:s5], [sflag:$0x2] =	stream.linear.gather @!p0 [hbm4b:s4+s1], $0x400, $0x38;
	[tilespmem:$0x1C100] =	vst v63  }
0x69: {  	p3 =	slt.s32 s7, $0xF4200;
	s0 =	smov.u32 @p0 s8  }
0x6a: {  	[tilespmem:s30], [sflag:$0x2] =	stream.linear.gather [hbm4b:s0+s14], $0x400, $0x38;
	[tilespmem:$0x1C100] =	vst v63  }
0x6b: {  	s0 =	sand.u32 @p3 $0xFFFFF80, s7  }
0x6c: {  	s1 =	simm.s32 @p3 $0x0;
	s4 =	simm.s32 @p3 $0x500;
	s0 =	sadd.s32 @p3 s12, s0  }
0x6d: {  	[tilespmem:s4], [sflag:$0x1] =	stream.linear.gather @p3 [hbm4b:s0+s1], $0x400, $0x38;
	[tilespmem:$0x1C100] =	vst v63  }
0x6e: {  	s5 =	simm.s32 @p3 $0x1D00;
	s4 =	sadd.s32 @p3 $0xF4280, s0  }
0x6f: {  	[tilespmem:s5], [sflag:$0x1] =	stream.linear.gather @p3 [hbm4b:s4+s1], $0x400, $0x38;
	[tilespmem:$0x1C100] =	vst v63  }
0x70: {  	s4 =	sadd.s32 @p3 $0x1E8500, s0;
	s5 =	simm.s32 @p3 $0x3500  }
0x71: {  	[tilespmem:s5], [sflag:$0x1] =	stream.linear.gather @p3 [hbm4b:s4+s1], $0x400, $0x38;
	[tilespmem:$0x1C100] =	vst v63  }
0x72: {  	s4 =	sadd.s32 @p3 $0x2DC780, s0;
	s5 =	simm.s32 @p3 $0x4D00  }
0x73: {  	[tilespmem:s5], [sflag:$0x1] =	stream.linear.gather @p3 [hbm4b:s4+s1], $0x400, $0x38;
	[tilespmem:$0x1C100] =	vst v63  }
0x74: {  	s4 =	sadd.s32 @p3 $0x3D0A00, s0;
	s5 =	simm.s32 @p3 $0x6500  }
0x75: {  	[tilespmem:s5], [sflag:$0x1] =	stream.linear.gather @p3 [hbm4b:s4+s1], $0x400, $0x38;
	[tilespmem:$0x1C100] =	vst v63  }
0x76: {  	s4 =	sadd.s32 @p3 $0x4C4C80, s0;
	s5 =	simm.s32 @p3 $0x7D00  }
0x77: {  	(v2sf) =	vpush v8, $0x1;
	[tilespmem:s5], [sflag:$0x1] =	stream.linear.gather @p3 [hbm4b:s4+s1], $0x400, $0x38;
	[tilespmem:$0x1C100] =	vst v63  }
0x78: {  	s4 =	sadd.s32 @p3 $0x5B8F00, s0;
	s5 =	simm.s32 @p3 $0x9500  }
0x79: {  	[tilespmem:s5], [sflag:$0x1] =	stream.linear.gather @p3 [hbm4b:s4+s1], $0x400, $0x38;
	[tilespmem:$0x1C100] =	vst v63  }
0x7a: {  	s1 =	simm.s32 @!p3 $0x0;
	s4 =	simm.s32 @!p3 $0x500  }
0x7b: {  	[tilespmem:s4], [sflag:$0x1] =	stream.linear.gather @!p3 [hbm4b:s21+s1], $0x400, $0x38;
	[tilespmem:$0x1C100] =	vst v63  }
0x7c: {  	s5 =	rddreg [dreg:$0xc];
	s4 =	simm.s32 @!p3 $0x1D00  }
0x7d: {  	[tilespmem:s4], [sflag:$0x1] =	stream.linear.gather @!p3 [hbm4b:s5+s1], $0x400, $0x38;
	[tilespmem:$0x1C100] =	vst v63  }
0x7e: {  	s4 =	simm.s32 @!p3 $0x3500;
	s5 =	rddreg [dreg:$0xe]  }
0x7f: {  	[tilespmem:s4], [sflag:$0x1] =	stream.linear.gather @!p3 [hbm4b:s5+s1], $0x400, $0x38;
	[tilespmem:$0x1C100] =	vst v63  }
0x80: {  	s4 =	simm.s32 @!p3 $0x4D00;
	s5 =	rddreg [dreg:$0xf]  }
0x81: {  	[tilespmem:s4], [sflag:$0x1] =	stream.linear.gather @!p3 [hbm4b:s5+s1], $0x400, $0x38;
	[tilespmem:$0x1C100] =	vst v63  }
0x82: {  	s4 =	simm.s32 @!p3 $0x6500;
	s5 =	rddreg [dreg:$0x10]  }
0x83: {  	[tilespmem:s4], [sflag:$0x1] =	stream.linear.gather @!p3 [hbm4b:s5+s1], $0x400, $0x38;
	[tilespmem:$0x1C100] =	vst v63  }
0x84: {  	s4 =	simm.s32 @!p3 $0x7D00;
	s5 =	rddreg [dreg:$0x12]  }
0x85: {  	[tilespmem:s4], [sflag:$0x1] =	stream.linear.gather @!p3 [hbm4b:s5+s1], $0x400, $0x38;
	[tilespmem:$0x1C100] =	vst v63  }
0x86: {  	s30 =	spop (v2sf);
	s4 =	simm.s32 @!p3 $0x9500  }
0x87: {  	[tilespmem:s4], [sflag:$0x1] =	stream.linear.gather @!p3 [hbm4b:s18+s1], $0x400, $0x38;
	[tilespmem:$0x1C100] =	vst v63  }
0x88: {  	p0 =	slt.s32 s30, $0xF4200;
	s0 =	sadd.s32 @p3 $0x6AD180, s0;
	s1 =	smov.u32 s13  }
0x89: {  	s20 =	simm.s32 $0xAD00;
	s1 =	smov.u32 @p3 s0;
	s0 =	sand.u32 @p0 $0xFFFFF80, s30  }
0x8a: {  	[tilespmem:s20], [sflag:$0x1] =	stream.linear.gather [hbm4b:s1+s14], $0x400, $0x38;
	[tilespmem:$0x1C100] =	vst v63  }
0x8b: {  	s4 =	simm.s32 @p0 $0xC500;
	s0 =	sadd.s32 @p0 s19, s0;
	s1 =	simm.s32 @p0 $0x0  }
0x8c: {  	[tilespmem:s4], [sflag:$0x2] =	stream.linear.gather @p0 [hbm4b:s0+s1], $0x400, $0x38;
	[tilespmem:$0x1C100] =	vst v63  }
0x8d: {  	s5 =	simm.s32 @p0 $0xDD00;
	s4 =	sadd.s32 @p0 $0xF4280, s0  }
0x8e: {  	[tilespmem:s5], [sflag:$0x2] =	stream.linear.gather @p0 [hbm4b:s4+s1], $0x400, $0x38;
	[tilespmem:$0x1C100] =	vst v63  }
0x8f: {  	s4 =	sadd.s32 @p0 $0x1E8500, s0;
	s5 =	simm.s32 @p0 $0xF500  }
0x90: {  	[tilespmem:s5], [sflag:$0x2] =	stream.linear.gather @p0 [hbm4b:s4+s1], $0x400, $0x38;
	[tilespmem:$0x1C100] =	vst v63  }
0x91: {  	s4 =	sadd.s32 @p0 $0x2DC780, s0;
	s5 =	simm.s32 @p0 $0x10D00  }
0x92: {  	[tilespmem:s5], [sflag:$0x2] =	stream.linear.gather @p0 [hbm4b:s4+s1], $0x400, $0x38;
	[tilespmem:$0x1C100] =	vst v63  }
0x93: {  	s4 =	sadd.s32 @p0 $0x3D0A00, s0;
	s5 =	simm.s32 @p0 $0x12500  }
0x94: {  	[tilespmem:s5], [sflag:$0x2] =	stream.linear.gather @p0 [hbm4b:s4+s1], $0x400, $0x38;
	[tilespmem:$0x1C100] =	vst v63  }
0x95: {  	s4 =	sadd.s32 @p0 $0x4C4C80, s0;
	s5 =	simm.s32 @p0 $0x13D00  }
0x96: {  	[tilespmem:s5], [sflag:$0x2] =	stream.linear.gather @p0 [hbm4b:s4+s1], $0x400, $0x38;
	[tilespmem:$0x1C100] =	vst v63  }
0x97: {  	s4 =	sadd.s32 @p0 $0x5B8F00, s0;
	s5 =	simm.s32 @p0 $0x15500  }
0x98: {  	[tilespmem:s5], [sflag:$0x2] =	stream.linear.gather @p0 [hbm4b:s4+s1], $0x400, $0x38;
	[tilespmem:$0x1C100] =	vst v63  }
0x99: {  	s1 =	simm.s32 @!p0 $0x0;
	s4 =	simm.s32 @!p0 $0xC500  }
0x9a: {  	[tilespmem:s4], [sflag:$0x2] =	stream.linear.gather @!p0 [hbm4b:s22+s1], $0x400, $0x38;
	[tilespmem:$0x1C100] =	vst v63  }
0x9b: {  	(v2sf) =	vpush v9, $0x2;
	s4 =	simm.s32 @!p0 $0xDD00  }
0x9c: {  	[tilespmem:s4], [sflag:$0x2] =	stream.linear.gather @!p0 [hbm4b:s17+s1], $0x400, $0x38;
	[tilespmem:$0x1C100] =	vst v63  }
0x9d: {  	s4 =	simm.s32 @!p0 $0xF500  }
0x9e: {  	[tilespmem:s4], [sflag:$0x2] =	stream.linear.gather @!p0 [hbm4b:s16+s1], $0x400, $0x38;
	[tilespmem:$0x1C100] =	vst v63  }
0x9f: {  	s4 =	simm.s32 @!p0 $0x10D00  }
0xa0: {  	[tilespmem:s4], [sflag:$0x2] =	stream.linear.gather @!p0 [hbm4b:s23+s1], $0x400, $0x38;
	[tilespmem:$0x1C100] =	vst v63  }
0xa1: {  	s4 =	simm.s32 @!p0 $0x12500  }
0xa2: {  	[tilespmem:s4], [sflag:$0x2] =	stream.linear.gather @!p0 [hbm4b:s24+s1], $0x400, $0x38;
	[tilespmem:$0x1C100] =	vst v63  }
0xa3: {  	s5 =	rddreg [dreg:$0x11];
	s4 =	simm.s32 @!p0 $0x13D00  }
0xa4: {  	[tilespmem:s4], [sflag:$0x2] =	stream.linear.gather @!p0 [hbm4b:s5+s1], $0x400, $0x38;
	[tilespmem:$0x1C100] =	vst v63  }
0xa5: {  	s4 =	simm.s32 @!p0 $0x15500  }
0xa6: {  	[tilespmem:s4], [sflag:$0x2] =	stream.linear.gather @!p0 [hbm4b:s25+s1], $0x400, $0x38;
	[tilespmem:$0x1C100] =	vst v63  }
0xa7: {  	s0 =	sadd.s32 @p0 $0x6AD180, s0;
	s1 =	smov.u32 s8  }
0xa8: {  	s4 =	simm.s32 $0x16D00;
	s1 =	smov.u32 @p0 s0  }
0xa9: {  	[tilespmem:s4], [sflag:$0x2] =	stream.linear.gather [hbm4b:s1+s14], $0x400, $0x38;
	[tilespmem:$0x1C100] =	vst v63  }
0xaa: {  	s1 =	spop (v2sf)  }
0xab: {  	p2 =	slt.s32 s1, $0xF4200  }
0xac: {  	s0 =	sand.u32 @p2 $0xFFFFF80, s1  }
0xad: {  	s4 =	simm.s32 @p2 $0x0;
	s5 =	simm.s32 @p2 $0x900;
	s0 =	sadd.s32 @p2 s12, s0  }
0xae: {  	[tilespmem:s5], [sflag:$0x1] =	stream.linear.gather @p2 [hbm4b:s0+s4], $0x400, $0x38;
	[tilespmem:$0x1C100] =	vst v63  }
0xaf: {  	s6 =	simm.s32 @p2 $0x2100;
	s5 =	sadd.s32 @p2 $0xF4280, s0  }
0xb0: {  	[tilespmem:s6], [sflag:$0x1] =	stream.linear.gather @p2 [hbm4b:s5+s4], $0x400, $0x38;
	[tilespmem:$0x1C100] =	vst v63  }
0xb1: {  	s5 =	sadd.s32 @p2 $0x1E8500, s0;
	s6 =	simm.s32 @p2 $0x3900  }
0xb2: {  	[tilespmem:s6], [sflag:$0x1] =	stream.linear.gather @p2 [hbm4b:s5+s4], $0x400, $0x38;
	[tilespmem:$0x1C100] =	vst v63  }
0xb3: {  	s5 =	sadd.s32 @p2 $0x2DC780, s0;
	s6 =	simm.s32 @p2 $0x5100  }
0xb4: {  	[tilespmem:s6], [sflag:$0x1] =	stream.linear.gather @p2 [hbm4b:s5+s4], $0x400, $0x38;
	[tilespmem:$0x1C100] =	vst v63  }
0xb5: {  	s5 =	sadd.s32 @p2 $0x3D0A00, s0;
	s6 =	simm.s32 @p2 $0x6900  }
0xb6: {  	[tilespmem:s6], [sflag:$0x1] =	stream.linear.gather @p2 [hbm4b:s5+s4], $0x400, $0x38;
	[tilespmem:$0x1C100] =	vst v63  }
0xb7: {  	s5 =	sadd.s32 @p2 $0x4C4C80, s0;
	s6 =	simm.s32 @p2 $0x8100  }
0xb8: {  	(v2sf) =	vpush v8, $0x2;
	[tilespmem:s6], [sflag:$0x1] =	stream.linear.gather @p2 [hbm4b:s5+s4], $0x400, $0x38;
	[tilespmem:$0x1C100] =	vst v63  }
0xb9: {  	s5 =	sadd.s32 @p2 $0x5B8F00, s0;
	s6 =	simm.s32 @p2 $0x9900  }
0xba: {  	[tilespmem:s6], [sflag:$0x1] =	stream.linear.gather @p2 [hbm4b:s5+s4], $0x400, $0x38;
	[tilespmem:$0x1C100] =	vst v63  }
0xbb: {  	s4 =	simm.s32 @!p2 $0x0;
	s5 =	simm.s32 @!p2 $0x900  }
0xbc: {  	[tilespmem:s5], [sflag:$0x1] =	stream.linear.gather @!p2 [hbm4b:s21+s4], $0x400, $0x38;
	[tilespmem:$0x1C100] =	vst v63  }
0xbd: {  	s6 =	rddreg [dreg:$0xc];
	s5 =	simm.s32 @!p2 $0x2100  }
0xbe: {  	[tilespmem:s5], [sflag:$0x1] =	stream.linear.gather @!p2 [hbm4b:s6+s4], $0x400, $0x38;
	[tilespmem:$0x1C100] =	vst v63  }
0xbf: {  	s5 =	simm.s32 @!p2 $0x3900;
	s6 =	rddreg [dreg:$0xe]  }
0xc0: {  	[tilespmem:s5], [sflag:$0x1] =	stream.linear.gather @!p2 [hbm4b:s6+s4], $0x400, $0x38;
	[tilespmem:$0x1C100] =	vst v63  }
0xc1: {  	s5 =	simm.s32 @!p2 $0x5100;
	s6 =	rddreg [dreg:$0xf]  }
0xc2: {  	[tilespmem:s5], [sflag:$0x1] =	stream.linear.gather @!p2 [hbm4b:s6+s4], $0x400, $0x38;
	[tilespmem:$0x1C100] =	vst v63  }
0xc3: {  	s5 =	simm.s32 @!p2 $0x6900;
	s6 =	rddreg [dreg:$0x10]  }
0xc4: {  	[tilespmem:s5], [sflag:$0x1] =	stream.linear.gather @!p2 [hbm4b:s6+s4], $0x400, $0x38;
	[tilespmem:$0x1C100] =	vst v63  }
0xc5: {  	s5 =	simm.s32 @!p2 $0x8100;
	s6 =	rddreg [dreg:$0x12]  }
0xc6: {  	[tilespmem:s5], [sflag:$0x1] =	stream.linear.gather @!p2 [hbm4b:s6+s4], $0x400, $0x38;
	[tilespmem:$0x1C100] =	vst v63  }
0xc7: {  	s8 =	spop (v2sf);
	s5 =	simm.s32 @!p2 $0x9900  }
0xc8: {  	[tilespmem:s5], [sflag:$0x1] =	stream.linear.gather @!p2 [hbm4b:s18+s4], $0x400, $0x38;
	[tilespmem:$0x1C100] =	vst v63  }
0xc9: {  	s0 =	sadd.s32 @p2 $0x6AD180, s0;
	p6 =	slt.s32 s8, $0xF4200;
	s4 =	smov.u32 s13  }
0xca: {  	s5 =	simm.s32 $0xB100;
	s4 =	smov.u32 @p2 s0;
	s0 =	sand.u32 @p6 $0xFFFFF80, s8  }
0xcb: {  	[tilespmem:s5], [sflag:$0x1] =	stream.linear.gather [hbm4b:s4+s14], $0x400, $0x38;
	[tilespmem:$0x1C100] =	vst v63  }
0xcc: {  	s0 =	sadd.s32 @p6 s19, s0;
	s4 =	simm.s32 @p6 $0x0;
	s5 =	simm.s32 @p6 $0xC900  }
0xcd: {  	[tilespmem:s5], [sflag:$0x2] =	stream.linear.gather @p6 [hbm4b:s0+s4], $0x400, $0x38;
	[tilespmem:$0x1C100] =	vst v63  }
0xce: {  	s6 =	simm.s32 @p6 $0xE100;
	s5 =	sadd.s32 @p6 $0xF4280, s0  }
0xcf: {  	[tilespmem:s6], [sflag:$0x2] =	stream.linear.gather @p6 [hbm4b:s5+s4], $0x400, $0x38;
	[tilespmem:$0x1C100] =	vst v63  }
0xd0: {  	s5 =	sadd.s32 @p6 $0x1E8500, s0;
	s6 =	simm.s32 @p6 $0xF900  }
0xd1: {  	[tilespmem:s6], [sflag:$0x2] =	stream.linear.gather @p6 [hbm4b:s5+s4], $0x400, $0x38;
	[tilespmem:$0x1C100] =	vst v63  }
0xd2: {  	s5 =	sadd.s32 @p6 $0x2DC780, s0;
	s6 =	simm.s32 @p6 $0x11100  }
0xd3: {  	[tilespmem:s6], [sflag:$0x2] =	stream.linear.gather @p6 [hbm4b:s5+s4], $0x400, $0x38;
	[tilespmem:$0x1C100] =	vst v63  }
0xd4: {  	s5 =	sadd.s32 @p6 $0x3D0A00, s0;
	s6 =	simm.s32 @p6 $0x12900  }
0xd5: {  	[tilespmem:s6], [sflag:$0x2] =	stream.linear.gather @p6 [hbm4b:s5+s4], $0x400, $0x38;
	[tilespmem:$0x1C100] =	vst v63  }
0xd6: {  	s5 =	sadd.s32 @p6 $0x4C4C80, s0;
	s6 =	simm.s32 @p6 $0x14100  }
0xd7: {  	[tilespmem:s6], [sflag:$0x2] =	stream.linear.gather @p6 [hbm4b:s5+s4], $0x400, $0x38;
	[tilespmem:$0x1C100] =	vst v63  }
0xd8: {  	s5 =	sadd.s32 @p6 $0x5B8F00, s0;
	s6 =	simm.s32 @p6 $0x15900  }
0xd9: {  	(v2sf) =	vpush v9, $0x3;
	[tilespmem:s6], [sflag:$0x2] =	stream.linear.gather @p6 [hbm4b:s5+s4], $0x400, $0x38;
	[tilespmem:$0x1C100] =	vst v63  }
0xda: {  	s4 =	simm.s32 @!p6 $0x0;
	s5 =	simm.s32 @!p6 $0xC900  }
0xdb: {  	[tilespmem:s5], [sflag:$0x2] =	stream.linear.gather @!p6 [hbm4b:s22+s4], $0x400, $0x38;
	[tilespmem:$0x1C100] =	vst v63  }
0xdc: {  	s5 =	simm.s32 @!p6 $0xE100  }
0xdd: {  	[tilespmem:s5], [sflag:$0x2] =	stream.linear.gather @!p6 [hbm4b:s17+s4], $0x400, $0x38;
	[tilespmem:$0x1C100] =	vst v63  }
0xde: {  	s5 =	simm.s32 @!p6 $0xF900  }
0xdf: {  	[tilespmem:s5], [sflag:$0x2] =	stream.linear.gather @!p6 [hbm4b:s16+s4], $0x400, $0x38;
	[tilespmem:$0x1C100] =	vst v63  }
0xe0: {  	s5 =	simm.s32 @!p6 $0x11100  }
0xe1: {  	[tilespmem:s5], [sflag:$0x2] =	stream.linear.gather @!p6 [hbm4b:s23+s4], $0x400, $0x38;
	[tilespmem:$0x1C100] =	vst v63  }
0xe2: {  	s5 =	simm.s32 @!p6 $0x12900  }
0xe3: {  	[tilespmem:s5], [sflag:$0x2] =	stream.linear.gather @!p6 [hbm4b:s24+s4], $0x400, $0x38;
	[tilespmem:$0x1C100] =	vst v63  }
0xe4: {  	s6 =	rddreg [dreg:$0x11];
	s5 =	simm.s32 @!p6 $0x14100  }
0xe5: {  	[tilespmem:s5], [sflag:$0x2] =	stream.linear.gather @!p6 [hbm4b:s6+s4], $0x400, $0x38;
	[tilespmem:$0x1C100] =	vst v63  }
0xe6: {  	s5 =	simm.s32 @!p6 $0x15900  }
0xe7: {  	[tilespmem:s5], [sflag:$0x2] =	stream.linear.gather @!p6 [hbm4b:s25+s4], $0x400, $0x38;
	[tilespmem:$0x1C100] =	vst v63  }
0xe8: {  	s0 =	sadd.s32 @p6 $0x6AD180, s0;
	s4 =	rddreg [dreg:$0x13];
	s5 =	spop (v2sf)  }
0xe9: {  	s6 =	simm.s32 $0x17100;
	s4 =	smov.u32 @p6 s0;
	p4 =	slt.s32 s5, $0xF4200  }
0xea: {  	[tilespmem:s6], [sflag:$0x2] =	stream.linear.gather [hbm4b:s4+s14], $0x400, $0x38;
	[tilespmem:$0x1C100] =	vst v63  }
0xeb: {  	s0 =	sand.u32 @p4 $0xFFFFF80, s5  }
0xec: {  	s4 =	simm.s32 @p4 $0x0;
	s6 =	simm.s32 @p4 $0xD00;
	s0 =	sadd.s32 @p4 s12, s0  }
0xed: {  	[tilespmem:s6], [sflag:$0x1] =	stream.linear.gather @p4 [hbm4b:s0+s4], $0x400, $0x38;
	[tilespmem:$0x1C100] =	vst v63  }
0xee: {  	s12 =	simm.s32 @p4 $0x2500;
	s6 =	sadd.s32 @p4 $0xF4280, s0  }
0xef: {  	[tilespmem:s12], [sflag:$0x1] =	stream.linear.gather @p4 [hbm4b:s6+s4], $0x400, $0x38;
	[tilespmem:$0x1C100] =	vst v63  }
0xf0: {  	s6 =	sadd.s32 @p4 $0x1E8500, s0;
	s12 =	simm.s32 @p4 $0x3D00  }
0xf1: {  	[tilespmem:s12], [sflag:$0x1] =	stream.linear.gather @p4 [hbm4b:s6+s4], $0x400, $0x38;
	[tilespmem:$0x1C100] =	vst v63  }
0xf2: {  	s6 =	sadd.s32 @p4 $0x2DC780, s0;
	s12 =	simm.s32 @p4 $0x5500  }
0xf3: {  	[tilespmem:s12], [sflag:$0x1] =	stream.linear.gather @p4 [hbm4b:s6+s4], $0x400, $0x38;
	[tilespmem:$0x1C100] =	vst v63  }
0xf4: {  	s6 =	sadd.s32 @p4 $0x3D0A00, s0;
	s12 =	simm.s32 @p4 $0x6D00  }
0xf5: {  	[tilespmem:s12], [sflag:$0x1] =	stream.linear.gather @p4 [hbm4b:s6+s4], $0x400, $0x38;
	[tilespmem:$0x1C100] =	vst v63  }
0xf6: {  	s6 =	sadd.s32 @p4 $0x4C4C80, s0;
	s12 =	simm.s32 @p4 $0x8500  }
0xf7: {  	(v2sf) =	vpush v8, $0x3;
	[tilespmem:s12], [sflag:$0x1] =	stream.linear.gather @p4 [hbm4b:s6+s4], $0x400, $0x38;
	[tilespmem:$0x1C100] =	vst v63  }
0xf8: {  	s6 =	sadd.s32 @p4 $0x5B8F00, s0;
	s12 =	simm.s32 @p4 $0x9D00  }
0xf9: {  	[tilespmem:s12], [sflag:$0x1] =	stream.linear.gather @p4 [hbm4b:s6+s4], $0x400, $0x38;
	[tilespmem:$0x1C100] =	vst v63  }
0xfa: {  	s4 =	simm.s32 @!p4 $0x0;
	s6 =	simm.s32 @!p4 $0xD00  }
0xfb: {  	[tilespmem:s6], [sflag:$0x1] =	stream.linear.gather @!p4 [hbm4b:s21+s4], $0x400, $0x38;
	[tilespmem:$0x1C100] =	vst v63  }
0xfc: {  	s12 =	rddreg [dreg:$0xc];
	s6 =	simm.s32 @!p4 $0x2500  }
0xfd: {  	[tilespmem:s6], [sflag:$0x1] =	stream.linear.gather @!p4 [hbm4b:s12+s4], $0x400, $0x38;
	[tilespmem:$0x1C100] =	vst v63  }
0xfe: {  	s6 =	simm.s32 @!p4 $0x3D00;
	s12 =	rddreg [dreg:$0xe]  }
0xff: {  	[tilespmem:s6], [sflag:$0x1] =	stream.linear.gather @!p4 [hbm4b:s12+s4], $0x400, $0x38;
	[tilespmem:$0x1C100] =	vst v63  }
0x100: {  	s6 =	simm.s32 @!p4 $0x5500;
	s12 =	rddreg [dreg:$0xf]  }
0x101: {  	[tilespmem:s6], [sflag:$0x1] =	stream.linear.gather @!p4 [hbm4b:s12+s4], $0x400, $0x38;
	[tilespmem:$0x1C100] =	vst v63  }
0x102: {  	s6 =	simm.s32 @!p4 $0x6D00;
	s12 =	rddreg [dreg:$0x10]  }
0x103: {  	[tilespmem:s6], [sflag:$0x1] =	stream.linear.gather @!p4 [hbm4b:s12+s4], $0x400, $0x38;
	[tilespmem:$0x1C100] =	vst v63  }
0x104: {  	s6 =	simm.s32 @!p4 $0x8500;
	s12 =	rddreg [dreg:$0x12]  }
0x105: {  	[tilespmem:s6], [sflag:$0x1] =	stream.linear.gather @!p4 [hbm4b:s12+s4], $0x400, $0x38;
	[tilespmem:$0x1C100] =	vst v63  }
0x106: {  	s6 =	simm.s32 @!p4 $0x9D00;
	s12 =	spop (v2sf)  }
0x107: {  	[tilespmem:s6], [sflag:$0x1] =	stream.linear.gather @!p4 [hbm4b:s18+s4], $0x400, $0x38;
	[tilespmem:$0x1C100] =	vst v63  }
0x108: {  	s0 =	sadd.s32 @p4 $0x6AD180, s0;
	p1 =	slt.s32 s12, $0xF4200;
	s4 =	smov.u32 s13  }
0x109: {  	s15 =	simm.s32 $0xB500;
	s4 =	smov.u32 @p4 s0;
	s0 =	sand.u32 @p1 $0xFFFFF80, s12  }
0x10a: {  	[tilespmem:s15], [sflag:$0x1] =	stream.linear.gather [hbm4b:s4+s14], $0x400, $0x38;
	[tilespmem:$0x1C100] =	vst v63  }
0x10b: {  	s6 =	simm.s32 @p1 $0xCD00;
	s0 =	sadd.s32 @p1 s19, s0;
	s4 =	simm.s32 @p1 $0x0  }
0x10c: {  	[tilespmem:s6], [sflag:$0x2] =	stream.linear.gather @p1 [hbm4b:s0+s4], $0x400, $0x38;
	[tilespmem:$0x1C100] =	vst v63  }
0x10d: {  	s13 =	simm.s32 @p1 $0xE500;
	s6 =	sadd.s32 @p1 $0xF4280, s0  }
0x10e: {  	[tilespmem:s13], [sflag:$0x2] =	stream.linear.gather @p1 [hbm4b:s6+s4], $0x400, $0x38;
	[tilespmem:$0x1C100] =	vst v63  }
0x10f: {  	s6 =	sadd.s32 @p1 $0x1E8500, s0;
	s13 =	simm.s32 @p1 $0xFD00  }
0x110: {  	[tilespmem:s13], [sflag:$0x2] =	stream.linear.gather @p1 [hbm4b:s6+s4], $0x400, $0x38;
	[tilespmem:$0x1C100] =	vst v63  }
0x111: {  	s6 =	sadd.s32 @p1 $0x2DC780, s0;
	s13 =	simm.s32 @p1 $0x11500  }
0x112: {  	[tilespmem:s13], [sflag:$0x2] =	stream.linear.gather @p1 [hbm4b:s6+s4], $0x400, $0x38;
	[tilespmem:$0x1C100] =	vst v63  }
0x113: {  	s6 =	sadd.s32 @p1 $0x3D0A00, s0;
	s13 =	simm.s32 @p1 $0x12D00  }
0x114: {  	[tilespmem:s13], [sflag:$0x2] =	stream.linear.gather @p1 [hbm4b:s6+s4], $0x400, $0x38;
	[tilespmem:$0x1C100] =	vst v63  }
0x115: {  	s6 =	sadd.s32 @p1 $0x4C4C80, s0;
	s13 =	simm.s32 @p1 $0x14500  }
0x116: {  	[tilespmem:s13], [sflag:$0x2] =	stream.linear.gather @p1 [hbm4b:s6+s4], $0x400, $0x38;
	[tilespmem:$0x1C100] =	vst v63  }
0x117: {  	s6 =	sadd.s32 @p1 $0x5B8F00, s0;
	s13 =	simm.s32 @p1 $0x15D00  }
0x118: {  	[tilespmem:s13], [sflag:$0x2] =	stream.linear.gather @p1 [hbm4b:s6+s4], $0x400, $0x38;
	[tilespmem:$0x1C100] =	vst v63  }
0x119: {  	(v2sf) =	vpush v9, $0x4;
	s4 =	simm.s32 @!p1 $0x0;
	s6 =	simm.s32 @!p1 $0xCD00  }
0x11a: {  	[tilespmem:s6], [sflag:$0x2] =	stream.linear.gather @!p1 [hbm4b:s22+s4], $0x400, $0x38;
	[tilespmem:$0x1C100] =	vst v63  }
0x11b: {  	s6 =	simm.s32 @!p1 $0xE500  }
0x11c: {  	[tilespmem:s6], [sflag:$0x2] =	stream.linear.gather @!p1 [hbm4b:s17+s4], $0x400, $0x38;
	[tilespmem:$0x1C100] =	vst v63  }
0x11d: {  	s6 =	simm.s32 @!p1 $0xFD00  }
0x11e: {  	[tilespmem:s6], [sflag:$0x2] =	stream.linear.gather @!p1 [hbm4b:s16+s4], $0x400, $0x38;
	[tilespmem:$0x1C100] =	vst v63  }
0x11f: {  	s6 =	simm.s32 @!p1 $0x11500  }
0x120: {  	[tilespmem:s6], [sflag:$0x2] =	stream.linear.gather @!p1 [hbm4b:s23+s4], $0x400, $0x38;
	[tilespmem:$0x1C100] =	vst v63  }
0x121: {  	s6 =	simm.s32 @!p1 $0x12D00  }
0x122: {  	[tilespmem:s6], [sflag:$0x2] =	stream.linear.gather @!p1 [hbm4b:s24+s4], $0x400, $0x38;
	[tilespmem:$0x1C100] =	vst v63  }
0x123: {  	s13 =	rddreg [dreg:$0x11];
	s6 =	simm.s32 @!p1 $0x14500  }
0x124: {  	[tilespmem:s6], [sflag:$0x2] =	stream.linear.gather @!p1 [hbm4b:s13+s4], $0x400, $0x38;
	[tilespmem:$0x1C100] =	vst v63  }
0x125: {  	s6 =	simm.s32 @!p1 $0x15D00  }
0x126: {  	[tilespmem:s6], [sflag:$0x2] =	stream.linear.gather @!p1 [hbm4b:s25+s4], $0x400, $0x38;
	[tilespmem:$0x1C100] =	vst v63  }
0x127: {  	s0 =	sadd.s32 @p1 $0x6AD180, s0;
	s4 =	rddreg [dreg:$0x13]  }
0x128: {  	s20 =	simm.s32 $0x17500;
	s4 =	smov.u32 @p1 s0;
	s0 =	spop (v2sf)  }
0x129: {  	[tilespmem:s20], [sflag:$0x2] =	stream.linear.gather [hbm4b:s4+s14], $0x400, $0x38;
	[tilespmem:$0x1C100] =	vst v63  }
0x12a: {  	p5 =	slt.s32 s0, $0xF4200  }
0x12b: {  	s4 =	simm.s32 @!p5 $0x0  }
0x12c: {  	[dreg:$0x19] =	wrdreg s0;
	s4 =	simm.s32 @p5 $0x1  }
0x12d: {  	[smem:$0x7F5] =	sst s4  }
0x12e: {  	s0 =	sand.u32 @p5 $0xFFFFF80, s0;
	s4 =	rddreg [dreg:$0x2]  }
0x12f: {  	s6 =	simm.s32 @p5 $0x1100;
	s0 =	sadd.s32 @p5 s4, s0;
	s4 =	simm.s32 @p5 $0x0  }
0x130: {  	[tilespmem:s6], [sflag:$0x1] =	stream.linear.gather @p5 [hbm4b:s0+s4], $0x400, $0x38;
	[tilespmem:$0x1C100] =	vst v63  }
0x131: {  	s13 =	simm.s32 @p5 $0x2900;
	s6 =	sadd.s32 @p5 $0xF4280, s0  }
0x132: {  	[tilespmem:s13], [sflag:$0x1] =	stream.linear.gather @p5 [hbm4b:s6+s4], $0x400, $0x38;
	[tilespmem:$0x1C100] =	vst v63  }
0x133: {  	s6 =	sadd.s32 @p5 $0x1E8500, s0;
	s13 =	simm.s32 @p5 $0x4100  }
0x134: {  	[tilespmem:s13], [sflag:$0x1] =	stream.linear.gather @p5 [hbm4b:s6+s4], $0x400, $0x38;
	[tilespmem:$0x1C100] =	vst v63  }
0x135: {  	s6 =	sadd.s32 @p5 $0x2DC780, s0;
	s13 =	simm.s32 @p5 $0x5900  }
0x136: {  	[tilespmem:s13], [sflag:$0x1] =	stream.linear.gather @p5 [hbm4b:s6+s4], $0x400, $0x38;
	[tilespmem:$0x1C100] =	vst v63  }
0x137: {  	s6 =	sadd.s32 @p5 $0x3D0A00, s0;
	s13 =	simm.s32 @p5 $0x7100  }
0x138: {  	[tilespmem:s13], [sflag:$0x1] =	stream.linear.gather @p5 [hbm4b:s6+s4], $0x400, $0x38;
	[tilespmem:$0x1C100] =	vst v63  }
0x139: {  	s6 =	sadd.s32 @p5 $0x4C4C80, s0;
	s13 =	simm.s32 @p5 $0x8900  }
0x13a: {  	[tilespmem:s13], [sflag:$0x1] =	stream.linear.gather @p5 [hbm4b:s6+s4], $0x400, $0x38;
	[tilespmem:$0x1C100] =	vst v63  }
0x13b: {  	s6 =	sadd.s32 @p5 $0x5B8F00, s0;
	s13 =	simm.s32 @p5 $0xA100  }
0x13c: {  	[tilespmem:s13], [sflag:$0x1] =	stream.linear.gather @p5 [hbm4b:s6+s4], $0x400, $0x38;
	[tilespmem:$0x1C100] =	vst v63  }
0x13d: {  	s4 =	simm.s32 @!p5 $0x0;
	s6 =	simm.s32 @!p5 $0x1100  }
0x13e: {  	[tilespmem:s6], [sflag:$0x1] =	stream.linear.gather @!p5 [hbm4b:s21+s4], $0x400, $0x38;
	[tilespmem:$0x1C100] =	vst v63  }
0x13f: {  	(v2sf) =	vpush v8, $0x4;
	s13 =	rddreg [dreg:$0xc];
	s6 =	simm.s32 @!p5 $0x2900  }
0x140: {  	[tilespmem:s6], [sflag:$0x1] =	stream.linear.gather @!p5 [hbm4b:s13+s4], $0x400, $0x38;
	[tilespmem:$0x1C100] =	vst v63  }
0x141: {  	s6 =	simm.s32 @!p5 $0x4100;
	s13 =	rddreg [dreg:$0xe]  }
0x142: {  	[tilespmem:s6], [sflag:$0x1] =	stream.linear.gather @!p5 [hbm4b:s13+s4], $0x400, $0x38;
	[tilespmem:$0x1C100] =	vst v63  }
0x143: {  	s6 =	simm.s32 @!p5 $0x5900;
	s13 =	rddreg [dreg:$0xf]  }
0x144: {  	[tilespmem:s6], [sflag:$0x1] =	stream.linear.gather @!p5 [hbm4b:s13+s4], $0x400, $0x38;
	[tilespmem:$0x1C100] =	vst v63  }
0x145: {  	s6 =	simm.s32 @!p5 $0x7100;
	s13 =	rddreg [dreg:$0x10]  }
0x146: {  	[tilespmem:s6], [sflag:$0x1] =	stream.linear.gather @!p5 [hbm4b:s13+s4], $0x400, $0x38;
	[tilespmem:$0x1C100] =	vst v63  }
0x147: {  	s6 =	simm.s32 @!p5 $0x8900;
	s13 =	rddreg [dreg:$0x12]  }
0x148: {  	[tilespmem:s6], [sflag:$0x1] =	stream.linear.gather @!p5 [hbm4b:s13+s4], $0x400, $0x38;
	[tilespmem:$0x1C100] =	vst v63  }
0x149: {  	s6 =	simm.s32 @!p5 $0xA100  }
0x14a: {  	[tilespmem:s6], [sflag:$0x1] =	stream.linear.gather @!p5 [hbm4b:s18+s4], $0x400, $0x38;
	[tilespmem:$0x1C100] =	vst v63  }
0x14b: {  	s0 =	sadd.s32 @p5 $0x6AD180, s0;
	s4 =	rddreg [dreg:$0xd]  }
0x14c: {  	s6 =	simm.s32 $0xB900;
	s4 =	smov.u32 @p5 s0  }
0x14d: {  	[tilespmem:s6], [sflag:$0x1] =	stream.linear.gather [hbm4b:s4+s14], $0x400, $0x38;
	[tilespmem:$0x1C100] =	vst v63  }
0x14e: {  	s4 =	spop (v2sf)  }
0x14f: {  	p5 =	slt.s32 s4, $0xF4200  }
0x150: {  	s0 =	simm.s32 @!p5 $0x0  }
0x151: {  	s0 =	simm.s32 @p5 $0x1  }
0x152: {  	[smem:$0x7F6] =	sst s0;
	s0 =	sand.u32 @p5 $0xFFFFF80, s4  }
0x153: {  	s6 =	simm.s32 @p5 $0x0;
	s13 =	simm.s32 @p5 $0xD100;
	s0 =	sadd.s32 @p5 s19, s0  }
0x154: {  	[tilespmem:s13], [sflag:$0x2] =	stream.linear.gather @p5 [hbm4b:s0+s6], $0x400, $0x38;
	[tilespmem:$0x1C100] =	vst v63  }
0x155: {  	s14 =	simm.s32 @p5 $0xE900;
	s13 =	sadd.s32 @p5 $0xF4280, s0  }
0x156: {  	[tilespmem:s14], [sflag:$0x2] =	stream.linear.gather @p5 [hbm4b:s13+s6], $0x400, $0x38;
	[tilespmem:$0x1C100] =	vst v63  }
0x157: {  	s13 =	sadd.s32 @p5 $0x1E8500, s0;
	s14 =	simm.s32 @p5 $0x10100  }
0x158: {  	[tilespmem:s14], [sflag:$0x2] =	stream.linear.gather @p5 [hbm4b:s13+s6], $0x400, $0x38;
	[tilespmem:$0x1C100] =	vst v63  }
0x159: {  	s13 =	sadd.s32 @p5 $0x2DC780, s0;
	s14 =	simm.s32 @p5 $0x11900  }
0x15a: {  	[tilespmem:s14], [sflag:$0x2] =	stream.linear.gather @p5 [hbm4b:s13+s6], $0x400, $0x38;
	[tilespmem:$0x1C100] =	vst v63  }
0x15b: {  	s13 =	sadd.s32 @p5 $0x3D0A00, s0;
	s14 =	simm.s32 @p5 $0x13100  }
0x15c: {  	[tilespmem:s14], [sflag:$0x2] =	stream.linear.gather @p5 [hbm4b:s13+s6], $0x400, $0x38;
	[tilespmem:$0x1C100] =	vst v63  }
0x15d: {  	s13 =	sadd.s32 @p5 $0x4C4C80, s0;
	s14 =	simm.s32 @p5 $0x14900  }
0x15e: {  	[tilespmem:s14], [sflag:$0x2] =	stream.linear.gather @p5 [hbm4b:s13+s6], $0x400, $0x38;
	[tilespmem:$0x1C100] =	vst v63  }
0x15f: {  	s13 =	sadd.s32 @p5 $0x5B8F00, s0;
	s14 =	simm.s32 @p5 $0x16100  }
0x160: {  	[tilespmem:s14], [sflag:$0x2] =	stream.linear.gather @p5 [hbm4b:s13+s6], $0x400, $0x38;
	[tilespmem:$0x1C100] =	vst v63  }
0x161: {  	(v2sf) =	vpush v9, $0x5;
	s6 =	simm.s32 @!p5 $0x0;
	s13 =	simm.s32 @!p5 $0xD100  }
0x162: {  	[tilespmem:s13], [sflag:$0x2] =	stream.linear.gather @!p5 [hbm4b:s22+s6], $0x400, $0x38;
	[tilespmem:$0x1C100] =	vst v63  }
0x163: {  	s13 =	simm.s32 @!p5 $0xE900  }
0x164: {  	[tilespmem:s13], [sflag:$0x2] =	stream.linear.gather @!p5 [hbm4b:s17+s6], $0x400, $0x38;
	[tilespmem:$0x1C100] =	vst v63  }
0x165: {  	s13 =	simm.s32 @!p5 $0x10100  }
0x166: {  	[tilespmem:s13], [sflag:$0x2] =	stream.linear.gather @!p5 [hbm4b:s16+s6], $0x400, $0x38;
	[tilespmem:$0x1C100] =	vst v63  }
0x167: {  	s13 =	simm.s32 @!p5 $0x11900  }
0x168: {  	[tilespmem:s13], [sflag:$0x2] =	stream.linear.gather @!p5 [hbm4b:s23+s6], $0x400, $0x38;
	[tilespmem:$0x1C100] =	vst v63  }
0x169: {  	s13 =	simm.s32 @!p5 $0x13100  }
0x16a: {  	[tilespmem:s13], [sflag:$0x2] =	stream.linear.gather @!p5 [hbm4b:s24+s6], $0x400, $0x38;
	[tilespmem:$0x1C100] =	vst v63  }
0x16b: {  	s14 =	rddreg [dreg:$0x11];
	s13 =	simm.s32 @!p5 $0x14900  }
0x16c: {  	[tilespmem:s13], [sflag:$0x2] =	stream.linear.gather @!p5 [hbm4b:s14+s6], $0x400, $0x38;
	[tilespmem:$0x1C100] =	vst v63  }
0x16d: {  	s13 =	simm.s32 @!p5 $0x16100  }
0x16e: {  	[tilespmem:s13], [sflag:$0x2] =	stream.linear.gather @!p5 [hbm4b:s25+s6], $0x400, $0x38;
	[tilespmem:$0x1C100] =	vst v63  }
0x16f: {  	s0 =	sadd.s32 @p5 $0x6AD180, s0;
	s14 =	simm.s32 $0x17900;
	s6 =	rddreg [dreg:$0x13]  }
0x170: {  	s13 =	simm.s32 $0x0;
	s6 =	smov.u32 @p5 s0;
	s0 =	spop (v2sf)  }
0x171: {  	[tilespmem:s14], [sflag:$0x2] =	stream.linear.gather [hbm4b:s6+s13], $0x400, $0x38;
	[tilespmem:$0x1C100] =	vst v63  }
0x172: {  	p5 =	slt.s32 s0, $0xF4200  }
0x173: {  	s6 =	simm.s32 @!p5 $0x0  }
0x174: {  	s13 =	rddreg [dreg:$0x2];
	s6 =	simm.s32 @p5 $0x1  }
0x175: {  	[smem:$0x7F7] =	sst s6;
	s6 =	sand.u32 @p5 $0xFFFFF80, s0  }
0x176: {  	s14 =	simm.s32 @p5 $0x1500;
	s6 =	sadd.s32 @p5 s13, s6;
	s13 =	simm.s32 @p5 $0x0  }
0x177: {  	[tilespmem:s14], [sflag:$0x1] =	stream.linear.gather @p5 [hbm4b:s6+s13], $0x400, $0x38;
	[tilespmem:$0x1C100] =	vst v63  }
0x178: {  	s15 =	simm.s32 @p5 $0x2D00;
	s14 =	sadd.s32 @p5 $0xF4280, s6  }
0x179: {  	[tilespmem:s15], [sflag:$0x1] =	stream.linear.gather @p5 [hbm4b:s14+s13], $0x400, $0x38;
	[tilespmem:$0x1C100] =	vst v63  }
0x17a: {  	s14 =	sadd.s32 @p5 $0x1E8500, s6;
	s15 =	simm.s32 @p5 $0x4500  }
0x17b: {  	[tilespmem:s15], [sflag:$0x1] =	stream.linear.gather @p5 [hbm4b:s14+s13], $0x400, $0x38;
	[tilespmem:$0x1C100] =	vst v63  }
0x17c: {  	s14 =	sadd.s32 @p5 $0x2DC780, s6;
	s15 =	simm.s32 @p5 $0x5D00  }
0x17d: {  	[tilespmem:s15], [sflag:$0x1] =	stream.linear.gather @p5 [hbm4b:s14+s13], $0x400, $0x38;
	[tilespmem:$0x1C100] =	vst v63  }
0x17e: {  	s14 =	sadd.s32 @p5 $0x3D0A00, s6;
	s15 =	simm.s32 @p5 $0x7500  }
0x17f: {  	[tilespmem:s15], [sflag:$0x1] =	stream.linear.gather @p5 [hbm4b:s14+s13], $0x400, $0x38;
	[tilespmem:$0x1C100] =	vst v63  }
0x180: {  	s14 =	sadd.s32 @p5 $0x4C4C80, s6;
	s15 =	simm.s32 @p5 $0x8D00  }
0x181: {  	[tilespmem:s15], [sflag:$0x1] =	stream.linear.gather @p5 [hbm4b:s14+s13], $0x400, $0x38;
	[tilespmem:$0x1C100] =	vst v63  }
0x182: {  	s14 =	sadd.s32 @p5 $0x5B8F00, s6;
	s15 =	simm.s32 @p5 $0xA500  }
0x183: {  	[tilespmem:s15], [sflag:$0x1] =	stream.linear.gather @p5 [hbm4b:s14+s13], $0x400, $0x38;
	[tilespmem:$0x1C100] =	vst v63  }
0x184: {  	(v2sf) =	vpush v8, $0x5;
	s13 =	simm.s32 @!p5 $0x0;
	s14 =	simm.s32 @!p5 $0x1500  }
0x185: {  	[tilespmem:s14], [sflag:$0x1] =	stream.linear.gather @!p5 [hbm4b:s21+s13], $0x400, $0x38;
	[tilespmem:$0x1C100] =	vst v63  }
0x186: {  	s15 =	rddreg [dreg:$0xc];
	s14 =	simm.s32 @!p5 $0x2D00  }
0x187: {  	[tilespmem:s14], [sflag:$0x1] =	stream.linear.gather @!p5 [hbm4b:s15+s13], $0x400, $0x38;
	[tilespmem:$0x1C100] =	vst v63  }
0x188: {  	s14 =	simm.s32 @!p5 $0x4500;
	s15 =	rddreg [dreg:$0xe]  }
0x189: {  	[tilespmem:s14], [sflag:$0x1] =	stream.linear.gather @!p5 [hbm4b:s15+s13], $0x400, $0x38;
	[tilespmem:$0x1C100] =	vst v63  }
0x18a: {  	s14 =	simm.s32 @!p5 $0x5D00;
	s15 =	rddreg [dreg:$0xf]  }
0x18b: {  	[tilespmem:s14], [sflag:$0x1] =	stream.linear.gather @!p5 [hbm4b:s15+s13], $0x400, $0x38;
	[tilespmem:$0x1C100] =	vst v63  }
0x18c: {  	s14 =	simm.s32 @!p5 $0x7500;
	s15 =	rddreg [dreg:$0x10]  }
0x18d: {  	[tilespmem:s14], [sflag:$0x1] =	stream.linear.gather @!p5 [hbm4b:s15+s13], $0x400, $0x38;
	[tilespmem:$0x1C100] =	vst v63  }
0x18e: {  	s14 =	simm.s32 @!p5 $0x8D00;
	s15 =	rddreg [dreg:$0x12]  }
0x18f: {  	[tilespmem:s14], [sflag:$0x1] =	stream.linear.gather @!p5 [hbm4b:s15+s13], $0x400, $0x38;
	[tilespmem:$0x1C100] =	vst v63  }
0x190: {  	s14 =	simm.s32 @!p5 $0xA500  }
0x191: {  	[tilespmem:s14], [sflag:$0x1] =	stream.linear.gather @!p5 [hbm4b:s18+s13], $0x400, $0x38;
	[tilespmem:$0x1C100] =	vst v63  }
0x192: {  	s20 =	simm.s32 $0xBD00;
	s6 =	sadd.s32 @p5 $0x6AD180, s6;
	s13 =	rddreg [dreg:$0xd]  }
0x193: {  	s15 =	simm.s32 $0x0;
	s13 =	smov.u32 @p5 s6;
	s6 =	spop (v2sf)  }
0x194: {  	[tilespmem:s20], [sflag:$0x1] =	stream.linear.gather [hbm4b:s13+s15], $0x400, $0x38;
	[tilespmem:$0x1C100] =	vst v63  }
0x195: {  	p5 =	slt.s32 s6, $0xF4200  }
0x196: {  	s13 =	simm.s32 @!p5 $0x0  }
0x197: {  	s13 =	simm.s32 @p5 $0x1  }
0x198: {  	s20 =	smov.u32 s17;
	[smem:$0x7F8] =	sst s13;
	s13 =	sand.u32 @p5 $0xFFFFF80, s6  }
0x199: {  	s14 =	simm.s32 @p5 $0x0;
	s15 =	simm.s32 @p5 $0xD500;
	s13 =	sadd.s32 @p5 s19, s13  }
0x19a: {  	[tilespmem:s15], [sflag:$0x2] =	stream.linear.gather @p5 [hbm4b:s13+s14], $0x400, $0x38;
	[tilespmem:$0x1C100] =	vst v63  }
0x19b: {  	s17 =	smov.u32 s16;
	s16 =	simm.s32 @p5 $0xED00;
	s15 =	sadd.s32 @p5 $0xF4280, s13  }
0x19c: {  	[tilespmem:s16], [sflag:$0x2] =	stream.linear.gather @p5 [hbm4b:s15+s14], $0x400, $0x38;
	[tilespmem:$0x1C100] =	vst v63  }
0x19d: {  	s15 =	sadd.s32 @p5 $0x1E8500, s13;
	s16 =	simm.s32 @p5 $0x10500  }
0x19e: {  	[tilespmem:s16], [sflag:$0x2] =	stream.linear.gather @p5 [hbm4b:s15+s14], $0x400, $0x38;
	[tilespmem:$0x1C100] =	vst v63  }
0x19f: {  	s15 =	sadd.s32 @p5 $0x2DC780, s13;
	s16 =	simm.s32 @p5 $0x11D00  }
0x1a0: {  	[tilespmem:s16], [sflag:$0x2] =	stream.linear.gather @p5 [hbm4b:s15+s14], $0x400, $0x38;
	[tilespmem:$0x1C100] =	vst v63  }
0x1a1: {  	s15 =	sadd.s32 @p5 $0x3D0A00, s13;
	s16 =	simm.s32 @p5 $0x13500  }
0x1a2: {  	[tilespmem:s16], [sflag:$0x2] =	stream.linear.gather @p5 [hbm4b:s15+s14], $0x400, $0x38;
	[tilespmem:$0x1C100] =	vst v63  }
0x1a3: {  	s15 =	sadd.s32 @p5 $0x4C4C80, s13;
	s16 =	simm.s32 @p5 $0x14D00  }
0x1a4: {  	[tilespmem:s16], [sflag:$0x2] =	stream.linear.gather @p5 [hbm4b:s15+s14], $0x400, $0x38;
	[tilespmem:$0x1C100] =	vst v63  }
0x1a5: {  	s15 =	sadd.s32 @p5 $0x5B8F00, s13;
	s16 =	simm.s32 @p5 $0x16500  }
0x1a6: {  	[tilespmem:s16], [sflag:$0x2] =	stream.linear.gather @p5 [hbm4b:s15+s14], $0x400, $0x38;
	[tilespmem:$0x1C100] =	vst v63  }
0x1a7: {  	s14 =	simm.s32 @!p5 $0x0;
	s15 =	simm.s32 @!p5 $0xD500  }
0x1a8: {  	[tilespmem:s15], [sflag:$0x2] =	stream.linear.gather @!p5 [hbm4b:s22+s14], $0x400, $0x38;
	[tilespmem:$0x1C100] =	vst v63  }
0x1a9: {  	s15 =	simm.s32 @!p5 $0xED00  }
0x1aa: {  	[tilespmem:s15], [sflag:$0x2] =	stream.linear.gather @!p5 [hbm4b:s20+s14], $0x400, $0x38;
	[tilespmem:$0x1C100] =	vst v63  }
0x1ab: {  	s15 =	simm.s32 @!p5 $0x10500  }
0x1ac: {  	[tilespmem:s15], [sflag:$0x2] =	stream.linear.gather @!p5 [hbm4b:s17+s14], $0x400, $0x38;
	[tilespmem:$0x1C100] =	vst v63  }
0x1ad: {  	s15 =	simm.s32 @!p5 $0x11D00  }
0x1ae: {  	[tilespmem:s15], [sflag:$0x2] =	stream.linear.gather @!p5 [hbm4b:s23+s14], $0x400, $0x38;
	[tilespmem:$0x1C100] =	vst v63  }
0x1af: {  	s15 =	simm.s32 @!p5 $0x13500  }
0x1b0: {  	[tilespmem:s15], [sflag:$0x2] =	stream.linear.gather @!p5 [hbm4b:s24+s14], $0x400, $0x38;
	[tilespmem:$0x1C100] =	vst v63  }
0x1b1: {  	s16 =	rddreg [dreg:$0x11];
	s15 =	simm.s32 @!p5 $0x14D00  }
0x1b2: {  	[tilespmem:s15], [sflag:$0x2] =	stream.linear.gather @!p5 [hbm4b:s16+s14], $0x400, $0x38;
	[tilespmem:$0x1C100] =	vst v63  }
0x1b3: {  	s13 =	sadd.s32 @p5 $0x6AD180, s13;
	s15 =	simm.s32 @!p5 $0x16500  }
0x1b4: {  	[tilespmem:s15], [sflag:$0x2] =	stream.linear.gather @!p5 [hbm4b:s25+s14], $0x400, $0x38;
	[tilespmem:$0x1C100] =	vst v63  }
0x1b5: {  	s16 =	simm.s32 $0x17D00;
	s14 =	rddreg [dreg:$0x13];
	s15 =	simm.s32 $0x0  }
0x1b6: {  	s14 =	smov.u32 @p5 s13;
	s13 =	smov.u32 s2;
	p5 =	slt.s32 s2, $0xF4200  }
0x1b7: {  	[tilespmem:s16], [sflag:$0x2] =	stream.linear.gather [hbm4b:s14+s15], $0x400, $0x38;
	[tilespmem:$0x1C100] =	vst v63  }
0x1b8: {  	s13 =	simm.s32 @!p5 $0xF4200;
	_ =	swait.ge [sflag:s9], $0x2000  }
0x1b9: {  	s13 =	sand.u32 $0xFFFFFF80, s13;
	[sflag:s9] =	ssyncset.done $0x0  }
0x1ba: {  	s2 =	ssub.s32 s2, s13;
	[sflag:s9] =	ssyncadd.s32 $0xFFFFE000  }
0x1bb: {  	v10 =	vmov s2;
	_ =	swait.ge [sflag:s10], $0x2000  }
0x1bc: {  	v11 =	vshll.u32 v10, $0x3;
	[sflag:s10] =	ssyncset.done $0x0  }
0x1bd: {  	p5 =	slt.s32 s3, $0xF4200;
	s2 =	smov.u32 s3;
	v10 =	vand.u32 $0x7F, v10;
	v11 =	vand.u32 $0xFFFFFC00, v11;
	[sflag:s10] =	ssyncadd.s32 $0xFFFFE000  }
0x1be: {  	s2 =	simm.s32 @!p5 $0xF4200;
	v10 =	vor.u32 v10, v11;
	_ =	swait.ge [sflag:s9], $0x2000  }
0x1bf: {  	s16 =	sadd.s32 $0xFFFFFFF1, s31;
	s2 =	sand.u32 $0xFFFFFF80, s2;
	v11 =	vadd.s32 v0, v10;
	[sflag:s9] =	ssyncset.done $0x0  }
0x1c0: {  	v12 =	vmov s16;
	s2 =	ssub.s32 s3, s2;
	[sflag:s9] =	ssyncadd.s32 $0xFFFFE000  }
0x1c1: {  	v12 =	vand.u32 $0x70, v12;
	v13 =	vmov s2;
	_ =	swait.ge [sflag:s10], $0x2000  }
0x1c2: {  	v12 =	vbroadcast v12, $0x0;
	v14 =	vshll.u32 v13, $0x3;
	[sflag:s10] =	ssyncset.done $0x0  }
0x1c3: {  	v13 =	vand.u32 $0x7F, v13;
	v14 =	vand.u32 $0xFFFFFC00, v14;
	[sflag:s10] =	ssyncadd.s32 $0xFFFFE000  }
0x1c4: {  	v15 =	vor.u32 v1, v12;
	v13 =	vor.u32 v13, v14;
	v11 =	vld.idx.msk [tilespmem:v11+s11+$0x0], $0xffff  }
0x1c5: {  	v14 =	vadd.s32 v0, v13;
	_ =	sdelay $0x3  }
0x1c6: {  	[tilespmem:v15+s26+$0x0] =	vst.idx.msk $0xffff, v11  }
0x1c7: {  	v11 =	vld.idx.msk [tilespmem:v14+s28+$0x0], $0xffff  }
0x1c8: {  	v41 =	vadd.s32 v2, v10;
	_ =	sdelay $0x3  }
0x1c9: {  	[tilespmem:v15+s29+$0x0] =	vst.idx.msk $0xffff, v11  }
0x1ca: {  	v42 =	vor.u32 v3, v12;
	v11 =	vld.idx.msk [tilespmem:v41+s11+$0x0], $0xffff  }
0x1cb: {  	v43 =	vadd.s32 v2, v13;
	_ =	sdelay $0x3  }
0x1cc: {  	[tilespmem:v42+s26+$0x0] =	vst.idx.msk $0xffff, v11  }
0x1cd: {  	v11 =	vld.idx.msk [tilespmem:v43+s28+$0x0], $0xffff  }
0x1ce: {  	v44 =	vadd.s32 v4, v10;
	_ =	sdelay $0x3  }
0x1cf: {  	[tilespmem:v42+s29+$0x0] =	vst.idx.msk $0xffff, v11  }
0x1d0: {  	v45 =	vor.u32 v5, v12;
	v11 =	vld.idx.msk [tilespmem:v44+s11+$0x0], $0xffff  }
0x1d1: {  	v46 =	vadd.s32 v4, v13;
	_ =	sdelay $0x3  }
0x1d2: {  	[tilespmem:v45+s26+$0x0] =	vst.idx.msk $0xffff, v11  }
0x1d3: {  	v11 =	vld.idx.msk [tilespmem:v46+s28+$0x0], $0xffff  }
0x1d4: {  	v10 =	vadd.s32 v6, v10  }
0x1d5: {  	s2 =	smov.u32 s7  }
0x1d6: {  	s2 =	simm.s32 @!p3 $0xF4200  }
0x1d7: {  	s2 =	sand.u32 $0xFFFFFF80, s2  }
0x1d8: {  	s2 =	ssub.s32 s7, s2;
	[tilespmem:v45+s29+$0x0] =	vst.idx.msk $0xffff, v11  }
0x1d9: {  	v47 =	vor.u32 v7, v12;
	v48 =	vmov s2;
	v10 =	vld.idx.msk [tilespmem:v10+s11+$0x0], $0xffff  }
0x1da: {  	v13 =	vadd.s32 v6, v13;
	v12 =	vadd.s32 $0x80, v48  }
0x1db: {  	s2 =	smov.u32 s30;
	v12 =	vbroadcast v12, $0x0  }
0x1dc: {  	s2 =	simm.s32 @!p0 $0xF4200  }
0x1dd: {  	s2 =	sand.u32 $0xFFFFFF80, s2;
	v49 =	vshll.u32 v12, $0x3  }
0x1de: {  	s2 =	ssub.s32 s30, s2;
	v50 =	vand.u32 $0x7F, v12;
	v51 =	vand.u32 $0xFFFFFC00, v49;
	[tilespmem:v47+s26+$0x0] =	vst.idx.msk $0xffff, v10  }
0x1df: {  	v52 =	vmov s2;
	v10 =	vor.u32 v50, v51;
	v13 =	vld.idx.msk [tilespmem:v13+s28+$0x0], $0xffff  }
0x1e0: {  	s7 =	sadd.s32 $0xFFFFFFF2, s31;
	v53 =	vadd.s32 $0x80, v52;
	v54 =	vadd.s32 v0, v10  }
0x1e1: {  	v55 =	vmov s7;
	v12 =	vbroadcast v53, $0x0  }
0x1e2: {  	v15 =	vand.u32 $0x71, v55  }
0x1e3: {  	v16 =	vshll.u32 v12, $0x3;
	v15 =	vbroadcast v15, $0x0  }
0x1e4: {  	v56 =	vand.u32 $0x7F, v12;
	v57 =	vand.u32 $0xFFFFFC00, v16;
	[tilespmem:v47+s29+$0x0] =	vst.idx.msk $0xffff, v13  }
0x1e5: {  	v58 =	vor.u32 v1, v15;
	v11 =	vor.u32 v56, v57;
	v13 =	vld.idx.msk [tilespmem:v54+s11+$0x0], $0xffff  }
0x1e6: {  	v12 =	vadd.s32 v0, v11;
	_ =	sdelay $0x3  }
0x1e7: {  	[tilespmem:v58+s26+$0x0] =	vst.idx.msk $0xffff, v13  }
0x1e8: {  	v12 =	vld.idx.msk [tilespmem:v12+s28+$0x0], $0xffff  }
0x1e9: {  	v59 =	vadd.s32 v2, v10;
	_ =	sdelay $0x3  }
0x1ea: {  	[tilespmem:v58+s29+$0x0] =	vst.idx.msk $0xffff, v12  }
0x1eb: {  	v60 =	vor.u32 v3, v15;
	v12 =	vld.idx.msk [tilespmem:v59+s11+$0x0], $0xffff  }
0x1ec: {  	v61 =	vadd.s32 v2, v11;
	_ =	sdelay $0x3  }
0x1ed: {  	[tilespmem:v60+s26+$0x0] =	vst.idx.msk $0xffff, v12  }
0x1ee: {  	v12 =	vld.idx.msk [tilespmem:v61+s28+$0x0], $0xffff  }
0x1ef: {  	v62 =	vadd.s32 v4, v10;
	_ =	sdelay $0x3  }
0x1f0: {  	[tilespmem:v60+s29+$0x0] =	vst.idx.msk $0xffff, v12  }
0x1f1: {  	v63 =	vor.u32 v5, v15;
	v12 =	vld.idx.msk [tilespmem:v62+s11+$0x0], $0xffff  }
0x1f2: {  	v16 =	vadd.s32 v4, v11;
	_ =	sdelay $0x3  }
0x1f3: {  	[tilespmem:v63+s26+$0x0] =	vst.idx.msk $0xffff, v12  }
0x1f4: {  	(v2sf) =	vpush v9, $0x6;
	v12 =	vld.idx.msk [tilespmem:v16+s28+$0x0], $0xffff  }
0x1f5: {  	v10 =	vadd.s32 v6, v10;
	_ =	sdelay $0x3  }
0x1f6: {  	[tilespmem:v63+s29+$0x0] =	vst.idx.msk $0xffff, v12  }
0x1f7: {  	v17 =	vor.u32 v7, v15;
	v10 =	vld.idx.msk [tilespmem:v10+s11+$0x0], $0xffff  }
0x1f8: {  	v11 =	vadd.s32 v6, v11;
	_ =	sdelay $0x3  }
0x1f9: {  	[tilespmem:v17+s26+$0x0] =	vst.idx.msk $0xffff, v10  }
0x1fa: {  	v10 =	vld.idx.msk [tilespmem:v11+s28+$0x0], $0xffff;
	_ =	sdelay $0x2  }
0x1fb: {  	s3 =	spop (v2sf)  }
0x1fc: {  	p0 =	sgt.s32 s3, $0xF41FF  }
0x1fd: {  	s2 =	simm.s32 @p0 $0x0;
	s7 =	simm.s32 @p0 $0x100;
	[tilespmem:v17+s29+$0x0] =	vst.idx.msk $0xffff, v10  }
0x1fe: {  	[tilespmem:s7], [sflag:$0x1] =	stream.linear.gather @p0 [hbm4b:s21+s2], $0x400, $0x38;
	[tilespmem:$0x1C100] =	vst v63  }
0x1ff: {  	s13 =	rddreg [dreg:$0xc];
	s7 =	simm.s32 @p0 $0x1900  }
0x200: {  	[tilespmem:s7], [sflag:$0x1] =	stream.linear.gather @p0 [hbm4b:s13+s2], $0x400, $0x38;
	[tilespmem:$0x1C100] =	vst v63  }
0x201: {  	s7 =	simm.s32 @p0 $0x3100;
	s13 =	rddreg [dreg:$0xe]  }
0x202: {  	[tilespmem:s7], [sflag:$0x1] =	stream.linear.gather @p0 [hbm4b:s13+s2], $0x400, $0x38;
	[tilespmem:$0x1C100] =	vst v63  }
0x203: {  	s7 =	simm.s32 @p0 $0x4900;
	s13 =	rddreg [dreg:$0xf]  }
0x204: {  	[tilespmem:s7], [sflag:$0x1] =	stream.linear.gather @p0 [hbm4b:s13+s2], $0x400, $0x38;
	[tilespmem:$0x1C100] =	vst v63  }
0x205: {  	s7 =	simm.s32 @p0 $0x6100;
	s13 =	rddreg [dreg:$0x10]  }
0x206: {  	[tilespmem:s7], [sflag:$0x1] =	stream.linear.gather @p0 [hbm4b:s13+s2], $0x400, $0x38;
	[tilespmem:$0x1C100] =	vst v63  }
0x207: {  	s7 =	simm.s32 @p0 $0x7900;
	s13 =	rddreg [dreg:$0x12]  }
0x208: {  	[tilespmem:s7], [sflag:$0x1] =	stream.linear.gather @p0 [hbm4b:s13+s2], $0x400, $0x38;
	[tilespmem:$0x1C100] =	vst v63  }
0x209: {  	s7 =	simm.s32 @p0 $0x9100  }
0x20a: {  	[tilespmem:s7], [sflag:$0x1] =	stream.linear.gather @p0 [hbm4b:s18+s2], $0x400, $0x38;
	[tilespmem:$0x1C100] =	vst v63  }
0x20b: {  	s2 =	sand.u32 @!p0 $0xFFFFF80, s3;
	s7 =	rddreg [dreg:$0x2]  }
0x20c: {  	s13 =	simm.s32 @!p0 $0x100;
	s2 =	sadd.s32 @!p0 s7, s2;
	s7 =	simm.s32 @!p0 $0x0  }
0x20d: {  	[tilespmem:s13], [sflag:$0x1] =	stream.linear.gather @!p0 [hbm4b:s2+s7], $0x400, $0x38;
	[tilespmem:$0x1C100] =	vst v63  }
0x20e: {  	(v2sf) =	vpush v8, $0x6;
	s14 =	simm.s32 @!p0 $0x1900;
	s13 =	sadd.s32 @!p0 $0xF4280, s2  }
0x20f: {  	[tilespmem:s14], [sflag:$0x1] =	stream.linear.gather @!p0 [hbm4b:s13+s7], $0x400, $0x38;
	[tilespmem:$0x1C100] =	vst v63  }
0x210: {  	s13 =	sadd.s32 @!p0 $0x1E8500, s2;
	s14 =	simm.s32 @!p0 $0x3100  }
0x211: {  	[tilespmem:s14], [sflag:$0x1] =	stream.linear.gather @!p0 [hbm4b:s13+s7], $0x400, $0x38;
	[tilespmem:$0x1C100] =	vst v63  }
0x212: {  	s13 =	sadd.s32 @!p0 $0x2DC780, s2;
	s14 =	simm.s32 @!p0 $0x4900  }
0x213: {  	[tilespmem:s14], [sflag:$0x1] =	stream.linear.gather @!p0 [hbm4b:s13+s7], $0x400, $0x38;
	[tilespmem:$0x1C100] =	vst v63  }
0x214: {  	s13 =	sadd.s32 @!p0 $0x3D0A00, s2;
	s14 =	simm.s32 @!p0 $0x6100  }
0x215: {  	[tilespmem:s14], [sflag:$0x1] =	stream.linear.gather @!p0 [hbm4b:s13+s7], $0x400, $0x38;
	[tilespmem:$0x1C100] =	vst v63  }
0x216: {  	s13 =	sadd.s32 @!p0 $0x4C4C80, s2;
	s14 =	simm.s32 @!p0 $0x7900  }
0x217: {  	[tilespmem:s14], [sflag:$0x1] =	stream.linear.gather @!p0 [hbm4b:s13+s7], $0x400, $0x38;
	[tilespmem:$0x1C100] =	vst v63  }
0x218: {  	s13 =	sadd.s32 @!p0 $0x5B8F00, s2;
	s14 =	simm.s32 @!p0 $0x9100  }
0x219: {  	[tilespmem:s14], [sflag:$0x1] =	stream.linear.gather @!p0 [hbm4b:s13+s7], $0x400, $0x38;
	[tilespmem:$0x1C100] =	vst v63  }
0x21a: {  	s2 =	sadd.s32 @!p0 $0x6AD180, s2;
	s7 =	rddreg [dreg:$0xd]  }
0x21b: {  	s13 =	simm.s32 $0x0;
	s14 =	simm.s32 $0xA900;
	s2 =	smov.u32 @p0 s7  }
0x21c: {  	[tilespmem:s14], [sflag:$0x1] =	stream.linear.gather [hbm4b:s2+s13], $0x400, $0x38;
	[tilespmem:$0x1C100] =	vst v63  }
0x21d: {  	s2 =	spop (v2sf)  }
0x21e: {  	p0 =	sgt.s32 s2, $0xF41FF  }
0x21f: {  	s7 =	simm.s32 @p0 $0x0;
	s13 =	simm.s32 @p0 $0xC100  }
0x220: {  	[tilespmem:s13], [sflag:$0x2] =	stream.linear.gather @p0 [hbm4b:s22+s7], $0x400, $0x38;
	[tilespmem:$0x1C100] =	vst v63  }
0x221: {  	s13 =	simm.s32 @p0 $0xD900  }
0x222: {  	[tilespmem:s13], [sflag:$0x2] =	stream.linear.gather @p0 [hbm4b:s20+s7], $0x400, $0x38;
	[tilespmem:$0x1C100] =	vst v63  }
0x223: {  	s13 =	simm.s32 @p0 $0xF100  }
0x224: {  	[tilespmem:s13], [sflag:$0x2] =	stream.linear.gather @p0 [hbm4b:s17+s7], $0x400, $0x38;
	[tilespmem:$0x1C100] =	vst v63  }
0x225: {  	s13 =	simm.s32 @p0 $0x10900  }
0x226: {  	[tilespmem:s13], [sflag:$0x2] =	stream.linear.gather @p0 [hbm4b:s23+s7], $0x400, $0x38;
	[tilespmem:$0x1C100] =	vst v63  }
0x227: {  	s13 =	simm.s32 @p0 $0x12100  }
0x228: {  	[tilespmem:s13], [sflag:$0x2] =	stream.linear.gather @p0 [hbm4b:s24+s7], $0x400, $0x38;
	[tilespmem:$0x1C100] =	vst v63  }
0x229: {  	s14 =	rddreg [dreg:$0x11];
	s13 =	simm.s32 @p0 $0x13900  }
0x22a: {  	[tilespmem:s13], [sflag:$0x2] =	stream.linear.gather @p0 [hbm4b:s14+s7], $0x400, $0x38;
	[tilespmem:$0x1C100] =	vst v63  }
0x22b: {  	s13 =	simm.s32 @p0 $0x15100  }
0x22c: {  	[tilespmem:s13], [sflag:$0x2] =	stream.linear.gather @p0 [hbm4b:s25+s7], $0x400, $0x38;
	[tilespmem:$0x1C100] =	vst v63  }
0x22d: {  	(v2sf) =	vpush v9, $0x7;
	s7 =	sand.u32 @!p0 $0xFFFFF80, s2  }
0x22e: {  	s14 =	simm.s32 @!p0 $0xC100;
	s13 =	simm.s32 @!p0 $0x0;
	s7 =	sadd.s32 @!p0 s19, s7  }
0x22f: {  	[tilespmem:s14], [sflag:$0x2] =	stream.linear.gather @!p0 [hbm4b:s7+s13], $0x400, $0x38;
	[tilespmem:$0x1C100] =	vst v63  }
0x230: {  	s15 =	simm.s32 @!p0 $0xD900;
	s14 =	sadd.s32 @!p0 $0xF4280, s7  }
0x231: {  	[tilespmem:s15], [sflag:$0x2] =	stream.linear.gather @!p0 [hbm4b:s14+s13], $0x400, $0x38;
	[tilespmem:$0x1C100] =	vst v63  }
0x232: {  	s14 =	sadd.s32 @!p0 $0x1E8500, s7;
	s15 =	simm.s32 @!p0 $0xF100  }
0x233: {  	[tilespmem:s15], [sflag:$0x2] =	stream.linear.gather @!p0 [hbm4b:s14+s13], $0x400, $0x38;
	[tilespmem:$0x1C100] =	vst v63  }
0x234: {  	s14 =	sadd.s32 @!p0 $0x2DC780, s7;
	s15 =	simm.s32 @!p0 $0x10900  }
0x235: {  	[tilespmem:s15], [sflag:$0x2] =	stream.linear.gather @!p0 [hbm4b:s14+s13], $0x400, $0x38;
	[tilespmem:$0x1C100] =	vst v63  }
0x236: {  	s14 =	sadd.s32 @!p0 $0x3D0A00, s7;
	s15 =	simm.s32 @!p0 $0x12100  }
0x237: {  	[tilespmem:s15], [sflag:$0x2] =	stream.linear.gather @!p0 [hbm4b:s14+s13], $0x400, $0x38;
	[tilespmem:$0x1C100] =	vst v63  }
0x238: {  	s14 =	sadd.s32 @!p0 $0x4C4C80, s7;
	s15 =	simm.s32 @!p0 $0x13900  }
0x239: {  	[tilespmem:s15], [sflag:$0x2] =	stream.linear.gather @!p0 [hbm4b:s14+s13], $0x400, $0x38;
	[tilespmem:$0x1C100] =	vst v63  }
0x23a: {  	s16 =	simm.s32 $0x16900;
	s14 =	sadd.s32 @!p0 $0x5B8F00, s7;
	s15 =	simm.s32 @!p0 $0x15100  }
0x23b: {  	[tilespmem:s15], [sflag:$0x2] =	stream.linear.gather @!p0 [hbm4b:s14+s13], $0x400, $0x38;
	[tilespmem:$0x1C100] =	vst v63  }
0x23c: {  	s30 =	spop (v2sf);
	s7 =	sadd.s32 @!p0 $0x6AD180, s7;
	s13 =	rddreg [dreg:$0x13]  }
0x23d: {  	p5 =	slt.s32 s30, $0xF4200;
	s15 =	simm.s32 $0x0;
	s7 =	smov.u32 @p0 s13  }
0x23e: {  	[tilespmem:s16], [sflag:$0x2] =	stream.linear.gather [hbm4b:s7+s15], $0x400, $0x38;
	[tilespmem:$0x1C100] =	vst v63  }
0x23f: {  	s13 =	rddreg [dreg:$0x2];
	s7 =	sand.u32 @p5 $0xFFFFF80, s30  }
0x240: {  	s14 =	simm.s32 @p5 $0x500;
	s7 =	sadd.s32 @p5 s13, s7;
	s13 =	simm.s32 @p5 $0x0  }
0x241: {  	[tilespmem:s14], [sflag:$0x1] =	stream.linear.gather @p5 [hbm4b:s7+s13], $0x400, $0x38;
	[tilespmem:$0x1C100] =	vst v63  }
0x242: {  	s15 =	simm.s32 @p5 $0x1D00;
	s14 =	sadd.s32 @p5 $0xF4280, s7  }
0x243: {  	[tilespmem:s15], [sflag:$0x1] =	stream.linear.gather @p5 [hbm4b:s14+s13], $0x400, $0x38;
	[tilespmem:$0x1C100] =	vst v63  }
0x244: {  	s14 =	sadd.s32 @p5 $0x1E8500, s7;
	s15 =	simm.s32 @p5 $0x3500  }
0x245: {  	[tilespmem:s15], [sflag:$0x1] =	stream.linear.gather @p5 [hbm4b:s14+s13], $0x400, $0x38;
	[tilespmem:$0x1C100] =	vst v63  }
0x246: {  	s14 =	sadd.s32 @p5 $0x2DC780, s7;
	s15 =	simm.s32 @p5 $0x4D00  }
0x247: {  	[tilespmem:s15], [sflag:$0x1] =	stream.linear.gather @p5 [hbm4b:s14+s13], $0x400, $0x38;
	[tilespmem:$0x1C100] =	vst v63  }
0x248: {  	s14 =	sadd.s32 @p5 $0x3D0A00, s7;
	s15 =	simm.s32 @p5 $0x6500  }
0x249: {  	[tilespmem:s15], [sflag:$0x1] =	stream.linear.gather @p5 [hbm4b:s14+s13], $0x400, $0x38;
	[tilespmem:$0x1C100] =	vst v63  }
0x24a: {  	s14 =	sadd.s32 @p5 $0x4C4C80, s7;
	s15 =	simm.s32 @p5 $0x7D00  }
0x24b: {  	[tilespmem:s15], [sflag:$0x1] =	stream.linear.gather @p5 [hbm4b:s14+s13], $0x400, $0x38;
	[tilespmem:$0x1C100] =	vst v63  }
0x24c: {  	s14 =	sadd.s32 @p5 $0x5B8F00, s7;
	s15 =	simm.s32 @p5 $0x9500  }
0x24d: {  	[tilespmem:s15], [sflag:$0x1] =	stream.linear.gather @p5 [hbm4b:s14+s13], $0x400, $0x38;
	[tilespmem:$0x1C100] =	vst v63  }
0x24e: {  	(v2sf) =	vpush v8, $0x7;
	s13 =	simm.s32 @!p5 $0x0;
	s14 =	simm.s32 @!p5 $0x500  }
0x24f: {  	[tilespmem:s14], [sflag:$0x1] =	stream.linear.gather @!p5 [hbm4b:s21+s13], $0x400, $0x38;
	[tilespmem:$0x1C100] =	vst v63  }
0x250: {  	s15 =	rddreg [dreg:$0xc];
	s14 =	simm.s32 @!p5 $0x1D00  }
0x251: {  	[tilespmem:s14], [sflag:$0x1] =	stream.linear.gather @!p5 [hbm4b:s15+s13], $0x400, $0x38;
	[tilespmem:$0x1C100] =	vst v63  }
0x252: {  	s14 =	simm.s32 @!p5 $0x3500;
	s15 =	rddreg [dreg:$0xe]  }
0x253: {  	[tilespmem:s14], [sflag:$0x1] =	stream.linear.gather @!p5 [hbm4b:s15+s13], $0x400, $0x38;
	[tilespmem:$0x1C100] =	vst v63  }
0x254: {  	s14 =	simm.s32 @!p5 $0x4D00;
	s15 =	rddreg [dreg:$0xf]  }
0x255: {  	[tilespmem:s14], [sflag:$0x1] =	stream.linear.gather @!p5 [hbm4b:s15+s13], $0x400, $0x38;
	[tilespmem:$0x1C100] =	vst v63  }
0x256: {  	s14 =	simm.s32 @!p5 $0x6500;
	s15 =	rddreg [dreg:$0x10]  }
0x257: {  	[tilespmem:s14], [sflag:$0x1] =	stream.linear.gather @!p5 [hbm4b:s15+s13], $0x400, $0x38;
	[tilespmem:$0x1C100] =	vst v63  }
0x258: {  	s14 =	simm.s32 @!p5 $0x7D00;
	s15 =	rddreg [dreg:$0x12]  }
0x259: {  	[tilespmem:s14], [sflag:$0x1] =	stream.linear.gather @!p5 [hbm4b:s15+s13], $0x400, $0x38;
	[tilespmem:$0x1C100] =	vst v63  }
0x25a: {  	s14 =	simm.s32 @!p5 $0x9500  }
0x25b: {  	[tilespmem:s14], [sflag:$0x1] =	stream.linear.gather @!p5 [hbm4b:s18+s13], $0x400, $0x38;
	[tilespmem:$0x1C100] =	vst v63  }
0x25c: {  	s7 =	sadd.s32 @p5 $0x6AD180, s7;
	s15 =	simm.s32 $0xAD00;
	s13 =	rddreg [dreg:$0xd]  }
0x25d: {  	s14 =	simm.s32 $0x0;
	s13 =	smov.u32 @p5 s7;
	s7 =	spop (v2sf)  }
0x25e: {  	[tilespmem:s15], [sflag:$0x1] =	stream.linear.gather [hbm4b:s13+s14], $0x400, $0x38;
	[tilespmem:$0x1C100] =	vst v63  }
0x25f: {  	p3 =	slt.s32 s7, $0xF4200  }
0x260: {  	s13 =	sand.u32 @p3 $0xFFFFF80, s7  }
0x261: {  	s14 =	simm.s32 @p3 $0x0;
	s15 =	simm.s32 @p3 $0xC500;
	s13 =	sadd.s32 @p3 s19, s13  }
0x262: {  	[tilespmem:s15], [sflag:$0x2] =	stream.linear.gather @p3 [hbm4b:s13+s14], $0x400, $0x38;
	[tilespmem:$0x1C100] =	vst v63  }
0x263: {  	s16 =	simm.s32 @p3 $0xDD00;
	s15 =	sadd.s32 @p3 $0xF4280, s13  }
0x264: {  	[tilespmem:s16], [sflag:$0x2] =	stream.linear.gather @p3 [hbm4b:s15+s14], $0x400, $0x38;
	[tilespmem:$0x1C100] =	vst v63  }
0x265: {  	s15 =	sadd.s32 @p3 $0x1E8500, s13;
	s16 =	simm.s32 @p3 $0xF500  }
0x266: {  	[tilespmem:s16], [sflag:$0x2] =	stream.linear.gather @p3 [hbm4b:s15+s14], $0x400, $0x38;
	[tilespmem:$0x1C100] =	vst v63  }
0x267: {  	s15 =	sadd.s32 @p3 $0x2DC780, s13;
	s16 =	simm.s32 @p3 $0x10D00  }
0x268: {  	[tilespmem:s16], [sflag:$0x2] =	stream.linear.gather @p3 [hbm4b:s15+s14], $0x400, $0x38;
	[tilespmem:$0x1C100] =	vst v63  }
0x269: {  	s15 =	sadd.s32 @p3 $0x3D0A00, s13;
	s16 =	simm.s32 @p3 $0x12500  }
0x26a: {  	[tilespmem:s16], [sflag:$0x2] =	stream.linear.gather @p3 [hbm4b:s15+s14], $0x400, $0x38;
	[tilespmem:$0x1C100] =	vst v63  }
0x26b: {  	s15 =	sadd.s32 @p3 $0x4C4C80, s13;
	s16 =	simm.s32 @p3 $0x13D00  }
0x26c: {  	[tilespmem:s16], [sflag:$0x2] =	stream.linear.gather @p3 [hbm4b:s15+s14], $0x400, $0x38;
	[tilespmem:$0x1C100] =	vst v63  }
0x26d: {  	s15 =	sadd.s32 @p3 $0x5B8F00, s13;
	s16 =	simm.s32 @p3 $0x15500  }
0x26e: {  	[tilespmem:s16], [sflag:$0x2] =	stream.linear.gather @p3 [hbm4b:s15+s14], $0x400, $0x38;
	[tilespmem:$0x1C100] =	vst v63  }
0x26f: {  	s14 =	simm.s32 @!p3 $0x0;
	s15 =	simm.s32 @!p3 $0xC500  }
0x270: {  	[tilespmem:s15], [sflag:$0x2] =	stream.linear.gather @!p3 [hbm4b:s22+s14], $0x400, $0x38;
	[tilespmem:$0x1C100] =	vst v63  }
0x271: {  	s15 =	simm.s32 @!p3 $0xDD00  }
0x272: {  	[tilespmem:s15], [sflag:$0x2] =	stream.linear.gather @!p3 [hbm4b:s20+s14], $0x400, $0x38;
	[tilespmem:$0x1C100] =	vst v63  }
0x273: {  	s15 =	simm.s32 @!p3 $0xF500  }
0x274: {  	[tilespmem:s15], [sflag:$0x2] =	stream.linear.gather @!p3 [hbm4b:s17+s14], $0x400, $0x38;
	[tilespmem:$0x1C100] =	vst v63  }
0x275: {  	s15 =	simm.s32 @!p3 $0x10D00  }
0x276: {  	[tilespmem:s15], [sflag:$0x2] =	stream.linear.gather @!p3 [hbm4b:s23+s14], $0x400, $0x38;
	[tilespmem:$0x1C100] =	vst v63  }
0x277: {  	s15 =	simm.s32 @!p3 $0x12500  }
0x278: {  	[tilespmem:s15], [sflag:$0x2] =	stream.linear.gather @!p3 [hbm4b:s24+s14], $0x400, $0x38;
	[tilespmem:$0x1C100] =	vst v63  }
0x279: {  	s16 =	rddreg [dreg:$0x11];
	s15 =	simm.s32 @!p3 $0x13D00  }
0x27a: {  	[tilespmem:s15], [sflag:$0x2] =	stream.linear.gather @!p3 [hbm4b:s16+s14], $0x400, $0x38;
	[tilespmem:$0x1C100] =	vst v63  }
0x27b: {  	s13 =	sadd.s32 @p3 $0x6AD180, s13;
	s15 =	simm.s32 @!p3 $0x15500  }
0x27c: {  	[tilespmem:s15], [sflag:$0x2] =	stream.linear.gather @!p3 [hbm4b:s25+s14], $0x400, $0x38;
	[tilespmem:$0x1C100] =	vst v63  }
0x27d: {  	s16 =	simm.s32 $0x16D00;
	s14 =	rddreg [dreg:$0x13];
	s15 =	smov.u32 s1  }
0x27e: {  	s15 =	simm.s32 @!p2 $0xF4200;
	s14 =	smov.u32 @p3 s13;
	s13 =	simm.s32 $0x0  }
0x27f: {  	[tilespmem:s16], [sflag:$0x2] =	stream.linear.gather [hbm4b:s14+s13], $0x400, $0x38;
	[tilespmem:$0x1C100] =	vst v63  }
0x280: {  	s16 =	sand.u32 $0xFFFFFF80, s15  }
0x281: {  	s1 =	ssub.s32 s1, s16  }
0x282: {  	_ =	swait.ge [sflag:s9], $0x2000;
	v18 =	vmov s1  }
0x283: {  	[sflag:s9] =	ssyncset.done $0x0;
	v10 =	vadd.s32 $0x100, v18  }
0x284: {  	s1 =	smov.u32 s8;
	[sflag:s9] =	ssyncadd.s32 $0xFFFFE000;
	v10 =	vbroadcast v10, $0x0  }
0x285: {  	s1 =	simm.s32 @!p6 $0xF4200;
	_ =	swait.ge [sflag:s10], $0x2000  }
0x286: {  	s1 =	sand.u32 $0xFFFFFF80, s1;
	[sflag:s10] =	ssyncset.done $0x0;
	v19 =	vshll.u32 v10, $0x3  }
0x287: {  	s1 =	ssub.s32 s8, s1;
	[sflag:s10] =	ssyncadd.s32 $0xFFFFE000;
	v10 =	vand.u32 $0x7F, v10;
	v11 =	vand.u32 $0xFFFFFC00, v19  }
0x288: {  	v20 =	vmov s1;
	_ =	swait.ge [sflag:s9], $0x2000;
	v10 =	vor.u32 v10, v11  }
0x289: {  	s8 =	sadd.s32 $0xFFFFFFF3, s31;
	v21 =	vadd.s32 $0x100, v20;
	[sflag:s9] =	ssyncset.done $0x0;
	v22 =	vadd.s32 v0, v10  }
0x28a: {  	v23 =	vmov s8;
	v11 =	vbroadcast v21, $0x0;
	[sflag:s9] =	ssyncadd.s32 $0xFFFFE000  }
0x28b: {  	v13 =	vand.u32 $0x72, v23;
	_ =	swait.ge [sflag:s10], $0x2000  }
0x28c: {  	v13 =	vbroadcast v13, $0x0;
	v24 =	vshll.u32 v11, $0x3;
	[sflag:s10] =	ssyncset.done $0x0  }
0x28d: {  	v11 =	vand.u32 $0x7F, v11;
	v14 =	vand.u32 $0xFFFFFC00, v24;
	[sflag:s10] =	ssyncadd.s32 $0xFFFFE000  }
0x28e: {  	v25 =	vor.u32 v1, v13;
	v11 =	vor.u32 v11, v14;
	v12 =	vld.idx.msk [tilespmem:v22+s11+$0x0], $0xffff  }
0x28f: {  	v14 =	vadd.s32 v0, v11;
	_ =	sdelay $0x3  }
0x290: {  	[tilespmem:v25+s26+$0x0] =	vst.idx.msk $0xffff, v12  }
0x291: {  	v12 =	vld.idx.msk [tilespmem:v14+s28+$0x0], $0xffff  }
0x292: {  	v26 =	vadd.s32 v2, v10;
	_ =	sdelay $0x3  }
0x293: {  	[tilespmem:v25+s29+$0x0] =	vst.idx.msk $0xffff, v12  }
0x294: {  	v27 =	vor.u32 v3, v13;
	v12 =	vld.idx.msk [tilespmem:v26+s11+$0x0], $0xffff  }
0x295: {  	v28 =	vadd.s32 v2, v11;
	_ =	sdelay $0x3  }
0x296: {  	[tilespmem:v27+s26+$0x0] =	vst.idx.msk $0xffff, v12  }
0x297: {  	v12 =	vld.idx.msk [tilespmem:v28+s28+$0x0], $0xffff  }
0x298: {  	v29 =	vadd.s32 v4, v10;
	_ =	sdelay $0x3  }
0x299: {  	[tilespmem:v27+s29+$0x0] =	vst.idx.msk $0xffff, v12  }
0x29a: {  	v30 =	vor.u32 v5, v13;
	v12 =	vld.idx.msk [tilespmem:v29+s11+$0x0], $0xffff  }
0x29b: {  	v31 =	vadd.s32 v4, v11;
	_ =	sdelay $0x3  }
0x29c: {  	[tilespmem:v30+s26+$0x0] =	vst.idx.msk $0xffff, v12  }
0x29d: {  	v12 =	vld.idx.msk [tilespmem:v31+s28+$0x0], $0xffff  }
0x29e: {  	v10 =	vadd.s32 v6, v10  }
0x29f: {  	s1 =	smov.u32 s5  }
0x2a0: {  	s1 =	simm.s32 @!p4 $0xF4200  }
0x2a1: {  	s1 =	sand.u32 $0xFFFFFF80, s1  }
0x2a2: {  	s1 =	ssub.s32 s5, s1;
	[tilespmem:v30+s29+$0x0] =	vst.idx.msk $0xffff, v12  }
0x2a3: {  	v32 =	vor.u32 v7, v13;
	v33 =	vmov s1;
	v10 =	vld.idx.msk [tilespmem:v10+s11+$0x0], $0xffff  }
0x2a4: {  	v13 =	vadd.s32 $0x180, v33;
	v11 =	vadd.s32 v6, v11  }
0x2a5: {  	s1 =	smov.u32 s12;
	v13 =	vbroadcast v13, $0x0  }
0x2a6: {  	s1 =	simm.s32 @!p1 $0xF4200  }
0x2a7: {  	s1 =	sand.u32 $0xFFFFFF80, s1;
	v34 =	vshll.u32 v13, $0x3  }
0x2a8: {  	s1 =	ssub.s32 s12, s1;
	v35 =	vand.u32 $0x7F, v13;
	v36 =	vand.u32 $0xFFFFFC00, v34;
	[tilespmem:v32+s26+$0x0] =	vst.idx.msk $0xffff, v10  }
0x2a9: {  	v37 =	vmov s1;
	v10 =	vor.u32 v35, v36;
	v11 =	vld.idx.msk [tilespmem:v11+s28+$0x0], $0xffff  }
0x2aa: {  	s12 =	sadd.s32 $0xFFFFFFF4, s31;
	v38 =	vadd.s32 $0x180, v37;
	v39 =	vadd.s32 v0, v10  }
0x2ab: {  	v40 =	vmov s12;
	v13 =	vbroadcast v38, $0x0  }
0x2ac: {  	v15 =	vand.u32 $0x73, v40  }
0x2ad: {  	v15 =	vbroadcast v15, $0x0;
	v41 =	vshll.u32 v13, $0x3  }
0x2ae: {  	v42 =	vand.u32 $0x7F, v13;
	v43 =	vand.u32 $0xFFFFFC00, v41;
	[tilespmem:v32+s29+$0x0] =	vst.idx.msk $0xffff, v11  }
0x2af: {  	v45 =	vor.u32 v1, v15;
	v11 =	vor.u32 v42, v43;
	v44 =	vld.idx.msk [tilespmem:v39+s11+$0x0], $0xffff  }
0x2b0: {  	v12 =	vadd.s32 v0, v11;
	_ =	sdelay $0x3  }
0x2b1: {  	[tilespmem:v45+s26+$0x0] =	vst.idx.msk $0xffff, v44  }
0x2b2: {  	v12 =	vld.idx.msk [tilespmem:v12+s28+$0x0], $0xffff  }
0x2b3: {  	v46 =	vadd.s32 v2, v10;
	_ =	sdelay $0x3  }
0x2b4: {  	[tilespmem:v45+s29+$0x0] =	vst.idx.msk $0xffff, v12  }
0x2b5: {  	v47 =	vor.u32 v3, v15;
	v12 =	vld.idx.msk [tilespmem:v46+s11+$0x0], $0xffff  }
0x2b6: {  	v48 =	vadd.s32 v2, v11;
	_ =	sdelay $0x3  }
0x2b7: {  	[tilespmem:v47+s26+$0x0] =	vst.idx.msk $0xffff, v12  }
0x2b8: {  	v12 =	vld.idx.msk [tilespmem:v48+s28+$0x0], $0xffff  }
0x2b9: {  	v49 =	vadd.s32 v4, v10;
	_ =	sdelay $0x3  }
0x2ba: {  	[tilespmem:v47+s29+$0x0] =	vst.idx.msk $0xffff, v12  }
0x2bb: {  	v50 =	vor.u32 v5, v15;
	v12 =	vld.idx.msk [tilespmem:v49+s11+$0x0], $0xffff  }
0x2bc: {  	v51 =	vadd.s32 v4, v11  }
0x2bd: {  	(v2sf) =	vpush v9, $0x8;
	_ =	sdelay $0x2  }
0x2be: {  	[tilespmem:v50+s26+$0x0] =	vst.idx.msk $0xffff, v12  }
0x2bf: {  	v12 =	vld.idx.msk [tilespmem:v51+s28+$0x0], $0xffff  }
0x2c0: {  	v10 =	vadd.s32 v6, v10;
	_ =	sdelay $0x3  }
0x2c1: {  	[tilespmem:v50+s29+$0x0] =	vst.idx.msk $0xffff, v12  }
0x2c2: {  	v52 =	vor.u32 v7, v15;
	v10 =	vld.idx.msk [tilespmem:v10+s11+$0x0], $0xffff  }
0x2c3: {  	v11 =	vadd.s32 v6, v11;
	_ =	sdelay $0x3  }
0x2c4: {  	s1 =	spop (v2sf);
	[tilespmem:v52+s26+$0x0] =	vst.idx.msk $0xffff, v10  }
0x2c5: {  	p0 =	slt.s32 s1, $0xF4200;
	v10 =	vld.idx.msk [tilespmem:v11+s28+$0x0], $0xffff  }
0x2c6: {  	s5 =	simm.s32 @!p0 $0x0  }
0x2c7: {  	[dreg:$0x17] =	wrdreg s1;
	s5 =	simm.s32 @p0 $0x1  }
0x2c8: {  	[smem:$0x7F9] =	sst s5  }
0x2c9: {  	s1 =	sand.u32 @p0 $0xFFFFF80, s1;
	s5 =	rddreg [dreg:$0x2]  }
0x2ca: {  	s8 =	simm.s32 @p0 $0x900;
	s1 =	sadd.s32 @p0 s5, s1;
	s5 =	simm.s32 @p0 $0x0;
	[tilespmem:v52+s29+$0x0] =	vst.idx.msk $0xffff, v10  }
0x2cb: {  	[tilespmem:s8], [sflag:$0x1] =	stream.linear.gather @p0 [hbm4b:s1+s5], $0x400, $0x38;
	[tilespmem:$0x1C100] =	vst v63  }
0x2cc: {  	s12 =	simm.s32 @p0 $0x2100;
	s8 =	sadd.s32 @p0 $0xF4280, s1  }
0x2cd: {  	[tilespmem:s12], [sflag:$0x1] =	stream.linear.gather @p0 [hbm4b:s8+s5], $0x400, $0x38;
	[tilespmem:$0x1C100] =	vst v63  }
0x2ce: {  	s8 =	sadd.s32 @p0 $0x1E8500, s1;
	s12 =	simm.s32 @p0 $0x3900  }
0x2cf: {  	[tilespmem:s12], [sflag:$0x1] =	stream.linear.gather @p0 [hbm4b:s8+s5], $0x400, $0x38;
	[tilespmem:$0x1C100] =	vst v63  }
0x2d0: {  	s8 =	sadd.s32 @p0 $0x2DC780, s1;
	s12 =	simm.s32 @p0 $0x5100  }
0x2d1: {  	[tilespmem:s12], [sflag:$0x1] =	stream.linear.gather @p0 [hbm4b:s8+s5], $0x400, $0x38;
	[tilespmem:$0x1C100] =	vst v63  }
0x2d2: {  	s8 =	sadd.s32 @p0 $0x3D0A00, s1;
	s12 =	simm.s32 @p0 $0x6900  }
0x2d3: {  	[tilespmem:s12], [sflag:$0x1] =	stream.linear.gather @p0 [hbm4b:s8+s5], $0x400, $0x38;
	[tilespmem:$0x1C100] =	vst v63  }
0x2d4: {  	s8 =	sadd.s32 @p0 $0x4C4C80, s1;
	s12 =	simm.s32 @p0 $0x8100  }
0x2d5: {  	[tilespmem:s12], [sflag:$0x1] =	stream.linear.gather @p0 [hbm4b:s8+s5], $0x400, $0x38;
	[tilespmem:$0x1C100] =	vst v63  }
0x2d6: {  	s8 =	sadd.s32 @p0 $0x5B8F00, s1;
	s12 =	simm.s32 @p0 $0x9900  }
0x2d7: {  	[tilespmem:s12], [sflag:$0x1] =	stream.linear.gather @p0 [hbm4b:s8+s5], $0x400, $0x38;
	[tilespmem:$0x1C100] =	vst v63  }
0x2d8: {  	s5 =	simm.s32 @!p0 $0x0;
	s8 =	simm.s32 @!p0 $0x900  }
0x2d9: {  	[tilespmem:s8], [sflag:$0x1] =	stream.linear.gather @!p0 [hbm4b:s21+s5], $0x400, $0x38;
	[tilespmem:$0x1C100] =	vst v63  }
0x2da: {  	(v2sf) =	vpush v8, $0x8;
	s12 =	rddreg [dreg:$0xc];
	s8 =	simm.s32 @!p0 $0x2100  }
0x2db: {  	[tilespmem:s8], [sflag:$0x1] =	stream.linear.gather @!p0 [hbm4b:s12+s5], $0x400, $0x38;
	[tilespmem:$0x1C100] =	vst v63  }
0x2dc: {  	s8 =	simm.s32 @!p0 $0x3900;
	s12 =	rddreg [dreg:$0xe]  }
0x2dd: {  	[tilespmem:s8], [sflag:$0x1] =	stream.linear.gather @!p0 [hbm4b:s12+s5], $0x400, $0x38;
	[tilespmem:$0x1C100] =	vst v63  }
0x2de: {  	s8 =	simm.s32 @!p0 $0x5100;
	s12 =	rddreg [dreg:$0xf]  }
0x2df: {  	[tilespmem:s8], [sflag:$0x1] =	stream.linear.gather @!p0 [hbm4b:s12+s5], $0x400, $0x38;
	[tilespmem:$0x1C100] =	vst v63  }
0x2e0: {  	s8 =	simm.s32 @!p0 $0x6900;
	s12 =	rddreg [dreg:$0x10]  }
0x2e1: {  	[tilespmem:s8], [sflag:$0x1] =	stream.linear.gather @!p0 [hbm4b:s12+s5], $0x400, $0x38;
	[tilespmem:$0x1C100] =	vst v63  }
0x2e2: {  	s8 =	simm.s32 @!p0 $0x8100;
	s12 =	rddreg [dreg:$0x12]  }
0x2e3: {  	[tilespmem:s8], [sflag:$0x1] =	stream.linear.gather @!p0 [hbm4b:s12+s5], $0x400, $0x38;
	[tilespmem:$0x1C100] =	vst v63  }
0x2e4: {  	s8 =	simm.s32 @!p0 $0x9900  }
0x2e5: {  	[tilespmem:s8], [sflag:$0x1] =	stream.linear.gather @!p0 [hbm4b:s18+s5], $0x400, $0x38;
	[tilespmem:$0x1C100] =	vst v63  }
0x2e6: {  	s1 =	sadd.s32 @p0 $0x6AD180, s1;
	s5 =	rddreg [dreg:$0xd]  }
0x2e7: {  	s13 =	simm.s32 $0x0;
	s14 =	simm.s32 $0xB100;
	s5 =	smov.u32 @p0 s1  }
0x2e8: {  	[tilespmem:s14], [sflag:$0x1] =	stream.linear.gather [hbm4b:s5+s13], $0x400, $0x38;
	[tilespmem:$0x1C100] =	vst v63  }
0x2e9: {  	s5 =	spop (v2sf)  }
0x2ea: {  	p6 =	slt.s32 s5, $0xF4200  }
0x2eb: {  	s1 =	sand.u32 @p6 $0xFFFFF80, s5  }
0x2ec: {  	s8 =	simm.s32 @p6 $0x0;
	s12 =	simm.s32 @p6 $0xC900;
	s1 =	sadd.s32 @p6 s19, s1  }
0x2ed: {  	[tilespmem:s12], [sflag:$0x2] =	stream.linear.gather @p6 [hbm4b:s1+s8], $0x400, $0x38;
	[tilespmem:$0x1C100] =	vst v63  }
0x2ee: {  	s13 =	simm.s32 @p6 $0xE100;
	s12 =	sadd.s32 @p6 $0xF4280, s1  }
0x2ef: {  	[tilespmem:s13], [sflag:$0x2] =	stream.linear.gather @p6 [hbm4b:s12+s8], $0x400, $0x38;
	[tilespmem:$0x1C100] =	vst v63  }
0x2f0: {  	s12 =	sadd.s32 @p6 $0x1E8500, s1;
	s13 =	simm.s32 @p6 $0xF900  }
0x2f1: {  	[tilespmem:s13], [sflag:$0x2] =	stream.linear.gather @p6 [hbm4b:s12+s8], $0x400, $0x38;
	[tilespmem:$0x1C100] =	vst v63  }
0x2f2: {  	s12 =	sadd.s32 @p6 $0x2DC780, s1;
	s13 =	simm.s32 @p6 $0x11100  }
0x2f3: {  	[tilespmem:s13], [sflag:$0x2] =	stream.linear.gather @p6 [hbm4b:s12+s8], $0x400, $0x38;
	[tilespmem:$0x1C100] =	vst v63  }
0x2f4: {  	s12 =	sadd.s32 @p6 $0x3D0A00, s1;
	s13 =	simm.s32 @p6 $0x12900  }
0x2f5: {  	[tilespmem:s13], [sflag:$0x2] =	stream.linear.gather @p6 [hbm4b:s12+s8], $0x400, $0x38;
	[tilespmem:$0x1C100] =	vst v63  }
0x2f6: {  	s12 =	sadd.s32 @p6 $0x4C4C80, s1;
	s13 =	simm.s32 @p6 $0x14100  }
0x2f7: {  	[tilespmem:s13], [sflag:$0x2] =	stream.linear.gather @p6 [hbm4b:s12+s8], $0x400, $0x38;
	[tilespmem:$0x1C100] =	vst v63  }
0x2f8: {  	s12 =	sadd.s32 @p6 $0x5B8F00, s1;
	s13 =	simm.s32 @p6 $0x15900  }
0x2f9: {  	[tilespmem:s13], [sflag:$0x2] =	stream.linear.gather @p6 [hbm4b:s12+s8], $0x400, $0x38;
	[tilespmem:$0x1C100] =	vst v63  }
0x2fa: {  	(v2sf) =	vpush v9, $0x9;
	s8 =	simm.s32 @!p6 $0x0;
	s12 =	simm.s32 @!p6 $0xC900  }
0x2fb: {  	[tilespmem:s12], [sflag:$0x2] =	stream.linear.gather @!p6 [hbm4b:s22+s8], $0x400, $0x38;
	[tilespmem:$0x1C100] =	vst v63  }
0x2fc: {  	s12 =	simm.s32 @!p6 $0xE100  }
0x2fd: {  	[tilespmem:s12], [sflag:$0x2] =	stream.linear.gather @!p6 [hbm4b:s20+s8], $0x400, $0x38;
	[tilespmem:$0x1C100] =	vst v63  }
0x2fe: {  	s12 =	simm.s32 @!p6 $0xF900  }
0x2ff: {  	[tilespmem:s12], [sflag:$0x2] =	stream.linear.gather @!p6 [hbm4b:s17+s8], $0x400, $0x38;
	[tilespmem:$0x1C100] =	vst v63  }
0x300: {  	s12 =	simm.s32 @!p6 $0x11100  }
0x301: {  	[tilespmem:s12], [sflag:$0x2] =	stream.linear.gather @!p6 [hbm4b:s23+s8], $0x400, $0x38;
	[tilespmem:$0x1C100] =	vst v63  }
0x302: {  	s12 =	simm.s32 @!p6 $0x12900  }
0x303: {  	[tilespmem:s12], [sflag:$0x2] =	stream.linear.gather @!p6 [hbm4b:s24+s8], $0x400, $0x38;
	[tilespmem:$0x1C100] =	vst v63  }
0x304: {  	s13 =	rddreg [dreg:$0x11];
	s12 =	simm.s32 @!p6 $0x14100  }
0x305: {  	[tilespmem:s12], [sflag:$0x2] =	stream.linear.gather @!p6 [hbm4b:s13+s8], $0x400, $0x38;
	[tilespmem:$0x1C100] =	vst v63  }
0x306: {  	s12 =	simm.s32 @!p6 $0x15900  }
0x307: {  	[tilespmem:s12], [sflag:$0x2] =	stream.linear.gather @!p6 [hbm4b:s25+s8], $0x400, $0x38;
	[tilespmem:$0x1C100] =	vst v63  }
0x308: {  	s15 =	simm.s32 $0x0;
	s1 =	sadd.s32 @p6 $0x6AD180, s1;
	s8 =	rddreg [dreg:$0x13]  }
0x309: {  	s16 =	simm.s32 $0x17100;
	s8 =	smov.u32 @p6 s1;
	s1 =	spop (v2sf)  }
0x30a: {  	[tilespmem:s16], [sflag:$0x2] =	stream.linear.gather [hbm4b:s8+s15], $0x400, $0x38;
	[tilespmem:$0x1C100] =	vst v63  }
0x30b: {  	p4 =	slt.s32 s1, $0xF4200  }
0x30c: {  	s12 =	rddreg [dreg:$0x2];
	s8 =	sand.u32 @p4 $0xFFFFF80, s1  }
0x30d: {  	s13 =	simm.s32 @p4 $0xD00;
	s8 =	sadd.s32 @p4 s12, s8;
	s12 =	simm.s32 @p4 $0x0  }
0x30e: {  	[tilespmem:s13], [sflag:$0x1] =	stream.linear.gather @p4 [hbm4b:s8+s12], $0x400, $0x38;
	[tilespmem:$0x1C100] =	vst v63  }
0x30f: {  	s14 =	simm.s32 @p4 $0x2500;
	s13 =	sadd.s32 @p4 $0xF4280, s8  }
0x310: {  	[tilespmem:s14], [sflag:$0x1] =	stream.linear.gather @p4 [hbm4b:s13+s12], $0x400, $0x38;
	[tilespmem:$0x1C100] =	vst v63  }
0x311: {  	s13 =	sadd.s32 @p4 $0x1E8500, s8;
	s14 =	simm.s32 @p4 $0x3D00  }
0x312: {  	[tilespmem:s14], [sflag:$0x1] =	stream.linear.gather @p4 [hbm4b:s13+s12], $0x400, $0x38;
	[tilespmem:$0x1C100] =	vst v63  }
0x313: {  	s13 =	sadd.s32 @p4 $0x2DC780, s8;
	s14 =	simm.s32 @p4 $0x5500  }
0x314: {  	[tilespmem:s14], [sflag:$0x1] =	stream.linear.gather @p4 [hbm4b:s13+s12], $0x400, $0x38;
	[tilespmem:$0x1C100] =	vst v63  }
0x315: {  	s13 =	sadd.s32 @p4 $0x3D0A00, s8;
	s14 =	simm.s32 @p4 $0x6D00  }
0x316: {  	[tilespmem:s14], [sflag:$0x1] =	stream.linear.gather @p4 [hbm4b:s13+s12], $0x400, $0x38;
	[tilespmem:$0x1C100] =	vst v63  }
0x317: {  	s13 =	sadd.s32 @p4 $0x4C4C80, s8;
	s14 =	simm.s32 @p4 $0x8500  }
0x318: {  	[tilespmem:s14], [sflag:$0x1] =	stream.linear.gather @p4 [hbm4b:s13+s12], $0x400, $0x38;
	[tilespmem:$0x1C100] =	vst v63  }
0x319: {  	s13 =	sadd.s32 @p4 $0x5B8F00, s8;
	s14 =	simm.s32 @p4 $0x9D00  }
0x31a: {  	[tilespmem:s14], [sflag:$0x1] =	stream.linear.gather @p4 [hbm4b:s13+s12], $0x400, $0x38;
	[tilespmem:$0x1C100] =	vst v63  }
0x31b: {  	(v2sf) =	vpush v8, $0x9;
	s12 =	simm.s32 @!p4 $0x0;
	s13 =	simm.s32 @!p4 $0xD00  }
0x31c: {  	[tilespmem:s13], [sflag:$0x1] =	stream.linear.gather @!p4 [hbm4b:s21+s12], $0x400, $0x38;
	[tilespmem:$0x1C100] =	vst v63  }
0x31d: {  	s14 =	rddreg [dreg:$0xc];
	s13 =	simm.s32 @!p4 $0x2500  }
0x31e: {  	[tilespmem:s13], [sflag:$0x1] =	stream.linear.gather @!p4 [hbm4b:s14+s12], $0x400, $0x38;
	[tilespmem:$0x1C100] =	vst v63  }
0x31f: {  	s13 =	simm.s32 @!p4 $0x3D00;
	s14 =	rddreg [dreg:$0xe]  }
0x320: {  	[tilespmem:s13], [sflag:$0x1] =	stream.linear.gather @!p4 [hbm4b:s14+s12], $0x400, $0x38;
	[tilespmem:$0x1C100] =	vst v63  }
0x321: {  	s13 =	simm.s32 @!p4 $0x5500;
	s14 =	rddreg [dreg:$0xf]  }
0x322: {  	[tilespmem:s13], [sflag:$0x1] =	stream.linear.gather @!p4 [hbm4b:s14+s12], $0x400, $0x38;
	[tilespmem:$0x1C100] =	vst v63  }
0x323: {  	s13 =	simm.s32 @!p4 $0x6D00;
	s14 =	rddreg [dreg:$0x10]  }
0x324: {  	[tilespmem:s13], [sflag:$0x1] =	stream.linear.gather @!p4 [hbm4b:s14+s12], $0x400, $0x38;
	[tilespmem:$0x1C100] =	vst v63  }
0x325: {  	s13 =	simm.s32 @!p4 $0x8500;
	s14 =	rddreg [dreg:$0x12]  }
0x326: {  	[tilespmem:s13], [sflag:$0x1] =	stream.linear.gather @!p4 [hbm4b:s14+s12], $0x400, $0x38;
	[tilespmem:$0x1C100] =	vst v63  }
0x327: {  	s13 =	simm.s32 @!p4 $0x9D00  }
0x328: {  	[tilespmem:s13], [sflag:$0x1] =	stream.linear.gather @!p4 [hbm4b:s18+s12], $0x400, $0x38;
	[tilespmem:$0x1C100] =	vst v63  }
0x329: {  	s8 =	sadd.s32 @p4 $0x6AD180, s8;
	s14 =	simm.s32 $0xB500;
	s12 =	rddreg [dreg:$0xd]  }
0x32a: {  	s13 =	simm.s32 $0x0;
	s12 =	smov.u32 @p4 s8;
	s8 =	spop (v2sf)  }
0x32b: {  	[tilespmem:s14], [sflag:$0x1] =	stream.linear.gather [hbm4b:s12+s13], $0x400, $0x38;
	[tilespmem:$0x1C100] =	vst v63  }
0x32c: {  	p1 =	slt.s32 s8, $0xF4200  }
0x32d: {  	s12 =	sand.u32 @p1 $0xFFFFF80, s8  }
0x32e: {  	s13 =	simm.s32 @p1 $0x0;
	s14 =	simm.s32 @p1 $0xCD00;
	s12 =	sadd.s32 @p1 s19, s12  }
0x32f: {  	[tilespmem:s14], [sflag:$0x2] =	stream.linear.gather @p1 [hbm4b:s12+s13], $0x400, $0x38;
	[tilespmem:$0x1C100] =	vst v63  }
0x330: {  	s15 =	simm.s32 @p1 $0xE500;
	s14 =	sadd.s32 @p1 $0xF4280, s12  }
0x331: {  	[tilespmem:s15], [sflag:$0x2] =	stream.linear.gather @p1 [hbm4b:s14+s13], $0x400, $0x38;
	[tilespmem:$0x1C100] =	vst v63  }
0x332: {  	s14 =	sadd.s32 @p1 $0x1E8500, s12;
	s15 =	simm.s32 @p1 $0xFD00  }
0x333: {  	[tilespmem:s15], [sflag:$0x2] =	stream.linear.gather @p1 [hbm4b:s14+s13], $0x400, $0x38;
	[tilespmem:$0x1C100] =	vst v63  }
0x334: {  	s14 =	sadd.s32 @p1 $0x2DC780, s12;
	s15 =	simm.s32 @p1 $0x11500  }
0x335: {  	[tilespmem:s15], [sflag:$0x2] =	stream.linear.gather @p1 [hbm4b:s14+s13], $0x400, $0x38;
	[tilespmem:$0x1C100] =	vst v63  }
0x336: {  	s14 =	sadd.s32 @p1 $0x3D0A00, s12;
	s15 =	simm.s32 @p1 $0x12D00  }
0x337: {  	[tilespmem:s15], [sflag:$0x2] =	stream.linear.gather @p1 [hbm4b:s14+s13], $0x400, $0x38;
	[tilespmem:$0x1C100] =	vst v63  }
0x338: {  	s14 =	sadd.s32 @p1 $0x4C4C80, s12;
	s15 =	simm.s32 @p1 $0x14500  }
0x339: {  	[tilespmem:s15], [sflag:$0x2] =	stream.linear.gather @p1 [hbm4b:s14+s13], $0x400, $0x38;
	[tilespmem:$0x1C100] =	vst v63  }
0x33a: {  	s14 =	sadd.s32 @p1 $0x5B8F00, s12;
	s15 =	simm.s32 @p1 $0x15D00  }
0x33b: {  	[tilespmem:s15], [sflag:$0x2] =	stream.linear.gather @p1 [hbm4b:s14+s13], $0x400, $0x38;
	[tilespmem:$0x1C100] =	vst v63  }
0x33c: {  	s13 =	simm.s32 @!p1 $0x0;
	s14 =	simm.s32 @!p1 $0xCD00  }
0x33d: {  	[tilespmem:s14], [sflag:$0x2] =	stream.linear.gather @!p1 [hbm4b:s22+s13], $0x400, $0x38;
	[tilespmem:$0x1C100] =	vst v63  }
0x33e: {  	s14 =	simm.s32 @!p1 $0xE500  }
0x33f: {  	[tilespmem:s14], [sflag:$0x2] =	stream.linear.gather @!p1 [hbm4b:s20+s13], $0x400, $0x38;
	[tilespmem:$0x1C100] =	vst v63  }
0x340: {  	s14 =	simm.s32 @!p1 $0xFD00  }
0x341: {  	[tilespmem:s14], [sflag:$0x2] =	stream.linear.gather @!p1 [hbm4b:s17+s13], $0x400, $0x38;
	[tilespmem:$0x1C100] =	vst v63  }
0x342: {  	s14 =	simm.s32 @!p1 $0x11500  }
0x343: {  	[tilespmem:s14], [sflag:$0x2] =	stream.linear.gather @!p1 [hbm4b:s23+s13], $0x400, $0x38;
	[tilespmem:$0x1C100] =	vst v63  }
0x344: {  	s16 =	rddreg [dreg:$0x19];
	s14 =	simm.s32 @!p1 $0x12D00  }
0x345: {  	[tilespmem:s14], [sflag:$0x2] =	stream.linear.gather @!p1 [hbm4b:s24+s13], $0x400, $0x38;
	[tilespmem:$0x1C100] =	vst v63  }
0x346: {  	s15 =	rddreg [dreg:$0x11];
	s14 =	simm.s32 @!p1 $0x14500  }
0x347: {  	[tilespmem:s14], [sflag:$0x2] =	stream.linear.gather @!p1 [hbm4b:s15+s13], $0x400, $0x38;
	[tilespmem:$0x1C100] =	vst v63  }
0x348: {  	s14 =	simm.s32 @!p1 $0x15D00;
	s15 =	sld [smem:$0x7F5]  }
0x349: {  	[tilespmem:s14], [sflag:$0x2] =	stream.linear.gather @!p1 [hbm4b:s25+s13], $0x400, $0x38;
	[tilespmem:$0x1C100] =	vst v63  }
0x34a: {  	s12 =	sadd.s32 @p1 $0x6AD180, s12;
	s13 =	rddreg [dreg:$0x13]  }
0x34b: {  	s14 =	smov.u32 s16;
	p0 =	seq.s32 s15, $0x1;
	s13 =	smov.u32 @p1 s12  }
0x34c: {  	s12 =	simm.s32 $0x0;
	s15 =	simm.s32 $0x17500;
	s14 =	simm.s32 @!p0 $0xF4200  }
0x34d: {  	[tilespmem:s15], [sflag:$0x2] =	stream.linear.gather [hbm4b:s13+s12], $0x400, $0x38;
	[tilespmem:$0x1C100] =	vst v63  }
0x34e: {  	s15 =	sand.u32 $0xFFFFFF80, s14;
	_ =	swait.ge [sflag:s9], $0x2000  }
0x34f: {  	s12 =	ssub.s32 s16, s15;
	s16 =	sld [smem:$0x7F6]  }
0x350: {  	v53 =	vmov s12  }
0x351: {  	[sflag:s9] =	ssyncset.done $0x0;
	v10 =	vadd.s32 $0x200, v53  }
0x352: {  	[sflag:s9] =	ssyncadd.s32 $0xFFFFE000;
	s12 =	smov.u32 s4;
	v10 =	vbroadcast v10, $0x0;
	p0 =	seq.s32 s16, $0x1  }
0x353: {  	_ =	swait.ge [sflag:s10], $0x2000;
	s12 =	simm.s32 @!p0 $0xF4200  }
0x354: {  	[sflag:s10] =	ssyncset.done $0x0;
	s12 =	sand.u32 $0xFFFFFF80, s12;
	v54 =	vshll.u32 v10, $0x3  }
0x355: {  	[sflag:s10] =	ssyncadd.s32 $0xFFFFE000;
	v10 =	vand.u32 $0x7F, v10;
	s4 =	ssub.s32 s4, s12;
	v11 =	vand.u32 $0xFFFFFC00, v54  }
0x356: {  	_ =	swait.ge [sflag:s9], $0x2000;
	v55 =	vmov s4;
	v10 =	vor.u32 v10, v11  }
0x357: {  	s14 =	sadd.s32 $0xFFFFFFF5, s31;
	[sflag:s9] =	ssyncset.done $0x0;
	v56 =	vadd.s32 $0x200, v55;
	v57 =	vadd.s32 v0, v10  }
0x358: {  	v58 =	vmov s14;
	[sflag:s9] =	ssyncadd.s32 $0xFFFFE000;
	v11 =	vbroadcast v56, $0x0  }
0x359: {  	v13 =	vand.u32 $0x74, v58;
	_ =	swait.ge [sflag:s10], $0x2000  }
0x35a: {  	v13 =	vbroadcast v13, $0x0;
	[sflag:s10] =	ssyncset.done $0x0;
	v59 =	vshll.u32 v11, $0x3  }
0x35b: {  	[sflag:s10] =	ssyncadd.s32 $0xFFFFE000;
	v11 =	vand.u32 $0x7F, v11;
	v14 =	vand.u32 $0xFFFFFC00, v59  }
0x35c: {  	v60 =	vor.u32 v1, v13;
	v12 =	vld.idx.msk [tilespmem:v57+s11+$0x0], $0xffff;
	v11 =	vor.u32 v11, v14  }
0x35d: {  	v14 =	vadd.s32 v0, v11;
	_ =	sdelay $0x3  }
0x35e: {  	[tilespmem:v60+s26+$0x0] =	vst.idx.msk $0xffff, v12  }
0x35f: {  	v12 =	vld.idx.msk [tilespmem:v14+s28+$0x0], $0xffff  }
0x360: {  	v61 =	vadd.s32 v2, v10;
	_ =	sdelay $0x3  }
0x361: {  	[tilespmem:v60+s29+$0x0] =	vst.idx.msk $0xffff, v12  }
0x362: {  	v62 =	vor.u32 v3, v13;
	v12 =	vld.idx.msk [tilespmem:v61+s11+$0x0], $0xffff  }
0x363: {  	v63 =	vadd.s32 v2, v11;
	_ =	sdelay $0x3  }
0x364: {  	[tilespmem:v62+s26+$0x0] =	vst.idx.msk $0xffff, v12  }
0x365: {  	v12 =	vld.idx.msk [tilespmem:v63+s28+$0x0], $0xffff  }
0x366: {  	v18 =	vadd.s32 v4, v10;
	_ =	sdelay $0x3  }
0x367: {  	[tilespmem:v62+s29+$0x0] =	vst.idx.msk $0xffff, v12  }
0x368: {  	v19 =	vor.u32 v5, v13;
	v12 =	vld.idx.msk [tilespmem:v18+s11+$0x0], $0xffff  }
0x369: {  	v20 =	vadd.s32 v4, v11;
	_ =	sdelay $0x3  }
0x36a: {  	s15 =	sld [smem:$0x7F7];
	[tilespmem:v19+s26+$0x0] =	vst.idx.msk $0xffff, v12  }
0x36b: {  	v12 =	vld.idx.msk [tilespmem:v20+s28+$0x0], $0xffff  }
0x36c: {  	v10 =	vadd.s32 v6, v10  }
0x36d: {  	s4 =	smov.u32 s0;
	p0 =	seq.s32 s15, $0x1  }
0x36e: {  	s4 =	simm.s32 @!p0 $0xF4200  }
0x36f: {  	s4 =	sand.u32 $0xFFFFFF80, s4  }
0x370: {  	s16 =	sld [smem:$0x7F8];
	s0 =	ssub.s32 s0, s4;
	[tilespmem:v19+s29+$0x0] =	vst.idx.msk $0xffff, v12  }
0x371: {  	v21 =	vor.u32 v7, v13;
	v22 =	vmov s0;
	v10 =	vld.idx.msk [tilespmem:v10+s11+$0x0], $0xffff  }
0x372: {  	v11 =	vadd.s32 v6, v11;
	v13 =	vadd.s32 $0x280, v22  }
0x373: {  	p0 =	seq.s32 s16, $0x1;
	s0 =	smov.u32 s6;
	v13 =	vbroadcast v13, $0x0  }
0x374: {  	s0 =	simm.s32 @!p0 $0xF4200  }
0x375: {  	s0 =	sand.u32 $0xFFFFFF80, s0;
	v23 =	vshll.u32 v13, $0x3  }
0x376: {  	s0 =	ssub.s32 s6, s0;
	v24 =	vand.u32 $0x7F, v13;
	v25 =	vand.u32 $0xFFFFFC00, v23;
	[tilespmem:v21+s26+$0x0] =	vst.idx.msk $0xffff, v10  }
0x377: {  	v26 =	vmov s0;
	v10 =	vor.u32 v24, v25;
	v11 =	vld.idx.msk [tilespmem:v11+s28+$0x0], $0xffff  }
0x378: {  	s12 =	sadd.s32 $0xFFFFFFF6, s31;
	v27 =	vadd.s32 $0x280, v26;
	v28 =	vadd.s32 v0, v10  }
0x379: {  	v29 =	vmov s12;
	v13 =	vbroadcast v27, $0x0  }
0x37a: {  	v15 =	vand.u32 $0x75, v29  }
0x37b: {  	v15 =	vbroadcast v15, $0x0;
	v30 =	vshll.u32 v13, $0x3  }
0x37c: {  	v31 =	vand.u32 $0x7F, v13;
	v32 =	vand.u32 $0xFFFFFC00, v30;
	[tilespmem:v21+s29+$0x0] =	vst.idx.msk $0xffff, v11  }
0x37d: {  	v34 =	vor.u32 v1, v15;
	v11 =	vor.u32 v31, v32;
	v33 =	vld.idx.msk [tilespmem:v28+s11+$0x0], $0xffff  }
0x37e: {  	v12 =	vadd.s32 v0, v11;
	_ =	sdelay $0x3  }
0x37f: {  	[tilespmem:v34+s26+$0x0] =	vst.idx.msk $0xffff, v33  }
0x380: {  	v12 =	vld.idx.msk [tilespmem:v12+s28+$0x0], $0xffff  }
0x381: {  	v35 =	vadd.s32 v2, v10;
	_ =	sdelay $0x3  }
0x382: {  	[tilespmem:v34+s29+$0x0] =	vst.idx.msk $0xffff, v12  }
0x383: {  	v36 =	vor.u32 v3, v15;
	v12 =	vld.idx.msk [tilespmem:v35+s11+$0x0], $0xffff  }
0x384: {  	v37 =	vadd.s32 v2, v11;
	_ =	sdelay $0x3  }
0x385: {  	[tilespmem:v36+s26+$0x0] =	vst.idx.msk $0xffff, v12  }
0x386: {  	v12 =	vld.idx.msk [tilespmem:v37+s28+$0x0], $0xffff  }
0x387: {  	v38 =	vadd.s32 v4, v10;
	_ =	sdelay $0x3  }
0x388: {  	[tilespmem:v36+s29+$0x0] =	vst.idx.msk $0xffff, v12  }
0x389: {  	v39 =	vor.u32 v5, v15;
	v12 =	vld.idx.msk [tilespmem:v38+s11+$0x0], $0xffff  }
0x38a: {  	v40 =	vadd.s32 v4, v11  }
0x38b: {  	(v2sf) =	vpush v9, $0xA;
	_ =	sdelay $0x2  }
0x38c: {  	[tilespmem:v39+s26+$0x0] =	vst.idx.msk $0xffff, v12  }
0x38d: {  	v12 =	vld.idx.msk [tilespmem:v40+s28+$0x0], $0xffff  }
0x38e: {  	v10 =	vadd.s32 v6, v10;
	_ =	sdelay $0x3  }
0x38f: {  	[tilespmem:v39+s29+$0x0] =	vst.idx.msk $0xffff, v12  }
0x390: {  	v41 =	vor.u32 v7, v15;
	v10 =	vld.idx.msk [tilespmem:v10+s11+$0x0], $0xffff  }
0x391: {  	v11 =	vadd.s32 v6, v11;
	_ =	sdelay $0x3  }
0x392: {  	s0 =	spop (v2sf);
	[tilespmem:v41+s26+$0x0] =	vst.idx.msk $0xffff, v10  }
0x393: {  	p0 =	slt.s32 s0, $0xF4200;
	v10 =	vld.idx.msk [tilespmem:v11+s28+$0x0], $0xffff  }
0x394: {  	s4 =	simm.s32 @!p0 $0x0  }
0x395: {  	[dreg:$0x18] =	wrdreg s0;
	s4 =	simm.s32 @p0 $0x1  }
0x396: {  	[smem:$0x7FA] =	sst s4  }
0x397: {  	s0 =	sand.u32 @p0 $0xFFFFF80, s0;
	s4 =	rddreg [dreg:$0x2]  }
0x398: {  	s12 =	simm.s32 @p0 $0x1100;
	s0 =	sadd.s32 @p0 s4, s0;
	s4 =	simm.s32 @p0 $0x0;
	[tilespmem:v41+s29+$0x0] =	vst.idx.msk $0xffff, v10  }
0x399: {  	[tilespmem:s12], [sflag:$0x1] =	stream.linear.gather @p0 [hbm4b:s0+s4], $0x400, $0x38;
	[tilespmem:$0x1C100] =	vst v63  }
0x39a: {  	s13 =	simm.s32 @p0 $0x2900;
	s12 =	sadd.s32 @p0 $0xF4280, s0  }
0x39b: {  	[tilespmem:s13], [sflag:$0x1] =	stream.linear.gather @p0 [hbm4b:s12+s4], $0x400, $0x38;
	[tilespmem:$0x1C100] =	vst v63  }
0x39c: {  	s12 =	sadd.s32 @p0 $0x1E8500, s0;
	s13 =	simm.s32 @p0 $0x4100  }
0x39d: {  	[tilespmem:s13], [sflag:$0x1] =	stream.linear.gather @p0 [hbm4b:s12+s4], $0x400, $0x38;
	[tilespmem:$0x1C100] =	vst v63  }
0x39e: {  	s12 =	sadd.s32 @p0 $0x2DC780, s0;
	s13 =	simm.s32 @p0 $0x5900  }
0x39f: {  	[tilespmem:s13], [sflag:$0x1] =	stream.linear.gather @p0 [hbm4b:s12+s4], $0x400, $0x38;
	[tilespmem:$0x1C100] =	vst v63  }
0x3a0: {  	s12 =	sadd.s32 @p0 $0x3D0A00, s0;
	s13 =	simm.s32 @p0 $0x7100  }
0x3a1: {  	[tilespmem:s13], [sflag:$0x1] =	stream.linear.gather @p0 [hbm4b:s12+s4], $0x400, $0x38;
	[tilespmem:$0x1C100] =	vst v63  }
0x3a2: {  	s12 =	sadd.s32 @p0 $0x4C4C80, s0;
	s13 =	simm.s32 @p0 $0x8900  }
0x3a3: {  	[tilespmem:s13], [sflag:$0x1] =	stream.linear.gather @p0 [hbm4b:s12+s4], $0x400, $0x38;
	[tilespmem:$0x1C100] =	vst v63  }
0x3a4: {  	s12 =	sadd.s32 @p0 $0x5B8F00, s0;
	s13 =	simm.s32 @p0 $0xA100  }
0x3a5: {  	[tilespmem:s13], [sflag:$0x1] =	stream.linear.gather @p0 [hbm4b:s12+s4], $0x400, $0x38;
	[tilespmem:$0x1C100] =	vst v63  }
0x3a6: {  	s4 =	simm.s32 @!p0 $0x0;
	s12 =	simm.s32 @!p0 $0x1100  }
0x3a7: {  	[tilespmem:s12], [sflag:$0x1] =	stream.linear.gather @!p0 [hbm4b:s21+s4], $0x400, $0x38;
	[tilespmem:$0x1C100] =	vst v63  }
0x3a8: {  	s6 =	rddreg [dreg:$0xc];
	(v2sf) =	vpush v8, $0xA;
	s12 =	simm.s32 @!p0 $0x2900  }
0x3a9: {  	[tilespmem:s12], [sflag:$0x1] =	stream.linear.gather @!p0 [hbm4b:s6+s4], $0x400, $0x38;
	[tilespmem:$0x1C100] =	vst v63  }
0x3aa: {  	s12 =	simm.s32 @!p0 $0x4100;
	s6 =	rddreg [dreg:$0xe]  }
0x3ab: {  	[tilespmem:s12], [sflag:$0x1] =	stream.linear.gather @!p0 [hbm4b:s6+s4], $0x400, $0x38;
	[tilespmem:$0x1C100] =	vst v63  }
0x3ac: {  	s12 =	simm.s32 @!p0 $0x5900;
	s6 =	rddreg [dreg:$0xf]  }
0x3ad: {  	[tilespmem:s12], [sflag:$0x1] =	stream.linear.gather @!p0 [hbm4b:s6+s4], $0x400, $0x38;
	[tilespmem:$0x1C100] =	vst v63  }
0x3ae: {  	s12 =	simm.s32 @!p0 $0x7100;
	s6 =	rddreg [dreg:$0x10]  }
0x3af: {  	[tilespmem:s12], [sflag:$0x1] =	stream.linear.gather @!p0 [hbm4b:s6+s4], $0x400, $0x38;
	[tilespmem:$0x1C100] =	vst v63  }
0x3b0: {  	s12 =	simm.s32 @!p0 $0x8900;
	s6 =	rddreg [dreg:$0x12]  }
0x3b1: {  	[tilespmem:s12], [sflag:$0x1] =	stream.linear.gather @!p0 [hbm4b:s6+s4], $0x400, $0x38;
	[tilespmem:$0x1C100] =	vst v63  }
0x3b2: {  	s12 =	simm.s32 @!p0 $0xA100  }
0x3b3: {  	[tilespmem:s12], [sflag:$0x1] =	stream.linear.gather @!p0 [hbm4b:s18+s4], $0x400, $0x38;
	[tilespmem:$0x1C100] =	vst v63  }
0x3b4: {  	s0 =	sadd.s32 @p0 $0x6AD180, s0;
	s4 =	rddreg [dreg:$0xd]  }
0x3b5: {  	s14 =	simm.s32 $0xB900;
	s13 =	simm.s32 $0x0;
	s4 =	smov.u32 @p0 s0  }
0x3b6: {  	[tilespmem:s14], [sflag:$0x1] =	stream.linear.gather [hbm4b:s4+s13], $0x400, $0x38;
	[tilespmem:$0x1C100] =	vst v63  }
0x3b7: {  	s4 =	spop (v2sf)  }
0x3b8: {  	p0 =	slt.s32 s4, $0xF4200  }
0x3b9: {  	s0 =	simm.s32 @!p0 $0x0  }
0x3ba: {  	s0 =	simm.s32 @p0 $0x1  }
0x3bb: {  	[smem:$0x7FB] =	sst s0;
	s0 =	sand.u32 @p0 $0xFFFFF80, s4  }
0x3bc: {  	s12 =	simm.s32 @p0 $0x0;
	s13 =	simm.s32 @p0 $0xD100;
	s0 =	sadd.s32 @p0 s19, s0  }
0x3bd: {  	[tilespmem:s13], [sflag:$0x2] =	stream.linear.gather @p0 [hbm4b:s0+s12], $0x400, $0x38;
	[tilespmem:$0x1C100] =	vst v63  }
0x3be: {  	s14 =	simm.s32 @p0 $0xE900;
	s13 =	sadd.s32 @p0 $0xF4280, s0  }
0x3bf: {  	[tilespmem:s14], [sflag:$0x2] =	stream.linear.gather @p0 [hbm4b:s13+s12], $0x400, $0x38;
	[tilespmem:$0x1C100] =	vst v63  }
0x3c0: {  	s13 =	sadd.s32 @p0 $0x1E8500, s0;
	s14 =	simm.s32 @p0 $0x10100  }
0x3c1: {  	[tilespmem:s14], [sflag:$0x2] =	stream.linear.gather @p0 [hbm4b:s13+s12], $0x400, $0x38;
	[tilespmem:$0x1C100] =	vst v63  }
0x3c2: {  	s13 =	sadd.s32 @p0 $0x2DC780, s0;
	s14 =	simm.s32 @p0 $0x11900  }
0x3c3: {  	[tilespmem:s14], [sflag:$0x2] =	stream.linear.gather @p0 [hbm4b:s13+s12], $0x400, $0x38;
	[tilespmem:$0x1C100] =	vst v63  }
0x3c4: {  	s13 =	sadd.s32 @p0 $0x3D0A00, s0;
	s14 =	simm.s32 @p0 $0x13100  }
0x3c5: {  	[tilespmem:s14], [sflag:$0x2] =	stream.linear.gather @p0 [hbm4b:s13+s12], $0x400, $0x38;
	[tilespmem:$0x1C100] =	vst v63  }
0x3c6: {  	s13 =	sadd.s32 @p0 $0x4C4C80, s0;
	s14 =	simm.s32 @p0 $0x14900  }
0x3c7: {  	[tilespmem:s14], [sflag:$0x2] =	stream.linear.gather @p0 [hbm4b:s13+s12], $0x400, $0x38;
	[tilespmem:$0x1C100] =	vst v63  }
0x3c8: {  	s13 =	sadd.s32 @p0 $0x5B8F00, s0;
	s14 =	simm.s32 @p0 $0x16100  }
0x3c9: {  	[tilespmem:s14], [sflag:$0x2] =	stream.linear.gather @p0 [hbm4b:s13+s12], $0x400, $0x38;
	[tilespmem:$0x1C100] =	vst v63  }
0x3ca: {  	(v2sf) =	vpush v9, $0xB;
	s12 =	simm.s32 @!p0 $0x0;
	s13 =	simm.s32 @!p0 $0xD100  }
0x3cb: {  	[tilespmem:s13], [sflag:$0x2] =	stream.linear.gather @!p0 [hbm4b:s22+s12], $0x400, $0x38;
	[tilespmem:$0x1C100] =	vst v63  }
0x3cc: {  	s13 =	simm.s32 @!p0 $0xE900  }
0x3cd: {  	[tilespmem:s13], [sflag:$0x2] =	stream.linear.gather @!p0 [hbm4b:s20+s12], $0x400, $0x38;
	[tilespmem:$0x1C100] =	vst v63  }
0x3ce: {  	s13 =	simm.s32 @!p0 $0x10100  }
0x3cf: {  	[tilespmem:s13], [sflag:$0x2] =	stream.linear.gather @!p0 [hbm4b:s17+s12], $0x400, $0x38;
	[tilespmem:$0x1C100] =	vst v63  }
0x3d0: {  	s13 =	simm.s32 @!p0 $0x11900  }
0x3d1: {  	[tilespmem:s13], [sflag:$0x2] =	stream.linear.gather @!p0 [hbm4b:s23+s12], $0x400, $0x38;
	[tilespmem:$0x1C100] =	vst v63  }
0x3d2: {  	s13 =	simm.s32 @!p0 $0x13100  }
0x3d3: {  	[tilespmem:s13], [sflag:$0x2] =	stream.linear.gather @!p0 [hbm4b:s24+s12], $0x400, $0x38;
	[tilespmem:$0x1C100] =	vst v63  }
0x3d4: {  	s6 =	rddreg [dreg:$0x11];
	s13 =	simm.s32 @!p0 $0x14900  }
0x3d5: {  	[tilespmem:s13], [sflag:$0x2] =	stream.linear.gather @!p0 [hbm4b:s6+s12], $0x400, $0x38;
	[tilespmem:$0x1C100] =	vst v63  }
0x3d6: {  	s13 =	simm.s32 @!p0 $0x16100  }
0x3d7: {  	[tilespmem:s13], [sflag:$0x2] =	stream.linear.gather @!p0 [hbm4b:s25+s12], $0x400, $0x38;
	[tilespmem:$0x1C100] =	vst v63  }
0x3d8: {  	s15 =	simm.s32 $0x0;
	s0 =	sadd.s32 @p0 $0x6AD180, s0;
	s12 =	rddreg [dreg:$0x13]  }
0x3d9: {  	s16 =	simm.s32 $0x17900;
	s12 =	smov.u32 @p0 s0;
	s0 =	spop (v2sf)  }
0x3da: {  	[tilespmem:s16], [sflag:$0x2] =	stream.linear.gather [hbm4b:s12+s15], $0x400, $0x38;
	[tilespmem:$0x1C100] =	vst v63  }
0x3db: {  	p0 =	slt.s32 s0, $0xF4200  }
0x3dc: {  	s6 =	simm.s32 @!p0 $0x0  }
0x3dd: {  	s6 =	simm.s32 @p0 $0x1  }
0x3de: {  	[smem:$0x7FC] =	sst s6  }
0x3df: {  	s12 =	sand.u32 @p0 $0xFFFFF80, s0;
	s6 =	rddreg [dreg:$0x2]  }
0x3e0: {  	s13 =	simm.s32 @p0 $0x0;
	s14 =	simm.s32 @p0 $0x1500;
	s12 =	sadd.s32 @p0 s6, s12  }
0x3e1: {  	[tilespmem:s14], [sflag:$0x1] =	stream.linear.gather @p0 [hbm4b:s12+s13], $0x400, $0x38;
	[tilespmem:$0x1C100] =	vst v63  }
0x3e2: {  	s15 =	simm.s32 @p0 $0x2D00;
	s14 =	sadd.s32 @p0 $0xF4280, s12  }
0x3e3: {  	[tilespmem:s15], [sflag:$0x1] =	stream.linear.gather @p0 [hbm4b:s14+s13], $0x400, $0x38;
	[tilespmem:$0x1C100] =	vst v63  }
0x3e4: {  	s14 =	sadd.s32 @p0 $0x1E8500, s12;
	s15 =	simm.s32 @p0 $0x4500  }
0x3e5: {  	[tilespmem:s15], [sflag:$0x1] =	stream.linear.gather @p0 [hbm4b:s14+s13], $0x400, $0x38;
	[tilespmem:$0x1C100] =	vst v63  }
0x3e6: {  	s14 =	sadd.s32 @p0 $0x2DC780, s12;
	s15 =	simm.s32 @p0 $0x5D00  }
0x3e7: {  	[tilespmem:s15], [sflag:$0x1] =	stream.linear.gather @p0 [hbm4b:s14+s13], $0x400, $0x38;
	[tilespmem:$0x1C100] =	vst v63  }
0x3e8: {  	s14 =	sadd.s32 @p0 $0x3D0A00, s12;
	s15 =	simm.s32 @p0 $0x7500  }
0x3e9: {  	[tilespmem:s15], [sflag:$0x1] =	stream.linear.gather @p0 [hbm4b:s14+s13], $0x400, $0x38;
	[tilespmem:$0x1C100] =	vst v63  }
0x3ea: {  	s14 =	sadd.s32 @p0 $0x4C4C80, s12;
	s15 =	simm.s32 @p0 $0x8D00  }
0x3eb: {  	[tilespmem:s15], [sflag:$0x1] =	stream.linear.gather @p0 [hbm4b:s14+s13], $0x400, $0x38;
	[tilespmem:$0x1C100] =	vst v63  }
0x3ec: {  	s14 =	sadd.s32 @p0 $0x5B8F00, s12;
	s15 =	simm.s32 @p0 $0xA500  }
0x3ed: {  	[tilespmem:s15], [sflag:$0x1] =	stream.linear.gather @p0 [hbm4b:s14+s13], $0x400, $0x38;
	[tilespmem:$0x1C100] =	vst v63  }
0x3ee: {  	s13 =	simm.s32 @!p0 $0x0;
	s14 =	simm.s32 @!p0 $0x1500  }
0x3ef: {  	[tilespmem:s14], [sflag:$0x1] =	stream.linear.gather @!p0 [hbm4b:s21+s13], $0x400, $0x38;
	[tilespmem:$0x1C100] =	vst v63  }
0x3f0: {  	(v2sf) =	vpush v8, $0xB;
	s6 =	rddreg [dreg:$0xc];
	s14 =	simm.s32 @!p0 $0x2D00  }
0x3f1: {  	[tilespmem:s14], [sflag:$0x1] =	stream.linear.gather @!p0 [hbm4b:s6+s13], $0x400, $0x38;
	[tilespmem:$0x1C100] =	vst v63  }
0x3f2: {  	s14 =	simm.s32 @!p0 $0x4500;
	s6 =	rddreg [dreg:$0xe]  }
0x3f3: {  	[tilespmem:s14], [sflag:$0x1] =	stream.linear.gather @!p0 [hbm4b:s6+s13], $0x400, $0x38;
	[tilespmem:$0x1C100] =	vst v63  }
0x3f4: {  	s14 =	simm.s32 @!p0 $0x5D00;
	s6 =	rddreg [dreg:$0xf]  }
0x3f5: {  	[tilespmem:s14], [sflag:$0x1] =	stream.linear.gather @!p0 [hbm4b:s6+s13], $0x400, $0x38;
	[tilespmem:$0x1C100] =	vst v63  }
0x3f6: {  	s14 =	simm.s32 @!p0 $0x7500;
	s6 =	rddreg [dreg:$0x10]  }
0x3f7: {  	[tilespmem:s14], [sflag:$0x1] =	stream.linear.gather @!p0 [hbm4b:s6+s13], $0x400, $0x38;
	[tilespmem:$0x1C100] =	vst v63  }
0x3f8: {  	s14 =	simm.s32 @!p0 $0x8D00;
	s6 =	rddreg [dreg:$0x12]  }
0x3f9: {  	[tilespmem:s14], [sflag:$0x1] =	stream.linear.gather @!p0 [hbm4b:s6+s13], $0x400, $0x38;
	[tilespmem:$0x1C100] =	vst v63  }
0x3fa: {  	s14 =	simm.s32 @!p0 $0xA500  }
0x3fb: {  	[tilespmem:s14], [sflag:$0x1] =	stream.linear.gather @!p0 [hbm4b:s18+s13], $0x400, $0x38;
	[tilespmem:$0x1C100] =	vst v63  }
0x3fc: {  	s12 =	sadd.s32 @p0 $0x6AD180, s12;
	s13 =	rddreg [dreg:$0xd]  }
0x3fd: {  	s14 =	simm.s32 $0xBD00;
	s13 =	smov.u32 @p0 s12;
	s12 =	simm.s32 $0x0  }
0x3fe: {  	[tilespmem:s14], [sflag:$0x1] =	stream.linear.gather [hbm4b:s13+s12], $0x400, $0x38;
	[tilespmem:$0x1C100] =	vst v63  }
0x3ff: {  	s12 =	spop (v2sf)  }
0x400: {  	p0 =	slt.s32 s12, $0xF4200  }
0x401: {  	s13 =	sand.u32 @p0 $0xFFFFF80, s12  }
0x402: {  	s14 =	simm.s32 @p0 $0x0;
	s15 =	simm.s32 @p0 $0xD500;
	s13 =	sadd.s32 @p0 s19, s13  }
0x403: {  	[tilespmem:s15], [sflag:$0x2] =	stream.linear.gather @p0 [hbm4b:s13+s14], $0x400, $0x38;
	[tilespmem:$0x1C100] =	vst v63  }
0x404: {  	s16 =	simm.s32 @p0 $0xED00;
	s15 =	sadd.s32 @p0 $0xF4280, s13  }
0x405: {  	[tilespmem:s16], [sflag:$0x2] =	stream.linear.gather @p0 [hbm4b:s15+s14], $0x400, $0x38;
	[tilespmem:$0x1C100] =	vst v63  }
0x406: {  	s15 =	sadd.s32 @p0 $0x1E8500, s13;
	s16 =	simm.s32 @p0 $0x10500  }
0x407: {  	[tilespmem:s16], [sflag:$0x2] =	stream.linear.gather @p0 [hbm4b:s15+s14], $0x400, $0x38;
	[tilespmem:$0x1C100] =	vst v63  }
0x408: {  	s15 =	sadd.s32 @p0 $0x2DC780, s13;
	s16 =	simm.s32 @p0 $0x11D00  }
0x409: {  	[tilespmem:s16], [sflag:$0x2] =	stream.linear.gather @p0 [hbm4b:s15+s14], $0x400, $0x38;
	[tilespmem:$0x1C100] =	vst v63  }
0x40a: {  	s15 =	sadd.s32 @p0 $0x3D0A00, s13;
	s16 =	simm.s32 @p0 $0x13500  }
0x40b: {  	[tilespmem:s16], [sflag:$0x2] =	stream.linear.gather @p0 [hbm4b:s15+s14], $0x400, $0x38;
	[tilespmem:$0x1C100] =	vst v63  }
0x40c: {  	s15 =	sadd.s32 @p0 $0x4C4C80, s13;
	s16 =	simm.s32 @p0 $0x14D00  }
0x40d: {  	[tilespmem:s16], [sflag:$0x2] =	stream.linear.gather @p0 [hbm4b:s15+s14], $0x400, $0x38;
	[tilespmem:$0x1C100] =	vst v63  }
0x40e: {  	s15 =	sadd.s32 @p0 $0x5B8F00, s13;
	s16 =	simm.s32 @p0 $0x16500  }
0x40f: {  	[tilespmem:s16], [sflag:$0x2] =	stream.linear.gather @p0 [hbm4b:s15+s14], $0x400, $0x38;
	[tilespmem:$0x1C100] =	vst v63  }
0x410: {  	s14 =	simm.s32 @!p0 $0x0;
	s15 =	simm.s32 @!p0 $0xD500  }
0x411: {  	[tilespmem:s15], [sflag:$0x2] =	stream.linear.gather @!p0 [hbm4b:s22+s14], $0x400, $0x38;
	[tilespmem:$0x1C100] =	vst v63  }
0x412: {  	s15 =	simm.s32 @!p0 $0xED00  }
0x413: {  	[tilespmem:s15], [sflag:$0x2] =	stream.linear.gather @!p0 [hbm4b:s20+s14], $0x400, $0x38;
	[tilespmem:$0x1C100] =	vst v63  }
0x414: {  	s15 =	simm.s32 @!p0 $0x10500  }
0x415: {  	[tilespmem:s15], [sflag:$0x2] =	stream.linear.gather @!p0 [hbm4b:s17+s14], $0x400, $0x38;
	[tilespmem:$0x1C100] =	vst v63  }
0x416: {  	s15 =	simm.s32 @!p0 $0x11D00  }
0x417: {  	[tilespmem:s15], [sflag:$0x2] =	stream.linear.gather @!p0 [hbm4b:s23+s14], $0x400, $0x38;
	[tilespmem:$0x1C100] =	vst v63  }
0x418: {  	[dreg:$0x1a] =	wrdreg s0;
	s0 =	simm.s32 @!p0 $0x0;
	s15 =	simm.s32 @!p0 $0x13500  }
0x419: {  	[tilespmem:s15], [sflag:$0x2] =	stream.linear.gather @!p0 [hbm4b:s24+s14], $0x400, $0x38;
	[tilespmem:$0x1C100] =	vst v63  }
0x41a: {  	s6 =	rddreg [dreg:$0x11];
	s0 =	simm.s32 @p0 $0x1;
	s15 =	simm.s32 @!p0 $0x14D00  }
0x41b: {  	[tilespmem:s15], [sflag:$0x2] =	stream.linear.gather @!p0 [hbm4b:s6+s14], $0x400, $0x38;
	[tilespmem:$0x1C100] =	vst v63  }
0x41c: {  	[smem:$0x7FD] =	sst s0;
	s13 =	sadd.s32 @p0 $0x6AD180, s13;
	s15 =	simm.s32 @!p0 $0x16500  }
0x41d: {  	[tilespmem:s15], [sflag:$0x2] =	stream.linear.gather @!p0 [hbm4b:s25+s14], $0x400, $0x38;
	[tilespmem:$0x1C100] =	vst v63  }
0x41e: {  	s16 =	simm.s32 $0x17D00;
	s14 =	rddreg [dreg:$0x13];
	s15 =	simm.s32 $0x0  }
0x41f: {  	s14 =	smov.u32 @p0 s13;
	s13 =	smov.u32 s3;
	p0 =	slt.s32 s3, $0xF4200  }
0x420: {  	[tilespmem:s16], [sflag:$0x2] =	stream.linear.gather [hbm4b:s14+s15], $0x400, $0x38;
	[tilespmem:$0x1C100] =	vst v63  }
0x421: {  	s13 =	simm.s32 @!p0 $0xF4200;
	_ =	swait.ge [sflag:s9], $0x2000  }
0x422: {  	s13 =	sand.u32 $0xFFFFFF80, s13;
	[sflag:s9] =	ssyncset.done $0x0  }
0x423: {  	s3 =	ssub.s32 s3, s13;
	[sflag:s9] =	ssyncadd.s32 $0xFFFFE000  }
0x424: {  	v42 =	vmov s3;
	_ =	swait.ge [sflag:s10], $0x2000  }
0x425: {  	v43 =	vshll.u32 v42, $0x3;
	[sflag:s10] =	ssyncset.done $0x0  }
0x426: {  	p0 =	slt.s32 s2, $0xF4200;
	s3 =	smov.u32 s2;
	v10 =	vand.u32 $0x7F, v42;
	v11 =	vand.u32 $0xFFFFFC00, v43;
	[sflag:s10] =	ssyncadd.s32 $0xFFFFE000  }
0x427: {  	s3 =	simm.s32 @!p0 $0xF4200;
	v10 =	vor.u32 v10, v11;
	_ =	swait.ge [sflag:s9], $0x2000  }
0x428: {  	s0 =	sadd.s32 $0xFFFFFFF7, s31;
	s3 =	sand.u32 $0xFFFFFF80, s3;
	v11 =	vadd.s32 v0, v10;
	[sflag:s9] =	ssyncset.done $0x0  }
0x429: {  	v44 =	vmov s0;
	s2 =	ssub.s32 s2, s3;
	[sflag:s9] =	ssyncadd.s32 $0xFFFFE000  }
0x42a: {  	v12 =	vand.u32 $0x76, v44;
	v45 =	vmov s2;
	_ =	swait.ge [sflag:s10], $0x2000  }
0x42b: {  	v12 =	vbroadcast v12, $0x0;
	v46 =	vshll.u32 v45, $0x3;
	[sflag:s10] =	ssyncset.done $0x0  }
0x42c: {  	v13 =	vand.u32 $0x7F, v45;
	v14 =	vand.u32 $0xFFFFFC00, v46;
	[sflag:s10] =	ssyncadd.s32 $0xFFFFE000  }
0x42d: {  	v47 =	vor.u32 v1, v12;
	v13 =	vor.u32 v13, v14;
	v11 =	vld.idx.msk [tilespmem:v11+s11+$0x0], $0xffff  }
0x42e: {  	v14 =	vadd.s32 v0, v13;
	_ =	sdelay $0x3  }
0x42f: {  	[tilespmem:v47+s26+$0x0] =	vst.idx.msk $0xffff, v11  }
0x430: {  	v11 =	vld.idx.msk [tilespmem:v14+s28+$0x0], $0xffff  }
0x431: {  	v48 =	vadd.s32 v2, v10;
	_ =	sdelay $0x3  }
0x432: {  	[tilespmem:v47+s29+$0x0] =	vst.idx.msk $0xffff, v11  }
0x433: {  	v49 =	vor.u32 v3, v12;
	v11 =	vld.idx.msk [tilespmem:v48+s11+$0x0], $0xffff  }
0x434: {  	v50 =	vadd.s32 v2, v13;
	_ =	sdelay $0x3  }
0x435: {  	[tilespmem:v49+s26+$0x0] =	vst.idx.msk $0xffff, v11  }
0x436: {  	v11 =	vld.idx.msk [tilespmem:v50+s28+$0x0], $0xffff  }
0x437: {  	v51 =	vadd.s32 v4, v10;
	_ =	sdelay $0x3  }
0x438: {  	[tilespmem:v49+s29+$0x0] =	vst.idx.msk $0xffff, v11  }
0x439: {  	v52 =	vor.u32 v5, v12;
	v11 =	vld.idx.msk [tilespmem:v51+s11+$0x0], $0xffff  }
0x43a: {  	v53 =	vadd.s32 v4, v13;
	_ =	sdelay $0x3  }
0x43b: {  	[tilespmem:v52+s26+$0x0] =	vst.idx.msk $0xffff, v11  }
0x43c: {  	v11 =	vld.idx.msk [tilespmem:v53+s28+$0x0], $0xffff  }
0x43d: {  	v10 =	vadd.s32 v6, v10  }
0x43e: {  	s2 =	smov.u32 s30  }
0x43f: {  	s2 =	simm.s32 @!p5 $0xF4200  }
0x440: {  	s2 =	sand.u32 $0xFFFFFF80, s2  }
0x441: {  	s2 =	ssub.s32 s30, s2;
	[tilespmem:v52+s29+$0x0] =	vst.idx.msk $0xffff, v11  }
0x442: {  	v54 =	vor.u32 v7, v12;
	v55 =	vmov s2;
	v10 =	vld.idx.msk [tilespmem:v10+s11+$0x0], $0xffff  }
0x443: {  	v13 =	vadd.s32 v6, v13;
	v12 =	vadd.s32 $0x80, v55  }
0x444: {  	s2 =	smov.u32 s7;
	v12 =	vbroadcast v12, $0x0  }
0x445: {  	s2 =	simm.s32 @!p3 $0xF4200  }
0x446: {  	s2 =	sand.u32 $0xFFFFFF80, s2;
	v56 =	vshll.u32 v12, $0x3  }
0x447: {  	s2 =	ssub.s32 s7, s2;
	v57 =	vand.u32 $0x7F, v12;
	v58 =	vand.u32 $0xFFFFFC00, v56;
	[tilespmem:v54+s26+$0x0] =	vst.idx.msk $0xffff, v10  }
0x448: {  	v59 =	vmov s2;
	v10 =	vor.u32 v57, v58;
	v13 =	vld.idx.msk [tilespmem:v13+s28+$0x0], $0xffff  }
0x449: {  	s6 =	sadd.s32 $0xFFFFFFF8, s31;
	v60 =	vadd.s32 $0x80, v59;
	v61 =	vadd.s32 v0, v10  }
0x44a: {  	v62 =	vmov s6;
	v12 =	vbroadcast v60, $0x0  }
0x44b: {  	v15 =	vand.u32 $0x77, v62  }
0x44c: {  	v15 =	vbroadcast v15, $0x0;
	v63 =	vshll.u32 v12, $0x3  }
0x44d: {  	v19 =	vand.u32 $0x7F, v12;
	v20 =	vand.u32 $0xFFFFFC00, v63;
	[tilespmem:v54+s29+$0x0] =	vst.idx.msk $0xffff, v13  }
0x44e: {  	v21 =	vor.u32 v1, v15;
	v11 =	vor.u32 v19, v20;
	v13 =	vld.idx.msk [tilespmem:v61+s11+$0x0], $0xffff  }
0x44f: {  	v12 =	vadd.s32 v0, v11;
	_ =	sdelay $0x3  }
0x450: {  	[tilespmem:v21+s26+$0x0] =	vst.idx.msk $0xffff, v13  }
0x451: {  	v12 =	vld.idx.msk [tilespmem:v12+s28+$0x0], $0xffff  }
0x452: {  	v22 =	vadd.s32 v2, v10;
	_ =	sdelay $0x3  }
0x453: {  	[tilespmem:v21+s29+$0x0] =	vst.idx.msk $0xffff, v12  }
0x454: {  	v23 =	vor.u32 v3, v15;
	v12 =	vld.idx.msk [tilespmem:v22+s11+$0x0], $0xffff  }
0x455: {  	v24 =	vadd.s32 v2, v11;
	_ =	sdelay $0x3  }
0x456: {  	[tilespmem:v23+s26+$0x0] =	vst.idx.msk $0xffff, v12  }
0x457: {  	v12 =	vld.idx.msk [tilespmem:v24+s28+$0x0], $0xffff  }
0x458: {  	v25 =	vadd.s32 v4, v10;
	_ =	sdelay $0x3  }
0x459: {  	[tilespmem:v23+s29+$0x0] =	vst.idx.msk $0xffff, v12  }
0x45a: {  	v26 =	vor.u32 v5, v15;
	v12 =	vld.idx.msk [tilespmem:v25+s11+$0x0], $0xffff  }
0x45b: {  	v27 =	vadd.s32 v4, v11;
	_ =	sdelay $0x3  }
0x45c: {  	[tilespmem:v26+s26+$0x0] =	vst.idx.msk $0xffff, v12  }
0x45d: {  	(v2sf) =	vpush v9, $0xC;
	v12 =	vld.idx.msk [tilespmem:v27+s28+$0x0], $0xffff  }
0x45e: {  	v10 =	vadd.s32 v6, v10;
	_ =	sdelay $0x3  }
0x45f: {  	[tilespmem:v26+s29+$0x0] =	vst.idx.msk $0xffff, v12  }
0x460: {  	v28 =	vor.u32 v7, v15;
	v10 =	vld.idx.msk [tilespmem:v10+s11+$0x0], $0xffff  }
0x461: {  	v11 =	vadd.s32 v6, v11;
	_ =	sdelay $0x3  }
0x462: {  	[tilespmem:v28+s26+$0x0] =	vst.idx.msk $0xffff, v10  }
0x463: {  	v10 =	vld.idx.msk [tilespmem:v11+s28+$0x0], $0xffff;
	_ =	sdelay $0x2  }
0x464: {  	s2 =	spop (v2sf)  }
0x465: {  	p0 =	sgt.s32 s2, $0xF41FF  }
0x466: {  	s3 =	simm.s32 @p0 $0x0;
	s7 =	simm.s32 @p0 $0x100;
	[tilespmem:v28+s29+$0x0] =	vst.idx.msk $0xffff, v10  }
0x467: {  	[tilespmem:s7], [sflag:$0x1] =	stream.linear.gather @p0 [hbm4b:s21+s3], $0x400, $0x38;
	[tilespmem:$0x1C100] =	vst v63  }
0x468: {  	s6 =	rddreg [dreg:$0xc];
	s7 =	simm.s32 @p0 $0x1900  }
0x469: {  	[tilespmem:s7], [sflag:$0x1] =	stream.linear.gather @p0 [hbm4b:s6+s3], $0x400, $0x38;
	[tilespmem:$0x1C100] =	vst v63  }
0x46a: {  	s7 =	simm.s32 @p0 $0x3100;
	s6 =	rddreg [dreg:$0xe]  }
0x46b: {  	[tilespmem:s7], [sflag:$0x1] =	stream.linear.gather @p0 [hbm4b:s6+s3], $0x400, $0x38;
	[tilespmem:$0x1C100] =	vst v63  }
0x46c: {  	s7 =	simm.s32 @p0 $0x4900;
	s6 =	rddreg [dreg:$0xf]  }
0x46d: {  	[tilespmem:s7], [sflag:$0x1] =	stream.linear.gather @p0 [hbm4b:s6+s3], $0x400, $0x38;
	[tilespmem:$0x1C100] =	vst v63  }
0x46e: {  	s7 =	simm.s32 @p0 $0x6100;
	s6 =	rddreg [dreg:$0x10]  }
0x46f: {  	[tilespmem:s7], [sflag:$0x1] =	stream.linear.gather @p0 [hbm4b:s6+s3], $0x400, $0x38;
	[tilespmem:$0x1C100] =	vst v63  }
0x470: {  	s7 =	simm.s32 @p0 $0x7900;
	s6 =	rddreg [dreg:$0x12]  }
0x471: {  	[tilespmem:s7], [sflag:$0x1] =	stream.linear.gather @p0 [hbm4b:s6+s3], $0x400, $0x38;
	[tilespmem:$0x1C100] =	vst v63  }
0x472: {  	s7 =	simm.s32 @p0 $0x9100  }
0x473: {  	[tilespmem:s7], [sflag:$0x1] =	stream.linear.gather @p0 [hbm4b:s18+s3], $0x400, $0x38;
	[tilespmem:$0x1C100] =	vst v63  }
0x474: {  	s6 =	rddreg [dreg:$0x2];
	s3 =	sand.u32 @!p0 $0xFFFFF80, s2  }
0x475: {  	s13 =	simm.s32 @!p0 $0x100;
	s7 =	simm.s32 @!p0 $0x0;
	s3 =	sadd.s32 @!p0 s6, s3  }
0x476: {  	[tilespmem:s13], [sflag:$0x1] =	stream.linear.gather @!p0 [hbm4b:s3+s7], $0x400, $0x38;
	[tilespmem:$0x1C100] =	vst v63  }
0x477: {  	(v2sf) =	vpush v8, $0xC;
	s14 =	simm.s32 @!p0 $0x1900;
	s13 =	sadd.s32 @!p0 $0xF4280, s3  }
0x478: {  	[tilespmem:s14], [sflag:$0x1] =	stream.linear.gather @!p0 [hbm4b:s13+s7], $0x400, $0x38;
	[tilespmem:$0x1C100] =	vst v63  }
0x479: {  	s13 =	sadd.s32 @!p0 $0x1E8500, s3;
	s14 =	simm.s32 @!p0 $0x3100  }
0x47a: {  	[tilespmem:s14], [sflag:$0x1] =	stream.linear.gather @!p0 [hbm4b:s13+s7], $0x400, $0x38;
	[tilespmem:$0x1C100] =	vst v63  }
0x47b: {  	s13 =	sadd.s32 @!p0 $0x2DC780, s3;
	s14 =	simm.s32 @!p0 $0x4900  }
0x47c: {  	[tilespmem:s14], [sflag:$0x1] =	stream.linear.gather @!p0 [hbm4b:s13+s7], $0x400, $0x38;
	[tilespmem:$0x1C100] =	vst v63  }
0x47d: {  	s13 =	sadd.s32 @!p0 $0x3D0A00, s3;
	s14 =	simm.s32 @!p0 $0x6100  }
0x47e: {  	[tilespmem:s14], [sflag:$0x1] =	stream.linear.gather @!p0 [hbm4b:s13+s7], $0x400, $0x38;
	[tilespmem:$0x1C100] =	vst v63  }
0x47f: {  	s13 =	sadd.s32 @!p0 $0x4C4C80, s3;
	s14 =	simm.s32 @!p0 $0x7900  }
0x480: {  	[tilespmem:s14], [sflag:$0x1] =	stream.linear.gather @!p0 [hbm4b:s13+s7], $0x400, $0x38;
	[tilespmem:$0x1C100] =	vst v63  }
0x481: {  	s13 =	sadd.s32 @!p0 $0x5B8F00, s3  }
0x482: {  	s6 =	rddreg [dreg:$0xd];
	s14 =	simm.s32 @!p0 $0x9100;
	s3 =	sadd.s32 @!p0 $0x6AD180, s3  }
0x483: {  	[tilespmem:s14], [sflag:$0x1] =	stream.linear.gather @!p0 [hbm4b:s13+s7], $0x400, $0x38;
	[tilespmem:$0x1C100] =	vst v63  }
0x484: {  	s3 =	smov.u32 @p0 s6;
	s7 =	simm.s32 $0x0;
	s13 =	simm.s32 $0xA900  }
0x485: {  	[tilespmem:s13], [sflag:$0x1] =	stream.linear.gather [hbm4b:s3+s7], $0x400, $0x38;
	[tilespmem:$0x1C100] =	vst v63  }
0x486: {  	s3 =	spop (v2sf)  }
0x487: {  	p0 =	sgt.s32 s3, $0xF41FF  }
0x488: {  	s7 =	simm.s32 @p0 $0x0;
	s13 =	simm.s32 @p0 $0xC100  }
0x489: {  	[tilespmem:s13], [sflag:$0x2] =	stream.linear.gather @p0 [hbm4b:s22+s7], $0x400, $0x38;
	[tilespmem:$0x1C100] =	vst v63  }
0x48a: {  	s13 =	simm.s32 @p0 $0xD900  }
0x48b: {  	[tilespmem:s13], [sflag:$0x2] =	stream.linear.gather @p0 [hbm4b:s20+s7], $0x400, $0x38;
	[tilespmem:$0x1C100] =	vst v63  }
0x48c: {  	s13 =	simm.s32 @p0 $0xF100  }
0x48d: {  	[tilespmem:s13], [sflag:$0x2] =	stream.linear.gather @p0 [hbm4b:s17+s7], $0x400, $0x38;
	[tilespmem:$0x1C100] =	vst v63  }
0x48e: {  	s13 =	simm.s32 @p0 $0x10900  }
0x48f: {  	[tilespmem:s13], [sflag:$0x2] =	stream.linear.gather @p0 [hbm4b:s23+s7], $0x400, $0x38;
	[tilespmem:$0x1C100] =	vst v63  }
0x490: {  	s13 =	simm.s32 @p0 $0x12100  }
0x491: {  	[tilespmem:s13], [sflag:$0x2] =	stream.linear.gather @p0 [hbm4b:s24+s7], $0x400, $0x38;
	[tilespmem:$0x1C100] =	vst v63  }
0x492: {  	s6 =	rddreg [dreg:$0x11];
	s13 =	simm.s32 @p0 $0x13900  }
0x493: {  	[tilespmem:s13], [sflag:$0x2] =	stream.linear.gather @p0 [hbm4b:s6+s7], $0x400, $0x38;
	[tilespmem:$0x1C100] =	vst v63  }
0x494: {  	s13 =	simm.s32 @p0 $0x15100  }
0x495: {  	[tilespmem:s13], [sflag:$0x2] =	stream.linear.gather @p0 [hbm4b:s25+s7], $0x400, $0x38;
	[tilespmem:$0x1C100] =	vst v63  }
0x496: {  	s7 =	sand.u32 @!p0 $0xFFFFF80, s3  }
0x497: {  	s14 =	simm.s32 @!p0 $0xC100;
	s13 =	simm.s32 @!p0 $0x0;
	s7 =	sadd.s32 @!p0 s19, s7  }
0x498: {  	[tilespmem:s14], [sflag:$0x2] =	stream.linear.gather @!p0 [hbm4b:s7+s13], $0x400, $0x38;
	[tilespmem:$0x1C100] =	vst v63  }
0x499: {  	(v2sf) =	vpush v9, $0xD;
	s15 =	simm.s32 @!p0 $0xD900;
	s14 =	sadd.s32 @!p0 $0xF4280, s7  }
0x49a: {  	[tilespmem:s15], [sflag:$0x2] =	stream.linear.gather @!p0 [hbm4b:s14+s13], $0x400, $0x38;
	[tilespmem:$0x1C100] =	vst v63  }
0x49b: {  	s14 =	sadd.s32 @!p0 $0x1E8500, s7;
	s15 =	simm.s32 @!p0 $0xF100  }
0x49c: {  	[tilespmem:s15], [sflag:$0x2] =	stream.linear.gather @!p0 [hbm4b:s14+s13], $0x400, $0x38;
	[tilespmem:$0x1C100] =	vst v63  }
0x49d: {  	s14 =	sadd.s32 @!p0 $0x2DC780, s7;
	s15 =	simm.s32 @!p0 $0x10900  }
0x49e: {  	[tilespmem:s15], [sflag:$0x2] =	stream.linear.gather @!p0 [hbm4b:s14+s13], $0x400, $0x38;
	[tilespmem:$0x1C100] =	vst v63  }
0x49f: {  	s14 =	sadd.s32 @!p0 $0x3D0A00, s7;
	s15 =	simm.s32 @!p0 $0x12100  }
0x4a0: {  	[tilespmem:s15], [sflag:$0x2] =	stream.linear.gather @!p0 [hbm4b:s14+s13], $0x400, $0x38;
	[tilespmem:$0x1C100] =	vst v63  }
0x4a1: {  	s14 =	sadd.s32 @!p0 $0x4C4C80, s7;
	s15 =	simm.s32 @!p0 $0x13900  }
0x4a2: {  	[tilespmem:s15], [sflag:$0x2] =	stream.linear.gather @!p0 [hbm4b:s14+s13], $0x400, $0x38;
	[tilespmem:$0x1C100] =	vst v63  }
0x4a3: {  	s14 =	sadd.s32 @!p0 $0x5B8F00, s7  }
0x4a4: {  	s6 =	rddreg [dreg:$0x13];
	s15 =	simm.s32 @!p0 $0x15100;
	s7 =	sadd.s32 @!p0 $0x6AD180, s7  }
0x4a5: {  	[tilespmem:s15], [sflag:$0x2] =	stream.linear.gather @!p0 [hbm4b:s14+s13], $0x400, $0x38;
	[tilespmem:$0x1C100] =	vst v63  }
0x4a6: {  	s7 =	smov.u32 @p0 s6;
	s14 =	simm.s32 $0x0;
	s15 =	simm.s32 $0x16900  }
0x4a7: {  	[tilespmem:s15], [sflag:$0x2] =	stream.linear.gather [hbm4b:s7+s14], $0x400, $0x38;
	[tilespmem:$0x1C100] =	vst v63  }
0x4a8: {  	s7 =	spop (v2sf)  }
0x4a9: {  	p3 =	slt.s32 s7, $0xF4200  }
0x4aa: {  	s6 =	rddreg [dreg:$0x2];
	s13 =	sand.u32 @p3 $0xFFFFF80, s7  }
0x4ab: {  	s14 =	simm.s32 @p3 $0x0;
	s15 =	simm.s32 @p3 $0x500;
	s13 =	sadd.s32 @p3 s6, s13  }
0x4ac: {  	[tilespmem:s15], [sflag:$0x1] =	stream.linear.gather @p3 [hbm4b:s13+s14], $0x400, $0x38;
	[tilespmem:$0x1C100] =	vst v63  }
0x4ad: {  	s16 =	simm.s32 @p3 $0x1D00;
	s15 =	sadd.s32 @p3 $0xF4280, s13  }
0x4ae: {  	[tilespmem:s16], [sflag:$0x1] =	stream.linear.gather @p3 [hbm4b:s15+s14], $0x400, $0x38;
	[tilespmem:$0x1C100] =	vst v63  }
0x4af: {  	s15 =	sadd.s32 @p3 $0x1E8500, s13;
	s16 =	simm.s32 @p3 $0x3500  }
0x4b0: {  	[tilespmem:s16], [sflag:$0x1] =	stream.linear.gather @p3 [hbm4b:s15+s14], $0x400, $0x38;
	[tilespmem:$0x1C100] =	vst v63  }
0x4b1: {  	s15 =	sadd.s32 @p3 $0x2DC780, s13;
	s16 =	simm.s32 @p3 $0x4D00  }
0x4b2: {  	[tilespmem:s16], [sflag:$0x1] =	stream.linear.gather @p3 [hbm4b:s15+s14], $0x400, $0x38;
	[tilespmem:$0x1C100] =	vst v63  }
0x4b3: {  	s15 =	sadd.s32 @p3 $0x3D0A00, s13;
	s16 =	simm.s32 @p3 $0x6500  }
0x4b4: {  	[tilespmem:s16], [sflag:$0x1] =	stream.linear.gather @p3 [hbm4b:s15+s14], $0x400, $0x38;
	[tilespmem:$0x1C100] =	vst v63  }
0x4b5: {  	s15 =	sadd.s32 @p3 $0x4C4C80, s13;
	s16 =	simm.s32 @p3 $0x7D00  }
0x4b6: {  	(v2sf) =	vpush v8, $0xD;
	[tilespmem:s16], [sflag:$0x1] =	stream.linear.gather @p3 [hbm4b:s15+s14], $0x400, $0x38;
	[tilespmem:$0x1C100] =	vst v63  }
0x4b7: {  	s15 =	sadd.s32 @p3 $0x5B8F00, s13;
	s16 =	simm.s32 @p3 $0x9500  }
0x4b8: {  	[tilespmem:s16], [sflag:$0x1] =	stream.linear.gather @p3 [hbm4b:s15+s14], $0x400, $0x38;
	[tilespmem:$0x1C100] =	vst v63  }
0x4b9: {  	s14 =	simm.s32 @!p3 $0x0;
	s15 =	simm.s32 @!p3 $0x500  }
0x4ba: {  	[tilespmem:s15], [sflag:$0x1] =	stream.linear.gather @!p3 [hbm4b:s21+s14], $0x400, $0x38;
	[tilespmem:$0x1C100] =	vst v63  }
0x4bb: {  	s6 =	rddreg [dreg:$0xc];
	s15 =	simm.s32 @!p3 $0x1D00  }
0x4bc: {  	[tilespmem:s15], [sflag:$0x1] =	stream.linear.gather @!p3 [hbm4b:s6+s14], $0x400, $0x38;
	[tilespmem:$0x1C100] =	vst v63  }
0x4bd: {  	s15 =	simm.s32 @!p3 $0x3500;
	s6 =	rddreg [dreg:$0xe]  }
0x4be: {  	[tilespmem:s15], [sflag:$0x1] =	stream.linear.gather @!p3 [hbm4b:s6+s14], $0x400, $0x38;
	[tilespmem:$0x1C100] =	vst v63  }
0x4bf: {  	s15 =	simm.s32 @!p3 $0x4D00;
	s6 =	rddreg [dreg:$0xf]  }
0x4c0: {  	[tilespmem:s15], [sflag:$0x1] =	stream.linear.gather @!p3 [hbm4b:s6+s14], $0x400, $0x38;
	[tilespmem:$0x1C100] =	vst v63  }
0x4c1: {  	s15 =	simm.s32 @!p3 $0x6500;
	s6 =	rddreg [dreg:$0x10]  }
0x4c2: {  	[tilespmem:s15], [sflag:$0x1] =	stream.linear.gather @!p3 [hbm4b:s6+s14], $0x400, $0x38;
	[tilespmem:$0x1C100] =	vst v63  }
0x4c3: {  	s15 =	simm.s32 @!p3 $0x7D00;
	s6 =	rddreg [dreg:$0x12]  }
0x4c4: {  	[tilespmem:s15], [sflag:$0x1] =	stream.linear.gather @!p3 [hbm4b:s6+s14], $0x400, $0x38;
	[tilespmem:$0x1C100] =	vst v63  }
0x4c5: {  	s0 =	simm.s32 $0xAD00;
	s30 =	spop (v2sf);
	s15 =	simm.s32 @!p3 $0x9500  }
0x4c6: {  	[tilespmem:s15], [sflag:$0x1] =	stream.linear.gather @!p3 [hbm4b:s18+s14], $0x400, $0x38;
	[tilespmem:$0x1C100] =	vst v63  }
0x4c7: {  	s13 =	sadd.s32 @p3 $0x6AD180, s13;
	p2 =	slt.s32 s30, $0xF4200;
	s14 =	rddreg [dreg:$0xd]  }
0x4c8: {  	s16 =	simm.s32 $0x0;
	s14 =	smov.u32 @p3 s13;
	s13 =	sand.u32 @p2 $0xFFFFF80, s30  }
0x4c9: {  	[tilespmem:s0], [sflag:$0x1] =	stream.linear.gather [hbm4b:s14+s16], $0x400, $0x38;
	[tilespmem:$0x1C100] =	vst v63  }
0x4ca: {  	s15 =	simm.s32 @p2 $0xC500;
	s13 =	sadd.s32 @p2 s19, s13;
	s14 =	simm.s32 @p2 $0x0  }
0x4cb: {  	[tilespmem:s15], [sflag:$0x2] =	stream.linear.gather @p2 [hbm4b:s13+s14], $0x400, $0x38;
	[tilespmem:$0x1C100] =	vst v63  }
0x4cc: {  	s16 =	simm.s32 @p2 $0xDD00;
	s15 =	sadd.s32 @p2 $0xF4280, s13  }
0x4cd: {  	[tilespmem:s16], [sflag:$0x2] =	stream.linear.gather @p2 [hbm4b:s15+s14], $0x400, $0x38;
	[tilespmem:$0x1C100] =	vst v63  }
0x4ce: {  	s15 =	sadd.s32 @p2 $0x1E8500, s13;
	s16 =	simm.s32 @p2 $0xF500  }
0x4cf: {  	[tilespmem:s16], [sflag:$0x2] =	stream.linear.gather @p2 [hbm4b:s15+s14], $0x400, $0x38;
	[tilespmem:$0x1C100] =	vst v63  }
0x4d0: {  	s15 =	sadd.s32 @p2 $0x2DC780, s13;
	s16 =	simm.s32 @p2 $0x10D00  }
0x4d1: {  	[tilespmem:s16], [sflag:$0x2] =	stream.linear.gather @p2 [hbm4b:s15+s14], $0x400, $0x38;
	[tilespmem:$0x1C100] =	vst v63  }
0x4d2: {  	s15 =	sadd.s32 @p2 $0x3D0A00, s13;
	s16 =	simm.s32 @p2 $0x12500  }
0x4d3: {  	[tilespmem:s16], [sflag:$0x2] =	stream.linear.gather @p2 [hbm4b:s15+s14], $0x400, $0x38;
	[tilespmem:$0x1C100] =	vst v63  }
0x4d4: {  	s15 =	sadd.s32 @p2 $0x4C4C80, s13;
	s16 =	simm.s32 @p2 $0x13D00  }
0x4d5: {  	[tilespmem:s16], [sflag:$0x2] =	stream.linear.gather @p2 [hbm4b:s15+s14], $0x400, $0x38;
	[tilespmem:$0x1C100] =	vst v63  }
0x4d6: {  	s15 =	sadd.s32 @p2 $0x5B8F00, s13;
	s16 =	simm.s32 @p2 $0x15500  }
0x4d7: {  	[tilespmem:s16], [sflag:$0x2] =	stream.linear.gather @p2 [hbm4b:s15+s14], $0x400, $0x38;
	[tilespmem:$0x1C100] =	vst v63  }
0x4d8: {  	s14 =	simm.s32 @!p2 $0x0;
	s15 =	simm.s32 @!p2 $0xC500  }
0x4d9: {  	[tilespmem:s15], [sflag:$0x2] =	stream.linear.gather @!p2 [hbm4b:s22+s14], $0x400, $0x38;
	[tilespmem:$0x1C100] =	vst v63  }
0x4da: {  	s15 =	simm.s32 @!p2 $0xDD00  }
0x4db: {  	[tilespmem:s15], [sflag:$0x2] =	stream.linear.gather @!p2 [hbm4b:s20+s14], $0x400, $0x38;
	[tilespmem:$0x1C100] =	vst v63  }
0x4dc: {  	s15 =	simm.s32 @!p2 $0xF500  }
0x4dd: {  	[tilespmem:s15], [sflag:$0x2] =	stream.linear.gather @!p2 [hbm4b:s17+s14], $0x400, $0x38;
	[tilespmem:$0x1C100] =	vst v63  }
0x4de: {  	s15 =	simm.s32 @!p2 $0x10D00  }
0x4df: {  	[tilespmem:s15], [sflag:$0x2] =	stream.linear.gather @!p2 [hbm4b:s23+s14], $0x400, $0x38;
	[tilespmem:$0x1C100] =	vst v63  }
0x4e0: {  	s15 =	simm.s32 @!p2 $0x12500  }
0x4e1: {  	[tilespmem:s15], [sflag:$0x2] =	stream.linear.gather @!p2 [hbm4b:s24+s14], $0x400, $0x38;
	[tilespmem:$0x1C100] =	vst v63  }
0x4e2: {  	s6 =	rddreg [dreg:$0x11];
	s15 =	simm.s32 @!p2 $0x13D00  }
0x4e3: {  	[tilespmem:s15], [sflag:$0x2] =	stream.linear.gather @!p2 [hbm4b:s6+s14], $0x400, $0x38;
	[tilespmem:$0x1C100] =	vst v63  }
0x4e4: {  	s0 =	simm.s32 $0x16D00;
	s6 =	sld [smem:$0x7F9]  }
0x4e5: {  	s13 =	sadd.s32 @p2 $0x6AD180, s13;
	s16 =	rddreg [dreg:$0x17];
	s15 =	simm.s32 @!p2 $0x15500  }
0x4e6: {  	[tilespmem:s15], [sflag:$0x2] =	stream.linear.gather @!p2 [hbm4b:s25+s14], $0x400, $0x38;
	[tilespmem:$0x1C100] =	vst v63  }
0x4e7: {  	s14 =	rddreg [dreg:$0x13];
	s15 =	smov.u32 s16;
	p0 =	seq.s32 s6, $0x1  }
0x4e8: {  	s14 =	smov.u32 @p2 s13;
	s13 =	simm.s32 $0x0;
	s15 =	simm.s32 @!p0 $0xF4200  }
0x4e9: {  	[tilespmem:s0], [sflag:$0x2] =	stream.linear.gather [hbm4b:s14+s13], $0x400, $0x38;
	[tilespmem:$0x1C100] =	vst v63  }
0x4ea: {  	s15 =	sand.u32 $0xFFFFFF80, s15  }
0x4eb: {  	s13 =	ssub.s32 s16, s15  }
0x4ec: {  	_ =	swait.ge [sflag:s9], $0x2000;
	v29 =	vmov s13  }
0x4ed: {  	[sflag:s9] =	ssyncset.done $0x0;
	v10 =	vadd.s32 $0x100, v29  }
0x4ee: {  	[sflag:s9] =	ssyncadd.s32 $0xFFFFE000;
	s13 =	smov.u32 s5;
	v10 =	vbroadcast v10, $0x0  }
0x4ef: {  	s13 =	simm.s32 @!p6 $0xF4200;
	_ =	swait.ge [sflag:s10], $0x2000  }
0x4f0: {  	[sflag:s10] =	ssyncset.done $0x0;
	s13 =	sand.u32 $0xFFFFFF80, s13;
	v30 =	vshll.u32 v10, $0x3  }
0x4f1: {  	[sflag:s10] =	ssyncadd.s32 $0xFFFFE000;
	s5 =	ssub.s32 s5, s13;
	v10 =	vand.u32 $0x7F, v10;
	v11 =	vand.u32 $0xFFFFFC00, v30  }
0x4f2: {  	_ =	swait.ge [sflag:s9], $0x2000;
	v31 =	vmov s5;
	v10 =	vor.u32 v10, v11  }
0x4f3: {  	s0 =	sadd.s32 $0xFFFFFFF9, s31;
	[sflag:s9] =	ssyncset.done $0x0;
	v32 =	vadd.s32 $0x100, v31;
	v33 =	vadd.s32 v0, v10  }
0x4f4: {  	v34 =	vmov s0;
	[sflag:s9] =	ssyncadd.s32 $0xFFFFE000;
	v11 =	vbroadcast v32, $0x0  }
0x4f5: {  	v13 =	vand.u32 $0x78, v34;
	_ =	swait.ge [sflag:s10], $0x2000  }
0x4f6: {  	v13 =	vbroadcast v13, $0x0;
	[sflag:s10] =	ssyncset.done $0x0;
	v35 =	vshll.u32 v11, $0x3  }
0x4f7: {  	v11 =	vand.u32 $0x7F, v11;
	[sflag:s10] =	ssyncadd.s32 $0xFFFFE000;
	v14 =	vand.u32 $0xFFFFFC00, v35  }
0x4f8: {  	v36 =	vor.u32 v1, v13;
	v11 =	vor.u32 v11, v14;
	v12 =	vld.idx.msk [tilespmem:v33+s11+$0x0], $0xffff  }
0x4f9: {  	v14 =	vadd.s32 v0, v11;
	_ =	sdelay $0x3  }
0x4fa: {  	[tilespmem:v36+s26+$0x0] =	vst.idx.msk $0xffff, v12  }
0x4fb: {  	v12 =	vld.idx.msk [tilespmem:v14+s28+$0x0], $0xffff  }
0x4fc: {  	v37 =	vadd.s32 v2, v10;
	_ =	sdelay $0x3  }
0x4fd: {  	[tilespmem:v36+s29+$0x0] =	vst.idx.msk $0xffff, v12  }
0x4fe: {  	v38 =	vor.u32 v3, v13;
	v12 =	vld.idx.msk [tilespmem:v37+s11+$0x0], $0xffff  }
0x4ff: {  	v39 =	vadd.s32 v2, v11;
	_ =	sdelay $0x3  }
0x500: {  	[tilespmem:v38+s26+$0x0] =	vst.idx.msk $0xffff, v12  }
0x501: {  	v12 =	vld.idx.msk [tilespmem:v39+s28+$0x0], $0xffff  }
0x502: {  	v40 =	vadd.s32 v4, v10;
	_ =	sdelay $0x3  }
0x503: {  	[tilespmem:v38+s29+$0x0] =	vst.idx.msk $0xffff, v12  }
0x504: {  	v41 =	vor.u32 v5, v13;
	v12 =	vld.idx.msk [tilespmem:v40+s11+$0x0], $0xffff  }
0x505: {  	v42 =	vadd.s32 v4, v11;
	_ =	sdelay $0x3  }
0x506: {  	[tilespmem:v41+s26+$0x0] =	vst.idx.msk $0xffff, v12  }
0x507: {  	v12 =	vld.idx.msk [tilespmem:v42+s28+$0x0], $0xffff  }
0x508: {  	v10 =	vadd.s32 v6, v10  }
0x509: {  	s5 =	smov.u32 s1  }
0x50a: {  	s5 =	simm.s32 @!p4 $0xF4200  }
0x50b: {  	s5 =	sand.u32 $0xFFFFFF80, s5  }
0x50c: {  	s1 =	ssub.s32 s1, s5;
	[tilespmem:v41+s29+$0x0] =	vst.idx.msk $0xffff, v12  }
0x50d: {  	v43 =	vor.u32 v7, v13;
	v44 =	vmov s1;
	v10 =	vld.idx.msk [tilespmem:v10+s11+$0x0], $0xffff  }
0x50e: {  	v13 =	vadd.s32 $0x180, v44;
	v11 =	vadd.s32 v6, v11  }
0x50f: {  	s1 =	smov.u32 s8;
	v13 =	vbroadcast v13, $0x0  }
0x510: {  	s1 =	simm.s32 @!p1 $0xF4200  }
0x511: {  	s1 =	sand.u32 $0xFFFFFF80, s1;
	v45 =	vshll.u32 v13, $0x3  }
0x512: {  	s1 =	ssub.s32 s8, s1;
	v46 =	vand.u32 $0x7F, v13;
	v47 =	vand.u32 $0xFFFFFC00, v45;
	[tilespmem:v43+s26+$0x0] =	vst.idx.msk $0xffff, v10  }
0x513: {  	v48 =	vmov s1;
	v10 =	vor.u32 v46, v47;
	v11 =	vld.idx.msk [tilespmem:v11+s28+$0x0], $0xffff  }
0x514: {  	s5 =	sadd.s32 $0xFFFFFFFA, s31;
	v49 =	vadd.s32 $0x180, v48;
	v50 =	vadd.s32 v0, v10  }
0x515: {  	v51 =	vmov s5;
	v13 =	vbroadcast v49, $0x0  }
0x516: {  	v15 =	vand.u32 $0x79, v51  }
0x517: {  	v15 =	vbroadcast v15, $0x0;
	v52 =	vshll.u32 v13, $0x3  }
0x518: {  	v53 =	vand.u32 $0x7F, v13;
	v54 =	vand.u32 $0xFFFFFC00, v52;
	[tilespmem:v43+s29+$0x0] =	vst.idx.msk $0xffff, v11  }
0x519: {  	v56 =	vor.u32 v1, v15;
	v11 =	vor.u32 v53, v54;
	v55 =	vld.idx.msk [tilespmem:v50+s11+$0x0], $0xffff  }
0x51a: {  	v12 =	vadd.s32 v0, v11;
	_ =	sdelay $0x3  }
0x51b: {  	[tilespmem:v56+s26+$0x0] =	vst.idx.msk $0xffff, v55  }
0x51c: {  	v12 =	vld.idx.msk [tilespmem:v12+s28+$0x0], $0xffff  }
0x51d: {  	v57 =	vadd.s32 v2, v10;
	_ =	sdelay $0x3  }
0x51e: {  	[tilespmem:v56+s29+$0x0] =	vst.idx.msk $0xffff, v12  }
0x51f: {  	v58 =	vor.u32 v3, v15;
	v12 =	vld.idx.msk [tilespmem:v57+s11+$0x0], $0xffff  }
0x520: {  	v59 =	vadd.s32 v2, v11;
	_ =	sdelay $0x3  }
0x521: {  	[tilespmem:v58+s26+$0x0] =	vst.idx.msk $0xffff, v12  }
0x522: {  	v12 =	vld.idx.msk [tilespmem:v59+s28+$0x0], $0xffff  }
0x523: {  	v60 =	vadd.s32 v4, v10;
	_ =	sdelay $0x3  }
0x524: {  	[tilespmem:v58+s29+$0x0] =	vst.idx.msk $0xffff, v12  }
0x525: {  	v61 =	vor.u32 v5, v15;
	v12 =	vld.idx.msk [tilespmem:v60+s11+$0x0], $0xffff  }
0x526: {  	v62 =	vadd.s32 v4, v11;
	_ =	sdelay $0x3  }
0x527: {  	(v2sf) =	vpush v9, $0xE;
	[tilespmem:v61+s26+$0x0] =	vst.idx.msk $0xffff, v12  }
0x528: {  	v12 =	vld.idx.msk [tilespmem:v62+s28+$0x0], $0xffff  }
0x529: {  	v10 =	vadd.s32 v6, v10;
	_ =	sdelay $0x3  }
0x52a: {  	[tilespmem:v61+s29+$0x0] =	vst.idx.msk $0xffff, v12  }
0x52b: {  	v63 =	vor.u32 v7, v15;
	v10 =	vld.idx.msk [tilespmem:v10+s11+$0x0], $0xffff  }
0x52c: {  	v11 =	vadd.s32 v6, v11;
	_ =	sdelay $0x3  }
0x52d: {  	[tilespmem:v63+s26+$0x0] =	vst.idx.msk $0xffff, v10  }
0x52e: {  	v10 =	vld.idx.msk [tilespmem:v11+s28+$0x0], $0xffff;
	_ =	sdelay $0x1  }
0x52f: {  	s1 =	spop (v2sf)  }
0x530: {  	p1 =	slt.s32 s1, $0xF4200  }
0x531: {  	s6 =	rddreg [dreg:$0x2];
	s5 =	sand.u32 @p1 $0xFFFFF80, s1  }
0x532: {  	s8 =	simm.s32 @p1 $0x0;
	s13 =	simm.s32 @p1 $0x900;
	s5 =	sadd.s32 @p1 s6, s5;
	[tilespmem:v63+s29+$0x0] =	vst.idx.msk $0xffff, v10  }
0x533: {  	[tilespmem:s13], [sflag:$0x1] =	stream.linear.gather @p1 [hbm4b:s5+s8], $0x400, $0x38;
	[tilespmem:$0x1C100] =	vst v63  }
0x534: {  	s14 =	simm.s32 @p1 $0x2100;
	s13 =	sadd.s32 @p1 $0xF4280, s5  }
0x535: {  	[tilespmem:s14], [sflag:$0x1] =	stream.linear.gather @p1 [hbm4b:s13+s8], $0x400, $0x38;
	[tilespmem:$0x1C100] =	vst v63  }
0x536: {  	s13 =	sadd.s32 @p1 $0x1E8500, s5;
	s14 =	simm.s32 @p1 $0x3900  }
0x537: {  	[tilespmem:s14], [sflag:$0x1] =	stream.linear.gather @p1 [hbm4b:s13+s8], $0x400, $0x38;
	[tilespmem:$0x1C100] =	vst v63  }
0x538: {  	s13 =	sadd.s32 @p1 $0x2DC780, s5;
	s14 =	simm.s32 @p1 $0x5100  }
0x539: {  	[tilespmem:s14], [sflag:$0x1] =	stream.linear.gather @p1 [hbm4b:s13+s8], $0x400, $0x38;
	[tilespmem:$0x1C100] =	vst v63  }
0x53a: {  	s13 =	sadd.s32 @p1 $0x3D0A00, s5;
	s14 =	simm.s32 @p1 $0x6900  }
0x53b: {  	[tilespmem:s14], [sflag:$0x1] =	stream.linear.gather @p1 [hbm4b:s13+s8], $0x400, $0x38;
	[tilespmem:$0x1C100] =	vst v63  }
0x53c: {  	s13 =	sadd.s32 @p1 $0x4C4C80, s5;
	s14 =	simm.s32 @p1 $0x8100  }
0x53d: {  	[tilespmem:s14], [sflag:$0x1] =	stream.linear.gather @p1 [hbm4b:s13+s8], $0x400, $0x38;
	[tilespmem:$0x1C100] =	vst v63  }
0x53e: {  	s13 =	sadd.s32 @p1 $0x5B8F00, s5;
	s14 =	simm.s32 @p1 $0x9900  }
0x53f: {  	[tilespmem:s14], [sflag:$0x1] =	stream.linear.gather @p1 [hbm4b:s13+s8], $0x400, $0x38;
	[tilespmem:$0x1C100] =	vst v63  }
0x540: {  	s8 =	simm.s32 @!p1 $0x0;
	s13 =	simm.s32 @!p1 $0x900  }
0x541: {  	[tilespmem:s13], [sflag:$0x1] =	stream.linear.gather @!p1 [hbm4b:s21+s8], $0x400, $0x38;
	[tilespmem:$0x1C100] =	vst v63  }
0x542: {  	(v2sf) =	vpush v8, $0xE;
	s6 =	rddreg [dreg:$0xc];
	s13 =	simm.s32 @!p1 $0x2100  }
0x543: {  	[tilespmem:s13], [sflag:$0x1] =	stream.linear.gather @!p1 [hbm4b:s6+s8], $0x400, $0x38;
	[tilespmem:$0x1C100] =	vst v63  }
0x544: {  	s13 =	simm.s32 @!p1 $0x3900;
	s6 =	rddreg [dreg:$0xe]  }
0x545: {  	[tilespmem:s13], [sflag:$0x1] =	stream.linear.gather @!p1 [hbm4b:s6+s8], $0x400, $0x38;
	[tilespmem:$0x1C100] =	vst v63  }
0x546: {  	s13 =	simm.s32 @!p1 $0x5100;
	s6 =	rddreg [dreg:$0xf]  }
0x547: {  	[tilespmem:s13], [sflag:$0x1] =	stream.linear.gather @!p1 [hbm4b:s6+s8], $0x400, $0x38;
	[tilespmem:$0x1C100] =	vst v63  }
0x548: {  	s13 =	simm.s32 @!p1 $0x6900;
	s6 =	rddreg [dreg:$0x10]  }
0x549: {  	[tilespmem:s13], [sflag:$0x1] =	stream.linear.gather @!p1 [hbm4b:s6+s8], $0x400, $0x38;
	[tilespmem:$0x1C100] =	vst v63  }
0x54a: {  	s13 =	simm.s32 @!p1 $0x8100;
	s6 =	rddreg [dreg:$0x12]  }
0x54b: {  	[tilespmem:s13], [sflag:$0x1] =	stream.linear.gather @!p1 [hbm4b:s6+s8], $0x400, $0x38;
	[tilespmem:$0x1C100] =	vst v63  }
0x54c: {  	s13 =	simm.s32 @!p1 $0x9900  }
0x54d: {  	[tilespmem:s13], [sflag:$0x1] =	stream.linear.gather @!p1 [hbm4b:s18+s8], $0x400, $0x38;
	[tilespmem:$0x1C100] =	vst v63  }
0x54e: {  	s5 =	sadd.s32 @p1 $0x6AD180, s5;
	s8 =	rddreg [dreg:$0xd]  }
0x54f: {  	s6 =	simm.s32 $0x0;
	s13 =	simm.s32 $0xB100;
	s8 =	smov.u32 @p1 s5  }
0x550: {  	[tilespmem:s13], [sflag:$0x1] =	stream.linear.gather [hbm4b:s8+s6], $0x400, $0x38;
	[tilespmem:$0x1C100] =	vst v63  }
0x551: {  	s8 =	spop (v2sf)  }
0x552: {  	p6 =	slt.s32 s8, $0xF4200  }
0x553: {  	s5 =	sand.u32 @p6 $0xFFFFF80, s8  }
0x554: {  	s13 =	simm.s32 @p6 $0x0;
	s14 =	simm.s32 @p6 $0xC900;
	s5 =	sadd.s32 @p6 s19, s5  }
0x555: {  	[tilespmem:s14], [sflag:$0x2] =	stream.linear.gather @p6 [hbm4b:s5+s13], $0x400, $0x38;
	[tilespmem:$0x1C100] =	vst v63  }
0x556: {  	s15 =	simm.s32 @p6 $0xE100;
	s14 =	sadd.s32 @p6 $0xF4280, s5  }
0x557: {  	[tilespmem:s15], [sflag:$0x2] =	stream.linear.gather @p6 [hbm4b:s14+s13], $0x400, $0x38;
	[tilespmem:$0x1C100] =	vst v63  }
0x558: {  	s14 =	sadd.s32 @p6 $0x1E8500, s5;
	s15 =	simm.s32 @p6 $0xF900  }
0x559: {  	[tilespmem:s15], [sflag:$0x2] =	stream.linear.gather @p6 [hbm4b:s14+s13], $0x400, $0x38;
	[tilespmem:$0x1C100] =	vst v63  }
0x55a: {  	s14 =	sadd.s32 @p6 $0x2DC780, s5;
	s15 =	simm.s32 @p6 $0x11100  }
0x55b: {  	[tilespmem:s15], [sflag:$0x2] =	stream.linear.gather @p6 [hbm4b:s14+s13], $0x400, $0x38;
	[tilespmem:$0x1C100] =	vst v63  }
0x55c: {  	s14 =	sadd.s32 @p6 $0x3D0A00, s5;
	s15 =	simm.s32 @p6 $0x12900  }
0x55d: {  	[tilespmem:s15], [sflag:$0x2] =	stream.linear.gather @p6 [hbm4b:s14+s13], $0x400, $0x38;
	[tilespmem:$0x1C100] =	vst v63  }
0x55e: {  	s14 =	sadd.s32 @p6 $0x4C4C80, s5;
	s15 =	simm.s32 @p6 $0x14100  }
0x55f: {  	[tilespmem:s15], [sflag:$0x2] =	stream.linear.gather @p6 [hbm4b:s14+s13], $0x400, $0x38;
	[tilespmem:$0x1C100] =	vst v63  }
0x560: {  	s14 =	sadd.s32 @p6 $0x5B8F00, s5;
	s15 =	simm.s32 @p6 $0x15900  }
0x561: {  	[tilespmem:s15], [sflag:$0x2] =	stream.linear.gather @p6 [hbm4b:s14+s13], $0x400, $0x38;
	[tilespmem:$0x1C100] =	vst v63  }
0x562: {  	(v2sf) =	vpush v9, $0xF;
	s13 =	simm.s32 @!p6 $0x0;
	s14 =	simm.s32 @!p6 $0xC900  }
0x563: {  	[tilespmem:s14], [sflag:$0x2] =	stream.linear.gather @!p6 [hbm4b:s22+s13], $0x400, $0x38;
	[tilespmem:$0x1C100] =	vst v63  }
0x564: {  	s14 =	simm.s32 @!p6 $0xE100  }
0x565: {  	[tilespmem:s14], [sflag:$0x2] =	stream.linear.gather @!p6 [hbm4b:s20+s13], $0x400, $0x38;
	[tilespmem:$0x1C100] =	vst v63  }
0x566: {  	s14 =	simm.s32 @!p6 $0xF900  }
0x567: {  	[tilespmem:s14], [sflag:$0x2] =	stream.linear.gather @!p6 [hbm4b:s17+s13], $0x400, $0x38;
	[tilespmem:$0x1C100] =	vst v63  }
0x568: {  	s14 =	simm.s32 @!p6 $0x11100  }
0x569: {  	[tilespmem:s14], [sflag:$0x2] =	stream.linear.gather @!p6 [hbm4b:s23+s13], $0x400, $0x38;
	[tilespmem:$0x1C100] =	vst v63  }
0x56a: {  	s14 =	simm.s32 @!p6 $0x12900  }
0x56b: {  	[tilespmem:s14], [sflag:$0x2] =	stream.linear.gather @!p6 [hbm4b:s24+s13], $0x400, $0x38;
	[tilespmem:$0x1C100] =	vst v63  }
0x56c: {  	s6 =	rddreg [dreg:$0x11];
	s14 =	simm.s32 @!p6 $0x14100  }
0x56d: {  	[tilespmem:s14], [sflag:$0x2] =	stream.linear.gather @!p6 [hbm4b:s6+s13], $0x400, $0x38;
	[tilespmem:$0x1C100] =	vst v63  }
0x56e: {  	s14 =	simm.s32 @!p6 $0x15900  }
0x56f: {  	[tilespmem:s14], [sflag:$0x2] =	stream.linear.gather @!p6 [hbm4b:s25+s13], $0x400, $0x38;
	[tilespmem:$0x1C100] =	vst v63  }
0x570: {  	s5 =	sadd.s32 @p6 $0x6AD180, s5;
	s15 =	simm.s32 $0x17100;
	s13 =	rddreg [dreg:$0x13]  }
0x571: {  	s14 =	simm.s32 $0x0;
	s13 =	smov.u32 @p6 s5;
	s5 =	spop (v2sf)  }
0x572: {  	[tilespmem:s15], [sflag:$0x2] =	stream.linear.gather [hbm4b:s13+s14], $0x400, $0x38;
	[tilespmem:$0x1C100] =	vst v63  }
0x573: {  	p4 =	slt.s32 s5, $0xF4200  }
0x574: {  	s6 =	rddreg [dreg:$0x2];
	s13 =	sand.u32 @p4 $0xFFFFF80, s5  }
0x575: {  	s14 =	simm.s32 @p4 $0x0;
	s15 =	simm.s32 @p4 $0xD00;
	s13 =	sadd.s32 @p4 s6, s13  }
0x576: {  	[tilespmem:s15], [sflag:$0x1] =	stream.linear.gather @p4 [hbm4b:s13+s14], $0x400, $0x38;
	[tilespmem:$0x1C100] =	vst v63  }
0x577: {  	s16 =	simm.s32 @p4 $0x2500;
	s15 =	sadd.s32 @p4 $0xF4280, s13  }
0x578: {  	[tilespmem:s16], [sflag:$0x1] =	stream.linear.gather @p4 [hbm4b:s15+s14], $0x400, $0x38;
	[tilespmem:$0x1C100] =	vst v63  }
0x579: {  	s15 =	sadd.s32 @p4 $0x1E8500, s13;
	s16 =	simm.s32 @p4 $0x3D00  }
0x57a: {  	[tilespmem:s16], [sflag:$0x1] =	stream.linear.gather @p4 [hbm4b:s15+s14], $0x400, $0x38;
	[tilespmem:$0x1C100] =	vst v63  }
0x57b: {  	s15 =	sadd.s32 @p4 $0x2DC780, s13;
	s16 =	simm.s32 @p4 $0x5500  }
0x57c: {  	[tilespmem:s16], [sflag:$0x1] =	stream.linear.gather @p4 [hbm4b:s15+s14], $0x400, $0x38;
	[tilespmem:$0x1C100] =	vst v63  }
0x57d: {  	s15 =	sadd.s32 @p4 $0x3D0A00, s13;
	s16 =	simm.s32 @p4 $0x6D00  }
0x57e: {  	[tilespmem:s16], [sflag:$0x1] =	stream.linear.gather @p4 [hbm4b:s15+s14], $0x400, $0x38;
	[tilespmem:$0x1C100] =	vst v63  }
0x57f: {  	s15 =	sadd.s32 @p4 $0x4C4C80, s13;
	s16 =	simm.s32 @p4 $0x8500  }
0x580: {  	[tilespmem:s16], [sflag:$0x1] =	stream.linear.gather @p4 [hbm4b:s15+s14], $0x400, $0x38;
	[tilespmem:$0x1C100] =	vst v63  }
0x581: {  	s15 =	sadd.s32 @p4 $0x5B8F00, s13;
	s16 =	simm.s32 @p4 $0x9D00  }
0x582: {  	[tilespmem:s16], [sflag:$0x1] =	stream.linear.gather @p4 [hbm4b:s15+s14], $0x400, $0x38;
	[tilespmem:$0x1C100] =	vst v63  }
0x583: {  	(v2sf) =	vpush v8, $0xF;
	s14 =	simm.s32 @!p4 $0x0;
	s15 =	simm.s32 @!p4 $0xD00  }
0x584: {  	[tilespmem:s15], [sflag:$0x1] =	stream.linear.gather @!p4 [hbm4b:s21+s14], $0x400, $0x38;
	[tilespmem:$0x1C100] =	vst v63  }
0x585: {  	s6 =	rddreg [dreg:$0xc];
	s15 =	simm.s32 @!p4 $0x2500  }
0x586: {  	[tilespmem:s15], [sflag:$0x1] =	stream.linear.gather @!p4 [hbm4b:s6+s14], $0x400, $0x38;
	[tilespmem:$0x1C100] =	vst v63  }
0x587: {  	s15 =	simm.s32 @!p4 $0x3D00;
	s6 =	rddreg [dreg:$0xe]  }
0x588: {  	[tilespmem:s15], [sflag:$0x1] =	stream.linear.gather @!p4 [hbm4b:s6+s14], $0x400, $0x38;
	[tilespmem:$0x1C100] =	vst v63  }
0x589: {  	s15 =	simm.s32 @!p4 $0x5500;
	s6 =	rddreg [dreg:$0xf]  }
0x58a: {  	[tilespmem:s15], [sflag:$0x1] =	stream.linear.gather @!p4 [hbm4b:s6+s14], $0x400, $0x38;
	[tilespmem:$0x1C100] =	vst v63  }
0x58b: {  	s15 =	simm.s32 @!p4 $0x6D00;
	s6 =	rddreg [dreg:$0x10]  }
0x58c: {  	[tilespmem:s15], [sflag:$0x1] =	stream.linear.gather @!p4 [hbm4b:s6+s14], $0x400, $0x38;
	[tilespmem:$0x1C100] =	vst v63  }
0x58d: {  	s15 =	simm.s32 @!p4 $0x8500;
	s6 =	rddreg [dreg:$0x12]  }
0x58e: {  	[tilespmem:s15], [sflag:$0x1] =	stream.linear.gather @!p4 [hbm4b:s6+s14], $0x400, $0x38;
	[tilespmem:$0x1C100] =	vst v63  }
0x58f: {  	s15 =	simm.s32 @!p4 $0x9D00  }
0x590: {  	[tilespmem:s15], [sflag:$0x1] =	stream.linear.gather @!p4 [hbm4b:s18+s14], $0x400, $0x38;
	[tilespmem:$0x1C100] =	vst v63  }
0x591: {  	s0 =	simm.s32 $0xB500;
	s13 =	sadd.s32 @p4 $0x6AD180, s13;
	s14 =	rddreg [dreg:$0xd]  }
0x592: {  	s16 =	simm.s32 $0x0;
	s14 =	smov.u32 @p4 s13;
	s13 =	spop (v2sf)  }
0x593: {  	[tilespmem:s0], [sflag:$0x1] =	stream.linear.gather [hbm4b:s14+s16], $0x400, $0x38;
	[tilespmem:$0x1C100] =	vst v63  }
0x594: {  	p0 =	slt.s32 s13, $0xF4200  }
0x595: {  	s14 =	sand.u32 @p0 $0xFFFFF80, s13  }
0x596: {  	s15 =	simm.s32 @p0 $0x0;
	s16 =	simm.s32 @p0 $0xCD00;
	s14 =	sadd.s32 @p0 s19, s14  }
0x597: {  	[tilespmem:s16], [sflag:$0x2] =	stream.linear.gather @p0 [hbm4b:s14+s15], $0x400, $0x38;
	[tilespmem:$0x1C100] =	vst v63  }
0x598: {  	s6 =	simm.s32 @p0 $0xE500;
	s16 =	sadd.s32 @p0 $0xF4280, s14  }
0x599: {  	[tilespmem:s6], [sflag:$0x2] =	stream.linear.gather @p0 [hbm4b:s16+s15], $0x400, $0x38;
	[tilespmem:$0x1C100] =	vst v63  }
0x59a: {  	s6 =	sadd.s32 @p0 $0x1E8500, s14;
	s16 =	simm.s32 @p0 $0xFD00  }
0x59b: {  	[tilespmem:s16], [sflag:$0x2] =	stream.linear.gather @p0 [hbm4b:s6+s15], $0x400, $0x38;
	[tilespmem:$0x1C100] =	vst v63  }
0x59c: {  	s6 =	sadd.s32 @p0 $0x2DC780, s14;
	s16 =	simm.s32 @p0 $0x11500  }
0x59d: {  	[tilespmem:s16], [sflag:$0x2] =	stream.linear.gather @p0 [hbm4b:s6+s15], $0x400, $0x38;
	[tilespmem:$0x1C100] =	vst v63  }
0x59e: {  	s6 =	sadd.s32 @p0 $0x3D0A00, s14;
	s16 =	simm.s32 @p0 $0x12D00  }
0x59f: {  	[tilespmem:s16], [sflag:$0x2] =	stream.linear.gather @p0 [hbm4b:s6+s15], $0x400, $0x38;
	[tilespmem:$0x1C100] =	vst v63  }
0x5a0: {  	s6 =	sadd.s32 @p0 $0x4C4C80, s14;
	s16 =	simm.s32 @p0 $0x14500  }
0x5a1: {  	[tilespmem:s16], [sflag:$0x2] =	stream.linear.gather @p0 [hbm4b:s6+s15], $0x400, $0x38;
	[tilespmem:$0x1C100] =	vst v63  }
0x5a2: {  	s6 =	sadd.s32 @p0 $0x5B8F00, s14;
	s16 =	simm.s32 @p0 $0x15D00  }
0x5a3: {  	[tilespmem:s16], [sflag:$0x2] =	stream.linear.gather @p0 [hbm4b:s6+s15], $0x400, $0x38;
	[tilespmem:$0x1C100] =	vst v63  }
0x5a4: {  	s6 =	simm.s32 @!p0 $0x0;
	s15 =	simm.s32 @!p0 $0xCD00  }
0x5a5: {  	[tilespmem:s15], [sflag:$0x2] =	stream.linear.gather @!p0 [hbm4b:s22+s6], $0x400, $0x38;
	[tilespmem:$0x1C100] =	vst v63  }
0x5a6: {  	s15 =	simm.s32 @!p0 $0xE500  }
0x5a7: {  	[tilespmem:s15], [sflag:$0x2] =	stream.linear.gather @!p0 [hbm4b:s20+s6], $0x400, $0x38;
	[tilespmem:$0x1C100] =	vst v63  }
0x5a8: {  	s16 =	smov.u32 s17;
	s15 =	simm.s32 @!p0 $0xFD00  }
0x5a9: {  	[tilespmem:s15], [sflag:$0x2] =	stream.linear.gather @!p0 [hbm4b:s16+s6], $0x400, $0x38;
	[tilespmem:$0x1C100] =	vst v63  }
0x5aa: {  	s15 =	simm.s32 @!p0 $0x11500  }
0x5ab: {  	[tilespmem:s15], [sflag:$0x2] =	stream.linear.gather @!p0 [hbm4b:s23+s6], $0x400, $0x38;
	[tilespmem:$0x1C100] =	vst v63  }
0x5ac: {  	s0 =	rddreg [dreg:$0x18];
	s15 =	simm.s32 @!p0 $0x12D00  }
0x5ad: {  	[tilespmem:s15], [sflag:$0x2] =	stream.linear.gather @!p0 [hbm4b:s24+s6], $0x400, $0x38;
	[tilespmem:$0x1C100] =	vst v63  }
0x5ae: {  	s17 =	smov.u32 s20;
	s20 =	rddreg [dreg:$0x11];
	s15 =	simm.s32 @!p0 $0x14500  }
0x5af: {  	[tilespmem:s15], [sflag:$0x2] =	stream.linear.gather @!p0 [hbm4b:s20+s6], $0x400, $0x38;
	[tilespmem:$0x1C100] =	vst v63  }
0x5b0: {  	s15 =	simm.s32 @!p0 $0x15D00;
	s20 =	sld [smem:$0x7FA]  }
0x5b1: {  	[tilespmem:s15], [sflag:$0x2] =	stream.linear.gather @!p0 [hbm4b:s25+s6], $0x400, $0x38;
	[tilespmem:$0x1C100] =	vst v63  }
0x5b2: {  	s14 =	sadd.s32 @p0 $0x6AD180, s14;
	s6 =	rddreg [dreg:$0x13]  }
0x5b3: {  	s15 =	smov.u32 s0;
	p5 =	seq.s32 s20, $0x1;
	s6 =	smov.u32 @p0 s14  }
0x5b4: {  	s14 =	simm.s32 $0x0;
	s20 =	simm.s32 $0x17500;
	s15 =	simm.s32 @!p5 $0xF4200  }
0x5b5: {  	[tilespmem:s20], [sflag:$0x2] =	stream.linear.gather [hbm4b:s6+s14], $0x400, $0x38;
	[tilespmem:$0x1C100] =	vst v63  }
0x5b6: {  	s15 =	sand.u32 $0xFFFFFF80, s15;
	_ =	swait.ge [sflag:s9], $0x2000  }
0x5b7: {  	s6 =	ssub.s32 s0, s15;
	s20 =	sld [smem:$0x7FB]  }
0x5b8: {  	v8 =	vmov s6  }
0x5b9: {  	[sflag:s9] =	ssyncset.done $0x0;
	v8 =	vadd.s32 $0x200, v8  }
0x5ba: {  	[sflag:s9] =	ssyncadd.s32 $0xFFFFE000;
	s6 =	smov.u32 s4;
	v8 =	vbroadcast v8, $0x0;
	p5 =	seq.s32 s20, $0x1  }
0x5bb: {  	_ =	swait.ge [sflag:s10], $0x2000;
	s6 =	simm.s32 @!p5 $0xF4200  }
0x5bc: {  	[sflag:s10] =	ssyncset.done $0x0;
	s6 =	sand.u32 $0xFFFFFF80, s6;
	v16 =	vshll.u32 v8, $0x3  }
0x5bd: {  	[sflag:s10] =	ssyncadd.s32 $0xFFFFE000;
	v8 =	vand.u32 $0x7F, v8;
	s4 =	ssub.s32 s4, s6;
	v9 =	vand.u32 $0xFFFFFC00, v16  }
0x5be: {  	_ =	swait.ge [sflag:s9], $0x2000;
	v17 =	vmov s4;
	v8 =	vor.u32 v8, v9  }
0x5bf: {  	s15 =	sadd.s32 $0xFFFFFFFB, s31;
	[sflag:s9] =	ssyncset.done $0x0;
	v18 =	vadd.s32 $0x200, v17;
	v19 =	vadd.s32 v0, v8  }
0x5c0: {  	v20 =	vmov s15;
	[sflag:s9] =	ssyncadd.s32 $0xFFFFE000;
	v9 =	vbroadcast v18, $0x0  }
0x5c1: {  	v11 =	vand.u32 $0x7A, v20;
	_ =	swait.ge [sflag:s10], $0x2000  }
0x5c2: {  	v11 =	vbroadcast v11, $0x0;
	[sflag:s10] =	ssyncset.done $0x0;
	v21 =	vshll.u32 v9, $0x3  }
0x5c3: {  	[sflag:s10] =	ssyncadd.s32 $0xFFFFE000;
	v9 =	vand.u32 $0x7F, v9;
	v12 =	vand.u32 $0xFFFFFC00, v21  }
0x5c4: {  	v22 =	vor.u32 v1, v11;
	v10 =	vld.idx.msk [tilespmem:v19+s11+$0x0], $0xffff;
	v9 =	vor.u32 v9, v12  }
0x5c5: {  	v12 =	vadd.s32 v0, v9;
	_ =	sdelay $0x3  }
0x5c6: {  	[tilespmem:v22+s26+$0x0] =	vst.idx.msk $0xffff, v10  }
0x5c7: {  	v10 =	vld.idx.msk [tilespmem:v12+s28+$0x0], $0xffff  }
0x5c8: {  	v23 =	vadd.s32 v2, v8;
	_ =	sdelay $0x3  }
0x5c9: {  	[tilespmem:v22+s29+$0x0] =	vst.idx.msk $0xffff, v10  }
0x5ca: {  	v24 =	vor.u32 v3, v11;
	v10 =	vld.idx.msk [tilespmem:v23+s11+$0x0], $0xffff  }
0x5cb: {  	v25 =	vadd.s32 v2, v9;
	_ =	sdelay $0x3  }
0x5cc: {  	[tilespmem:v24+s26+$0x0] =	vst.idx.msk $0xffff, v10  }
0x5cd: {  	v10 =	vld.idx.msk [tilespmem:v25+s28+$0x0], $0xffff  }
0x5ce: {  	v26 =	vadd.s32 v4, v8;
	_ =	sdelay $0x3  }
0x5cf: {  	[tilespmem:v24+s29+$0x0] =	vst.idx.msk $0xffff, v10  }
0x5d0: {  	v27 =	vor.u32 v5, v11;
	v10 =	vld.idx.msk [tilespmem:v26+s11+$0x0], $0xffff  }
0x5d1: {  	v28 =	vadd.s32 v4, v9;
	_ =	sdelay $0x3  }
0x5d2: {  	s15 =	sld [smem:$0x7FC];
	[tilespmem:v27+s26+$0x0] =	vst.idx.msk $0xffff, v10  }
0x5d3: {  	v10 =	vld.idx.msk [tilespmem:v28+s28+$0x0], $0xffff  }
0x5d4: {  	v8 =	vadd.s32 v6, v8;
	s20 =	rddreg [dreg:$0x1a]  }
0x5d5: {  	s4 =	smov.u32 s20;
	p5 =	seq.s32 s15, $0x1  }
0x5d6: {  	s4 =	simm.s32 @!p5 $0xF4200  }
0x5d7: {  	s4 =	sand.u32 $0xFFFFFF80, s4  }
0x5d8: {  	s0 =	ssub.s32 s20, s4;
	s4 =	smov.u32 s18;
	s18 =	sld [smem:$0x7FD];
	[tilespmem:v27+s29+$0x0] =	vst.idx.msk $0xffff, v10  }
0x5d9: {  	v29 =	vor.u32 v7, v11;
	v30 =	vmov s0;
	v8 =	vld.idx.msk [tilespmem:v8+s11+$0x0], $0xffff  }
0x5da: {  	v9 =	vadd.s32 v6, v9;
	v11 =	vadd.s32 $0x280, v30  }
0x5db: {  	s0 =	smov.u32 s12;
	v11 =	vbroadcast v11, $0x0;
	p5 =	seq.s32 s18, $0x1  }
0x5dc: {  	s0 =	simm.s32 @!p5 $0xF4200  }
0x5dd: {  	s0 =	sand.u32 $0xFFFFFF80, s0;
	v31 =	vshll.u32 v11, $0x3  }
0x5de: {  	s0 =	ssub.s32 s12, s0;
	v32 =	vand.u32 $0xFFFFFC00, v31;
	[tilespmem:v29+s26+$0x0] =	vst.idx.msk $0xffff, v8;
	v8 =	vand.u32 $0x7F, v11  }
0x5df: {  	v33 =	vmov s0;
	v9 =	vld.idx.msk [tilespmem:v9+s28+$0x0], $0xffff;
	v8 =	vor.u32 v8, v32  }
0x5e0: {  	s20 =	sadd.s32 $0xFFFFFFFC, s31;
	v34 =	vadd.s32 $0x280, v33;
	v35 =	vadd.s32 v0, v8  }
0x5e1: {  	v36 =	vmov s20;
	v11 =	vbroadcast v34, $0x0  }
0x5e2: {  	v13 =	vand.u32 $0x7B, v36  }
0x5e3: {  	v13 =	vbroadcast v13, $0x0;
	v37 =	vshll.u32 v11, $0x3  }
0x5e4: {  	v38 =	vand.u32 $0x7F, v11;
	v39 =	vand.u32 $0xFFFFFC00, v37;
	[tilespmem:v29+s29+$0x0] =	vst.idx.msk $0xffff, v9  }
0x5e5: {  	v41 =	vor.u32 v1, v13;
	v9 =	vor.u32 v38, v39;
	v40 =	vld.idx.msk [tilespmem:v35+s11+$0x0], $0xffff  }
0x5e6: {  	v10 =	vadd.s32 v0, v9;
	_ =	sdelay $0x3  }
0x5e7: {  	[tilespmem:v41+s26+$0x0] =	vst.idx.msk $0xffff, v40  }
0x5e8: {  	v10 =	vld.idx.msk [tilespmem:v10+s28+$0x0], $0xffff  }
0x5e9: {  	v42 =	vadd.s32 v2, v8;
	_ =	sdelay $0x3  }
0x5ea: {  	[tilespmem:v41+s29+$0x0] =	vst.idx.msk $0xffff, v10  }
0x5eb: {  	v43 =	vor.u32 v3, v13;
	v10 =	vld.idx.msk [tilespmem:v42+s11+$0x0], $0xffff  }
0x5ec: {  	v44 =	vadd.s32 v2, v9;
	_ =	sdelay $0x3  }
0x5ed: {  	[tilespmem:v43+s26+$0x0] =	vst.idx.msk $0xffff, v10  }
0x5ee: {  	v10 =	vld.idx.msk [tilespmem:v44+s28+$0x0], $0xffff  }
0x5ef: {  	v45 =	vadd.s32 v4, v8;
	_ =	sdelay $0x3  }
0x5f0: {  	[tilespmem:v43+s29+$0x0] =	vst.idx.msk $0xffff, v10  }
0x5f1: {  	v46 =	vor.u32 v5, v13;
	v10 =	vld.idx.msk [tilespmem:v45+s11+$0x0], $0xffff  }
0x5f2: {  	v47 =	vadd.s32 v4, v9;
	_ =	sdelay $0x3  }
0x5f3: {  	[tilespmem:v46+s26+$0x0] =	vst.idx.msk $0xffff, v10  }
0x5f4: {  	v10 =	vld.idx.msk [tilespmem:v47+s28+$0x0], $0xffff  }
0x5f5: {  	v8 =	vadd.s32 v6, v8;
	_ =	sdelay $0x3  }
0x5f6: {  	[tilespmem:v46+s29+$0x0] =	vst.idx.msk $0xffff, v10  }
0x5f7: {  	v48 =	vor.u32 v7, v13;
	v8 =	vld.idx.msk [tilespmem:v8+s11+$0x0], $0xffff  }
0x5f8: {  	v9 =	vadd.s32 v6, v9;
	_ =	sdelay $0x3  }
0x5f9: {  	[tilespmem:v48+s26+$0x0] =	vst.idx.msk $0xffff, v8  }
0x5fa: {  	v8 =	vld.idx.msk [tilespmem:v9+s28+$0x0], $0xffff;
	_ =	sdelay $0x4  }
0x5fb: {  	p5 =	slt.s32 s2, $0xF4200;
	[tilespmem:v48+s29+$0x0] =	vst.idx.msk $0xffff, v8  }
0x5fc: {  	s12 =	rddreg [dreg:$0x2];
	s0 =	smov.u32 s2;
	_ =	swait.ge [sflag:s9], $0x2000  }
0x5fd: {  	s0 =	simm.s32 @!p5 $0xF4200;
	[sflag:s9] =	ssyncset.done $0x0  }
0x5fe: {  	s0 =	sand.u32 $0xFFFFFF80, s0;
	[sflag:s9] =	ssyncadd.s32 $0xFFFFE000  }
0x5ff: {  	s0 =	ssub.s32 s2, s0;
	_ =	swait.ge [sflag:s10], $0x2000  }
0x600: {  	p5 =	slt.s32 s3, $0xF4200;
	v8 =	vmov s0;
	s0 =	smov.u32 s3;
	[sflag:s10] =	ssyncset.done $0x0  }
0x601: {  	s0 =	simm.s32 @!p5 $0xF4200;
	[sflag:s10] =	ssyncadd.s32 $0xFFFFE000  }
0x602: {  	v49 =	vshll.u32 v8, $0x3;
	s0 =	sand.u32 $0xFFFFFF80, s0;
	_ =	swait.ge [sflag:s9], $0x2000  }
0x603: {  	v8 =	vand.u32 $0x7F, v8;
	v9 =	vand.u32 $0xFFFFFC00, v49;
	s0 =	ssub.s32 s3, s0;
	s3 =	rddreg [dreg:$0x12]  }
0x604: {  	v8 =	vor.u32 v8, v9;
	s20 =	rddreg [dreg:$0x10]  }
0x605: {  	s2 =	sadd.s32 $0xFFFFFFFD, s31;
	v9 =	vadd.s32 v0, v8;
	[sflag:s9] =	ssyncset.done $0x0;
	s18 =	rddreg [dreg:$0xf]  }
0x606: {  	v50 =	vmov s2;
	s15 =	rddreg [dreg:$0xe];
	[sflag:s9] =	ssyncadd.s32 $0xFFFFE000  }
0x607: {  	v10 =	vand.u32 $0x7C, v50;
	v51 =	vmov s0;
	s6 =	rddreg [dreg:$0xc];
	_ =	swait.ge [sflag:s10], $0x2000  }
0x608: {  	v10 =	vbroadcast v10, $0x0;
	v52 =	vshll.u32 v51, $0x3;
	[sflag:s10] =	ssyncset.done $0x0  }
0x609: {  	v11 =	vand.u32 $0x7F, v51;
	v12 =	vand.u32 $0xFFFFFC00, v52;
	[sflag:s10] =	ssyncadd.s32 $0xFFFFE000  }
0x60a: {  	v53 =	vor.u32 v1, v10;
	v11 =	vor.u32 v11, v12;
	v9 =	vld.idx.msk [tilespmem:v9+s11+$0x0], $0xffff  }
0x60b: {  	v12 =	vadd.s32 v0, v11;
	_ =	sdelay $0x3  }
0x60c: {  	[tilespmem:v53+s26+$0x0] =	vst.idx.msk $0xffff, v9  }
0x60d: {  	v9 =	vld.idx.msk [tilespmem:v12+s28+$0x0], $0xffff  }
0x60e: {  	v54 =	vadd.s32 v2, v8;
	_ =	sdelay $0x3  }
0x60f: {  	[tilespmem:v53+s29+$0x0] =	vst.idx.msk $0xffff, v9  }
0x610: {  	v55 =	vor.u32 v3, v10;
	v9 =	vld.idx.msk [tilespmem:v54+s11+$0x0], $0xffff  }
0x611: {  	v56 =	vadd.s32 v2, v11;
	_ =	sdelay $0x3  }
0x612: {  	[tilespmem:v55+s26+$0x0] =	vst.idx.msk $0xffff, v9  }
0x613: {  	v9 =	vld.idx.msk [tilespmem:v56+s28+$0x0], $0xffff  }
0x614: {  	v57 =	vadd.s32 v4, v8;
	_ =	sdelay $0x3  }
0x615: {  	[tilespmem:v55+s29+$0x0] =	vst.idx.msk $0xffff, v9  }
0x616: {  	v58 =	vor.u32 v5, v10;
	v9 =	vld.idx.msk [tilespmem:v57+s11+$0x0], $0xffff  }
0x617: {  	v59 =	vadd.s32 v4, v11;
	_ =	sdelay $0x3  }
0x618: {  	[tilespmem:v58+s26+$0x0] =	vst.idx.msk $0xffff, v9  }
0x619: {  	v9 =	vld.idx.msk [tilespmem:v59+s28+$0x0], $0xffff  }
0x61a: {  	v8 =	vadd.s32 v6, v8  }
0x61b: {  	s0 =	smov.u32 s7  }
0x61c: {  	s0 =	simm.s32 @!p3 $0xF4200  }
0x61d: {  	s0 =	sand.u32 $0xFFFFFF80, s0  }
0x61e: {  	s0 =	ssub.s32 s7, s0;
	[tilespmem:v58+s29+$0x0] =	vst.idx.msk $0xffff, v9  }
0x61f: {  	v60 =	vor.u32 v7, v10;
	v61 =	vmov s0;
	v8 =	vld.idx.msk [tilespmem:v8+s11+$0x0], $0xffff  }
0x620: {  	v11 =	vadd.s32 v6, v11;
	v10 =	vadd.s32 $0x80, v61  }
0x621: {  	s0 =	smov.u32 s30;
	v10 =	vbroadcast v10, $0x0  }
0x622: {  	s0 =	simm.s32 @!p2 $0xF4200  }
0x623: {  	s0 =	sand.u32 $0xFFFFFF80, s0;
	v62 =	vshll.u32 v10, $0x3  }
0x624: {  	s0 =	ssub.s32 s30, s0;
	v63 =	vand.u32 $0xFFFFFC00, v62;
	[tilespmem:v60+s26+$0x0] =	vst.idx.msk $0xffff, v8;
	v8 =	vand.u32 $0x7F, v10  }
0x625: {  	v16 =	vmov s0;
	v11 =	vld.idx.msk [tilespmem:v11+s28+$0x0], $0xffff;
	v8 =	vor.u32 v8, v63  }
0x626: {  	s2 =	sadd.s32 $0xFFFFFFFE, s31;
	v17 =	vadd.s32 $0x80, v16;
	v18 =	vadd.s32 v0, v8  }
0x627: {  	v19 =	vmov s2;
	v10 =	vbroadcast v17, $0x0  }
0x628: {  	v13 =	vand.u32 $0x7D, v19  }
0x629: {  	v13 =	vbroadcast v13, $0x0;
	v20 =	vshll.u32 v10, $0x3  }
0x62a: {  	v21 =	vand.u32 $0x7F, v10;
	v22 =	vand.u32 $0xFFFFFC00, v20;
	[tilespmem:v60+s29+$0x0] =	vst.idx.msk $0xffff, v11  }
0x62b: {  	v23 =	vor.u32 v1, v13;
	v9 =	vor.u32 v21, v22;
	v11 =	vld.idx.msk [tilespmem:v18+s11+$0x0], $0xffff  }
0x62c: {  	v10 =	vadd.s32 v0, v9;
	_ =	sdelay $0x3  }
0x62d: {  	[tilespmem:v23+s26+$0x0] =	vst.idx.msk $0xffff, v11  }
0x62e: {  	v10 =	vld.idx.msk [tilespmem:v10+s28+$0x0], $0xffff  }
0x62f: {  	v24 =	vadd.s32 v2, v8;
	_ =	sdelay $0x3  }
0x630: {  	[tilespmem:v23+s29+$0x0] =	vst.idx.msk $0xffff, v10  }
0x631: {  	v25 =	vor.u32 v3, v13;
	v10 =	vld.idx.msk [tilespmem:v24+s11+$0x0], $0xffff  }
0x632: {  	v26 =	vadd.s32 v2, v9;
	_ =	sdelay $0x3  }
0x633: {  	[tilespmem:v25+s26+$0x0] =	vst.idx.msk $0xffff, v10  }
0x634: {  	v10 =	vld.idx.msk [tilespmem:v26+s28+$0x0], $0xffff  }
0x635: {  	v27 =	vadd.s32 v4, v8;
	_ =	sdelay $0x3  }
0x636: {  	[tilespmem:v25+s29+$0x0] =	vst.idx.msk $0xffff, v10  }
0x637: {  	v28 =	vor.u32 v5, v13;
	v10 =	vld.idx.msk [tilespmem:v27+s11+$0x0], $0xffff  }
0x638: {  	v29 =	vadd.s32 v4, v9;
	_ =	sdelay $0x3  }
0x639: {  	[tilespmem:v28+s26+$0x0] =	vst.idx.msk $0xffff, v10  }
0x63a: {  	v10 =	vld.idx.msk [tilespmem:v29+s28+$0x0], $0xffff  }
0x63b: {  	v8 =	vadd.s32 v6, v8;
	_ =	sdelay $0x3  }
0x63c: {  	[tilespmem:v28+s29+$0x0] =	vst.idx.msk $0xffff, v10  }
0x63d: {  	v30 =	vor.u32 v7, v13;
	v8 =	vld.idx.msk [tilespmem:v8+s11+$0x0], $0xffff  }
0x63e: {  	v9 =	vadd.s32 v6, v9;
	_ =	sdelay $0x3  }
0x63f: {  	[tilespmem:v30+s26+$0x0] =	vst.idx.msk $0xffff, v8  }
0x640: {  	v8 =	vld.idx.msk [tilespmem:v9+s28+$0x0], $0xffff;
	_ =	sdelay $0x1  }
0x641: {  	s0 =	smov.u32 s1  }
0x642: {  	s0 =	simm.s32 @!p1 $0xF4200  }
0x643: {  	s0 =	sand.u32 $0xFFFFFF80, s0  }
0x644: {  	s0 =	ssub.s32 s1, s0;
	[tilespmem:v30+s29+$0x0] =	vst.idx.msk $0xffff, v8  }
0x645: {  	v8 =	vmov s0;
	_ =	swait.ge [sflag:s9], $0x2000  }
0x646: {  	v8 =	vadd.s32 $0x100, v8;
	[sflag:s9] =	ssyncset.done $0x0  }
0x647: {  	s0 =	smov.u32 s8;
	v8 =	vbroadcast v8, $0x0;
	[sflag:s9] =	ssyncadd.s32 $0xFFFFE000  }
0x648: {  	s0 =	simm.s32 @!p6 $0xF4200;
	_ =	swait.ge [sflag:s10], $0x2000  }
0x649: {  	s0 =	sand.u32 $0xFFFFFF80, s0;
	v31 =	vshll.u32 v8, $0x3;
	[sflag:s10] =	ssyncset.done $0x0  }
0x64a: {  	s0 =	ssub.s32 s8, s0;
	v8 =	vand.u32 $0x7F, v8;
	v9 =	vand.u32 $0xFFFFFC00, v31;
	[sflag:s10] =	ssyncadd.s32 $0xFFFFE000  }
0x64b: {  	v32 =	vmov s0;
	s8 =	rddreg [dreg:$0x13];
	v8 =	vor.u32 v8, v9;
	_ =	swait.ge [sflag:s9], $0x2000  }
0x64c: {  	s2 =	sadd.s32 $0xFFFFFFFF, s31;
	v33 =	vadd.s32 $0x100, v32;
	v34 =	vadd.s32 v0, v8;
	[sflag:s9] =	ssyncset.done $0x0  }
0x64d: {  	v35 =	vmov s2;
	v9 =	vbroadcast v33, $0x0;
	[sflag:s9] =	ssyncadd.s32 $0xFFFFE000  }
0x64e: {  	v11 =	vand.u32 $0x7E, v35;
	_ =	swait.ge [sflag:s10], $0x2000  }
0x64f: {  	v11 =	vbroadcast v11, $0x0;
	v36 =	vshll.u32 v9, $0x3;
	[sflag:s10] =	ssyncset.done $0x0  }
0x650: {  	v9 =	vand.u32 $0x7F, v9;
	v12 =	vand.u32 $0xFFFFFC00, v36;
	[sflag:s10] =	ssyncadd.s32 $0xFFFFE000  }
0x651: {  	v37 =	vor.u32 v1, v11;
	v9 =	vor.u32 v9, v12;
	v10 =	vld.idx.msk [tilespmem:v34+s11+$0x0], $0xffff  }
0x652: {  	v12 =	vadd.s32 v0, v9;
	_ =	sdelay $0x3  }
0x653: {  	[tilespmem:v37+s26+$0x0] =	vst.idx.msk $0xffff, v10  }
0x654: {  	v10 =	vld.idx.msk [tilespmem:v12+s28+$0x0], $0xffff  }
0x655: {  	v38 =	vadd.s32 v2, v8;
	_ =	sdelay $0x3  }
0x656: {  	[tilespmem:v37+s29+$0x0] =	vst.idx.msk $0xffff, v10  }
0x657: {  	v39 =	vor.u32 v3, v11;
	v10 =	vld.idx.msk [tilespmem:v38+s11+$0x0], $0xffff  }
0x658: {  	v40 =	vadd.s32 v2, v9;
	_ =	sdelay $0x3  }
0x659: {  	[tilespmem:v39+s26+$0x0] =	vst.idx.msk $0xffff, v10  }
0x65a: {  	v10 =	vld.idx.msk [tilespmem:v40+s28+$0x0], $0xffff  }
0x65b: {  	v41 =	vadd.s32 v4, v8;
	_ =	sdelay $0x3  }
0x65c: {  	[tilespmem:v39+s29+$0x0] =	vst.idx.msk $0xffff, v10  }
0x65d: {  	v42 =	vor.u32 v5, v11;
	v10 =	vld.idx.msk [tilespmem:v41+s11+$0x0], $0xffff  }
0x65e: {  	v43 =	vadd.s32 v4, v9;
	_ =	sdelay $0x3  }
0x65f: {  	[tilespmem:v42+s26+$0x0] =	vst.idx.msk $0xffff, v10  }
0x660: {  	v10 =	vld.idx.msk [tilespmem:v43+s28+$0x0], $0xffff  }
0x661: {  	v8 =	vadd.s32 v6, v8  }
0x662: {  	s0 =	smov.u32 s5  }
0x663: {  	s0 =	simm.s32 @!p4 $0xF4200  }
0x664: {  	s0 =	sand.u32 $0xFFFFFF80, s0  }
0x665: {  	s0 =	ssub.s32 s5, s0;
	[tilespmem:v42+s29+$0x0] =	vst.idx.msk $0xffff, v10  }
0x666: {  	v44 =	vor.u32 v7, v11;
	v45 =	vmov s0;
	v8 =	vld.idx.msk [tilespmem:v8+s11+$0x0], $0xffff  }
0x667: {  	v11 =	vadd.s32 $0x180, v45;
	v9 =	vadd.s32 v6, v9  }
0x668: {  	s0 =	smov.u32 s13;
	v11 =	vbroadcast v11, $0x0  }
0x669: {  	s0 =	simm.s32 @!p0 $0xF4200  }
0x66a: {  	s0 =	sand.u32 $0xFFFFFF80, s0;
	v46 =	vshll.u32 v11, $0x3  }
0x66b: {  	s0 =	ssub.s32 s13, s0;
	v47 =	vand.u32 $0xFFFFFC00, v46;
	[tilespmem:v44+s26+$0x0] =	vst.idx.msk $0xffff, v8;
	v8 =	vand.u32 $0x7F, v11  }
0x66c: {  	v48 =	vmov s0;
	v9 =	vld.idx.msk [tilespmem:v9+s28+$0x0], $0xffff;
	v8 =	vor.u32 v8, v47  }
0x66d: {  	v49 =	vadd.s32 $0x180, v48;
	v50 =	vadd.s32 v0, v8  }
0x66e: {  	v51 =	vmov s31;
	v11 =	vbroadcast v49, $0x0  }
0x66f: {  	v13 =	vand.u32 $0x7F, v51  }
0x670: {  	v13 =	vbroadcast v13, $0x0;
	v52 =	vshll.u32 v11, $0x3  }
0x671: {  	v53 =	vand.u32 $0x7F, v11;
	v54 =	vand.u32 $0xFFFFFC00, v52;
	[tilespmem:v44+s29+$0x0] =	vst.idx.msk $0xffff, v9  }
0x672: {  	v56 =	vor.u32 v1, v13;
	v9 =	vor.u32 v53, v54;
	v55 =	vld.idx.msk [tilespmem:v50+s11+$0x0], $0xffff  }
0x673: {  	v10 =	vadd.s32 v0, v9;
	_ =	sdelay $0x3  }
0x674: {  	[tilespmem:v56+s26+$0x0] =	vst.idx.msk $0xffff, v55  }
0x675: {  	v10 =	vld.idx.msk [tilespmem:v10+s28+$0x0], $0xffff  }
0x676: {  	v57 =	vadd.s32 v2, v8;
	_ =	sdelay $0x3  }
0x677: {  	[tilespmem:v56+s29+$0x0] =	vst.idx.msk $0xffff, v10  }
0x678: {  	v58 =	vor.u32 v3, v13;
	v10 =	vld.idx.msk [tilespmem:v57+s11+$0x0], $0xffff  }
0x679: {  	v59 =	vadd.s32 v2, v9;
	_ =	sdelay $0x3  }
0x67a: {  	[tilespmem:v58+s26+$0x0] =	vst.idx.msk $0xffff, v10  }
0x67b: {  	v10 =	vld.idx.msk [tilespmem:v59+s28+$0x0], $0xffff  }
0x67c: {  	v60 =	vadd.s32 v4, v8;
	_ =	sdelay $0x3  }
0x67d: {  	[tilespmem:v58+s29+$0x0] =	vst.idx.msk $0xffff, v10  }
0x67e: {  	v61 =	vor.u32 v5, v13;
	v10 =	vld.idx.msk [tilespmem:v60+s11+$0x0], $0xffff  }
0x67f: {  	v62 =	vadd.s32 v4, v9;
	_ =	sdelay $0x3  }
0x680: {  	[tilespmem:v61+s26+$0x0] =	vst.idx.msk $0xffff, v10  }
0x681: {  	v10 =	vld.idx.msk [tilespmem:v62+s28+$0x0], $0xffff  }
0x682: {  	v8 =	vadd.s32 v6, v8;
	_ =	sdelay $0x3  }
0x683: {  	[tilespmem:v61+s29+$0x0] =	vst.idx.msk $0xffff, v10  }
0x684: {  	v63 =	vor.u32 v7, v13;
	v8 =	vld.idx.msk [tilespmem:v8+s11+$0x0], $0xffff  }
0x685: {  	v9 =	vadd.s32 v6, v9;
	_ =	sdelay $0x3  }
0x686: {  	s31 =	sadd.s32 $0x10, s31;
	[tilespmem:v63+s26+$0x0] =	vst.idx.msk $0xffff, v8  }
0x687: {  	p0 =	sne.s32 s31, $0x8F;
	v8 =	vld.idx.msk [tilespmem:v9+s28+$0x0], $0xffff  }
.Ltmp0:
0x688: {  	_ = 	snop;
	(pc) =	sbr.rel @p0 .LBB2_2-.Ltmp0, $4  }
0x689: {  	s5 =	rddreg [dreg:$0x11]  }
0x68a: {  	s1 =	rddreg [dreg:$0x15]  }
0x68b: {  	s7 =	simm.s32 $0xA900;
	s30 =	simm.s32 $0x16900;
	s2 =	rddreg [dreg:$0x16]  }
0x68c: {  	s13 =	rddreg [dreg:$0xd];
	s0 =	sadd.s32 $0x10, s1;
	s1 =	sadd.s32 $0x10, s2;
	[tilespmem:v63+s29+$0x0] =	vst.idx.msk $0xffff, v8  }
0x68d: {  	s0 =	rddreg [dreg:$0x9]  }
0x68e: {  	s2 =	simm.s32 $0x400;
	s1 =	simm.s32 $0x8000;
	s31 =	simm.s32 $0x3  }
0x68f: {  	[hbm4b:s0+s2] =	stream.strided.scatter [tilespmem:s26], [sflag:$0x3], $0x2000, s1, s2, $0x38;
	[tilespmem:$0x1C100] =	vst v63  }
0x690: {  	_ =	swait.ge [sflag:s31], $0x2000  }
0x691: {  	[sflag:s31] =	ssyncset.done $0x0  }
0x692: {  	s0 =	rddreg [dreg:$0xa];
	[sflag:s31] =	ssyncadd.s32 $0xFFFFE000  }
0x693: {  	[hbm4b:s0+s2] =	stream.strided.scatter [tilespmem:s29], [sflag:$0x3], $0x2000, s1, s2, $0x38;
	[tilespmem:$0x1C100] =	vst v63  }
0x694: {  	_ =	swait.ge [sflag:s31], $0x2000  }
0x695: {  	s0 =	rddreg [dreg:$0x14]  }
0x696: {  	s1 =	rddreg [dreg:$0xb];
	s2 =	sadd.s32 $0x1, s0  }
0x697: {  	p0 =	sne.s32 s2, s1  }
.Ltmp1:
0x698: {  	_ = 	snop;
	(pc) =	sbr.rel @p0 .LBB2_1-.Ltmp1, $3  }
0x699: {  	_ =	sdelay $0x1  }
0x69a: {  	[sflag:s31] =	ssyncset.done $0x0  }
0x69b: {  	[sflag:s31] =	ssyncadd.s32 $0xFFFFE000  }
0x69c: {  	_ =	sfence.sel $0x180000  }
0x69d: {  	[bflag:$0x0] =	sbarrier.arrive $0xFFFF  }
0x69e: {  	_ =	strace $0x90000047  }
0x69f: {  	s0 =	stileid.u32;
	[bflag:$0x2] =	sbarrier.arrive $0xFFFF  }
0x6a0: {  	p0 =	sne.s32 s0, $0x0;
	s0 =	rddreg [dreg:$0x6]  }
0x6a1: {  	s0 =	sadd.s32 @!p0 $0x100000, s0  }
0x6a2: {  	[sflag:s0] =	ssyncadd.tile.s32 @!p0 $0x1;
	_ =	shalt  }
.Lfunc_end2:
_tile_overlayer_lowered:
.L_overlay_start_2:
0x6a3: {  	(tag) =	ssettag $0x2  }
0x6a4: {  	s0 =	rddreg [dreg:$0x0];
	s2 =	stileid.u32  }
0x6a5: {  	s1 =	rddreg [dreg:$0x1];
	p0 =	sne.s32 s2, $0x0  }
0x6a6: {  	s3 =	rddreg [dreg:$0x2];
	[bflag:$0x3] =	sbarrier.arrive $0xFFFF;
	s2 =	simm.s32 @!p0 $0x1C03  }
0x6a7: {  	[timem:s3], [sflag:s2] =	dma.local @!p0 [hbm:s0], s1  }
0x6a8: {  	s0 =	simm.s32 @!p0 $0x3  }
0x6a9: {  	_ =	swait.ge @!p0 [sflag:s0], s1  }
0x6aa: {  	s1 =	ssub.s32 @!p0 $0x0, s1;
	[sflag:s0] =	ssyncset.done @!p0 $0x0  }
0x6ab: {  	[sflag:s0] =	ssyncadd.s32 @!p0 s1  }
0x6ac: {  	[bflag:$0x3] =	sbarrier.arrive $0xFFFF  }
0x6ad: {  	_ =	shalt  }

</sc_bundles>
